<compile_context>
chip_gen: v7x
topology: tpu7x:2x2x1
jax: 0.10.2.dev20260603
libtpu: 0.0.44.dev20260713+nightly
codegen_flags: <defaults>
</compile_context>

<pallas_src>
import functools

import jax
import jax.numpy as jnp
from jax import lax
from jax.experimental import pallas as pl
from jax.experimental.pallas import tpu as pltpu
from jax.experimental.pallas import tpu_sc as plsc

N = 10000
E = 320000
F_IN = 128
HID = 64
C_OUT = 40
C_PAD = 64
DH = 32

NC = 2
NS = 16
NW = NC * NS
G = 128
NCHUNK = 80
NCHUNK2 = 160
EPT = G * NCHUNK
E_PAD = EPT * NW
SW = 624


def _sc_mesh():
    return plsc.VectorSubcoreMesh(core_axis_name="c", subcore_axis_name="s")


def _deg_partials(col3, w3):

    @functools.partial(
        pl.kernel,
        out_type=jax.ShapeDtypeStruct((NW, 1, N), jnp.float32),
        mesh=_sc_mesh(),
        compiler_params=pltpu.CompilerParams(needs_layout_passes=False),
        scratch_types=[
            pltpu.VMEM((NCHUNK, G), jnp.int32),
            pltpu.VMEM((NCHUNK, G), jnp.float32),
            pltpu.VMEM((1, N), jnp.float32),
        ],
    )
    def deg_kernel(col_hbm, w_hbm, out_hbm, col_v, w_v, deg_v):
        wid = lax.axis_index("s") * NC + lax.axis_index("c")
        pltpu.sync_copy(col_hbm.at[wid], col_v)
        pltpu.sync_copy(w_hbm.at[wid], w_v)

        zeros16 = jnp.zeros((16,), jnp.float32)
        zeros16i = jnp.zeros((16,), jnp.int32)

        def zbody(i, carry):
            deg_v[0, pl.ds(i * 16, 16)] = zeros16
            return carry

        lax.fori_loop(0, N // 16, zbody, 0)

        def ebody(i, carry):
            j = i // (G // 16)
            k = i % (G // 16)
            idx = col_v[j, pl.ds(k * 16, 16)]
            vals = w_v[j, pl.ds(k * 16, 16)]
            plsc.addupdate_scatter(deg_v, [zeros16i, idx], vals)
            return carry

        lax.fori_loop(0, NCHUNK * (G // 16), ebody, 0)
        pltpu.sync_copy(deg_v, out_hbm.at[wid])

    return deg_kernel(col3, w3)


def _edge_scatter(row3, col3, w3, y3):
    R, PF = 4, 2

    @functools.partial(
        pl.kernel,
        out_type=jax.ShapeDtypeStruct((NC, N, DH), jnp.float32),
        mesh=_sc_mesh(),
        compiler_params=pltpu.CompilerParams(needs_layout_passes=False,
                                             use_tc_tiling_on_sc=False),
        scratch_types=[
            pltpu.VMEM((NCHUNK2, G), jnp.int32),
            pltpu.VMEM((NCHUNK2, G), jnp.int32),
            pltpu.VMEM((NCHUNK2, G), jnp.float32),
            [pltpu.VMEM((G, DH), jnp.float32)] * R,
            pltpu.VMEM_SHARED((N, DH), jnp.float32),
            pltpu.VMEM_SHARED((N, DH), jnp.float32),
            [pltpu.SemaphoreType.DMA] * R,
            [pltpu.SemaphoreType.DMA] * R,
        ],
    )
    def sk(row_hbm, col_hbm, w_hbm, y_hbm, out_hbm,
           row_v, col_v, w_v, bufs, accum, ytab, gsems, ssems):
        cid = lax.axis_index("c")
        sid = lax.axis_index("s")
        pltpu.sync_copy(row_hbm.at[sid], row_v)
        pltpu.sync_copy(col_hbm.at[sid], col_v)
        pltpu.sync_copy(w_hbm.at[sid], w_v)

        zeros16 = jnp.zeros((16,), jnp.float32)
        nk = DH // 16
        b0 = bufs[0]

        def zb(i, carry):
            r = i // nk
            k = i % nk
            b0[r, pl.ds(k * 16, 16)] = zeros16
            return carry

        lax.fori_loop(0, G * nk, zb, 0)

        base = sid * SW

        def zs(t, carry):
            pltpu.sync_copy(b0, accum.at[pl.ds(base + t * G, G)])
            return carry

        lax.fori_loop(0, 640 // G, zs, 0)

        pltpu.sync_copy(y_hbm.at[pl.ds(base, SW), cid],
                        ytab.at[pl.ds(base, SW)])

        @pl.when(sid == NS - 1)
        def _stage_tail():
            pltpu.sync_copy(y_hbm.at[pl.ds(NS * SW, N - NS * SW), cid],
                            ytab.at[pl.ds(NS * SW, N - NS * SW)])

        plsc.subcore_barrier()

        def start_g(j, t):
            pltpu.async_copy(ytab.at[row_v.at[j]], bufs[t], gsems[t])

        def wait_g(t):
            pltpu.make_async_copy(ytab.at[row_v.at[0]], bufs[t],
                                  gsems[t]).wait()

        def start_s(j, t):
            pltpu.async_copy(bufs[t], accum.at[col_v.at[j]], ssems[t],
                             add=True)

        def wait_s(t):
            pltpu.make_async_copy(bufs[t], accum.at[col_v.at[0]],
                                  ssems[t]).wait()

        def scale(j, t):
            b = bufs[t]
            jv = jnp.full((16,), j, jnp.int32)

            @plsc.parallel_loop(0, G, unroll=8)
            def rb(i):
                wv = plsc.load_gather(w_v, [jv, jnp.full((16,), i, jnp.int32)])
                for k in range(nk):
                    sl = pl.ds(k * 16, 16)
                    b[i, sl] = b[i, sl] * wv

        for t in range(PF):
            start_g(t, t)
        for j in (0, 1):
            wait_g(j)
            start_g(j + PF, (j + PF) % R)
            scale(j, j)
            start_s(j, j)

        def main(kk, carry):
            jb = kk * R + 2
            for t in range(R):
                j = jb + t
                cur = (2 + t) % R
                nxt = t
                wait_g(cur)
                wait_s(nxt)
                start_g(j + PF, nxt)
                scale(j, cur)
                start_s(j, cur)
            return carry

        lax.fori_loop(0, (NCHUNK2 - PF - 2) // R, main, 0)
        for t in range(PF):
            j = NCHUNK2 - PF + t
            wait_g(j % R)
            scale(j, j % R)
            start_s(j, j % R)
        for t in range(R):
            wait_s(t)
        plsc.subcore_barrier()
        pltpu.sync_copy(accum.at[pl.ds(base, SW)],
                        out_hbm.at[cid, pl.ds(base, SW)])

        @pl.when(sid == NS - 1)
        def _tail():
            pltpu.sync_copy(accum.at[pl.ds(NS * SW, N - NS * SW)],
                            out_hbm.at[cid, pl.ds(NS * SW, N - NS * SW)])

    return sk(row3, col3, w3, y3)


def _tc_in_matmul(x, w0):
    def body(x_ref, w_ref, o_ref):
        o_ref[...] = jnp.dot(x_ref[...], w_ref[...],
                             preferred_element_type=jnp.float32)

    return pl.pallas_call(
        body, out_shape=jax.ShapeDtypeStruct((N, HID), jnp.float32))(x, w0)


def _tc_finalize_deg(dpt, h):
    def body(dp_ref, h_ref, dinv_ref, y_ref):
        ds = jnp.sum(dp_ref[...], axis=1, keepdims=True) + 1.0
        dinv = lax.rsqrt(ds)
        dinv_ref[...] = dinv
        y_ref[...] = h_ref[...] * dinv

    return pl.pallas_call(
        body,
        out_shape=(jax.ShapeDtypeStruct((N, 1), jnp.float32),
                   jax.ShapeDtypeStruct((N, HID), jnp.float32)))(dpt, h)


def _tc_mid(p, y1, dinv, b0r, w2p):
    def body(p_ref, y_ref, d_ref, b_ref, w_ref, o_ref):
        s = jnp.concatenate([p_ref[0], p_ref[1]], axis=1) + y_ref[...]
        h1 = jnp.maximum(d_ref[...] * s + b_ref[...], 0.0)
        g2 = jnp.dot(h1, w_ref[...], preferred_element_type=jnp.float32)
        o_ref[...] = d_ref[...] * g2

    return pl.pallas_call(
        body,
        out_shape=jax.ShapeDtypeStruct((N, C_PAD), jnp.float32))(
            p, y1, dinv, b0r, w2p)


def _tc_out(q, y2, dinv, b2r):
    def body(q_ref, y_ref, d_ref, b_ref, o_ref):
        z = d_ref[...] * (jnp.concatenate([q_ref[0], q_ref[1]], axis=1)
                          + y_ref[...])
        z40 = z[:, :C_OUT] + b_ref[...]
        m = jnp.max(z40, axis=1, keepdims=True)
        lse = jnp.log(jnp.sum(jnp.exp(z40 - m), axis=1, keepdims=True)) + m
        o_ref[...] = z40 - lse

    return pl.pallas_call(
        body,
        out_shape=jax.ShapeDtypeStruct((N, C_OUT), jnp.float32))(
            q, y2, dinv, b2r)


def kernel(x, edge_index, edge_attr, W0, b0, W2, b2):
    row = edge_index[0].astype(jnp.int32)
    col = edge_index[1].astype(jnp.int32)
    ew = edge_attr[:, 0].astype(jnp.float32)

    pad = E_PAD - E
    row_p = jnp.concatenate([row, jnp.zeros((pad,), jnp.int32)])
    col_p = jnp.concatenate([col, jnp.zeros((pad,), jnp.int32)])
    w_p = jnp.concatenate([ew, jnp.zeros((pad,), jnp.float32)])
    col3 = col_p.reshape(NW, NCHUNK, G)
    w3 = w_p.reshape(NW, NCHUNK, G)
    row16 = row_p.reshape(NS, NCHUNK2, G)
    col16 = col_p.reshape(NS, NCHUNK2, G)
    w16 = w_p.reshape(NS, NCHUNK2, G)

    dp = _deg_partials(col3, w3)
    h = _tc_in_matmul(x, W0)
    dinv, y1 = _tc_finalize_deg(dp.reshape(NW, N).T, h)
    p = _edge_scatter(row16, col16, w16, y1.reshape(N, NC, DH))
    w2p = jnp.zeros((HID, C_PAD), jnp.float32).at[:, :C_OUT].set(W2)
    y2 = _tc_mid(p, y1, dinv, b0.reshape(1, HID), w2p)
    q = _edge_scatter(row16, col16, w16, y2.reshape(N, NC, DH))
    return _tc_out(q, y2, dinv, b2.reshape(1, C_OUT))

# --- scband reference (transcript-rebuilt; emitter-appended) ---
"""Pipeline reference for scband-gcnnet-764504179050 (READ-ONLY COPY).

The authoritative reference and input builder live on the scoring server;
editing this copy changes nothing except your own understanding.
"""

import jax, jax.numpy as jnp
import numpy as np

N, E, F_IN, H, C = 10000, 320000, 128, 64, 40


def gcn_conv(x, W, b, row, col, ew, n):
    # linear transform first (PyG GCNConv: lin then propagate)
    h = x @ W
    # add self loops with weight 1.0 (fill_value=1)
    loop = jnp.arange(n, dtype=row.dtype)
    r = jnp.concatenate([row, loop])
    c = jnp.concatenate([col, loop])
    w = jnp.concatenate([ew, jnp.ones((n,), dtype=ew.dtype)])
    # symmetric gcn_norm: deg computed on target (col)
    deg = jax.ops.segment_sum(w, c, num_segments=n)
    safe = jnp.where(deg > 0, deg, 1.0)
    dinv = jnp.where(deg > 0, jax.lax.rsqrt(safe), 0.0)
    norm = dinv[r] * w * dinv[c]
    # message = norm * x_j (gather from source row), aggregate-sum at col
    msgs = h[r] * norm[:, None]
    out = jax.ops.segment_sum(msgs, c, num_segments=n)
    return out + b


def setup_inputs(seed: int = 0) -> dict:
    key = jax.random.key(seed)
    ks = jax.random.split(key, 8)
    x = jax.random.normal(ks[0], (N, F_IN), dtype=jnp.float32)
    edge_index = jax.random.randint(ks[1], (2, E), 0, N)
    edge_attr = jax.random.uniform(ks[2], (E, 1), dtype=jnp.float32)
    # GCNConv params (glorot-ish scale); conv1 is unused when num_layers=2
    W0 = jax.random.normal(ks[3], (F_IN, H), dtype=jnp.float32) * (1.0 / np.sqrt(F_IN))
    b0 = jnp.zeros((H,), dtype=jnp.float32)
    W2 = jax.random.normal(ks[4], (H, C), dtype=jnp.float32) * (1.0 / np.sqrt(H))
    b2 = jnp.zeros((C,), dtype=jnp.float32)
    return {"x": x, "edge_index": edge_index, "edge_attr": edge_attr,
            "W0": W0, "b0": b0, "W2": W2, "b2": b2}


def reference(x, edge_index, edge_attr, W0, b0, W2, b2):
    row, col = edge_index[0], edge_index[1]
    ew = edge_attr[:, 0]  # data.edge_attr.squeeze(1)
    # layer 0 (num_layers=2 -> single hidden layer via conv0)
    h = gcn_conv(x, W0, b0, row, col, ew, N)
    h = jax.nn.relu(h)
    # dropout is identity in eval mode
    h = gcn_conv(h, W2, b2, row, col, ew, N)
    return jax.nn.log_softmax(h, axis=1)

if __name__ == "__main__":
    import jax
    _d = setup_inputs()
    print(jax.jit(kernel)(*tuple(_d.values())))

</pallas_src>

<mosaic_0001>
#map = affine_map<(d0, d1) -> (0, 0, 0)>
module attributes {stable_mosaic.version = 14 : i64} {
  func.func @sk(%arg0: i32, %arg1: i32, %arg2: memref<16x160x128xi32, #tpu.memory_space<hbm>>, %arg3: memref<16x160x128xi32, #tpu.memory_space<hbm>>, %arg4: memref<16x160x128xf32, #tpu.memory_space<hbm>>, %arg5: memref<10000x2x32xf32, #tpu.memory_space<hbm>>, %arg6: memref<2x10000x32xf32, #tpu.memory_space<hbm>>, %arg7: memref<160x128xi32, #tpu.memory_space<vmem>>, %arg8: memref<160x128xi32, #tpu.memory_space<vmem>>, %arg9: memref<160x128xf32, #tpu.memory_space<vmem>>, %arg10: memref<128x32xf32, #tpu.memory_space<vmem>>, %arg11: memref<128x32xf32, #tpu.memory_space<vmem>>, %arg12: memref<128x32xf32, #tpu.memory_space<vmem>>, %arg13: memref<128x32xf32, #tpu.memory_space<vmem>>, %arg14: memref<10000x32xf32, #tpu.memory_space<vmem_shared>>, %arg15: memref<10000x32xf32, #tpu.memory_space<vmem_shared>>, %arg16: memref<!tpu.dma_semaphore, #tpu.memory_space<semaphore_mem>>, %arg17: memref<!tpu.dma_semaphore, #tpu.memory_space<semaphore_mem>>, %arg18: memref<!tpu.dma_semaphore, #tpu.memory_space<semaphore_mem>>, %arg19: memref<!tpu.dma_semaphore, #tpu.memory_space<semaphore_mem>>, %arg20: memref<!tpu.dma_semaphore, #tpu.memory_space<semaphore_mem>>, %arg21: memref<!tpu.dma_semaphore, #tpu.memory_space<semaphore_mem>>, %arg22: memref<!tpu.dma_semaphore, #tpu.memory_space<semaphore_mem>>, %arg23: memref<!tpu.dma_semaphore, #tpu.memory_space<semaphore_mem>>) attributes {dimension_semantics = [#tpu.dimension_semantics<core_parallel>, #tpu.dimension_semantics<subcore_parallel>], iteration_bounds = array<i64: 2, 16>, scalar_prefetch = 0 : i64, scratch_operands = 17 : i64, tpu.core_type = #tpu.core_type<sc_vector_subcore>, window_params = [{transform_indices = #map}, {transform_indices = #map}, {transform_indices = #map}, {transform_indices = #map}, {transform_indices = #map}]} {
    "tpu.region"() ({
      %run_scoped3A = tpu.sem_alloc : memref<!tpu.dma_semaphore, #tpu.memory_space<semaphore_mem>>
      %dma_start3A_156 = arith.constant 0 : i32
      %dma_start3A_157 = arith.constant 0 : i32
      %dma_start3A_158 = tpu.memref_slice %arg2[%arg1, %dma_start3A_156, %dma_start3A_157] : memref<16x160x128xi32, #tpu.memory_space<hbm>> -> memref<1x160x128xi32, #tpu.memory_space<hbm>>
      %dma_start3A_159 = tpu.memref_squeeze %dma_start3A_158 : memref<1x160x128xi32, #tpu.memory_space<hbm>> -> memref<160x128xi32, #tpu.memory_space<hbm>>
      %dma_start3A_160 = arith.constant 0 : i32
      %dma_start3A_161 = arith.constant 0 : i32
      %dma_start3A_162 = tpu.memref_slice %arg2[%arg1, %dma_start3A_160, %dma_start3A_161] : memref<16x160x128xi32, #tpu.memory_space<hbm>> -> memref<1x160x128xi32, #tpu.memory_space<hbm>>
      %dma_start3A_163 = tpu.memref_squeeze %dma_start3A_162 : memref<1x160x128xi32, #tpu.memory_space<hbm>> -> memref<160x128xi32, #tpu.memory_space<hbm>>
      tpu.enqueue_dma source(%dma_start3A_163 : memref<160x128xi32, #tpu.memory_space<hbm>>) target(%arg7 : memref<160x128xi32, #tpu.memory_space<vmem>>) target_semaphore(%run_scoped3A : memref<!tpu.dma_semaphore, #tpu.memory_space<semaphore_mem>>)
      %dma_wait3A_164 = arith.constant 0 : i32
      %dma_wait3A_165 = arith.constant 0 : i32
      %dma_wait3A_166 = tpu.memref_slice %arg2[%arg1, %dma_wait3A_164, %dma_wait3A_165] : memref<16x160x128xi32, #tpu.memory_space<hbm>> -> memref<1x160x128xi32, #tpu.memory_space<hbm>>
      %dma_wait3A_167 = tpu.memref_squeeze %dma_wait3A_166 : memref<1x160x128xi32, #tpu.memory_space<hbm>> -> memref<160x128xi32, #tpu.memory_space<hbm>>
      %dma_wait3A_168 = arith.constant 0 : i32
      %dma_wait3A_169 = arith.constant 0 : i32
      %dma_wait3A_170 = tpu.memref_slice %arg2[%arg1, %dma_wait3A_168, %dma_wait3A_169] : memref<16x160x128xi32, #tpu.memory_space<hbm>> -> memref<1x160x128xi32, #tpu.memory_space<hbm>>
      %dma_wait3A_171 = tpu.memref_squeeze %dma_wait3A_170 : memref<1x160x128xi32, #tpu.memory_space<hbm>> -> memref<160x128xi32, #tpu.memory_space<hbm>>
      tpu.wait_dma2 semaphore(%run_scoped3A : memref<!tpu.dma_semaphore, #tpu.memory_space<semaphore_mem>>) src(%dma_wait3A_171 : memref<160x128xi32, #tpu.memory_space<hbm>>) dst(%arg7 : memref<160x128xi32, #tpu.memory_space<vmem>>)
      tpu.yield
    }) : () -> ()
    "tpu.region"() ({
      %run_scoped3A = tpu.sem_alloc : memref<!tpu.dma_semaphore, #tpu.memory_space<semaphore_mem>>
      %dma_start3A_156 = arith.constant 0 : i32
      %dma_start3A_157 = arith.constant 0 : i32
      %dma_start3A_158 = tpu.memref_slice %arg3[%arg1, %dma_start3A_156, %dma_start3A_157] : memref<16x160x128xi32, #tpu.memory_space<hbm>> -> memref<1x160x128xi32, #tpu.memory_space<hbm>>
      %dma_start3A_159 = tpu.memref_squeeze %dma_start3A_158 : memref<1x160x128xi32, #tpu.memory_space<hbm>> -> memref<160x128xi32, #tpu.memory_space<hbm>>
      %dma_start3A_160 = arith.constant 0 : i32
      %dma_start3A_161 = arith.constant 0 : i32
      %dma_start3A_162 = tpu.memref_slice %arg3[%arg1, %dma_start3A_160, %dma_start3A_161] : memref<16x160x128xi32, #tpu.memory_space<hbm>> -> memref<1x160x128xi32, #tpu.memory_space<hbm>>
      %dma_start3A_163 = tpu.memref_squeeze %dma_start3A_162 : memref<1x160x128xi32, #tpu.memory_space<hbm>> -> memref<160x128xi32, #tpu.memory_space<hbm>>
      tpu.enqueue_dma source(%dma_start3A_163 : memref<160x128xi32, #tpu.memory_space<hbm>>) target(%arg8 : memref<160x128xi32, #tpu.memory_space<vmem>>) target_semaphore(%run_scoped3A : memref<!tpu.dma_semaphore, #tpu.memory_space<semaphore_mem>>)
      %dma_wait3A_164 = arith.constant 0 : i32
      %dma_wait3A_165 = arith.constant 0 : i32
      %dma_wait3A_166 = tpu.memref_slice %arg3[%arg1, %dma_wait3A_164, %dma_wait3A_165] : memref<16x160x128xi32, #tpu.memory_space<hbm>> -> memref<1x160x128xi32, #tpu.memory_space<hbm>>
      %dma_wait3A_167 = tpu.memref_squeeze %dma_wait3A_166 : memref<1x160x128xi32, #tpu.memory_space<hbm>> -> memref<160x128xi32, #tpu.memory_space<hbm>>
      %dma_wait3A_168 = arith.constant 0 : i32
      %dma_wait3A_169 = arith.constant 0 : i32
      %dma_wait3A_170 = tpu.memref_slice %arg3[%arg1, %dma_wait3A_168, %dma_wait3A_169] : memref<16x160x128xi32, #tpu.memory_space<hbm>> -> memref<1x160x128xi32, #tpu.memory_space<hbm>>
      %dma_wait3A_171 = tpu.memref_squeeze %dma_wait3A_170 : memref<1x160x128xi32, #tpu.memory_space<hbm>> -> memref<160x128xi32, #tpu.memory_space<hbm>>
      tpu.wait_dma2 semaphore(%run_scoped3A : memref<!tpu.dma_semaphore, #tpu.memory_space<semaphore_mem>>) src(%dma_wait3A_171 : memref<160x128xi32, #tpu.memory_space<hbm>>) dst(%arg8 : memref<160x128xi32, #tpu.memory_space<vmem>>)
      tpu.yield
    }) : () -> ()
    "tpu.region"() ({
      %run_scoped3A = tpu.sem_alloc : memref<!tpu.dma_semaphore, #tpu.memory_space<semaphore_mem>>
      %dma_start3A_156 = arith.constant 0 : i32
      %dma_start3A_157 = arith.constant 0 : i32
      %dma_start3A_158 = tpu.memref_slice %arg4[%arg1, %dma_start3A_156, %dma_start3A_157] : memref<16x160x128xf32, #tpu.memory_space<hbm>> -> memref<1x160x128xf32, #tpu.memory_space<hbm>>
      %dma_start3A_159 = tpu.memref_squeeze %dma_start3A_158 : memref<1x160x128xf32, #tpu.memory_space<hbm>> -> memref<160x128xf32, #tpu.memory_space<hbm>>
      %dma_start3A_160 = arith.constant 0 : i32
      %dma_start3A_161 = arith.constant 0 : i32
      %dma_start3A_162 = tpu.memref_slice %arg4[%arg1, %dma_start3A_160, %dma_start3A_161] : memref<16x160x128xf32, #tpu.memory_space<hbm>> -> memref<1x160x128xf32, #tpu.memory_space<hbm>>
      %dma_start3A_163 = tpu.memref_squeeze %dma_start3A_162 : memref<1x160x128xf32, #tpu.memory_space<hbm>> -> memref<160x128xf32, #tpu.memory_space<hbm>>
      tpu.enqueue_dma source(%dma_start3A_163 : memref<160x128xf32, #tpu.memory_space<hbm>>) target(%arg9 : memref<160x128xf32, #tpu.memory_space<vmem>>) target_semaphore(%run_scoped3A : memref<!tpu.dma_semaphore, #tpu.memory_space<semaphore_mem>>)
      %dma_wait3A_164 = arith.constant 0 : i32
      %dma_wait3A_165 = arith.constant 0 : i32
      %dma_wait3A_166 = tpu.memref_slice %arg4[%arg1, %dma_wait3A_164, %dma_wait3A_165] : memref<16x160x128xf32, #tpu.memory_space<hbm>> -> memref<1x160x128xf32, #tpu.memory_space<hbm>>
      %dma_wait3A_167 = tpu.memref_squeeze %dma_wait3A_166 : memref<1x160x128xf32, #tpu.memory_space<hbm>> -> memref<160x128xf32, #tpu.memory_space<hbm>>
      %dma_wait3A_168 = arith.constant 0 : i32
      %dma_wait3A_169 = arith.constant 0 : i32
      %dma_wait3A_170 = tpu.memref_slice %arg4[%arg1, %dma_wait3A_168, %dma_wait3A_169] : memref<16x160x128xf32, #tpu.memory_space<hbm>> -> memref<1x160x128xf32, #tpu.memory_space<hbm>>
      %dma_wait3A_171 = tpu.memref_squeeze %dma_wait3A_170 : memref<1x160x128xf32, #tpu.memory_space<hbm>> -> memref<160x128xf32, #tpu.memory_space<hbm>>
      tpu.wait_dma2 semaphore(%run_scoped3A : memref<!tpu.dma_semaphore, #tpu.memory_space<semaphore_mem>>) src(%dma_wait3A_171 : memref<160x128xf32, #tpu.memory_space<hbm>>) dst(%arg9 : memref<160x128xf32, #tpu.memory_space<vmem>>)
      tpu.yield
    }) : () -> ()
    %broadcast_in_dim3A = arith.constant 0.000000e+00 : f32
    %broadcast_in_dim3A_0 = vector.broadcast %broadcast_in_dim3A : f32 to vector<16xf32>
    %scan3A = arith.constant 0 : i32
    %scan3A_1 = arith.constant 0 : i32
    %scan3A_2 = arith.constant 256 : i32
    %scan3A_3 = arith.addi %scan3A_1, %scan3A_2 : i32
    %scan3A_4 = arith.constant 1 : i32
    scf.for %scan3A_156 = %scan3A_1 to %scan3A_3 step %scan3A_4  : i32 {
      %jit3A = arith.constant 2 : i32
      %div3A = arith.divsi %scan3A_156, %jit3A : i32
      %sign3A = arith.constant 0 : i32
      %sign3A_157 = arith.cmpi sgt, %scan3A_156, %sign3A : i32
      %sign3A_158 = arith.extui %sign3A_157 : i1 to i32
      %sign3A_159 = arith.constant 0 : i32
      %sign3A_160 = arith.cmpi slt, %scan3A_156, %sign3A_159 : i32
      %sign3A_161 = arith.extui %sign3A_160 : i1 to i32
      %sign3A_162 = arith.subi %sign3A_158, %sign3A_161 : i32
      %sign3A_163 = arith.constant 0 : i32
      %sign3A_164 = arith.cmpi sgt, %jit3A, %sign3A_163 : i32
      %sign3A_165 = arith.extui %sign3A_164 : i1 to i32
      %sign3A_166 = arith.constant 0 : i32
      %sign3A_167 = arith.cmpi slt, %jit3A, %sign3A_166 : i32
      %sign3A_168 = arith.extui %sign3A_167 : i1 to i32
      %sign3A_169 = arith.subi %sign3A_165, %sign3A_168 : i32
      %ne3A = arith.cmpi ne, %sign3A_162, %sign3A_169 : i32
      %rem3A = arith.remsi %scan3A_156, %jit3A : i32
      %ne3A_170 = arith.constant 0 : i32
      %ne3A_171 = arith.cmpi ne, %rem3A, %ne3A_170 : i32
      %and3A = arith.andi %ne3A, %ne3A_171 : i1
      %sub3A = arith.constant 1 : i32
      %sub3A_172 = arith.subi %div3A, %sub3A : i32
      %select_n3A = arith.select %and3A, %sub3A_172, %div3A : i32
      %jit3A_173 = arith.constant 2 : i32
      %eq3A_174 = arith.constant 0 : i32
      %eq3A_175 = arith.cmpi eq, %jit3A_173, %eq3A_174 : i32
      %jit3A_176 = arith.constant 1 : i32
      %select_n3A_177 = arith.select %eq3A_175, %jit3A_176, %jit3A_173 : i32
      %rem3A_178 = arith.remsi %scan3A_156, %select_n3A_177 : i32
      %ne3A_179 = arith.constant 0 : i32
      %ne3A_180 = arith.cmpi ne, %rem3A_178, %ne3A_179 : i32
      %lt3A = arith.constant 0 : i32
      %lt3A_181 = arith.cmpi slt, %rem3A_178, %lt3A : i32
      %lt3A_182 = arith.constant 0 : i32
      %lt3A_183 = arith.cmpi slt, %select_n3A_177, %lt3A_182 : i32
      %ne3A_184 = arith.xori %lt3A_181, %lt3A_183 : i1
      %and3A_185 = arith.andi %ne3A_184, %ne3A_180 : i1
      %add3A = arith.addi %rem3A_178, %select_n3A_177 : i32
      %select_n3A_186 = arith.select %and3A_185, %add3A, %rem3A_178 : i32
      %mul3A_187 = arith.constant 16 : i32
      %mul3A_188 = arith.muli %select_n3A_186, %mul3A_187 : i32
      %swap3A = arith.index_cast %select_n3A : i32 to index
      %swap3A_189 = arith.index_cast %mul3A_188 : i32 to index
      %swap3A_190 = tpu.vector_load %arg10[%swap3A, %swap3A_189] {strides = array<i32>} : memref<128x32xf32, #tpu.memory_space<vmem>>, vector<16xf32>,
      tpu.vector_store %arg10[%swap3A, %swap3A_189], %broadcast_in_dim3A_0 {strides = array<i32>} : memref<128x32xf32, #tpu.memory_space<vmem>>, vector<16xf32>,
    }
    %scan3A_5 = arith.constant 256 : i32
    %mul3A = arith.constant 624 : i32
    %mul3A_6 = arith.muli %arg1, %mul3A : i32
    %scan3A_7 = arith.constant 0 : i32
    %scan3A_8 = arith.constant 0 : i32
    %scan3A_9 = arith.constant 5 : i32
    %scan3A_10 = arith.addi %scan3A_8, %scan3A_9 : i32
    %scan3A_11 = arith.constant 1 : i32
    scf.for %scan3A_156 = %scan3A_8 to %scan3A_10 step %scan3A_11  : i32 {
      %mul3A_157 = arith.constant 128 : i32
      %mul3A_158 = arith.muli %scan3A_156, %mul3A_157 : i32
      %add3A = arith.addi %mul3A_6, %mul3A_158 : i32
      "tpu.region"() ({
        %run_scoped3A = tpu.sem_alloc : memref<!tpu.dma_semaphore, #tpu.memory_space<semaphore_mem>>
        %dma_start3A_159 = arith.constant 0 : i32
        %dma_start3A_160 = tpu.memref_slice %arg14[%add3A, %dma_start3A_159] : memref<10000x32xf32, #tpu.memory_space<vmem_shared>> -> memref<128x32xf32, #tpu.memory_space<vmem_shared>>
        %dma_start3A_161 = arith.constant 0 : i32
        %dma_start3A_162 = tpu.memref_slice %arg14[%add3A, %dma_start3A_161] : memref<10000x32xf32, #tpu.memory_space<vmem_shared>> -> memref<128x32xf32, #tpu.memory_space<vmem_shared>>
        tpu.enqueue_dma source(%arg10 : memref<128x32xf32, #tpu.memory_space<vmem>>) target(%dma_start3A_162 : memref<128x32xf32, #tpu.memory_space<vmem_shared>>) target_semaphore(%run_scoped3A : memref<!tpu.dma_semaphore, #tpu.memory_space<semaphore_mem>>)
        %dma_wait3A_163 = arith.constant 0 : i32
        %dma_wait3A_164 = tpu.memref_slice %arg14[%add3A, %dma_wait3A_163] : memref<10000x32xf32, #tpu.memory_space<vmem_shared>> -> memref<128x32xf32, #tpu.memory_space<vmem_shared>>
        %dma_wait3A_165 = arith.constant 0 : i32
        %dma_wait3A_166 = tpu.memref_slice %arg14[%add3A, %dma_wait3A_165] : memref<10000x32xf32, #tpu.memory_space<vmem_shared>> -> memref<128x32xf32, #tpu.memory_space<vmem_shared>>
        tpu.wait_dma2 semaphore(%run_scoped3A : memref<!tpu.dma_semaphore, #tpu.memory_space<semaphore_mem>>) src(%arg10 : memref<128x32xf32, #tpu.memory_space<vmem>>) dst(%dma_wait3A_166 : memref<128x32xf32, #tpu.memory_space<vmem_shared>>)
        tpu.yield
      }) : () -> ()
    }
    %scan3A_12 = arith.constant 5 : i32
    "tpu.region"() ({
      %run_scoped3A = tpu.sem_alloc : memref<!tpu.dma_semaphore, #tpu.memory_space<semaphore_mem>>
      %dma_start3A_156 = arith.constant 0 : i32
      %dma_start3A_157 = tpu.memref_slice %arg15[%mul3A_6, %dma_start3A_156] : memref<10000x32xf32, #tpu.memory_space<vmem_shared>> -> memref<624x32xf32, #tpu.memory_space<vmem_shared>>
      %dma_start3A_158 = arith.constant 0 : i32
      %dma_start3A_159 = tpu.memref_slice %arg5[%mul3A_6, %arg0, %dma_start3A_158] : memref<10000x2x32xf32, #tpu.memory_space<hbm>> -> memref<624x1x32xf32, #tpu.memory_space<hbm>>
      %dma_start3A_160 = tpu.memref_squeeze %dma_start3A_159 : memref<624x1x32xf32, #tpu.memory_space<hbm>> -> memref<624x32xf32, #tpu.memory_space<hbm>>
      tpu.enqueue_dma source(%dma_start3A_160 : memref<624x32xf32, #tpu.memory_space<hbm>>) target(%dma_start3A_157 : memref<624x32xf32, #tpu.memory_space<vmem_shared>>) target_semaphore(%run_scoped3A : memref<!tpu.dma_semaphore, #tpu.memory_space<semaphore_mem>>)
      %dma_wait3A_161 = arith.constant 0 : i32
      %dma_wait3A_162 = tpu.memref_slice %arg15[%mul3A_6, %dma_wait3A_161] : memref<10000x32xf32, #tpu.memory_space<vmem_shared>> -> memref<624x32xf32, #tpu.memory_space<vmem_shared>>
      %dma_wait3A_163 = arith.constant 0 : i32
      %dma_wait3A_164 = tpu.memref_slice %arg5[%mul3A_6, %arg0, %dma_wait3A_163] : memref<10000x2x32xf32, #tpu.memory_space<hbm>> -> memref<624x1x32xf32, #tpu.memory_space<hbm>>
      %dma_wait3A_165 = tpu.memref_squeeze %dma_wait3A_164 : memref<624x1x32xf32, #tpu.memory_space<hbm>> -> memref<624x32xf32, #tpu.memory_space<hbm>>
      tpu.wait_dma2 semaphore(%run_scoped3A : memref<!tpu.dma_semaphore, #tpu.memory_space<semaphore_mem>>) src(%dma_wait3A_165 : memref<624x32xf32, #tpu.memory_space<hbm>>) dst(%dma_wait3A_162 : memref<624x32xf32, #tpu.memory_space<vmem_shared>>)
      tpu.yield
    }) : () -> ()
    %eq3A = arith.constant 15 : i32
    %eq3A_13 = arith.cmpi eq, %arg1, %eq3A : i32
    %convert_element_type3A = arith.extui %eq3A_13 : i1 to i32
    %cond3A = arith.constant 0 : i32
    %cond3A_14 = arith.cmpi ne, %convert_element_type3A, %cond3A : i32
    scf.if %cond3A_14 {
      "tpu.region"() ({
        %run_scoped3A = tpu.sem_alloc : memref<!tpu.dma_semaphore, #tpu.memory_space<semaphore_mem>>
        %dma_start3A_156 = arith.constant 9984 : i32
        %dma_start3A_157 = arith.constant 0 : i32
        %dma_start3A_158 = tpu.memref_slice %arg15[%dma_start3A_156, %dma_start3A_157] : memref<10000x32xf32, #tpu.memory_space<vmem_shared>> -> memref<16x32xf32, #tpu.memory_space<vmem_shared>>
        %dma_start3A_159 = arith.constant 9984 : i32
        %dma_start3A_160 = arith.constant 0 : i32
        %dma_start3A_161 = tpu.memref_slice %arg5[%dma_start3A_159, %arg0, %dma_start3A_160] : memref<10000x2x32xf32, #tpu.memory_space<hbm>> -> memref<16x1x32xf32, #tpu.memory_space<hbm>>
        %dma_start3A_162 = tpu.memref_squeeze %dma_start3A_161 : memref<16x1x32xf32, #tpu.memory_space<hbm>> -> memref<16x32xf32, #tpu.memory_space<hbm>>
        tpu.enqueue_dma source(%dma_start3A_162 : memref<16x32xf32, #tpu.memory_space<hbm>>) target(%dma_start3A_158 : memref<16x32xf32, #tpu.memory_space<vmem_shared>>) target_semaphore(%run_scoped3A : memref<!tpu.dma_semaphore, #tpu.memory_space<semaphore_mem>>)
        %dma_wait3A_163 = arith.constant 9984 : i32
        %dma_wait3A_164 = arith.constant 0 : i32
        %dma_wait3A_165 = tpu.memref_slice %arg15[%dma_wait3A_163, %dma_wait3A_164] : memref<10000x32xf32, #tpu.memory_space<vmem_shared>> -> memref<16x32xf32, #tpu.memory_space<vmem_shared>>
        %dma_wait3A_166 = arith.constant 9984 : i32
        %dma_wait3A_167 = arith.constant 0 : i32
        %dma_wait3A_168 = tpu.memref_slice %arg5[%dma_wait3A_166, %arg0, %dma_wait3A_167] : memref<10000x2x32xf32, #tpu.memory_space<hbm>> -> memref<16x1x32xf32, #tpu.memory_space<hbm>>
        %dma_wait3A_169 = tpu.memref_squeeze %dma_wait3A_168 : memref<16x1x32xf32, #tpu.memory_space<hbm>> -> memref<16x32xf32, #tpu.memory_space<hbm>>
        tpu.wait_dma2 semaphore(%run_scoped3A : memref<!tpu.dma_semaphore, #tpu.memory_space<semaphore_mem>>) src(%dma_wait3A_169 : memref<16x32xf32, #tpu.memory_space<hbm>>) dst(%dma_wait3A_165 : memref<16x32xf32, #tpu.memory_space<vmem_shared>>)
        tpu.yield
      }) : () -> ()
    } else {
    }
    %barrier3A = arith.constant 0 : index
    tpu.barrier barrier_id(%barrier3A)
    %dma_start3A = arith.constant 0 : i32
    %dma_start3A_15 = arith.constant 0 : i32
    %dma_start3A_16 = tpu.memref_slice %arg7[%dma_start3A, %dma_start3A_15] : memref<160x128xi32, #tpu.memory_space<vmem>> -> memref<1x128xi32, #tpu.memory_space<vmem>>
    %dma_start3A_17 = tpu.memref_squeeze %dma_start3A_16 : memref<1x128xi32, #tpu.memory_space<vmem>> -> memref<128xi32, #tpu.memory_space<vmem>>
    %dma_start3A_18 = arith.constant 0 : i32
    %dma_start3A_19 = arith.constant 0 : i32
    %dma_start3A_20 = tpu.memref_slice %arg15[%dma_start3A_18, %dma_start3A_19] : memref<10000x32xf32, #tpu.memory_space<vmem_shared>> -> memref<10000x32xf32, #tpu.memory_space<vmem_shared>>
    tpu.enqueue_indirect_dma source(%dma_start3A_20 : memref<10000x32xf32, #tpu.memory_space<vmem_shared>>) target(%arg10 : memref<128x32xf32, #tpu.memory_space<vmem>>) offsets(%dma_start3A_17 : memref<128xi32, #tpu.memory_space<vmem>>) semaphore(%arg16 : memref<!tpu.dma_semaphore, #tpu.memory_space<semaphore_mem>>)
    %dma_start3A_21 = arith.constant 1 : i32
    %dma_start3A_22 = arith.constant 0 : i32
    %dma_start3A_23 = tpu.memref_slice %arg7[%dma_start3A_21, %dma_start3A_22] : memref<160x128xi32, #tpu.memory_space<vmem>> -> memref<1x128xi32, #tpu.memory_space<vmem>>
    %dma_start3A_24 = tpu.memref_squeeze %dma_start3A_23 : memref<1x128xi32, #tpu.memory_space<vmem>> -> memref<128xi32, #tpu.memory_space<vmem>>
    %dma_start3A_25 = arith.constant 0 : i32
    %dma_start3A_26 = arith.constant 0 : i32
    %dma_start3A_27 = tpu.memref_slice %arg15[%dma_start3A_25, %dma_start3A_26] : memref<10000x32xf32, #tpu.memory_space<vmem_shared>> -> memref<10000x32xf32, #tpu.memory_space<vmem_shared>>
    tpu.enqueue_indirect_dma source(%dma_start3A_27 : memref<10000x32xf32, #tpu.memory_space<vmem_shared>>) target(%arg11 : memref<128x32xf32, #tpu.memory_space<vmem>>) offsets(%dma_start3A_24 : memref<128xi32, #tpu.memory_space<vmem>>) semaphore(%arg17 : memref<!tpu.dma_semaphore, #tpu.memory_space<semaphore_mem>>)
    %dma_wait3A = arith.constant 0 : i32
    %dma_wait3A_28 = arith.constant 0 : i32
    %dma_wait3A_29 = tpu.memref_slice %arg7[%dma_wait3A, %dma_wait3A_28] : memref<160x128xi32, #tpu.memory_space<vmem>> -> memref<1x128xi32, #tpu.memory_space<vmem>>
    %dma_wait3A_30 = tpu.memref_squeeze %dma_wait3A_29 : memref<1x128xi32, #tpu.memory_space<vmem>> -> memref<128xi32, #tpu.memory_space<vmem>>
    %dma_wait3A_31 = arith.constant 0 : i32
    %dma_wait3A_32 = arith.constant 0 : i32
    %dma_wait3A_33 = tpu.memref_slice %arg15[%dma_wait3A_31, %dma_wait3A_32] : memref<10000x32xf32, #tpu.memory_space<vmem_shared>> -> memref<10000x32xf32, #tpu.memory_space<vmem_shared>>
    tpu.wait_indirect_dma semaphore(%arg16 : memref<!tpu.dma_semaphore, #tpu.memory_space<semaphore_mem>>) src(%dma_wait3A_33 : memref<10000x32xf32, #tpu.memory_space<vmem_shared>>) dst(%arg10 : memref<128x32xf32, #tpu.memory_space<vmem>>)
    %dma_start3A_34 = arith.constant 2 : i32
    %dma_start3A_35 = arith.constant 0 : i32
    %dma_start3A_36 = tpu.memref_slice %arg7[%dma_start3A_34, %dma_start3A_35] : memref<160x128xi32, #tpu.memory_space<vmem>> -> memref<1x128xi32, #tpu.memory_space<vmem>>
    %dma_start3A_37 = tpu.memref_squeeze %dma_start3A_36 : memref<1x128xi32, #tpu.memory_space<vmem>> -> memref<128xi32, #tpu.memory_space<vmem>>
    %dma_start3A_38 = arith.constant 0 : i32
    %dma_start3A_39 = arith.constant 0 : i32
    %dma_start3A_40 = tpu.memref_slice %arg15[%dma_start3A_38, %dma_start3A_39] : memref<10000x32xf32, #tpu.memory_space<vmem_shared>> -> memref<10000x32xf32, #tpu.memory_space<vmem_shared>>
    tpu.enqueue_indirect_dma source(%dma_start3A_40 : memref<10000x32xf32, #tpu.memory_space<vmem_shared>>) target(%arg12 : memref<128x32xf32, #tpu.memory_space<vmem>>) offsets(%dma_start3A_37 : memref<128xi32, #tpu.memory_space<vmem>>) semaphore(%arg18 : memref<!tpu.dma_semaphore, #tpu.memory_space<semaphore_mem>>)
    %broadcast_in_dim3A_41 = arith.constant 0 : i32
    %broadcast_in_dim3A_42 = vector.broadcast %broadcast_in_dim3A_41 : i32 to vector<16xi32>
    %parallel_loop3A = arith.constant 0 : i32
    %parallel_loop3A_43 = arith.constant 128 : i32
    %parallel_loop3A_44 = arith.constant 1 : i32
    scf.for %parallel_loop3A_156 = %parallel_loop3A to %parallel_loop3A_43 step %parallel_loop3A_44  : i32 {
      %parallel_loop3A_157 = vector.broadcast %parallel_loop3A_156 : i32 to vector<16xi32>
      %parallel_loop3A_158 = tpu.vector_load_idx %arg9[%broadcast_in_dim3A_42, %parallel_loop3A_157] : memref<160x128xf32, #tpu.memory_space<vmem>>[vector<16xi32>, vector<16xi32>], vector<16xf32>,
      %parallel_loop3A_159 = arith.index_cast %parallel_loop3A_156 : i32 to index
      %parallel_loop3A_160 = arith.constant 0 : index
      %parallel_loop3A_161 = tpu.vector_load %arg10[%parallel_loop3A_159, %parallel_loop3A_160] {strides = array<i32>} : memref<128x32xf32, #tpu.memory_space<vmem>>, vector<16xf32>,
      %parallel_loop3A_162 = arith.mulf %parallel_loop3A_161, %parallel_loop3A_158 : vector<16xf32>
      %parallel_loop3A_163 = arith.index_cast %parallel_loop3A_156 : i32 to index
      %parallel_loop3A_164 = arith.constant 0 : index
      %parallel_loop3A_165 = tpu.vector_load %arg10[%parallel_loop3A_163, %parallel_loop3A_164] {strides = array<i32>} : memref<128x32xf32, #tpu.memory_space<vmem>>, vector<16xf32>,
      tpu.vector_store %arg10[%parallel_loop3A_163, %parallel_loop3A_164], %parallel_loop3A_162 {strides = array<i32>} : memref<128x32xf32, #tpu.memory_space<vmem>>, vector<16xf32>,
      %parallel_loop3A_166 = arith.index_cast %parallel_loop3A_156 : i32 to index
      %parallel_loop3A_167 = arith.constant 16 : index
      %parallel_loop3A_168 = tpu.vector_load %arg10[%parallel_loop3A_166, %parallel_loop3A_167] {strides = array<i32>} : memref<128x32xf32, #tpu.memory_space<vmem>>, vector<16xf32>,
      %parallel_loop3A_169 = arith.mulf %parallel_loop3A_168, %parallel_loop3A_158 : vector<16xf32>
      %parallel_loop3A_170 = arith.index_cast %parallel_loop3A_156 : i32 to index
      %parallel_loop3A_171 = arith.constant 16 : index
      %parallel_loop3A_172 = tpu.vector_load %arg10[%parallel_loop3A_170, %parallel_loop3A_171] {strides = array<i32>} : memref<128x32xf32, #tpu.memory_space<vmem>>, vector<16xf32>,
      tpu.vector_store %arg10[%parallel_loop3A_170, %parallel_loop3A_171], %parallel_loop3A_169 {strides = array<i32>} : memref<128x32xf32, #tpu.memory_space<vmem>>, vector<16xf32>,
    } {sc.loop_unroll_factor = 8 : i64, sc.parallel_access}
    %dma_start3A_45 = arith.constant 0 : i32
    %dma_start3A_46 = arith.constant 0 : i32
    %dma_start3A_47 = tpu.memref_slice %arg8[%dma_start3A_45, %dma_start3A_46] : memref<160x128xi32, #tpu.memory_space<vmem>> -> memref<1x128xi32, #tpu.memory_space<vmem>>
    %dma_start3A_48 = tpu.memref_squeeze %dma_start3A_47 : memref<1x128xi32, #tpu.memory_space<vmem>> -> memref<128xi32, #tpu.memory_space<vmem>>
    %dma_start3A_49 = arith.constant 0 : i32
    %dma_start3A_50 = arith.constant 0 : i32
    %dma_start3A_51 = tpu.memref_slice %arg14[%dma_start3A_49, %dma_start3A_50] : memref<10000x32xf32, #tpu.memory_space<vmem_shared>> -> memref<10000x32xf32, #tpu.memory_space<vmem_shared>>
    tpu.enqueue_indirect_dma source(%arg10 : memref<128x32xf32, #tpu.memory_space<vmem>>) target(%dma_start3A_51 : memref<10000x32xf32, #tpu.memory_space<vmem_shared>>) offsets(%dma_start3A_48 : memref<128xi32, #tpu.memory_space<vmem>>) semaphore(%arg20 : memref<!tpu.dma_semaphore, #tpu.memory_space<semaphore_mem>>) {add = true}
    %dma_wait3A_52 = arith.constant 0 : i32
    %dma_wait3A_53 = arith.constant 0 : i32
    %dma_wait3A_54 = tpu.memref_slice %arg7[%dma_wait3A_52, %dma_wait3A_53] : memref<160x128xi32, #tpu.memory_space<vmem>> -> memref<1x128xi32, #tpu.memory_space<vmem>>
    %dma_wait3A_55 = tpu.memref_squeeze %dma_wait3A_54 : memref<1x128xi32, #tpu.memory_space<vmem>> -> memref<128xi32, #tpu.memory_space<vmem>>
    %dma_wait3A_56 = arith.constant 0 : i32
    %dma_wait3A_57 = arith.constant 0 : i32
    %dma_wait3A_58 = tpu.memref_slice %arg15[%dma_wait3A_56, %dma_wait3A_57] : memref<10000x32xf32, #tpu.memory_space<vmem_shared>> -> memref<10000x32xf32, #tpu.memory_space<vmem_shared>>
    tpu.wait_indirect_dma semaphore(%arg17 : memref<!tpu.dma_semaphore, #tpu.memory_space<semaphore_mem>>) src(%dma_wait3A_58 : memref<10000x32xf32, #tpu.memory_space<vmem_shared>>) dst(%arg11 : memref<128x32xf32, #tpu.memory_space<vmem>>)
    %dma_start3A_59 = arith.constant 3 : i32
    %dma_start3A_60 = arith.constant 0 : i32
    %dma_start3A_61 = tpu.memref_slice %arg7[%dma_start3A_59, %dma_start3A_60] : memref<160x128xi32, #tpu.memory_space<vmem>> -> memref<1x128xi32, #tpu.memory_space<vmem>>
    %dma_start3A_62 = tpu.memref_squeeze %dma_start3A_61 : memref<1x128xi32, #tpu.memory_space<vmem>> -> memref<128xi32, #tpu.memory_space<vmem>>
    %dma_start3A_63 = arith.constant 0 : i32
    %dma_start3A_64 = arith.constant 0 : i32
    %dma_start3A_65 = tpu.memref_slice %arg15[%dma_start3A_63, %dma_start3A_64] : memref<10000x32xf32, #tpu.memory_space<vmem_shared>> -> memref<10000x32xf32, #tpu.memory_space<vmem_shared>>
    tpu.enqueue_indirect_dma source(%dma_start3A_65 : memref<10000x32xf32, #tpu.memory_space<vmem_shared>>) target(%arg13 : memref<128x32xf32, #tpu.memory_space<vmem>>) offsets(%dma_start3A_62 : memref<128xi32, #tpu.memory_space<vmem>>) semaphore(%arg19 : memref<!tpu.dma_semaphore, #tpu.memory_space<semaphore_mem>>)
    %broadcast_in_dim3A_66 = arith.constant 1 : i32
    %broadcast_in_dim3A_67 = vector.broadcast %broadcast_in_dim3A_66 : i32 to vector<16xi32>
    %parallel_loop3A_68 = arith.constant 0 : i32
    %parallel_loop3A_69 = arith.constant 128 : i32
    %parallel_loop3A_70 = arith.constant 1 : i32
    scf.for %parallel_loop3A_156 = %parallel_loop3A_68 to %parallel_loop3A_69 step %parallel_loop3A_70  : i32 {
      %parallel_loop3A_157 = vector.broadcast %parallel_loop3A_156 : i32 to vector<16xi32>
      %parallel_loop3A_158 = tpu.vector_load_idx %arg9[%broadcast_in_dim3A_67, %parallel_loop3A_157] : memref<160x128xf32, #tpu.memory_space<vmem>>[vector<16xi32>, vector<16xi32>], vector<16xf32>,
      %parallel_loop3A_159 = arith.index_cast %parallel_loop3A_156 : i32 to index
      %parallel_loop3A_160 = arith.constant 0 : index
      %parallel_loop3A_161 = tpu.vector_load %arg11[%parallel_loop3A_159, %parallel_loop3A_160] {strides = array<i32>} : memref<128x32xf32, #tpu.memory_space<vmem>>, vector<16xf32>,
      %parallel_loop3A_162 = arith.mulf %parallel_loop3A_161, %parallel_loop3A_158 : vector<16xf32>
      %parallel_loop3A_163 = arith.index_cast %parallel_loop3A_156 : i32 to index
      %parallel_loop3A_164 = arith.constant 0 : index
      %parallel_loop3A_165 = tpu.vector_load %arg11[%parallel_loop3A_163, %parallel_loop3A_164] {strides = array<i32>} : memref<128x32xf32, #tpu.memory_space<vmem>>, vector<16xf32>,
      tpu.vector_store %arg11[%parallel_loop3A_163, %parallel_loop3A_164], %parallel_loop3A_162 {strides = array<i32>} : memref<128x32xf32, #tpu.memory_space<vmem>>, vector<16xf32>,
      %parallel_loop3A_166 = arith.index_cast %parallel_loop3A_156 : i32 to index
      %parallel_loop3A_167 = arith.constant 16 : index
      %parallel_loop3A_168 = tpu.vector_load %arg11[%parallel_loop3A_166, %parallel_loop3A_167] {strides = array<i32>} : memref<128x32xf32, #tpu.memory_space<vmem>>, vector<16xf32>,
      %parallel_loop3A_169 = arith.mulf %parallel_loop3A_168, %parallel_loop3A_158 : vector<16xf32>
      %parallel_loop3A_170 = arith.index_cast %parallel_loop3A_156 : i32 to index
      %parallel_loop3A_171 = arith.constant 16 : index
      %parallel_loop3A_172 = tpu.vector_load %arg11[%parallel_loop3A_170, %parallel_loop3A_171] {strides = array<i32>} : memref<128x32xf32, #tpu.memory_space<vmem>>, vector<16xf32>,
      tpu.vector_store %arg11[%parallel_loop3A_170, %parallel_loop3A_171], %parallel_loop3A_169 {strides = array<i32>} : memref<128x32xf32, #tpu.memory_space<vmem>>, vector<16xf32>,
    } {sc.loop_unroll_factor = 8 : i64, sc.parallel_access}
    %dma_start3A_71 = arith.constant 1 : i32
    %dma_start3A_72 = arith.constant 0 : i32
    %dma_start3A_73 = tpu.memref_slice %arg8[%dma_start3A_71, %dma_start3A_72] : memref<160x128xi32, #tpu.memory_space<vmem>> -> memref<1x128xi32, #tpu.memory_space<vmem>>
    %dma_start3A_74 = tpu.memref_squeeze %dma_start3A_73 : memref<1x128xi32, #tpu.memory_space<vmem>> -> memref<128xi32, #tpu.memory_space<vmem>>
    %dma_start3A_75 = arith.constant 0 : i32
    %dma_start3A_76 = arith.constant 0 : i32
    %dma_start3A_77 = tpu.memref_slice %arg14[%dma_start3A_75, %dma_start3A_76] : memref<10000x32xf32, #tpu.memory_space<vmem_shared>> -> memref<10000x32xf32, #tpu.memory_space<vmem_shared>>
    tpu.enqueue_indirect_dma source(%arg11 : memref<128x32xf32, #tpu.memory_space<vmem>>) target(%dma_start3A_77 : memref<10000x32xf32, #tpu.memory_space<vmem_shared>>) offsets(%dma_start3A_74 : memref<128xi32, #tpu.memory_space<vmem>>) semaphore(%arg21 : memref<!tpu.dma_semaphore, #tpu.memory_space<semaphore_mem>>) {add = true}
    %scan3A_78 = arith.constant 0 : i32
    %scan3A_79 = arith.constant 0 : i32
    %scan3A_80 = arith.constant 39 : i32
    %scan3A_81 = arith.addi %scan3A_79, %scan3A_80 : i32
    %scan3A_82 = arith.constant 1 : i32
    scf.for %scan3A_156 = %scan3A_79 to %scan3A_81 step %scan3A_82  : i32 {
      %mul3A_157 = arith.constant 4 : i32
      %mul3A_158 = arith.muli %scan3A_156, %mul3A_157 : i32
      %add3A = arith.constant 2 : i32
      %add3A_159 = arith.addi %mul3A_158, %add3A : i32
      %add3A_160 = arith.constant 0 : i32
      %add3A_161 = arith.addi %add3A_159, %add3A_160 : i32
      %dma_wait3A_162 = arith.constant 0 : i32
      %dma_wait3A_163 = arith.constant 0 : i32
      %dma_wait3A_164 = tpu.memref_slice %arg7[%dma_wait3A_162, %dma_wait3A_163] : memref<160x128xi32, #tpu.memory_space<vmem>> -> memref<1x128xi32, #tpu.memory_space<vmem>>
      %dma_wait3A_165 = tpu.memref_squeeze %dma_wait3A_164 : memref<1x128xi32, #tpu.memory_space<vmem>> -> memref<128xi32, #tpu.memory_space<vmem>>
      %dma_wait3A_166 = arith.constant 0 : i32
      %dma_wait3A_167 = arith.constant 0 : i32
      %dma_wait3A_168 = tpu.memref_slice %arg15[%dma_wait3A_166, %dma_wait3A_167] : memref<10000x32xf32, #tpu.memory_space<vmem_shared>> -> memref<10000x32xf32, #tpu.memory_space<vmem_shared>>
      tpu.wait_indirect_dma semaphore(%arg18 : memref<!tpu.dma_semaphore, #tpu.memory_space<semaphore_mem>>) src(%dma_wait3A_168 : memref<10000x32xf32, #tpu.memory_space<vmem_shared>>) dst(%arg12 : memref<128x32xf32, #tpu.memory_space<vmem>>)
      %dma_wait3A_169 = arith.constant 0 : i32
      %dma_wait3A_170 = arith.constant 0 : i32
      %dma_wait3A_171 = tpu.memref_slice %arg8[%dma_wait3A_169, %dma_wait3A_170] : memref<160x128xi32, #tpu.memory_space<vmem>> -> memref<1x128xi32, #tpu.memory_space<vmem>>
      %dma_wait3A_172 = tpu.memref_squeeze %dma_wait3A_171 : memref<1x128xi32, #tpu.memory_space<vmem>> -> memref<128xi32, #tpu.memory_space<vmem>>
      %dma_wait3A_173 = arith.constant 0 : i32
      %dma_wait3A_174 = arith.constant 0 : i32
      %dma_wait3A_175 = tpu.memref_slice %arg14[%dma_wait3A_173, %dma_wait3A_174] : memref<10000x32xf32, #tpu.memory_space<vmem_shared>> -> memref<10000x32xf32, #tpu.memory_space<vmem_shared>>
      tpu.wait_indirect_dma semaphore(%arg20 : memref<!tpu.dma_semaphore, #tpu.memory_space<semaphore_mem>>) src(%arg10 : memref<128x32xf32, #tpu.memory_space<vmem>>) dst(%dma_wait3A_175 : memref<10000x32xf32, #tpu.memory_space<vmem_shared>>)
      %add3A_176 = arith.constant 2 : i32
      %add3A_177 = arith.addi %add3A_161, %add3A_176 : i32
      %dma_start3A_178 = arith.constant 0 : i32
      %dma_start3A_179 = tpu.memref_slice %arg7[%add3A_177, %dma_start3A_178] : memref<160x128xi32, #tpu.memory_space<vmem>> -> memref<1x128xi32, #tpu.memory_space<vmem>>
      %dma_start3A_180 = tpu.memref_squeeze %dma_start3A_179 : memref<1x128xi32, #tpu.memory_space<vmem>> -> memref<128xi32, #tpu.memory_space<vmem>>
      %dma_start3A_181 = arith.constant 0 : i32
      %dma_start3A_182 = arith.constant 0 : i32
      %dma_start3A_183 = tpu.memref_slice %arg15[%dma_start3A_181, %dma_start3A_182] : memref<10000x32xf32, #tpu.memory_space<vmem_shared>> -> memref<10000x32xf32, #tpu.memory_space<vmem_shared>>
      tpu.enqueue_indirect_dma source(%dma_start3A_183 : memref<10000x32xf32, #tpu.memory_space<vmem_shared>>) target(%arg10 : memref<128x32xf32, #tpu.memory_space<vmem>>) offsets(%dma_start3A_180 : memref<128xi32, #tpu.memory_space<vmem>>) semaphore(%arg16 : memref<!tpu.dma_semaphore, #tpu.memory_space<semaphore_mem>>)
      %broadcast_in_dim3A_184 = vector.broadcast %add3A_161 : i32 to vector<16xi32>
      %parallel_loop3A_185 = arith.constant 0 : i32
      %parallel_loop3A_186 = arith.constant 128 : i32
      %parallel_loop3A_187 = arith.constant 1 : i32
      scf.for %parallel_loop3A_296 = %parallel_loop3A_185 to %parallel_loop3A_186 step %parallel_loop3A_187  : i32 {
        %parallel_loop3A_297 = vector.broadcast %parallel_loop3A_296 : i32 to vector<16xi32>
        %parallel_loop3A_298 = tpu.vector_load_idx %arg9[%broadcast_in_dim3A_184, %parallel_loop3A_297] : memref<160x128xf32, #tpu.memory_space<vmem>>[vector<16xi32>, vector<16xi32>], vector<16xf32>,
        %parallel_loop3A_299 = arith.index_cast %parallel_loop3A_296 : i32 to index
        %parallel_loop3A_300 = arith.constant 0 : index
        %parallel_loop3A_301 = tpu.vector_load %arg12[%parallel_loop3A_299, %parallel_loop3A_300] {strides = array<i32>} : memref<128x32xf32, #tpu.memory_space<vmem>>, vector<16xf32>,
        %parallel_loop3A_302 = arith.mulf %parallel_loop3A_301, %parallel_loop3A_298 : vector<16xf32>
        %parallel_loop3A_303 = arith.index_cast %parallel_loop3A_296 : i32 to index
        %parallel_loop3A_304 = arith.constant 0 : index
        %parallel_loop3A_305 = tpu.vector_load %arg12[%parallel_loop3A_303, %parallel_loop3A_304] {strides = array<i32>} : memref<128x32xf32, #tpu.memory_space<vmem>>, vector<16xf32>,
        tpu.vector_store %arg12[%parallel_loop3A_303, %parallel_loop3A_304], %parallel_loop3A_302 {strides = array<i32>} : memref<128x32xf32, #tpu.memory_space<vmem>>, vector<16xf32>,
        %parallel_loop3A_306 = arith.index_cast %parallel_loop3A_296 : i32 to index
        %parallel_loop3A_307 = arith.constant 16 : index
        %parallel_loop3A_308 = tpu.vector_load %arg12[%parallel_loop3A_306, %parallel_loop3A_307] {strides = array<i32>} : memref<128x32xf32, #tpu.memory_space<vmem>>, vector<16xf32>,
        %parallel_loop3A_309 = arith.mulf %parallel_loop3A_308, %parallel_loop3A_298 : vector<16xf32>
        %parallel_loop3A_310 = arith.index_cast %parallel_loop3A_296 : i32 to index
        %parallel_loop3A_311 = arith.constant 16 : index
        %parallel_loop3A_312 = tpu.vector_load %arg12[%parallel_loop3A_310, %parallel_loop3A_311] {strides = array<i32>} : memref<128x32xf32, #tpu.memory_space<vmem>>, vector<16xf32>,
        tpu.vector_store %arg12[%parallel_loop3A_310, %parallel_loop3A_311], %parallel_loop3A_309 {strides = array<i32>} : memref<128x32xf32, #tpu.memory_space<vmem>>, vector<16xf32>,
      } {sc.loop_unroll_factor = 8 : i64, sc.parallel_access}
      %dma_start3A_188 = arith.constant 0 : i32
      %dma_start3A_189 = tpu.memref_slice %arg8[%add3A_161, %dma_start3A_188] : memref<160x128xi32, #tpu.memory_space<vmem>> -> memref<1x128xi32, #tpu.memory_space<vmem>>
      %dma_start3A_190 = tpu.memref_squeeze %dma_start3A_189 : memref<1x128xi32, #tpu.memory_space<vmem>> -> memref<128xi32, #tpu.memory_space<vmem>>
      %dma_start3A_191 = arith.constant 0 : i32
      %dma_start3A_192 = arith.constant 0 : i32
      %dma_start3A_193 = tpu.memref_slice %arg14[%dma_start3A_191, %dma_start3A_192] : memref<10000x32xf32, #tpu.memory_space<vmem_shared>> -> memref<10000x32xf32, #tpu.memory_space<vmem_shared>>
      tpu.enqueue_indirect_dma source(%arg12 : memref<128x32xf32, #tpu.memory_space<vmem>>) target(%dma_start3A_193 : memref<10000x32xf32, #tpu.memory_space<vmem_shared>>) offsets(%dma_start3A_190 : memref<128xi32, #tpu.memory_space<vmem>>) semaphore(%arg22 : memref<!tpu.dma_semaphore, #tpu.memory_space<semaphore_mem>>) {add = true}
      %add3A_194 = arith.constant 1 : i32
      %add3A_195 = arith.addi %add3A_159, %add3A_194 : i32
      %dma_wait3A_196 = arith.constant 0 : i32
      %dma_wait3A_197 = arith.constant 0 : i32
      %dma_wait3A_198 = tpu.memref_slice %arg7[%dma_wait3A_196, %dma_wait3A_197] : memref<160x128xi32, #tpu.memory_space<vmem>> -> memref<1x128xi32, #tpu.memory_space<vmem>>
      %dma_wait3A_199 = tpu.memref_squeeze %dma_wait3A_198 : memref<1x128xi32, #tpu.memory_space<vmem>> -> memref<128xi32, #tpu.memory_space<vmem>>
      %dma_wait3A_200 = arith.constant 0 : i32
      %dma_wait3A_201 = arith.constant 0 : i32
      %dma_wait3A_202 = tpu.memref_slice %arg15[%dma_wait3A_200, %dma_wait3A_201] : memref<10000x32xf32, #tpu.memory_space<vmem_shared>> -> memref<10000x32xf32, #tpu.memory_space<vmem_shared>>
      tpu.wait_indirect_dma semaphore(%arg19 : memref<!tpu.dma_semaphore, #tpu.memory_space<semaphore_mem>>) src(%dma_wait3A_202 : memref<10000x32xf32, #tpu.memory_space<vmem_shared>>) dst(%arg13 : memref<128x32xf32, #tpu.memory_space<vmem>>)
      %dma_wait3A_203 = arith.constant 0 : i32
      %dma_wait3A_204 = arith.constant 0 : i32
      %dma_wait3A_205 = tpu.memref_slice %arg8[%dma_wait3A_203, %dma_wait3A_204] : memref<160x128xi32, #tpu.memory_space<vmem>> -> memref<1x128xi32, #tpu.memory_space<vmem>>
      %dma_wait3A_206 = tpu.memref_squeeze %dma_wait3A_205 : memref<1x128xi32, #tpu.memory_space<vmem>> -> memref<128xi32, #tpu.memory_space<vmem>>
      %dma_wait3A_207 = arith.constant 0 : i32
      %dma_wait3A_208 = arith.constant 0 : i32
      %dma_wait3A_209 = tpu.memref_slice %arg14[%dma_wait3A_207, %dma_wait3A_208] : memref<10000x32xf32, #tpu.memory_space<vmem_shared>> -> memref<10000x32xf32, #tpu.memory_space<vmem_shared>>
      tpu.wait_indirect_dma semaphore(%arg21 : memref<!tpu.dma_semaphore, #tpu.memory_space<semaphore_mem>>) src(%arg11 : memref<128x32xf32, #tpu.memory_space<vmem>>) dst(%dma_wait3A_209 : memref<10000x32xf32, #tpu.memory_space<vmem_shared>>)
      %add3A_210 = arith.constant 2 : i32
      %add3A_211 = arith.addi %add3A_195, %add3A_210 : i32
      %dma_start3A_212 = arith.constant 0 : i32
      %dma_start3A_213 = tpu.memref_slice %arg7[%add3A_211, %dma_start3A_212] : memref<160x128xi32, #tpu.memory_space<vmem>> -> memref<1x128xi32, #tpu.memory_space<vmem>>
      %dma_start3A_214 = tpu.memref_squeeze %dma_start3A_213 : memref<1x128xi32, #tpu.memory_space<vmem>> -> memref<128xi32, #tpu.memory_space<vmem>>
      %dma_start3A_215 = arith.constant 0 : i32
      %dma_start3A_216 = arith.constant 0 : i32
      %dma_start3A_217 = tpu.memref_slice %arg15[%dma_start3A_215, %dma_start3A_216] : memref<10000x32xf32, #tpu.memory_space<vmem_shared>> -> memref<10000x32xf32, #tpu.memory_space<vmem_shared>>
      tpu.enqueue_indirect_dma source(%dma_start3A_217 : memref<10000x32xf32, #tpu.memory_space<vmem_shared>>) target(%arg11 : memref<128x32xf32, #tpu.memory_space<vmem>>) offsets(%dma_start3A_214 : memref<128xi32, #tpu.memory_space<vmem>>) semaphore(%arg17 : memref<!tpu.dma_semaphore, #tpu.memory_space<semaphore_mem>>)
      %broadcast_in_dim3A_218 = vector.broadcast %add3A_195 : i32 to vector<16xi32>
      %parallel_loop3A_219 = arith.constant 0 : i32
      %parallel_loop3A_220 = arith.constant 128 : i32
      %parallel_loop3A_221 = arith.constant 1 : i32
      scf.for %parallel_loop3A_296 = %parallel_loop3A_219 to %parallel_loop3A_220 step %parallel_loop3A_221  : i32 {
        %parallel_loop3A_297 = vector.broadcast %parallel_loop3A_296 : i32 to vector<16xi32>
        %parallel_loop3A_298 = tpu.vector_load_idx %arg9[%broadcast_in_dim3A_218, %parallel_loop3A_297] : memref<160x128xf32, #tpu.memory_space<vmem>>[vector<16xi32>, vector<16xi32>], vector<16xf32>,
        %parallel_loop3A_299 = arith.index_cast %parallel_loop3A_296 : i32 to index
        %parallel_loop3A_300 = arith.constant 0 : index
        %parallel_loop3A_301 = tpu.vector_load %arg13[%parallel_loop3A_299, %parallel_loop3A_300] {strides = array<i32>} : memref<128x32xf32, #tpu.memory_space<vmem>>, vector<16xf32>,
        %parallel_loop3A_302 = arith.mulf %parallel_loop3A_301, %parallel_loop3A_298 : vector<16xf32>
        %parallel_loop3A_303 = arith.index_cast %parallel_loop3A_296 : i32 to index
        %parallel_loop3A_304 = arith.constant 0 : index
        %parallel_loop3A_305 = tpu.vector_load %arg13[%parallel_loop3A_303, %parallel_loop3A_304] {strides = array<i32>} : memref<128x32xf32, #tpu.memory_space<vmem>>, vector<16xf32>,
        tpu.vector_store %arg13[%parallel_loop3A_303, %parallel_loop3A_304], %parallel_loop3A_302 {strides = array<i32>} : memref<128x32xf32, #tpu.memory_space<vmem>>, vector<16xf32>,
        %parallel_loop3A_306 = arith.index_cast %parallel_loop3A_296 : i32 to index
        %parallel_loop3A_307 = arith.constant 16 : index
        %parallel_loop3A_308 = tpu.vector_load %arg13[%parallel_loop3A_306, %parallel_loop3A_307] {strides = array<i32>} : memref<128x32xf32, #tpu.memory_space<vmem>>, vector<16xf32>,
        %parallel_loop3A_309 = arith.mulf %parallel_loop3A_308, %parallel_loop3A_298 : vector<16xf32>
        %parallel_loop3A_310 = arith.index_cast %parallel_loop3A_296 : i32 to index
        %parallel_loop3A_311 = arith.constant 16 : index
        %parallel_loop3A_312 = tpu.vector_load %arg13[%parallel_loop3A_310, %parallel_loop3A_311] {strides = array<i32>} : memref<128x32xf32, #tpu.memory_space<vmem>>, vector<16xf32>,
        tpu.vector_store %arg13[%parallel_loop3A_310, %parallel_loop3A_311], %parallel_loop3A_309 {strides = array<i32>} : memref<128x32xf32, #tpu.memory_space<vmem>>, vector<16xf32>,
      } {sc.loop_unroll_factor = 8 : i64, sc.parallel_access}
      %dma_start3A_222 = arith.constant 0 : i32
      %dma_start3A_223 = tpu.memref_slice %arg8[%add3A_195, %dma_start3A_222] : memref<160x128xi32, #tpu.memory_space<vmem>> -> memref<1x128xi32, #tpu.memory_space<vmem>>
      %dma_start3A_224 = tpu.memref_squeeze %dma_start3A_223 : memref<1x128xi32, #tpu.memory_space<vmem>> -> memref<128xi32, #tpu.memory_space<vmem>>
      %dma_start3A_225 = arith.constant 0 : i32
      %dma_start3A_226 = arith.constant 0 : i32
      %dma_start3A_227 = tpu.memref_slice %arg14[%dma_start3A_225, %dma_start3A_226] : memref<10000x32xf32, #tpu.memory_space<vmem_shared>> -> memref<10000x32xf32, #tpu.memory_space<vmem_shared>>
      tpu.enqueue_indirect_dma source(%arg13 : memref<128x32xf32, #tpu.memory_space<vmem>>) target(%dma_start3A_227 : memref<10000x32xf32, #tpu.memory_space<vmem_shared>>) offsets(%dma_start3A_224 : memref<128xi32, #tpu.memory_space<vmem>>) semaphore(%arg23 : memref<!tpu.dma_semaphore, #tpu.memory_space<semaphore_mem>>) {add = true}
      %add3A_228 = arith.constant 2 : i32
      %add3A_229 = arith.addi %add3A_159, %add3A_228 : i32
      %dma_wait3A_230 = arith.constant 0 : i32
      %dma_wait3A_231 = arith.constant 0 : i32
      %dma_wait3A_232 = tpu.memref_slice %arg7[%dma_wait3A_230, %dma_wait3A_231] : memref<160x128xi32, #tpu.memory_space<vmem>> -> memref<1x128xi32, #tpu.memory_space<vmem>>
      %dma_wait3A_233 = tpu.memref_squeeze %dma_wait3A_232 : memref<1x128xi32, #tpu.memory_space<vmem>> -> memref<128xi32, #tpu.memory_space<vmem>>
      %dma_wait3A_234 = arith.constant 0 : i32
      %dma_wait3A_235 = arith.constant 0 : i32
      %dma_wait3A_236 = tpu.memref_slice %arg15[%dma_wait3A_234, %dma_wait3A_235] : memref<10000x32xf32, #tpu.memory_space<vmem_shared>> -> memref<10000x32xf32, #tpu.memory_space<vmem_shared>>
      tpu.wait_indirect_dma semaphore(%arg16 : memref<!tpu.dma_semaphore, #tpu.memory_space<semaphore_mem>>) src(%dma_wait3A_236 : memref<10000x32xf32, #tpu.memory_space<vmem_shared>>) dst(%arg10 : memref<128x32xf32, #tpu.memory_space<vmem>>)
      %dma_wait3A_237 = arith.constant 0 : i32
      %dma_wait3A_238 = arith.constant 0 : i32
      %dma_wait3A_239 = tpu.memref_slice %arg8[%dma_wait3A_237, %dma_wait3A_238] : memref<160x128xi32, #tpu.memory_space<vmem>> -> memref<1x128xi32, #tpu.memory_space<vmem>>
      %dma_wait3A_240 = tpu.memref_squeeze %dma_wait3A_239 : memref<1x128xi32, #tpu.memory_space<vmem>> -> memref<128xi32, #tpu.memory_space<vmem>>
      %dma_wait3A_241 = arith.constant 0 : i32
      %dma_wait3A_242 = arith.constant 0 : i32
      %dma_wait3A_243 = tpu.memref_slice %arg14[%dma_wait3A_241, %dma_wait3A_242] : memref<10000x32xf32, #tpu.memory_space<vmem_shared>> -> memref<10000x32xf32, #tpu.memory_space<vmem_shared>>
      tpu.wait_indirect_dma semaphore(%arg22 : memref<!tpu.dma_semaphore, #tpu.memory_space<semaphore_mem>>) src(%arg12 : memref<128x32xf32, #tpu.memory_space<vmem>>) dst(%dma_wait3A_243 : memref<10000x32xf32, #tpu.memory_space<vmem_shared>>)
      %add3A_244 = arith.constant 2 : i32
      %add3A_245 = arith.addi %add3A_229, %add3A_244 : i32
      %dma_start3A_246 = arith.constant 0 : i32
      %dma_start3A_247 = tpu.memref_slice %arg7[%add3A_245, %dma_start3A_246] : memref<160x128xi32, #tpu.memory_space<vmem>> -> memref<1x128xi32, #tpu.memory_space<vmem>>
      %dma_start3A_248 = tpu.memref_squeeze %dma_start3A_247 : memref<1x128xi32, #tpu.memory_space<vmem>> -> memref<128xi32, #tpu.memory_space<vmem>>
      %dma_start3A_249 = arith.constant 0 : i32
      %dma_start3A_250 = arith.constant 0 : i32
      %dma_start3A_251 = tpu.memref_slice %arg15[%dma_start3A_249, %dma_start3A_250] : memref<10000x32xf32, #tpu.memory_space<vmem_shared>> -> memref<10000x32xf32, #tpu.memory_space<vmem_shared>>
      tpu.enqueue_indirect_dma source(%dma_start3A_251 : memref<10000x32xf32, #tpu.memory_space<vmem_shared>>) target(%arg12 : memref<128x32xf32, #tpu.memory_space<vmem>>) offsets(%dma_start3A_248 : memref<128xi32, #tpu.memory_space<vmem>>) semaphore(%arg18 : memref<!tpu.dma_semaphore, #tpu.memory_space<semaphore_mem>>)
      %broadcast_in_dim3A_252 = vector.broadcast %add3A_229 : i32 to vector<16xi32>
      %parallel_loop3A_253 = arith.constant 0 : i32
      %parallel_loop3A_254 = arith.constant 128 : i32
      %parallel_loop3A_255 = arith.constant 1 : i32
      scf.for %parallel_loop3A_296 = %parallel_loop3A_253 to %parallel_loop3A_254 step %parallel_loop3A_255  : i32 {
        %parallel_loop3A_297 = vector.broadcast %parallel_loop3A_296 : i32 to vector<16xi32>
        %parallel_loop3A_298 = tpu.vector_load_idx %arg9[%broadcast_in_dim3A_252, %parallel_loop3A_297] : memref<160x128xf32, #tpu.memory_space<vmem>>[vector<16xi32>, vector<16xi32>], vector<16xf32>,
        %parallel_loop3A_299 = arith.index_cast %parallel_loop3A_296 : i32 to index
        %parallel_loop3A_300 = arith.constant 0 : index
        %parallel_loop3A_301 = tpu.vector_load %arg10[%parallel_loop3A_299, %parallel_loop3A_300] {strides = array<i32>} : memref<128x32xf32, #tpu.memory_space<vmem>>, vector<16xf32>,
        %parallel_loop3A_302 = arith.mulf %parallel_loop3A_301, %parallel_loop3A_298 : vector<16xf32>
        %parallel_loop3A_303 = arith.index_cast %parallel_loop3A_296 : i32 to index
        %parallel_loop3A_304 = arith.constant 0 : index
        %parallel_loop3A_305 = tpu.vector_load %arg10[%parallel_loop3A_303, %parallel_loop3A_304] {strides = array<i32>} : memref<128x32xf32, #tpu.memory_space<vmem>>, vector<16xf32>,
        tpu.vector_store %arg10[%parallel_loop3A_303, %parallel_loop3A_304], %parallel_loop3A_302 {strides = array<i32>} : memref<128x32xf32, #tpu.memory_space<vmem>>, vector<16xf32>,
        %parallel_loop3A_306 = arith.index_cast %parallel_loop3A_296 : i32 to index
        %parallel_loop3A_307 = arith.constant 16 : index
        %parallel_loop3A_308 = tpu.vector_load %arg10[%parallel_loop3A_306, %parallel_loop3A_307] {strides = array<i32>} : memref<128x32xf32, #tpu.memory_space<vmem>>, vector<16xf32>,
        %parallel_loop3A_309 = arith.mulf %parallel_loop3A_308, %parallel_loop3A_298 : vector<16xf32>
        %parallel_loop3A_310 = arith.index_cast %parallel_loop3A_296 : i32 to index
        %parallel_loop3A_311 = arith.constant 16 : index
        %parallel_loop3A_312 = tpu.vector_load %arg10[%parallel_loop3A_310, %parallel_loop3A_311] {strides = array<i32>} : memref<128x32xf32, #tpu.memory_space<vmem>>, vector<16xf32>,
        tpu.vector_store %arg10[%parallel_loop3A_310, %parallel_loop3A_311], %parallel_loop3A_309 {strides = array<i32>} : memref<128x32xf32, #tpu.memory_space<vmem>>, vector<16xf32>,
      } {sc.loop_unroll_factor = 8 : i64, sc.parallel_access}
      %dma_start3A_256 = arith.constant 0 : i32
      %dma_start3A_257 = tpu.memref_slice %arg8[%add3A_229, %dma_start3A_256] : memref<160x128xi32, #tpu.memory_space<vmem>> -> memref<1x128xi32, #tpu.memory_space<vmem>>
      %dma_start3A_258 = tpu.memref_squeeze %dma_start3A_257 : memref<1x128xi32, #tpu.memory_space<vmem>> -> memref<128xi32, #tpu.memory_space<vmem>>
      %dma_start3A_259 = arith.constant 0 : i32
      %dma_start3A_260 = arith.constant 0 : i32
      %dma_start3A_261 = tpu.memref_slice %arg14[%dma_start3A_259, %dma_start3A_260] : memref<10000x32xf32, #tpu.memory_space<vmem_shared>> -> memref<10000x32xf32, #tpu.memory_space<vmem_shared>>
      tpu.enqueue_indirect_dma source(%arg10 : memref<128x32xf32, #tpu.memory_space<vmem>>) target(%dma_start3A_261 : memref<10000x32xf32, #tpu.memory_space<vmem_shared>>) offsets(%dma_start3A_258 : memref<128xi32, #tpu.memory_space<vmem>>) semaphore(%arg20 : memref<!tpu.dma_semaphore, #tpu.memory_space<semaphore_mem>>) {add = true}
      %add3A_262 = arith.constant 3 : i32
      %add3A_263 = arith.addi %add3A_159, %add3A_262 : i32
      %dma_wait3A_264 = arith.constant 0 : i32
      %dma_wait3A_265 = arith.constant 0 : i32
      %dma_wait3A_266 = tpu.memref_slice %arg7[%dma_wait3A_264, %dma_wait3A_265] : memref<160x128xi32, #tpu.memory_space<vmem>> -> memref<1x128xi32, #tpu.memory_space<vmem>>
      %dma_wait3A_267 = tpu.memref_squeeze %dma_wait3A_266 : memref<1x128xi32, #tpu.memory_space<vmem>> -> memref<128xi32, #tpu.memory_space<vmem>>
      %dma_wait3A_268 = arith.constant 0 : i32
      %dma_wait3A_269 = arith.constant 0 : i32
      %dma_wait3A_270 = tpu.memref_slice %arg15[%dma_wait3A_268, %dma_wait3A_269] : memref<10000x32xf32, #tpu.memory_space<vmem_shared>> -> memref<10000x32xf32, #tpu.memory_space<vmem_shared>>
      tpu.wait_indirect_dma semaphore(%arg17 : memref<!tpu.dma_semaphore, #tpu.memory_space<semaphore_mem>>) src(%dma_wait3A_270 : memref<10000x32xf32, #tpu.memory_space<vmem_shared>>) dst(%arg11 : memref<128x32xf32, #tpu.memory_space<vmem>>)
      %dma_wait3A_271 = arith.constant 0 : i32
      %dma_wait3A_272 = arith.constant 0 : i32
      %dma_wait3A_273 = tpu.memref_slice %arg8[%dma_wait3A_271, %dma_wait3A_272] : memref<160x128xi32, #tpu.memory_space<vmem>> -> memref<1x128xi32, #tpu.memory_space<vmem>>
      %dma_wait3A_274 = tpu.memref_squeeze %dma_wait3A_273 : memref<1x128xi32, #tpu.memory_space<vmem>> -> memref<128xi32, #tpu.memory_space<vmem>>
      %dma_wait3A_275 = arith.constant 0 : i32
      %dma_wait3A_276 = arith.constant 0 : i32
      %dma_wait3A_277 = tpu.memref_slice %arg14[%dma_wait3A_275, %dma_wait3A_276] : memref<10000x32xf32, #tpu.memory_space<vmem_shared>> -> memref<10000x32xf32, #tpu.memory_space<vmem_shared>>
      tpu.wait_indirect_dma semaphore(%arg23 : memref<!tpu.dma_semaphore, #tpu.memory_space<semaphore_mem>>) src(%arg13 : memref<128x32xf32, #tpu.memory_space<vmem>>) dst(%dma_wait3A_277 : memref<10000x32xf32, #tpu.memory_space<vmem_shared>>)
      %add3A_278 = arith.constant 2 : i32
      %add3A_279 = arith.addi %add3A_263, %add3A_278 : i32
      %dma_start3A_280 = arith.constant 0 : i32
      %dma_start3A_281 = tpu.memref_slice %arg7[%add3A_279, %dma_start3A_280] : memref<160x128xi32, #tpu.memory_space<vmem>> -> memref<1x128xi32, #tpu.memory_space<vmem>>
      %dma_start3A_282 = tpu.memref_squeeze %dma_start3A_281 : memref<1x128xi32, #tpu.memory_space<vmem>> -> memref<128xi32, #tpu.memory_space<vmem>>
      %dma_start3A_283 = arith.constant 0 : i32
      %dma_start3A_284 = arith.constant 0 : i32
      %dma_start3A_285 = tpu.memref_slice %arg15[%dma_start3A_283, %dma_start3A_284] : memref<10000x32xf32, #tpu.memory_space<vmem_shared>> -> memref<10000x32xf32, #tpu.memory_space<vmem_shared>>
      tpu.enqueue_indirect_dma source(%dma_start3A_285 : memref<10000x32xf32, #tpu.memory_space<vmem_shared>>) target(%arg13 : memref<128x32xf32, #tpu.memory_space<vmem>>) offsets(%dma_start3A_282 : memref<128xi32, #tpu.memory_space<vmem>>) semaphore(%arg19 : memref<!tpu.dma_semaphore, #tpu.memory_space<semaphore_mem>>)
      %broadcast_in_dim3A_286 = vector.broadcast %add3A_263 : i32 to vector<16xi32>
      %parallel_loop3A_287 = arith.constant 0 : i32
      %parallel_loop3A_288 = arith.constant 128 : i32
      %parallel_loop3A_289 = arith.constant 1 : i32
      scf.for %parallel_loop3A_296 = %parallel_loop3A_287 to %parallel_loop3A_288 step %parallel_loop3A_289  : i32 {
        %parallel_loop3A_297 = vector.broadcast %parallel_loop3A_296 : i32 to vector<16xi32>
        %parallel_loop3A_298 = tpu.vector_load_idx %arg9[%broadcast_in_dim3A_286, %parallel_loop3A_297] : memref<160x128xf32, #tpu.memory_space<vmem>>[vector<16xi32>, vector<16xi32>], vector<16xf32>,
        %parallel_loop3A_299 = arith.index_cast %parallel_loop3A_296 : i32 to index
        %parallel_loop3A_300 = arith.constant 0 : index
        %parallel_loop3A_301 = tpu.vector_load %arg11[%parallel_loop3A_299, %parallel_loop3A_300] {strides = array<i32>} : memref<128x32xf32, #tpu.memory_space<vmem>>, vector<16xf32>,
        %parallel_loop3A_302 = arith.mulf %parallel_loop3A_301, %parallel_loop3A_298 : vector<16xf32>
        %parallel_loop3A_303 = arith.index_cast %parallel_loop3A_296 : i32 to index
        %parallel_loop3A_304 = arith.constant 0 : index
        %parallel_loop3A_305 = tpu.vector_load %arg11[%parallel_loop3A_303, %parallel_loop3A_304] {strides = array<i32>} : memref<128x32xf32, #tpu.memory_space<vmem>>, vector<16xf32>,
        tpu.vector_store %arg11[%parallel_loop3A_303, %parallel_loop3A_304], %parallel_loop3A_302 {strides = array<i32>} : memref<128x32xf32, #tpu.memory_space<vmem>>, vector<16xf32>,
        %parallel_loop3A_306 = arith.index_cast %parallel_loop3A_296 : i32 to index
        %parallel_loop3A_307 = arith.constant 16 : index
        %parallel_loop3A_308 = tpu.vector_load %arg11[%parallel_loop3A_306, %parallel_loop3A_307] {strides = array<i32>} : memref<128x32xf32, #tpu.memory_space<vmem>>, vector<16xf32>,
        %parallel_loop3A_309 = arith.mulf %parallel_loop3A_308, %parallel_loop3A_298 : vector<16xf32>
        %parallel_loop3A_310 = arith.index_cast %parallel_loop3A_296 : i32 to index
        %parallel_loop3A_311 = arith.constant 16 : index
        %parallel_loop3A_312 = tpu.vector_load %arg11[%parallel_loop3A_310, %parallel_loop3A_311] {strides = array<i32>} : memref<128x32xf32, #tpu.memory_space<vmem>>, vector<16xf32>,
        tpu.vector_store %arg11[%parallel_loop3A_310, %parallel_loop3A_311], %parallel_loop3A_309 {strides = array<i32>} : memref<128x32xf32, #tpu.memory_space<vmem>>, vector<16xf32>,
      } {sc.loop_unroll_factor = 8 : i64, sc.parallel_access}
      %dma_start3A_290 = arith.constant 0 : i32
      %dma_start3A_291 = tpu.memref_slice %arg8[%add3A_263, %dma_start3A_290] : memref<160x128xi32, #tpu.memory_space<vmem>> -> memref<1x128xi32, #tpu.memory_space<vmem>>
      %dma_start3A_292 = tpu.memref_squeeze %dma_start3A_291 : memref<1x128xi32, #tpu.memory_space<vmem>> -> memref<128xi32, #tpu.memory_space<vmem>>
      %dma_start3A_293 = arith.constant 0 : i32
      %dma_start3A_294 = arith.constant 0 : i32
      %dma_start3A_295 = tpu.memref_slice %arg14[%dma_start3A_293, %dma_start3A_294] : memref<10000x32xf32, #tpu.memory_space<vmem_shared>> -> memref<10000x32xf32, #tpu.memory_space<vmem_shared>>
      tpu.enqueue_indirect_dma source(%arg11 : memref<128x32xf32, #tpu.memory_space<vmem>>) target(%dma_start3A_295 : memref<10000x32xf32, #tpu.memory_space<vmem_shared>>) offsets(%dma_start3A_292 : memref<128xi32, #tpu.memory_space<vmem>>) semaphore(%arg21 : memref<!tpu.dma_semaphore, #tpu.memory_space<semaphore_mem>>) {add = true}
    }
    %scan3A_83 = arith.constant 39 : i32
    %dma_wait3A_84 = arith.constant 0 : i32
    %dma_wait3A_85 = arith.constant 0 : i32
    %dma_wait3A_86 = tpu.memref_slice %arg7[%dma_wait3A_84, %dma_wait3A_85] : memref<160x128xi32, #tpu.memory_space<vmem>> -> memref<1x128xi32, #tpu.memory_space<vmem>>
    %dma_wait3A_87 = tpu.memref_squeeze %dma_wait3A_86 : memref<1x128xi32, #tpu.memory_space<vmem>> -> memref<128xi32, #tpu.memory_space<vmem>>
    %dma_wait3A_88 = arith.constant 0 : i32
    %dma_wait3A_89 = arith.constant 0 : i32
    %dma_wait3A_90 = tpu.memref_slice %arg15[%dma_wait3A_88, %dma_wait3A_89] : memref<10000x32xf32, #tpu.memory_space<vmem_shared>> -> memref<10000x32xf32, #tpu.memory_space<vmem_shared>>
    tpu.wait_indirect_dma semaphore(%arg18 : memref<!tpu.dma_semaphore, #tpu.memory_space<semaphore_mem>>) src(%dma_wait3A_90 : memref<10000x32xf32, #tpu.memory_space<vmem_shared>>) dst(%arg12 : memref<128x32xf32, #tpu.memory_space<vmem>>)
    %broadcast_in_dim3A_91 = arith.constant 158 : i32
    %broadcast_in_dim3A_92 = vector.broadcast %broadcast_in_dim3A_91 : i32 to vector<16xi32>
    %parallel_loop3A_93 = arith.constant 0 : i32
    %parallel_loop3A_94 = arith.constant 128 : i32
    %parallel_loop3A_95 = arith.constant 1 : i32
    scf.for %parallel_loop3A_156 = %parallel_loop3A_93 to %parallel_loop3A_94 step %parallel_loop3A_95  : i32 {
      %parallel_loop3A_157 = vector.broadcast %parallel_loop3A_156 : i32 to vector<16xi32>
      %parallel_loop3A_158 = tpu.vector_load_idx %arg9[%broadcast_in_dim3A_92, %parallel_loop3A_157] : memref<160x128xf32, #tpu.memory_space<vmem>>[vector<16xi32>, vector<16xi32>], vector<16xf32>,
      %parallel_loop3A_159 = arith.index_cast %parallel_loop3A_156 : i32 to index
      %parallel_loop3A_160 = arith.constant 0 : index
      %parallel_loop3A_161 = tpu.vector_load %arg12[%parallel_loop3A_159, %parallel_loop3A_160] {strides = array<i32>} : memref<128x32xf32, #tpu.memory_space<vmem>>, vector<16xf32>,
      %parallel_loop3A_162 = arith.mulf %parallel_loop3A_161, %parallel_loop3A_158 : vector<16xf32>
      %parallel_loop3A_163 = arith.index_cast %parallel_loop3A_156 : i32 to index
      %parallel_loop3A_164 = arith.constant 0 : index
      %parallel_loop3A_165 = tpu.vector_load %arg12[%parallel_loop3A_163, %parallel_loop3A_164] {strides = array<i32>} : memref<128x32xf32, #tpu.memory_space<vmem>>, vector<16xf32>,
      tpu.vector_store %arg12[%parallel_loop3A_163, %parallel_loop3A_164], %parallel_loop3A_162 {strides = array<i32>} : memref<128x32xf32, #tpu.memory_space<vmem>>, vector<16xf32>,
      %parallel_loop3A_166 = arith.index_cast %parallel_loop3A_156 : i32 to index
      %parallel_loop3A_167 = arith.constant 16 : index
      %parallel_loop3A_168 = tpu.vector_load %arg12[%parallel_loop3A_166, %parallel_loop3A_167] {strides = array<i32>} : memref<128x32xf32, #tpu.memory_space<vmem>>, vector<16xf32>,
      %parallel_loop3A_169 = arith.mulf %parallel_loop3A_168, %parallel_loop3A_158 : vector<16xf32>
      %parallel_loop3A_170 = arith.index_cast %parallel_loop3A_156 : i32 to index
      %parallel_loop3A_171 = arith.constant 16 : index
      %parallel_loop3A_172 = tpu.vector_load %arg12[%parallel_loop3A_170, %parallel_loop3A_171] {strides = array<i32>} : memref<128x32xf32, #tpu.memory_space<vmem>>, vector<16xf32>,
      tpu.vector_store %arg12[%parallel_loop3A_170, %parallel_loop3A_171], %parallel_loop3A_169 {strides = array<i32>} : memref<128x32xf32, #tpu.memory_space<vmem>>, vector<16xf32>,
    } {sc.loop_unroll_factor = 8 : i64, sc.parallel_access}
    %dma_start3A_96 = arith.constant 158 : i32
    %dma_start3A_97 = arith.constant 0 : i32
    %dma_start3A_98 = tpu.memref_slice %arg8[%dma_start3A_96, %dma_start3A_97] : memref<160x128xi32, #tpu.memory_space<vmem>> -> memref<1x128xi32, #tpu.memory_space<vmem>>
    %dma_start3A_99 = tpu.memref_squeeze %dma_start3A_98 : memref<1x128xi32, #tpu.memory_space<vmem>> -> memref<128xi32, #tpu.memory_space<vmem>>
    %dma_start3A_100 = arith.constant 0 : i32
    %dma_start3A_101 = arith.constant 0 : i32
    %dma_start3A_102 = tpu.memref_slice %arg14[%dma_start3A_100, %dma_start3A_101] : memref<10000x32xf32, #tpu.memory_space<vmem_shared>> -> memref<10000x32xf32, #tpu.memory_space<vmem_shared>>
    tpu.enqueue_indirect_dma source(%arg12 : memref<128x32xf32, #tpu.memory_space<vmem>>) target(%dma_start3A_102 : memref<10000x32xf32, #tpu.memory_space<vmem_shared>>) offsets(%dma_start3A_99 : memref<128xi32, #tpu.memory_space<vmem>>) semaphore(%arg22 : memref<!tpu.dma_semaphore, #tpu.memory_space<semaphore_mem>>) {add = true}
    %dma_wait3A_103 = arith.constant 0 : i32
    %dma_wait3A_104 = arith.constant 0 : i32
    %dma_wait3A_105 = tpu.memref_slice %arg7[%dma_wait3A_103, %dma_wait3A_104] : memref<160x128xi32, #tpu.memory_space<vmem>> -> memref<1x128xi32, #tpu.memory_space<vmem>>
    %dma_wait3A_106 = tpu.memref_squeeze %dma_wait3A_105 : memref<1x128xi32, #tpu.memory_space<vmem>> -> memref<128xi32, #tpu.memory_space<vmem>>
    %dma_wait3A_107 = arith.constant 0 : i32
    %dma_wait3A_108 = arith.constant 0 : i32
    %dma_wait3A_109 = tpu.memref_slice %arg15[%dma_wait3A_107, %dma_wait3A_108] : memref<10000x32xf32, #tpu.memory_space<vmem_shared>> -> memref<10000x32xf32, #tpu.memory_space<vmem_shared>>
    tpu.wait_indirect_dma semaphore(%arg19 : memref<!tpu.dma_semaphore, #tpu.memory_space<semaphore_mem>>) src(%dma_wait3A_109 : memref<10000x32xf32, #tpu.memory_space<vmem_shared>>) dst(%arg13 : memref<128x32xf32, #tpu.memory_space<vmem>>)
    %broadcast_in_dim3A_110 = arith.constant 159 : i32
    %broadcast_in_dim3A_111 = vector.broadcast %broadcast_in_dim3A_110 : i32 to vector<16xi32>
    %parallel_loop3A_112 = arith.constant 0 : i32
    %parallel_loop3A_113 = arith.constant 128 : i32
    %parallel_loop3A_114 = arith.constant 1 : i32
    scf.for %parallel_loop3A_156 = %parallel_loop3A_112 to %parallel_loop3A_113 step %parallel_loop3A_114  : i32 {
      %parallel_loop3A_157 = vector.broadcast %parallel_loop3A_156 : i32 to vector<16xi32>
      %parallel_loop3A_158 = tpu.vector_load_idx %arg9[%broadcast_in_dim3A_111, %parallel_loop3A_157] : memref<160x128xf32, #tpu.memory_space<vmem>>[vector<16xi32>, vector<16xi32>], vector<16xf32>,
      %parallel_loop3A_159 = arith.index_cast %parallel_loop3A_156 : i32 to index
      %parallel_loop3A_160 = arith.constant 0 : index
      %parallel_loop3A_161 = tpu.vector_load %arg13[%parallel_loop3A_159, %parallel_loop3A_160] {strides = array<i32>} : memref<128x32xf32, #tpu.memory_space<vmem>>, vector<16xf32>,
      %parallel_loop3A_162 = arith.mulf %parallel_loop3A_161, %parallel_loop3A_158 : vector<16xf32>
      %parallel_loop3A_163 = arith.index_cast %parallel_loop3A_156 : i32 to index
      %parallel_loop3A_164 = arith.constant 0 : index
      %parallel_loop3A_165 = tpu.vector_load %arg13[%parallel_loop3A_163, %parallel_loop3A_164] {strides = array<i32>} : memref<128x32xf32, #tpu.memory_space<vmem>>, vector<16xf32>,
      tpu.vector_store %arg13[%parallel_loop3A_163, %parallel_loop3A_164], %parallel_loop3A_162 {strides = array<i32>} : memref<128x32xf32, #tpu.memory_space<vmem>>, vector<16xf32>,
      %parallel_loop3A_166 = arith.index_cast %parallel_loop3A_156 : i32 to index
      %parallel_loop3A_167 = arith.constant 16 : index
      %parallel_loop3A_168 = tpu.vector_load %arg13[%parallel_loop3A_166, %parallel_loop3A_167] {strides = array<i32>} : memref<128x32xf32, #tpu.memory_space<vmem>>, vector<16xf32>,
      %parallel_loop3A_169 = arith.mulf %parallel_loop3A_168, %parallel_loop3A_158 : vector<16xf32>
      %parallel_loop3A_170 = arith.index_cast %parallel_loop3A_156 : i32 to index
      %parallel_loop3A_171 = arith.constant 16 : index
      %parallel_loop3A_172 = tpu.vector_load %arg13[%parallel_loop3A_170, %parallel_loop3A_171] {strides = array<i32>} : memref<128x32xf32, #tpu.memory_space<vmem>>, vector<16xf32>,
      tpu.vector_store %arg13[%parallel_loop3A_170, %parallel_loop3A_171], %parallel_loop3A_169 {strides = array<i32>} : memref<128x32xf32, #tpu.memory_space<vmem>>, vector<16xf32>,
    } {sc.loop_unroll_factor = 8 : i64, sc.parallel_access}
    %dma_start3A_115 = arith.constant 159 : i32
    %dma_start3A_116 = arith.constant 0 : i32
    %dma_start3A_117 = tpu.memref_slice %arg8[%dma_start3A_115, %dma_start3A_116] : memref<160x128xi32, #tpu.memory_space<vmem>> -> memref<1x128xi32, #tpu.memory_space<vmem>>
    %dma_start3A_118 = tpu.memref_squeeze %dma_start3A_117 : memref<1x128xi32, #tpu.memory_space<vmem>> -> memref<128xi32, #tpu.memory_space<vmem>>
    %dma_start3A_119 = arith.constant 0 : i32
    %dma_start3A_120 = arith.constant 0 : i32
    %dma_start3A_121 = tpu.memref_slice %arg14[%dma_start3A_119, %dma_start3A_120] : memref<10000x32xf32, #tpu.memory_space<vmem_shared>> -> memref<10000x32xf32, #tpu.memory_space<vmem_shared>>
    tpu.enqueue_indirect_dma source(%arg13 : memref<128x32xf32, #tpu.memory_space<vmem>>) target(%dma_start3A_121 : memref<10000x32xf32, #tpu.memory_space<vmem_shared>>) offsets(%dma_start3A_118 : memref<128xi32, #tpu.memory_space<vmem>>) semaphore(%arg23 : memref<!tpu.dma_semaphore, #tpu.memory_space<semaphore_mem>>) {add = true}
    %dma_wait3A_122 = arith.constant 0 : i32
    %dma_wait3A_123 = arith.constant 0 : i32
    %dma_wait3A_124 = tpu.memref_slice %arg8[%dma_wait3A_122, %dma_wait3A_123] : memref<160x128xi32, #tpu.memory_space<vmem>> -> memref<1x128xi32, #tpu.memory_space<vmem>>
    %dma_wait3A_125 = tpu.memref_squeeze %dma_wait3A_124 : memref<1x128xi32, #tpu.memory_space<vmem>> -> memref<128xi32, #tpu.memory_space<vmem>>
    %dma_wait3A_126 = arith.constant 0 : i32
    %dma_wait3A_127 = arith.constant 0 : i32
    %dma_wait3A_128 = tpu.memref_slice %arg14[%dma_wait3A_126, %dma_wait3A_127] : memref<10000x32xf32, #tpu.memory_space<vmem_shared>> -> memref<10000x32xf32, #tpu.memory_space<vmem_shared>>
    tpu.wait_indirect_dma semaphore(%arg20 : memref<!tpu.dma_semaphore, #tpu.memory_space<semaphore_mem>>) src(%arg10 : memref<128x32xf32, #tpu.memory_space<vmem>>) dst(%dma_wait3A_128 : memref<10000x32xf32, #tpu.memory_space<vmem_shared>>)
    %dma_wait3A_129 = arith.constant 0 : i32
    %dma_wait3A_130 = arith.constant 0 : i32
    %dma_wait3A_131 = tpu.memref_slice %arg8[%dma_wait3A_129, %dma_wait3A_130] : memref<160x128xi32, #tpu.memory_space<vmem>> -> memref<1x128xi32, #tpu.memory_space<vmem>>
    %dma_wait3A_132 = tpu.memref_squeeze %dma_wait3A_131 : memref<1x128xi32, #tpu.memory_space<vmem>> -> memref<128xi32, #tpu.memory_space<vmem>>
    %dma_wait3A_133 = arith.constant 0 : i32
    %dma_wait3A_134 = arith.constant 0 : i32
    %dma_wait3A_135 = tpu.memref_slice %arg14[%dma_wait3A_133, %dma_wait3A_134] : memref<10000x32xf32, #tpu.memory_space<vmem_shared>> -> memref<10000x32xf32, #tpu.memory_space<vmem_shared>>
    tpu.wait_indirect_dma semaphore(%arg21 : memref<!tpu.dma_semaphore, #tpu.memory_space<semaphore_mem>>) src(%arg11 : memref<128x32xf32, #tpu.memory_space<vmem>>) dst(%dma_wait3A_135 : memref<10000x32xf32, #tpu.memory_space<vmem_shared>>)
    %dma_wait3A_136 = arith.constant 0 : i32
    %dma_wait3A_137 = arith.constant 0 : i32
    %dma_wait3A_138 = tpu.memref_slice %arg8[%dma_wait3A_136, %dma_wait3A_137] : memref<160x128xi32, #tpu.memory_space<vmem>> -> memref<1x128xi32, #tpu.memory_space<vmem>>
    %dma_wait3A_139 = tpu.memref_squeeze %dma_wait3A_138 : memref<1x128xi32, #tpu.memory_space<vmem>> -> memref<128xi32, #tpu.memory_space<vmem>>
    %dma_wait3A_140 = arith.constant 0 : i32
    %dma_wait3A_141 = arith.constant 0 : i32
    %dma_wait3A_142 = tpu.memref_slice %arg14[%dma_wait3A_140, %dma_wait3A_141] : memref<10000x32xf32, #tpu.memory_space<vmem_shared>> -> memref<10000x32xf32, #tpu.memory_space<vmem_shared>>
    tpu.wait_indirect_dma semaphore(%arg22 : memref<!tpu.dma_semaphore, #tpu.memory_space<semaphore_mem>>) src(%arg12 : memref<128x32xf32, #tpu.memory_space<vmem>>) dst(%dma_wait3A_142 : memref<10000x32xf32, #tpu.memory_space<vmem_shared>>)
    %dma_wait3A_143 = arith.constant 0 : i32
    %dma_wait3A_144 = arith.constant 0 : i32
    %dma_wait3A_145 = tpu.memref_slice %arg8[%dma_wait3A_143, %dma_wait3A_144] : memref<160x128xi32, #tpu.memory_space<vmem>> -> memref<1x128xi32, #tpu.memory_space<vmem>>
    %dma_wait3A_146 = tpu.memref_squeeze %dma_wait3A_145 : memref<1x128xi32, #tpu.memory_space<vmem>> -> memref<128xi32, #tpu.memory_space<vmem>>
    %dma_wait3A_147 = arith.constant 0 : i32
    %dma_wait3A_148 = arith.constant 0 : i32
    %dma_wait3A_149 = tpu.memref_slice %arg14[%dma_wait3A_147, %dma_wait3A_148] : memref<10000x32xf32, #tpu.memory_space<vmem_shared>> -> memref<10000x32xf32, #tpu.memory_space<vmem_shared>>
    tpu.wait_indirect_dma semaphore(%arg23 : memref<!tpu.dma_semaphore, #tpu.memory_space<semaphore_mem>>) src(%arg13 : memref<128x32xf32, #tpu.memory_space<vmem>>) dst(%dma_wait3A_149 : memref<10000x32xf32, #tpu.memory_space<vmem_shared>>)
    %barrier3A_150 = arith.constant 0 : index
    tpu.barrier barrier_id(%barrier3A_150)
    "tpu.region"() ({
      %run_scoped3A = tpu.sem_alloc : memref<!tpu.dma_semaphore, #tpu.memory_space<semaphore_mem>>
      %dma_start3A_156 = arith.constant 0 : i32
      %dma_start3A_157 = tpu.memref_slice %arg6[%arg0, %mul3A_6, %dma_start3A_156] : memref<2x10000x32xf32, #tpu.memory_space<hbm>> -> memref<1x624x32xf32, #tpu.memory_space<hbm>>
      %dma_start3A_158 = tpu.memref_squeeze %dma_start3A_157 : memref<1x624x32xf32, #tpu.memory_space<hbm>> -> memref<624x32xf32, #tpu.memory_space<hbm>>
      %dma_start3A_159 = arith.constant 0 : i32
      %dma_start3A_160 = tpu.memref_slice %arg14[%mul3A_6, %dma_start3A_159] : memref<10000x32xf32, #tpu.memory_space<vmem_shared>> -> memref<624x32xf32, #tpu.memory_space<vmem_shared>>
      tpu.enqueue_dma source(%dma_start3A_160 : memref<624x32xf32, #tpu.memory_space<vmem_shared>>) target(%dma_start3A_158 : memref<624x32xf32, #tpu.memory_space<hbm>>) target_semaphore(%run_scoped3A : memref<!tpu.dma_semaphore, #tpu.memory_space<semaphore_mem>>)
      %dma_wait3A_161 = arith.constant 0 : i32
      %dma_wait3A_162 = tpu.memref_slice %arg6[%arg0, %mul3A_6, %dma_wait3A_161] : memref<2x10000x32xf32, #tpu.memory_space<hbm>> -> memref<1x624x32xf32, #tpu.memory_space<hbm>>
      %dma_wait3A_163 = tpu.memref_squeeze %dma_wait3A_162 : memref<1x624x32xf32, #tpu.memory_space<hbm>> -> memref<624x32xf32, #tpu.memory_space<hbm>>
      %dma_wait3A_164 = arith.constant 0 : i32
      %dma_wait3A_165 = tpu.memref_slice %arg14[%mul3A_6, %dma_wait3A_164] : memref<10000x32xf32, #tpu.memory_space<vmem_shared>> -> memref<624x32xf32, #tpu.memory_space<vmem_shared>>
      tpu.wait_dma2 semaphore(%run_scoped3A : memref<!tpu.dma_semaphore, #tpu.memory_space<semaphore_mem>>) src(%dma_wait3A_165 : memref<624x32xf32, #tpu.memory_space<vmem_shared>>) dst(%dma_wait3A_163 : memref<624x32xf32, #tpu.memory_space<hbm>>)
      tpu.yield
    }) : () -> ()
    %eq3A_151 = arith.constant 15 : i32
    %eq3A_152 = arith.cmpi eq, %arg1, %eq3A_151 : i32
    %convert_element_type3A_153 = arith.extui %eq3A_152 : i1 to i32
    %cond3A_154 = arith.constant 0 : i32
    %cond3A_155 = arith.cmpi ne, %convert_element_type3A_153, %cond3A_154 : i32
    scf.if %cond3A_155 {
      "tpu.region"() ({
        %run_scoped3A = tpu.sem_alloc : memref<!tpu.dma_semaphore, #tpu.memory_space<semaphore_mem>>
        %dma_start3A_156 = arith.constant 9984 : i32
        %dma_start3A_157 = arith.constant 0 : i32
        %dma_start3A_158 = tpu.memref_slice %arg6[%arg0, %dma_start3A_156, %dma_start3A_157] : memref<2x10000x32xf32, #tpu.memory_space<hbm>> -> memref<1x16x32xf32, #tpu.memory_space<hbm>>
        %dma_start3A_159 = tpu.memref_squeeze %dma_start3A_158 : memref<1x16x32xf32, #tpu.memory_space<hbm>> -> memref<16x32xf32, #tpu.memory_space<hbm>>
        %dma_start3A_160 = arith.constant 9984 : i32
        %dma_start3A_161 = arith.constant 0 : i32
        %dma_start3A_162 = tpu.memref_slice %arg14[%dma_start3A_160, %dma_start3A_161] : memref<10000x32xf32, #tpu.memory_space<vmem_shared>> -> memref<16x32xf32, #tpu.memory_space<vmem_shared>>
        tpu.enqueue_dma source(%dma_start3A_162 : memref<16x32xf32, #tpu.memory_space<vmem_shared>>) target(%dma_start3A_159 : memref<16x32xf32, #tpu.memory_space<hbm>>) target_semaphore(%run_scoped3A : memref<!tpu.dma_semaphore, #tpu.memory_space<semaphore_mem>>)
        %dma_wait3A_163 = arith.constant 9984 : i32
        %dma_wait3A_164 = arith.constant 0 : i32
        %dma_wait3A_165 = tpu.memref_slice %arg6[%arg0, %dma_wait3A_163, %dma_wait3A_164] : memref<2x10000x32xf32, #tpu.memory_space<hbm>> -> memref<1x16x32xf32, #tpu.memory_space<hbm>>
        %dma_wait3A_166 = tpu.memref_squeeze %dma_wait3A_165 : memref<1x16x32xf32, #tpu.memory_space<hbm>> -> memref<16x32xf32, #tpu.memory_space<hbm>>
        %dma_wait3A_167 = arith.constant 9984 : i32
        %dma_wait3A_168 = arith.constant 0 : i32
        %dma_wait3A_169 = tpu.memref_slice %arg14[%dma_wait3A_167, %dma_wait3A_168] : memref<10000x32xf32, #tpu.memory_space<vmem_shared>> -> memref<16x32xf32, #tpu.memory_space<vmem_shared>>
        tpu.wait_dma2 semaphore(%run_scoped3A : memref<!tpu.dma_semaphore, #tpu.memory_space<semaphore_mem>>) src(%dma_wait3A_169 : memref<16x32xf32, #tpu.memory_space<vmem_shared>>) dst(%dma_wait3A_166 : memref<16x32xf32, #tpu.memory_space<hbm>>)
        tpu.yield
      }) : () -> ()
    } else {
    }
    return
  }
}

#map = affine_map<(d0, d1) -> (0, 0, 0)>
module attributes {stable_mosaic.version = 14 : i64} {
  func.func @deg_kernel(%arg0: i32, %arg1: i32, %arg2: memref<32x80x128xi32, #tpu.memory_space<hbm>>, %arg3: memref<32x80x128xf32, #tpu.memory_space<hbm>>, %arg4: memref<32x1x10000xf32, #tpu.memory_space<hbm>>, %arg5: memref<80x128xi32, #tpu.memory_space<vmem>>, %arg6: memref<80x128xf32, #tpu.memory_space<vmem>>, %arg7: memref<1x10000xf32, #tpu.memory_space<vmem>>) attributes {dimension_semantics = [#tpu.dimension_semantics<core_parallel>, #tpu.dimension_semantics<subcore_parallel>], iteration_bounds = array<i64: 2, 16>, scalar_prefetch = 0 : i64, scratch_operands = 3 : i64, tpu.core_type = #tpu.core_type<sc_vector_subcore>, window_params = [{transform_indices = #map}, {transform_indices = #map}, {transform_indices = #map}]} {
    %mul3A = arith.constant 2 : i32
    %mul3A_0 = arith.muli %arg1, %mul3A : i32
    %add3A = arith.addi %mul3A_0, %arg0 : i32
    "tpu.region"() ({
      %run_scoped3A = tpu.sem_alloc : memref<!tpu.dma_semaphore, #tpu.memory_space<semaphore_mem>>
      %dma_start3A = arith.constant 0 : i32
      %dma_start3A_15 = arith.constant 0 : i32
      %dma_start3A_16 = tpu.memref_slice %arg2[%add3A, %dma_start3A, %dma_start3A_15] : memref<32x80x128xi32, #tpu.memory_space<hbm>> -> memref<1x80x128xi32, #tpu.memory_space<hbm>>
      %dma_start3A_17 = tpu.memref_squeeze %dma_start3A_16 : memref<1x80x128xi32, #tpu.memory_space<hbm>> -> memref<80x128xi32, #tpu.memory_space<hbm>>
      %dma_start3A_18 = arith.constant 0 : i32
      %dma_start3A_19 = arith.constant 0 : i32
      %dma_start3A_20 = tpu.memref_slice %arg2[%add3A, %dma_start3A_18, %dma_start3A_19] : memref<32x80x128xi32, #tpu.memory_space<hbm>> -> memref<1x80x128xi32, #tpu.memory_space<hbm>>
      %dma_start3A_21 = tpu.memref_squeeze %dma_start3A_20 : memref<1x80x128xi32, #tpu.memory_space<hbm>> -> memref<80x128xi32, #tpu.memory_space<hbm>>
      tpu.enqueue_dma source(%dma_start3A_21 : memref<80x128xi32, #tpu.memory_space<hbm>>) target(%arg5 : memref<80x128xi32, #tpu.memory_space<vmem>>) target_semaphore(%run_scoped3A : memref<!tpu.dma_semaphore, #tpu.memory_space<semaphore_mem>>)
      %dma_wait3A = arith.constant 0 : i32
      %dma_wait3A_22 = arith.constant 0 : i32
      %dma_wait3A_23 = tpu.memref_slice %arg2[%add3A, %dma_wait3A, %dma_wait3A_22] : memref<32x80x128xi32, #tpu.memory_space<hbm>> -> memref<1x80x128xi32, #tpu.memory_space<hbm>>
      %dma_wait3A_24 = tpu.memref_squeeze %dma_wait3A_23 : memref<1x80x128xi32, #tpu.memory_space<hbm>> -> memref<80x128xi32, #tpu.memory_space<hbm>>
      %dma_wait3A_25 = arith.constant 0 : i32
      %dma_wait3A_26 = arith.constant 0 : i32
      %dma_wait3A_27 = tpu.memref_slice %arg2[%add3A, %dma_wait3A_25, %dma_wait3A_26] : memref<32x80x128xi32, #tpu.memory_space<hbm>> -> memref<1x80x128xi32, #tpu.memory_space<hbm>>
      %dma_wait3A_28 = tpu.memref_squeeze %dma_wait3A_27 : memref<1x80x128xi32, #tpu.memory_space<hbm>> -> memref<80x128xi32, #tpu.memory_space<hbm>>
      tpu.wait_dma2 semaphore(%run_scoped3A : memref<!tpu.dma_semaphore, #tpu.memory_space<semaphore_mem>>) src(%dma_wait3A_28 : memref<80x128xi32, #tpu.memory_space<hbm>>) dst(%arg5 : memref<80x128xi32, #tpu.memory_space<vmem>>)
      tpu.yield
    }) : () -> ()
    "tpu.region"() ({
      %run_scoped3A = tpu.sem_alloc : memref<!tpu.dma_semaphore, #tpu.memory_space<semaphore_mem>>
      %dma_start3A = arith.constant 0 : i32
      %dma_start3A_15 = arith.constant 0 : i32
      %dma_start3A_16 = tpu.memref_slice %arg3[%add3A, %dma_start3A, %dma_start3A_15] : memref<32x80x128xf32, #tpu.memory_space<hbm>> -> memref<1x80x128xf32, #tpu.memory_space<hbm>>
      %dma_start3A_17 = tpu.memref_squeeze %dma_start3A_16 : memref<1x80x128xf32, #tpu.memory_space<hbm>> -> memref<80x128xf32, #tpu.memory_space<hbm>>
      %dma_start3A_18 = arith.constant 0 : i32
      %dma_start3A_19 = arith.constant 0 : i32
      %dma_start3A_20 = tpu.memref_slice %arg3[%add3A, %dma_start3A_18, %dma_start3A_19] : memref<32x80x128xf32, #tpu.memory_space<hbm>> -> memref<1x80x128xf32, #tpu.memory_space<hbm>>
      %dma_start3A_21 = tpu.memref_squeeze %dma_start3A_20 : memref<1x80x128xf32, #tpu.memory_space<hbm>> -> memref<80x128xf32, #tpu.memory_space<hbm>>
      tpu.enqueue_dma source(%dma_start3A_21 : memref<80x128xf32, #tpu.memory_space<hbm>>) target(%arg6 : memref<80x128xf32, #tpu.memory_space<vmem>>) target_semaphore(%run_scoped3A : memref<!tpu.dma_semaphore, #tpu.memory_space<semaphore_mem>>)
      %dma_wait3A = arith.constant 0 : i32
      %dma_wait3A_22 = arith.constant 0 : i32
      %dma_wait3A_23 = tpu.memref_slice %arg3[%add3A, %dma_wait3A, %dma_wait3A_22] : memref<32x80x128xf32, #tpu.memory_space<hbm>> -> memref<1x80x128xf32, #tpu.memory_space<hbm>>
      %dma_wait3A_24 = tpu.memref_squeeze %dma_wait3A_23 : memref<1x80x128xf32, #tpu.memory_space<hbm>> -> memref<80x128xf32, #tpu.memory_space<hbm>>
      %dma_wait3A_25 = arith.constant 0 : i32
      %dma_wait3A_26 = arith.constant 0 : i32
      %dma_wait3A_27 = tpu.memref_slice %arg3[%add3A, %dma_wait3A_25, %dma_wait3A_26] : memref<32x80x128xf32, #tpu.memory_space<hbm>> -> memref<1x80x128xf32, #tpu.memory_space<hbm>>
      %dma_wait3A_28 = tpu.memref_squeeze %dma_wait3A_27 : memref<1x80x128xf32, #tpu.memory_space<hbm>> -> memref<80x128xf32, #tpu.memory_space<hbm>>
      tpu.wait_dma2 semaphore(%run_scoped3A : memref<!tpu.dma_semaphore, #tpu.memory_space<semaphore_mem>>) src(%dma_wait3A_28 : memref<80x128xf32, #tpu.memory_space<hbm>>) dst(%arg6 : memref<80x128xf32, #tpu.memory_space<vmem>>)
      tpu.yield
    }) : () -> ()
    %broadcast_in_dim3A = arith.constant 0.000000e+00 : f32
    %broadcast_in_dim3A_1 = vector.broadcast %broadcast_in_dim3A : f32 to vector<16xf32>
    %broadcast_in_dim3A_2 = arith.constant 0 : i32
    %broadcast_in_dim3A_3 = vector.broadcast %broadcast_in_dim3A_2 : i32 to vector<16xi32>
    %scan3A = arith.constant 0 : i32
    %scan3A_4 = arith.constant 0 : i32
    %scan3A_5 = arith.constant 625 : i32
    %scan3A_6 = arith.addi %scan3A_4, %scan3A_5 : i32
    %scan3A_7 = arith.constant 1 : i32
    scf.for %scan3A_15 = %scan3A_4 to %scan3A_6 step %scan3A_7  : i32 {
      %mul3A_16 = arith.constant 16 : i32
      %mul3A_17 = arith.muli %scan3A_15, %mul3A_16 : i32
      %swap3A = arith.constant 0 : i32
      %swap3A_18 = arith.index_cast %swap3A : i32 to index
      %swap3A_19 = arith.index_cast %mul3A_17 : i32 to index
      %swap3A_20 = tpu.vector_load %arg7[%swap3A_18, %swap3A_19] {strides = array<i32>} : memref<1x10000xf32, #tpu.memory_space<vmem>>, vector<16xf32>,
      tpu.vector_store %arg7[%swap3A_18, %swap3A_19], %broadcast_in_dim3A_1 {strides = array<i32>} : memref<1x10000xf32, #tpu.memory_space<vmem>>, vector<16xf32>,
    }
    %scan3A_8 = arith.constant 625 : i32
    %scan3A_9 = arith.constant 0 : i32
    %scan3A_10 = arith.constant 0 : i32
    %scan3A_11 = arith.constant 640 : i32
    %scan3A_12 = arith.addi %scan3A_10, %scan3A_11 : i32
    %scan3A_13 = arith.constant 1 : i32
    scf.for %scan3A_15 = %scan3A_10 to %scan3A_12 step %scan3A_13  : i32 {
      %jit3A = arith.constant 8 : i32
      %div3A = arith.divsi %scan3A_15, %jit3A : i32
      %sign3A = arith.constant 0 : i32
      %sign3A_16 = arith.cmpi sgt, %scan3A_15, %sign3A : i32
      %sign3A_17 = arith.extui %sign3A_16 : i1 to i32
      %sign3A_18 = arith.constant 0 : i32
      %sign3A_19 = arith.cmpi slt, %scan3A_15, %sign3A_18 : i32
      %sign3A_20 = arith.extui %sign3A_19 : i1 to i32
      %sign3A_21 = arith.subi %sign3A_17, %sign3A_20 : i32
      %sign3A_22 = arith.constant 0 : i32
      %sign3A_23 = arith.cmpi sgt, %jit3A, %sign3A_22 : i32
      %sign3A_24 = arith.extui %sign3A_23 : i1 to i32
      %sign3A_25 = arith.constant 0 : i32
      %sign3A_26 = arith.cmpi slt, %jit3A, %sign3A_25 : i32
      %sign3A_27 = arith.extui %sign3A_26 : i1 to i32
      %sign3A_28 = arith.subi %sign3A_24, %sign3A_27 : i32
      %ne3A = arith.cmpi ne, %sign3A_21, %sign3A_28 : i32
      %rem3A = arith.remsi %scan3A_15, %jit3A : i32
      %ne3A_29 = arith.constant 0 : i32
      %ne3A_30 = arith.cmpi ne, %rem3A, %ne3A_29 : i32
      %and3A = arith.andi %ne3A, %ne3A_30 : i1
      %sub3A = arith.constant 1 : i32
      %sub3A_31 = arith.subi %div3A, %sub3A : i32
      %select_n3A = arith.select %and3A, %sub3A_31, %div3A : i32
      %jit3A_32 = arith.constant 8 : i32
      %eq3A = arith.constant 0 : i32
      %eq3A_33 = arith.cmpi eq, %jit3A_32, %eq3A : i32
      %jit3A_34 = arith.constant 1 : i32
      %select_n3A_35 = arith.select %eq3A_33, %jit3A_34, %jit3A_32 : i32
      %rem3A_36 = arith.remsi %scan3A_15, %select_n3A_35 : i32
      %ne3A_37 = arith.constant 0 : i32
      %ne3A_38 = arith.cmpi ne, %rem3A_36, %ne3A_37 : i32
      %lt3A = arith.constant 0 : i32
      %lt3A_39 = arith.cmpi slt, %rem3A_36, %lt3A : i32
      %lt3A_40 = arith.constant 0 : i32
      %lt3A_41 = arith.cmpi slt, %select_n3A_35, %lt3A_40 : i32
      %ne3A_42 = arith.xori %lt3A_39, %lt3A_41 : i1
      %and3A_43 = arith.andi %ne3A_42, %ne3A_38 : i1
      %add3A_44 = arith.addi %rem3A_36, %select_n3A_35 : i32
      %select_n3A_45 = arith.select %and3A_43, %add3A_44, %rem3A_36 : i32
      %mul3A_46 = arith.constant 16 : i32
      %mul3A_47 = arith.muli %select_n3A_45, %mul3A_46 : i32
      %get3A = arith.index_cast %select_n3A : i32 to index
      %get3A_48 = arith.index_cast %mul3A_47 : i32 to index
      %get3A_49 = tpu.vector_load %arg5[%get3A, %get3A_48] {strides = array<i32>} : memref<80x128xi32, #tpu.memory_space<vmem>>, vector<16xi32>,
      %mul3A_50 = arith.constant 16 : i32
      %mul3A_51 = arith.muli %select_n3A_45, %mul3A_50 : i32
      %get3A_52 = arith.index_cast %select_n3A : i32 to index
      %get3A_53 = arith.index_cast %mul3A_51 : i32 to index
      %get3A_54 = tpu.vector_load %arg6[%get3A_52, %get3A_53] {strides = array<i32>} : memref<80x128xf32, #tpu.memory_space<vmem>>, vector<16xf32>,
      tpu.vector_store_idx %arg7[%broadcast_in_dim3A_3, %get3A_49], %get3A_54 {add = true} : memref<1x10000xf32, #tpu.memory_space<vmem>>[vector<16xi32>, vector<16xi32>], vector<16xf32>,
    }
    %scan3A_14 = arith.constant 640 : i32
    "tpu.region"() ({
      %run_scoped3A = tpu.sem_alloc : memref<!tpu.dma_semaphore, #tpu.memory_space<semaphore_mem>>
      %dma_start3A = arith.constant 0 : i32
      %dma_start3A_15 = arith.constant 0 : i32
      %dma_start3A_16 = tpu.memref_slice %arg4[%add3A, %dma_start3A, %dma_start3A_15] : memref<32x1x10000xf32, #tpu.memory_space<hbm>> -> memref<1x1x10000xf32, #tpu.memory_space<hbm>>
      %dma_start3A_17 = tpu.memref_squeeze %dma_start3A_16 : memref<1x1x10000xf32, #tpu.memory_space<hbm>> -> memref<1x10000xf32, #tpu.memory_space<hbm>>
      %dma_start3A_18 = arith.constant 0 : i32
      %dma_start3A_19 = arith.constant 0 : i32
      %dma_start3A_20 = tpu.memref_slice %arg4[%add3A, %dma_start3A_18, %dma_start3A_19] : memref<32x1x10000xf32, #tpu.memory_space<hbm>> -> memref<1x1x10000xf32, #tpu.memory_space<hbm>>
      %dma_start3A_21 = tpu.memref_squeeze %dma_start3A_20 : memref<1x1x10000xf32, #tpu.memory_space<hbm>> -> memref<1x10000xf32, #tpu.memory_space<hbm>>
      tpu.enqueue_dma source(%arg7 : memref<1x10000xf32, #tpu.memory_space<vmem>>) target(%dma_start3A_21 : memref<1x10000xf32, #tpu.memory_space<hbm>>) target_semaphore(%run_scoped3A : memref<!tpu.dma_semaphore, #tpu.memory_space<semaphore_mem>>)
      %dma_wait3A = arith.constant 0 : i32
      %dma_wait3A_22 = arith.constant 0 : i32
      %dma_wait3A_23 = tpu.memref_slice %arg4[%add3A, %dma_wait3A, %dma_wait3A_22] : memref<32x1x10000xf32, #tpu.memory_space<hbm>> -> memref<1x1x10000xf32, #tpu.memory_space<hbm>>
      %dma_wait3A_24 = tpu.memref_squeeze %dma_wait3A_23 : memref<1x1x10000xf32, #tpu.memory_space<hbm>> -> memref<1x10000xf32, #tpu.memory_space<hbm>>
      %dma_wait3A_25 = arith.constant 0 : i32
      %dma_wait3A_26 = arith.constant 0 : i32
      %dma_wait3A_27 = tpu.memref_slice %arg4[%add3A, %dma_wait3A_25, %dma_wait3A_26] : memref<32x1x10000xf32, #tpu.memory_space<hbm>> -> memref<1x1x10000xf32, #tpu.memory_space<hbm>>
      %dma_wait3A_28 = tpu.memref_squeeze %dma_wait3A_27 : memref<1x1x10000xf32, #tpu.memory_space<hbm>> -> memref<1x10000xf32, #tpu.memory_space<hbm>>
      tpu.wait_dma2 semaphore(%run_scoped3A : memref<!tpu.dma_semaphore, #tpu.memory_space<semaphore_mem>>) src(%arg7 : memref<1x10000xf32, #tpu.memory_space<vmem>>) dst(%dma_wait3A_28 : memref<1x10000xf32, #tpu.memory_space<hbm>>)
      tpu.yield
    }) : () -> ()
    return
  }
}

#map = affine_map<(d0, d1) -> (0, 0, 0)>
module attributes {stable_mosaic.version = 14 : i64} {
  func.func @sk(%arg0: i32, %arg1: i32, %arg2: memref<16x160x128xi32, #tpu.memory_space<hbm>>, %arg3: memref<16x160x128xi32, #tpu.memory_space<hbm>>, %arg4: memref<16x160x128xf32, #tpu.memory_space<hbm>>, %arg5: memref<10000x2x32xf32, #tpu.memory_space<hbm>>, %arg6: memref<2x10000x32xf32, #tpu.memory_space<hbm>>, %arg7: memref<160x128xi32, #tpu.memory_space<vmem>>, %arg8: memref<160x128xi32, #tpu.memory_space<vmem>>, %arg9: memref<160x128xf32, #tpu.memory_space<vmem>>, %arg10: memref<128x32xf32, #tpu.memory_space<vmem>>, %arg11: memref<128x32xf32, #tpu.memory_space<vmem>>, %arg12: memref<128x32xf32, #tpu.memory_space<vmem>>, %arg13: memref<128x32xf32, #tpu.memory_space<vmem>>, %arg14: memref<10000x32xf32, #tpu.memory_space<vmem_shared>>, %arg15: memref<10000x32xf32, #tpu.memory_space<vmem_shared>>, %arg16: memref<!tpu.dma_semaphore, #tpu.memory_space<semaphore_mem>>, %arg17: memref<!tpu.dma_semaphore, #tpu.memory_space<semaphore_mem>>, %arg18: memref<!tpu.dma_semaphore, #tpu.memory_space<semaphore_mem>>, %arg19: memref<!tpu.dma_semaphore, #tpu.memory_space<semaphore_mem>>, %arg20: memref<!tpu.dma_semaphore, #tpu.memory_space<semaphore_mem>>, %arg21: memref<!tpu.dma_semaphore, #tpu.memory_space<semaphore_mem>>, %arg22: memref<!tpu.dma_semaphore, #tpu.memory_space<semaphore_mem>>, %arg23: memref<!tpu.dma_semaphore, #tpu.memory_space<semaphore_mem>>) attributes {dimension_semantics = [#tpu.dimension_semantics<core_parallel>, #tpu.dimension_semantics<subcore_parallel>], iteration_bounds = array<i64: 2, 16>, scalar_prefetch = 0 : i64, scratch_operands = 17 : i64, tpu.core_type = #tpu.core_type<sc_vector_subcore>, window_params = [{transform_indices = #map}, {transform_indices = #map}, {transform_indices = #map}, {transform_indices = #map}, {transform_indices = #map}]} {
    "tpu.region"() ({
      %run_scoped3A = tpu.sem_alloc : memref<!tpu.dma_semaphore, #tpu.memory_space<semaphore_mem>>
      %dma_start3A_156 = arith.constant 0 : i32
      %dma_start3A_157 = arith.constant 0 : i32
      %dma_start3A_158 = tpu.memref_slice %arg2[%arg1, %dma_start3A_156, %dma_start3A_157] : memref<16x160x128xi32, #tpu.memory_space<hbm>> -> memref<1x160x128xi32, #tpu.memory_space<hbm>>
      %dma_start3A_159 = tpu.memref_squeeze %dma_start3A_158 : memref<1x160x128xi32, #tpu.memory_space<hbm>> -> memref<160x128xi32, #tpu.memory_space<hbm>>
      %dma_start3A_160 = arith.constant 0 : i32
      %dma_start3A_161 = arith.constant 0 : i32
      %dma_start3A_162 = tpu.memref_slice %arg2[%arg1, %dma_start3A_160, %dma_start3A_161] : memref<16x160x128xi32, #tpu.memory_space<hbm>> -> memref<1x160x128xi32, #tpu.memory_space<hbm>>
      %dma_start3A_163 = tpu.memref_squeeze %dma_start3A_162 : memref<1x160x128xi32, #tpu.memory_space<hbm>> -> memref<160x128xi32, #tpu.memory_space<hbm>>
      tpu.enqueue_dma source(%dma_start3A_163 : memref<160x128xi32, #tpu.memory_space<hbm>>) target(%arg7 : memref<160x128xi32, #tpu.memory_space<vmem>>) target_semaphore(%run_scoped3A : memref<!tpu.dma_semaphore, #tpu.memory_space<semaphore_mem>>)
      %dma_wait3A_164 = arith.constant 0 : i32
      %dma_wait3A_165 = arith.constant 0 : i32
      %dma_wait3A_166 = tpu.memref_slice %arg2[%arg1, %dma_wait3A_164, %dma_wait3A_165] : memref<16x160x128xi32, #tpu.memory_space<hbm>> -> memref<1x160x128xi32, #tpu.memory_space<hbm>>
      %dma_wait3A_167 = tpu.memref_squeeze %dma_wait3A_166 : memref<1x160x128xi32, #tpu.memory_space<hbm>> -> memref<160x128xi32, #tpu.memory_space<hbm>>
      %dma_wait3A_168 = arith.constant 0 : i32
      %dma_wait3A_169 = arith.constant 0 : i32
      %dma_wait3A_170 = tpu.memref_slice %arg2[%arg1, %dma_wait3A_168, %dma_wait3A_169] : memref<16x160x128xi32, #tpu.memory_space<hbm>> -> memref<1x160x128xi32, #tpu.memory_space<hbm>>
      %dma_wait3A_171 = tpu.memref_squeeze %dma_wait3A_170 : memref<1x160x128xi32, #tpu.memory_space<hbm>> -> memref<160x128xi32, #tpu.memory_space<hbm>>
      tpu.wait_dma2 semaphore(%run_scoped3A : memref<!tpu.dma_semaphore, #tpu.memory_space<semaphore_mem>>) src(%dma_wait3A_171 : memref<160x128xi32, #tpu.memory_space<hbm>>) dst(%arg7 : memref<160x128xi32, #tpu.memory_space<vmem>>)
      tpu.yield
    }) : () -> ()
    "tpu.region"() ({
      %run_scoped3A = tpu.sem_alloc : memref<!tpu.dma_semaphore, #tpu.memory_space<semaphore_mem>>
      %dma_start3A_156 = arith.constant 0 : i32
      %dma_start3A_157 = arith.constant 0 : i32
      %dma_start3A_158 = tpu.memref_slice %arg3[%arg1, %dma_start3A_156, %dma_start3A_157] : memref<16x160x128xi32, #tpu.memory_space<hbm>> -> memref<1x160x128xi32, #tpu.memory_space<hbm>>
      %dma_start3A_159 = tpu.memref_squeeze %dma_start3A_158 : memref<1x160x128xi32, #tpu.memory_space<hbm>> -> memref<160x128xi32, #tpu.memory_space<hbm>>
      %dma_start3A_160 = arith.constant 0 : i32
      %dma_start3A_161 = arith.constant 0 : i32
      %dma_start3A_162 = tpu.memref_slice %arg3[%arg1, %dma_start3A_160, %dma_start3A_161] : memref<16x160x128xi32, #tpu.memory_space<hbm>> -> memref<1x160x128xi32, #tpu.memory_space<hbm>>
      %dma_start3A_163 = tpu.memref_squeeze %dma_start3A_162 : memref<1x160x128xi32, #tpu.memory_space<hbm>> -> memref<160x128xi32, #tpu.memory_space<hbm>>
      tpu.enqueue_dma source(%dma_start3A_163 : memref<160x128xi32, #tpu.memory_space<hbm>>) target(%arg8 : memref<160x128xi32, #tpu.memory_space<vmem>>) target_semaphore(%run_scoped3A : memref<!tpu.dma_semaphore, #tpu.memory_space<semaphore_mem>>)
      %dma_wait3A_164 = arith.constant 0 : i32
      %dma_wait3A_165 = arith.constant 0 : i32
      %dma_wait3A_166 = tpu.memref_slice %arg3[%arg1, %dma_wait3A_164, %dma_wait3A_165] : memref<16x160x128xi32, #tpu.memory_space<hbm>> -> memref<1x160x128xi32, #tpu.memory_space<hbm>>
      %dma_wait3A_167 = tpu.memref_squeeze %dma_wait3A_166 : memref<1x160x128xi32, #tpu.memory_space<hbm>> -> memref<160x128xi32, #tpu.memory_space<hbm>>
      %dma_wait3A_168 = arith.constant 0 : i32
      %dma_wait3A_169 = arith.constant 0 : i32
      %dma_wait3A_170 = tpu.memref_slice %arg3[%arg1, %dma_wait3A_168, %dma_wait3A_169] : memref<16x160x128xi32, #tpu.memory_space<hbm>> -> memref<1x160x128xi32, #tpu.memory_space<hbm>>
      %dma_wait3A_171 = tpu.memref_squeeze %dma_wait3A_170 : memref<1x160x128xi32, #tpu.memory_space<hbm>> -> memref<160x128xi32, #tpu.memory_space<hbm>>
      tpu.wait_dma2 semaphore(%run_scoped3A : memref<!tpu.dma_semaphore, #tpu.memory_space<semaphore_mem>>) src(%dma_wait3A_171 : memref<160x128xi32, #tpu.memory_space<hbm>>) dst(%arg8 : memref<160x128xi32, #tpu.memory_space<vmem>>)
      tpu.yield
    }) : () -> ()
    "tpu.region"() ({
      %run_scoped3A = tpu.sem_alloc : memref<!tpu.dma_semaphore, #tpu.memory_space<semaphore_mem>>
      %dma_start3A_156 = arith.constant 0 : i32
      %dma_start3A_157 = arith.constant 0 : i32
      %dma_start3A_158 = tpu.memref_slice %arg4[%arg1, %dma_start3A_156, %dma_start3A_157] : memref<16x160x128xf32, #tpu.memory_space<hbm>> -> memref<1x160x128xf32, #tpu.memory_space<hbm>>
      %dma_start3A_159 = tpu.memref_squeeze %dma_start3A_158 : memref<1x160x128xf32, #tpu.memory_space<hbm>> -> memref<160x128xf32, #tpu.memory_space<hbm>>
      %dma_start3A_160 = arith.constant 0 : i32
      %dma_start3A_161 = arith.constant 0 : i32
      %dma_start3A_162 = tpu.memref_slice %arg4[%arg1, %dma_start3A_160, %dma_start3A_161] : memref<16x160x128xf32, #tpu.memory_space<hbm>> -> memref<1x160x128xf32, #tpu.memory_space<hbm>>
      %dma_start3A_163 = tpu.memref_squeeze %dma_start3A_162 : memref<1x160x128xf32, #tpu.memory_space<hbm>> -> memref<160x128xf32, #tpu.memory_space<hbm>>
      tpu.enqueue_dma source(%dma_start3A_163 : memref<160x128xf32, #tpu.memory_space<hbm>>) target(%arg9 : memref<160x128xf32, #tpu.memory_space<vmem>>) target_semaphore(%run_scoped3A : memref<!tpu.dma_semaphore, #tpu.memory_space<semaphore_mem>>)
      %dma_wait3A_164 = arith.constant 0 : i32
      %dma_wait3A_165 = arith.constant 0 : i32
      %dma_wait3A_166 = tpu.memref_slice %arg4[%arg1, %dma_wait3A_164, %dma_wait3A_165] : memref<16x160x128xf32, #tpu.memory_space<hbm>> -> memref<1x160x128xf32, #tpu.memory_space<hbm>>
      %dma_wait3A_167 = tpu.memref_squeeze %dma_wait3A_166 : memref<1x160x128xf32, #tpu.memory_space<hbm>> -> memref<160x128xf32, #tpu.memory_space<hbm>>
      %dma_wait3A_168 = arith.constant 0 : i32
      %dma_wait3A_169 = arith.constant 0 : i32
      %dma_wait3A_170 = tpu.memref_slice %arg4[%arg1, %dma_wait3A_168, %dma_wait3A_169] : memref<16x160x128xf32, #tpu.memory_space<hbm>> -> memref<1x160x128xf32, #tpu.memory_space<hbm>>
      %dma_wait3A_171 = tpu.memref_squeeze %dma_wait3A_170 : memref<1x160x128xf32, #tpu.memory_space<hbm>> -> memref<160x128xf32, #tpu.memory_space<hbm>>
      tpu.wait_dma2 semaphore(%run_scoped3A : memref<!tpu.dma_semaphore, #tpu.memory_space<semaphore_mem>>) src(%dma_wait3A_171 : memref<160x128xf32, #tpu.memory_space<hbm>>) dst(%arg9 : memref<160x128xf32, #tpu.memory_space<vmem>>)
      tpu.yield
    }) : () -> ()
    %broadcast_in_dim3A = arith.constant 0.000000e+00 : f32
    %broadcast_in_dim3A_0 = vector.broadcast %broadcast_in_dim3A : f32 to vector<16xf32>
    %scan3A = arith.constant 0 : i32
    %scan3A_1 = arith.constant 0 : i32
    %scan3A_2 = arith.constant 256 : i32
    %scan3A_3 = arith.addi %scan3A_1, %scan3A_2 : i32
    %scan3A_4 = arith.constant 1 : i32
    scf.for %scan3A_156 = %scan3A_1 to %scan3A_3 step %scan3A_4  : i32 {
      %jit3A = arith.constant 2 : i32
      %div3A = arith.divsi %scan3A_156, %jit3A : i32
      %sign3A = arith.constant 0 : i32
      %sign3A_157 = arith.cmpi sgt, %scan3A_156, %sign3A : i32
      %sign3A_158 = arith.extui %sign3A_157 : i1 to i32
      %sign3A_159 = arith.constant 0 : i32
      %sign3A_160 = arith.cmpi slt, %scan3A_156, %sign3A_159 : i32
      %sign3A_161 = arith.extui %sign3A_160 : i1 to i32
      %sign3A_162 = arith.subi %sign3A_158, %sign3A_161 : i32
      %sign3A_163 = arith.constant 0 : i32
      %sign3A_164 = arith.cmpi sgt, %jit3A, %sign3A_163 : i32
      %sign3A_165 = arith.extui %sign3A_164 : i1 to i32
      %sign3A_166 = arith.constant 0 : i32
      %sign3A_167 = arith.cmpi slt, %jit3A, %sign3A_166 : i32
      %sign3A_168 = arith.extui %sign3A_167 : i1 to i32
      %sign3A_169 = arith.subi %sign3A_165, %sign3A_168 : i32
      %ne3A = arith.cmpi ne, %sign3A_162, %sign3A_169 : i32
      %rem3A = arith.remsi %scan3A_156, %jit3A : i32
      %ne3A_170 = arith.constant 0 : i32
      %ne3A_171 = arith.cmpi ne, %rem3A, %ne3A_170 : i32
      %and3A = arith.andi %ne3A, %ne3A_171 : i1
      %sub3A = arith.constant 1 : i32
      %sub3A_172 = arith.subi %div3A, %sub3A : i32
      %select_n3A = arith.select %and3A, %sub3A_172, %div3A : i32
      %jit3A_173 = arith.constant 2 : i32
      %eq3A_174 = arith.constant 0 : i32
      %eq3A_175 = arith.cmpi eq, %jit3A_173, %eq3A_174 : i32
      %jit3A_176 = arith.constant 1 : i32
      %select_n3A_177 = arith.select %eq3A_175, %jit3A_176, %jit3A_173 : i32
      %rem3A_178 = arith.remsi %scan3A_156, %select_n3A_177 : i32
      %ne3A_179 = arith.constant 0 : i32
      %ne3A_180 = arith.cmpi ne, %rem3A_178, %ne3A_179 : i32
      %lt3A = arith.constant 0 : i32
      %lt3A_181 = arith.cmpi slt, %rem3A_178, %lt3A : i32
      %lt3A_182 = arith.constant 0 : i32
      %lt3A_183 = arith.cmpi slt, %select_n3A_177, %lt3A_182 : i32
      %ne3A_184 = arith.xori %lt3A_181, %lt3A_183 : i1
      %and3A_185 = arith.andi %ne3A_184, %ne3A_180 : i1
      %add3A = arith.addi %rem3A_178, %select_n3A_177 : i32
      %select_n3A_186 = arith.select %and3A_185, %add3A, %rem3A_178 : i32
      %mul3A_187 = arith.constant 16 : i32
      %mul3A_188 = arith.muli %select_n3A_186, %mul3A_187 : i32
      %swap3A = arith.index_cast %select_n3A : i32 to index
      %swap3A_189 = arith.index_cast %mul3A_188 : i32 to index
      %swap3A_190 = tpu.vector_load %arg10[%swap3A, %swap3A_189] {strides = array<i32>} : memref<128x32xf32, #tpu.memory_space<vmem>>, vector<16xf32>,
      tpu.vector_store %arg10[%swap3A, %swap3A_189], %broadcast_in_dim3A_0 {strides = array<i32>} : memref<128x32xf32, #tpu.memory_space<vmem>>, vector<16xf32>,
    }
    %scan3A_5 = arith.constant 256 : i32
    %mul3A = arith.constant 624 : i32
    %mul3A_6 = arith.muli %arg1, %mul3A : i32
    %scan3A_7 = arith.constant 0 : i32
    %scan3A_8 = arith.constant 0 : i32
    %scan3A_9 = arith.constant 5 : i32
    %scan3A_10 = arith.addi %scan3A_8, %scan3A_9 : i32
    %scan3A_11 = arith.constant 1 : i32
    scf.for %scan3A_156 = %scan3A_8 to %scan3A_10 step %scan3A_11  : i32 {
      %mul3A_157 = arith.constant 128 : i32
      %mul3A_158 = arith.muli %scan3A_156, %mul3A_157 : i32
      %add3A = arith.addi %mul3A_6, %mul3A_158 : i32
      "tpu.region"() ({
        %run_scoped3A = tpu.sem_alloc : memref<!tpu.dma_semaphore, #tpu.memory_space<semaphore_mem>>
        %dma_start3A_159 = arith.constant 0 : i32
        %dma_start3A_160 = tpu.memref_slice %arg14[%add3A, %dma_start3A_159] : memref<10000x32xf32, #tpu.memory_space<vmem_shared>> -> memref<128x32xf32, #tpu.memory_space<vmem_shared>>
        %dma_start3A_161 = arith.constant 0 : i32
        %dma_start3A_162 = tpu.memref_slice %arg14[%add3A, %dma_start3A_161] : memref<10000x32xf32, #tpu.memory_space<vmem_shared>> -> memref<128x32xf32, #tpu.memory_space<vmem_shared>>
        tpu.enqueue_dma source(%arg10 : memref<128x32xf32, #tpu.memory_space<vmem>>) target(%dma_start3A_162 : memref<128x32xf32, #tpu.memory_space<vmem_shared>>) target_semaphore(%run_scoped3A : memref<!tpu.dma_semaphore, #tpu.memory_space<semaphore_mem>>)
        %dma_wait3A_163 = arith.constant 0 : i32
        %dma_wait3A_164 = tpu.memref_slice %arg14[%add3A, %dma_wait3A_163] : memref<10000x32xf32, #tpu.memory_space<vmem_shared>> -> memref<128x32xf32, #tpu.memory_space<vmem_shared>>
        %dma_wait3A_165 = arith.constant 0 : i32
        %dma_wait3A_166 = tpu.memref_slice %arg14[%add3A, %dma_wait3A_165] : memref<10000x32xf32, #tpu.memory_space<vmem_shared>> -> memref<128x32xf32, #tpu.memory_space<vmem_shared>>
        tpu.wait_dma2 semaphore(%run_scoped3A : memref<!tpu.dma_semaphore, #tpu.memory_space<semaphore_mem>>) src(%arg10 : memref<128x32xf32, #tpu.memory_space<vmem>>) dst(%dma_wait3A_166 : memref<128x32xf32, #tpu.memory_space<vmem_shared>>)
        tpu.yield
      }) : () -> ()
    }
    %scan3A_12 = arith.constant 5 : i32
    "tpu.region"() ({
      %run_scoped3A = tpu.sem_alloc : memref<!tpu.dma_semaphore, #tpu.memory_space<semaphore_mem>>
      %dma_start3A_156 = arith.constant 0 : i32
      %dma_start3A_157 = tpu.memref_slice %arg15[%mul3A_6, %dma_start3A_156] : memref<10000x32xf32, #tpu.memory_space<vmem_shared>> -> memref<624x32xf32, #tpu.memory_space<vmem_shared>>
      %dma_start3A_158 = arith.constant 0 : i32
      %dma_start3A_159 = tpu.memref_slice %arg5[%mul3A_6, %arg0, %dma_start3A_158] : memref<10000x2x32xf32, #tpu.memory_space<hbm>> -> memref<624x1x32xf32, #tpu.memory_space<hbm>>
      %dma_start3A_160 = tpu.memref_squeeze %dma_start3A_159 : memref<624x1x32xf32, #tpu.memory_space<hbm>> -> memref<624x32xf32, #tpu.memory_space<hbm>>
      tpu.enqueue_dma source(%dma_start3A_160 : memref<624x32xf32, #tpu.memory_space<hbm>>) target(%dma_start3A_157 : memref<624x32xf32, #tpu.memory_space<vmem_shared>>) target_semaphore(%run_scoped3A : memref<!tpu.dma_semaphore, #tpu.memory_space<semaphore_mem>>)
      %dma_wait3A_161 = arith.constant 0 : i32
      %dma_wait3A_162 = tpu.memref_slice %arg15[%mul3A_6, %dma_wait3A_161] : memref<10000x32xf32, #tpu.memory_space<vmem_shared>> -> memref<624x32xf32, #tpu.memory_space<vmem_shared>>
      %dma_wait3A_163 = arith.constant 0 : i32
      %dma_wait3A_164 = tpu.memref_slice %arg5[%mul3A_6, %arg0, %dma_wait3A_163] : memref<10000x2x32xf32, #tpu.memory_space<hbm>> -> memref<624x1x32xf32, #tpu.memory_space<hbm>>
      %dma_wait3A_165 = tpu.memref_squeeze %dma_wait3A_164 : memref<624x1x32xf32, #tpu.memory_space<hbm>> -> memref<624x32xf32, #tpu.memory_space<hbm>>
      tpu.wait_dma2 semaphore(%run_scoped3A : memref<!tpu.dma_semaphore, #tpu.memory_space<semaphore_mem>>) src(%dma_wait3A_165 : memref<624x32xf32, #tpu.memory_space<hbm>>) dst(%dma_wait3A_162 : memref<624x32xf32, #tpu.memory_space<vmem_shared>>)
      tpu.yield
    }) : () -> ()
    %eq3A = arith.constant 15 : i32
    %eq3A_13 = arith.cmpi eq, %arg1, %eq3A : i32
    %convert_element_type3A = arith.extui %eq3A_13 : i1 to i32
    %cond3A = arith.constant 0 : i32
    %cond3A_14 = arith.cmpi ne, %convert_element_type3A, %cond3A : i32
    scf.if %cond3A_14 {
      "tpu.region"() ({
        %run_scoped3A = tpu.sem_alloc : memref<!tpu.dma_semaphore, #tpu.memory_space<semaphore_mem>>
        %dma_start3A_156 = arith.constant 9984 : i32
        %dma_start3A_157 = arith.constant 0 : i32
        %dma_start3A_158 = tpu.memref_slice %arg15[%dma_start3A_156, %dma_start3A_157] : memref<10000x32xf32, #tpu.memory_space<vmem_shared>> -> memref<16x32xf32, #tpu.memory_space<vmem_shared>>
        %dma_start3A_159 = arith.constant 9984 : i32
        %dma_start3A_160 = arith.constant 0 : i32
        %dma_start3A_161 = tpu.memref_slice %arg5[%dma_start3A_159, %arg0, %dma_start3A_160] : memref<10000x2x32xf32, #tpu.memory_space<hbm>> -> memref<16x1x32xf32, #tpu.memory_space<hbm>>
        %dma_start3A_162 = tpu.memref_squeeze %dma_start3A_161 : memref<16x1x32xf32, #tpu.memory_space<hbm>> -> memref<16x32xf32, #tpu.memory_space<hbm>>
        tpu.enqueue_dma source(%dma_start3A_162 : memref<16x32xf32, #tpu.memory_space<hbm>>) target(%dma_start3A_158 : memref<16x32xf32, #tpu.memory_space<vmem_shared>>) target_semaphore(%run_scoped3A : memref<!tpu.dma_semaphore, #tpu.memory_space<semaphore_mem>>)
        %dma_wait3A_163 = arith.constant 9984 : i32
        %dma_wait3A_164 = arith.constant 0 : i32
        %dma_wait3A_165 = tpu.memref_slice %arg15[%dma_wait3A_163, %dma_wait3A_164] : memref<10000x32xf32, #tpu.memory_space<vmem_shared>> -> memref<16x32xf32, #tpu.memory_space<vmem_shared>>
        %dma_wait3A_166 = arith.constant 9984 : i32
        %dma_wait3A_167 = arith.constant 0 : i32
        %dma_wait3A_168 = tpu.memref_slice %arg5[%dma_wait3A_166, %arg0, %dma_wait3A_167] : memref<10000x2x32xf32, #tpu.memory_space<hbm>> -> memref<16x1x32xf32, #tpu.memory_space<hbm>>
        %dma_wait3A_169 = tpu.memref_squeeze %dma_wait3A_168 : memref<16x1x32xf32, #tpu.memory_space<hbm>> -> memref<16x32xf32, #tpu.memory_space<hbm>>
        tpu.wait_dma2 semaphore(%run_scoped3A : memref<!tpu.dma_semaphore, #tpu.memory_space<semaphore_mem>>) src(%dma_wait3A_169 : memref<16x32xf32, #tpu.memory_space<hbm>>) dst(%dma_wait3A_165 : memref<16x32xf32, #tpu.memory_space<vmem_shared>>)
        tpu.yield
      }) : () -> ()
    } else {
    }
    %barrier3A = arith.constant 0 : index
    tpu.barrier barrier_id(%barrier3A)
    %dma_start3A = arith.constant 0 : i32
    %dma_start3A_15 = arith.constant 0 : i32
    %dma_start3A_16 = tpu.memref_slice %arg7[%dma_start3A, %dma_start3A_15] : memref<160x128xi32, #tpu.memory_space<vmem>> -> memref<1x128xi32, #tpu.memory_space<vmem>>
    %dma_start3A_17 = tpu.memref_squeeze %dma_start3A_16 : memref<1x128xi32, #tpu.memory_space<vmem>> -> memref<128xi32, #tpu.memory_space<vmem>>
    %dma_start3A_18 = arith.constant 0 : i32
    %dma_start3A_19 = arith.constant 0 : i32
    %dma_start3A_20 = tpu.memref_slice %arg15[%dma_start3A_18, %dma_start3A_19] : memref<10000x32xf32, #tpu.memory_space<vmem_shared>> -> memref<10000x32xf32, #tpu.memory_space<vmem_shared>>
    tpu.enqueue_indirect_dma source(%dma_start3A_20 : memref<10000x32xf32, #tpu.memory_space<vmem_shared>>) target(%arg10 : memref<128x32xf32, #tpu.memory_space<vmem>>) offsets(%dma_start3A_17 : memref<128xi32, #tpu.memory_space<vmem>>) semaphore(%arg16 : memref<!tpu.dma_semaphore, #tpu.memory_space<semaphore_mem>>)
    %dma_start3A_21 = arith.constant 1 : i32
    %dma_start3A_22 = arith.constant 0 : i32
    %dma_start3A_23 = tpu.memref_slice %arg7[%dma_start3A_21, %dma_start3A_22] : memref<160x128xi32, #tpu.memory_space<vmem>> -> memref<1x128xi32, #tpu.memory_space<vmem>>
    %dma_start3A_24 = tpu.memref_squeeze %dma_start3A_23 : memref<1x128xi32, #tpu.memory_space<vmem>> -> memref<128xi32, #tpu.memory_space<vmem>>
    %dma_start3A_25 = arith.constant 0 : i32
    %dma_start3A_26 = arith.constant 0 : i32
    %dma_start3A_27 = tpu.memref_slice %arg15[%dma_start3A_25, %dma_start3A_26] : memref<10000x32xf32, #tpu.memory_space<vmem_shared>> -> memref<10000x32xf32, #tpu.memory_space<vmem_shared>>
    tpu.enqueue_indirect_dma source(%dma_start3A_27 : memref<10000x32xf32, #tpu.memory_space<vmem_shared>>) target(%arg11 : memref<128x32xf32, #tpu.memory_space<vmem>>) offsets(%dma_start3A_24 : memref<128xi32, #tpu.memory_space<vmem>>) semaphore(%arg17 : memref<!tpu.dma_semaphore, #tpu.memory_space<semaphore_mem>>)
    %dma_wait3A = arith.constant 0 : i32
    %dma_wait3A_28 = arith.constant 0 : i32
    %dma_wait3A_29 = tpu.memref_slice %arg7[%dma_wait3A, %dma_wait3A_28] : memref<160x128xi32, #tpu.memory_space<vmem>> -> memref<1x128xi32, #tpu.memory_space<vmem>>
    %dma_wait3A_30 = tpu.memref_squeeze %dma_wait3A_29 : memref<1x128xi32, #tpu.memory_space<vmem>> -> memref<128xi32, #tpu.memory_space<vmem>>
    %dma_wait3A_31 = arith.constant 0 : i32
    %dma_wait3A_32 = arith.constant 0 : i32
    %dma_wait3A_33 = tpu.memref_slice %arg15[%dma_wait3A_31, %dma_wait3A_32] : memref<10000x32xf32, #tpu.memory_space<vmem_shared>> -> memref<10000x32xf32, #tpu.memory_space<vmem_shared>>
    tpu.wait_indirect_dma semaphore(%arg16 : memref<!tpu.dma_semaphore, #tpu.memory_space<semaphore_mem>>) src(%dma_wait3A_33 : memref<10000x32xf32, #tpu.memory_space<vmem_shared>>) dst(%arg10 : memref<128x32xf32, #tpu.memory_space<vmem>>)
    %dma_start3A_34 = arith.constant 2 : i32
    %dma_start3A_35 = arith.constant 0 : i32
    %dma_start3A_36 = tpu.memref_slice %arg7[%dma_start3A_34, %dma_start3A_35] : memref<160x128xi32, #tpu.memory_space<vmem>> -> memref<1x128xi32, #tpu.memory_space<vmem>>
    %dma_start3A_37 = tpu.memref_squeeze %dma_start3A_36 : memref<1x128xi32, #tpu.memory_space<vmem>> -> memref<128xi32, #tpu.memory_space<vmem>>
    %dma_start3A_38 = arith.constant 0 : i32
    %dma_start3A_39 = arith.constant 0 : i32
    %dma_start3A_40 = tpu.memref_slice %arg15[%dma_start3A_38, %dma_start3A_39] : memref<10000x32xf32, #tpu.memory_space<vmem_shared>> -> memref<10000x32xf32, #tpu.memory_space<vmem_shared>>
    tpu.enqueue_indirect_dma source(%dma_start3A_40 : memref<10000x32xf32, #tpu.memory_space<vmem_shared>>) target(%arg12 : memref<128x32xf32, #tpu.memory_space<vmem>>) offsets(%dma_start3A_37 : memref<128xi32, #tpu.memory_space<vmem>>) semaphore(%arg18 : memref<!tpu.dma_semaphore, #tpu.memory_space<semaphore_mem>>)
    %broadcast_in_dim3A_41 = arith.constant 0 : i32
    %broadcast_in_dim3A_42 = vector.broadcast %broadcast_in_dim3A_41 : i32 to vector<16xi32>
    %parallel_loop3A = arith.constant 0 : i32
    %parallel_loop3A_43 = arith.constant 128 : i32
    %parallel_loop3A_44 = arith.constant 1 : i32
    scf.for %parallel_loop3A_156 = %parallel_loop3A to %parallel_loop3A_43 step %parallel_loop3A_44  : i32 {
      %parallel_loop3A_157 = vector.broadcast %parallel_loop3A_156 : i32 to vector<16xi32>
      %parallel_loop3A_158 = tpu.vector_load_idx %arg9[%broadcast_in_dim3A_42, %parallel_loop3A_157] : memref<160x128xf32, #tpu.memory_space<vmem>>[vector<16xi32>, vector<16xi32>], vector<16xf32>,
      %parallel_loop3A_159 = arith.index_cast %parallel_loop3A_156 : i32 to index
      %parallel_loop3A_160 = arith.constant 0 : index
      %parallel_loop3A_161 = tpu.vector_load %arg10[%parallel_loop3A_159, %parallel_loop3A_160] {strides = array<i32>} : memref<128x32xf32, #tpu.memory_space<vmem>>, vector<16xf32>,
      %parallel_loop3A_162 = arith.mulf %parallel_loop3A_161, %parallel_loop3A_158 : vector<16xf32>
      %parallel_loop3A_163 = arith.index_cast %parallel_loop3A_156 : i32 to index
      %parallel_loop3A_164 = arith.constant 0 : index
      %parallel_loop3A_165 = tpu.vector_load %arg10[%parallel_loop3A_163, %parallel_loop3A_164] {strides = array<i32>} : memref<128x32xf32, #tpu.memory_space<vmem>>, vector<16xf32>,
      tpu.vector_store %arg10[%parallel_loop3A_163, %parallel_loop3A_164], %parallel_loop3A_162 {strides = array<i32>} : memref<128x32xf32, #tpu.memory_space<vmem>>, vector<16xf32>,
      %parallel_loop3A_166 = arith.index_cast %parallel_loop3A_156 : i32 to index
      %parallel_loop3A_167 = arith.constant 16 : index
      %parallel_loop3A_168 = tpu.vector_load %arg10[%parallel_loop3A_166, %parallel_loop3A_167] {strides = array<i32>} : memref<128x32xf32, #tpu.memory_space<vmem>>, vector<16xf32>,
      %parallel_loop3A_169 = arith.mulf %parallel_loop3A_168, %parallel_loop3A_158 : vector<16xf32>
      %parallel_loop3A_170 = arith.index_cast %parallel_loop3A_156 : i32 to index
      %parallel_loop3A_171 = arith.constant 16 : index
      %parallel_loop3A_172 = tpu.vector_load %arg10[%parallel_loop3A_170, %parallel_loop3A_171] {strides = array<i32>} : memref<128x32xf32, #tpu.memory_space<vmem>>, vector<16xf32>,
      tpu.vector_store %arg10[%parallel_loop3A_170, %parallel_loop3A_171], %parallel_loop3A_169 {strides = array<i32>} : memref<128x32xf32, #tpu.memory_space<vmem>>, vector<16xf32>,
    } {sc.loop_unroll_factor = 8 : i64, sc.parallel_access}
    %dma_start3A_45 = arith.constant 0 : i32
    %dma_start3A_46 = arith.constant 0 : i32
    %dma_start3A_47 = tpu.memref_slice %arg8[%dma_start3A_45, %dma_start3A_46] : memref<160x128xi32, #tpu.memory_space<vmem>> -> memref<1x128xi32, #tpu.memory_space<vmem>>
    %dma_start3A_48 = tpu.memref_squeeze %dma_start3A_47 : memref<1x128xi32, #tpu.memory_space<vmem>> -> memref<128xi32, #tpu.memory_space<vmem>>
    %dma_start3A_49 = arith.constant 0 : i32
    %dma_start3A_50 = arith.constant 0 : i32
    %dma_start3A_51 = tpu.memref_slice %arg14[%dma_start3A_49, %dma_start3A_50] : memref<10000x32xf32, #tpu.memory_space<vmem_shared>> -> memref<10000x32xf32, #tpu.memory_space<vmem_shared>>
    tpu.enqueue_indirect_dma source(%arg10 : memref<128x32xf32, #tpu.memory_space<vmem>>) target(%dma_start3A_51 : memref<10000x32xf32, #tpu.memory_space<vmem_shared>>) offsets(%dma_start3A_48 : memref<128xi32, #tpu.memory_space<vmem>>) semaphore(%arg20 : memref<!tpu.dma_semaphore, #tpu.memory_space<semaphore_mem>>) {add = true}
    %dma_wait3A_52 = arith.constant 0 : i32
    %dma_wait3A_53 = arith.constant 0 : i32
    %dma_wait3A_54 = tpu.memref_slice %arg7[%dma_wait3A_52, %dma_wait3A_53] : memref<160x128xi32, #tpu.memory_space<vmem>> -> memref<1x128xi32, #tpu.memory_space<vmem>>
    %dma_wait3A_55 = tpu.memref_squeeze %dma_wait3A_54 : memref<1x128xi32, #tpu.memory_space<vmem>> -> memref<128xi32, #tpu.memory_space<vmem>>
    %dma_wait3A_56 = arith.constant 0 : i32
    %dma_wait3A_57 = arith.constant 0 : i32
    %dma_wait3A_58 = tpu.memref_slice %arg15[%dma_wait3A_56, %dma_wait3A_57] : memref<10000x32xf32, #tpu.memory_space<vmem_shared>> -> memref<10000x32xf32, #tpu.memory_space<vmem_shared>>
    tpu.wait_indirect_dma semaphore(%arg17 : memref<!tpu.dma_semaphore, #tpu.memory_space<semaphore_mem>>) src(%dma_wait3A_58 : memref<10000x32xf32, #tpu.memory_space<vmem_shared>>) dst(%arg11 : memref<128x32xf32, #tpu.memory_space<vmem>>)
    %dma_start3A_59 = arith.constant 3 : i32
    %dma_start3A_60 = arith.constant 0 : i32
    %dma_start3A_61 = tpu.memref_slice %arg7[%dma_start3A_59, %dma_start3A_60] : memref<160x128xi32, #tpu.memory_space<vmem>> -> memref<1x128xi32, #tpu.memory_space<vmem>>
    %dma_start3A_62 = tpu.memref_squeeze %dma_start3A_61 : memref<1x128xi32, #tpu.memory_space<vmem>> -> memref<128xi32, #tpu.memory_space<vmem>>
    %dma_start3A_63 = arith.constant 0 : i32
    %dma_start3A_64 = arith.constant 0 : i32
    %dma_start3A_65 = tpu.memref_slice %arg15[%dma_start3A_63, %dma_start3A_64] : memref<10000x32xf32, #tpu.memory_space<vmem_shared>> -> memref<10000x32xf32, #tpu.memory_space<vmem_shared>>
    tpu.enqueue_indirect_dma source(%dma_start3A_65 : memref<10000x32xf32, #tpu.memory_space<vmem_shared>>) target(%arg13 : memref<128x32xf32, #tpu.memory_space<vmem>>) offsets(%dma_start3A_62 : memref<128xi32, #tpu.memory_space<vmem>>) semaphore(%arg19 : memref<!tpu.dma_semaphore, #tpu.memory_space<semaphore_mem>>)
    %broadcast_in_dim3A_66 = arith.constant 1 : i32
    %broadcast_in_dim3A_67 = vector.broadcast %broadcast_in_dim3A_66 : i32 to vector<16xi32>
    %parallel_loop3A_68 = arith.constant 0 : i32
    %parallel_loop3A_69 = arith.constant 128 : i32
    %parallel_loop3A_70 = arith.constant 1 : i32
    scf.for %parallel_loop3A_156 = %parallel_loop3A_68 to %parallel_loop3A_69 step %parallel_loop3A_70  : i32 {
      %parallel_loop3A_157 = vector.broadcast %parallel_loop3A_156 : i32 to vector<16xi32>
      %parallel_loop3A_158 = tpu.vector_load_idx %arg9[%broadcast_in_dim3A_67, %parallel_loop3A_157] : memref<160x128xf32, #tpu.memory_space<vmem>>[vector<16xi32>, vector<16xi32>], vector<16xf32>,
      %parallel_loop3A_159 = arith.index_cast %parallel_loop3A_156 : i32 to index
      %parallel_loop3A_160 = arith.constant 0 : index
      %parallel_loop3A_161 = tpu.vector_load %arg11[%parallel_loop3A_159, %parallel_loop3A_160] {strides = array<i32>} : memref<128x32xf32, #tpu.memory_space<vmem>>, vector<16xf32>,
      %parallel_loop3A_162 = arith.mulf %parallel_loop3A_161, %parallel_loop3A_158 : vector<16xf32>
      %parallel_loop3A_163 = arith.index_cast %parallel_loop3A_156 : i32 to index
      %parallel_loop3A_164 = arith.constant 0 : index
      %parallel_loop3A_165 = tpu.vector_load %arg11[%parallel_loop3A_163, %parallel_loop3A_164] {strides = array<i32>} : memref<128x32xf32, #tpu.memory_space<vmem>>, vector<16xf32>,
      tpu.vector_store %arg11[%parallel_loop3A_163, %parallel_loop3A_164], %parallel_loop3A_162 {strides = array<i32>} : memref<128x32xf32, #tpu.memory_space<vmem>>, vector<16xf32>,
      %parallel_loop3A_166 = arith.index_cast %parallel_loop3A_156 : i32 to index
      %parallel_loop3A_167 = arith.constant 16 : index
      %parallel_loop3A_168 = tpu.vector_load %arg11[%parallel_loop3A_166, %parallel_loop3A_167] {strides = array<i32>} : memref<128x32xf32, #tpu.memory_space<vmem>>, vector<16xf32>,
      %parallel_loop3A_169 = arith.mulf %parallel_loop3A_168, %parallel_loop3A_158 : vector<16xf32>
      %parallel_loop3A_170 = arith.index_cast %parallel_loop3A_156 : i32 to index
      %parallel_loop3A_171 = arith.constant 16 : index
      %parallel_loop3A_172 = tpu.vector_load %arg11[%parallel_loop3A_170, %parallel_loop3A_171] {strides = array<i32>} : memref<128x32xf32, #tpu.memory_space<vmem>>, vector<16xf32>,
      tpu.vector_store %arg11[%parallel_loop3A_170, %parallel_loop3A_171], %parallel_loop3A_169 {strides = array<i32>} : memref<128x32xf32, #tpu.memory_space<vmem>>, vector<16xf32>,
    } {sc.loop_unroll_factor = 8 : i64, sc.parallel_access}
    %dma_start3A_71 = arith.constant 1 : i32
    %dma_start3A_72 = arith.constant 0 : i32
    %dma_start3A_73 = tpu.memref_slice %arg8[%dma_start3A_71, %dma_start3A_72] : memref<160x128xi32, #tpu.memory_space<vmem>> -> memref<1x128xi32, #tpu.memory_space<vmem>>
    %dma_start3A_74 = tpu.memref_squeeze %dma_start3A_73 : memref<1x128xi32, #tpu.memory_space<vmem>> -> memref<128xi32, #tpu.memory_space<vmem>>
    %dma_start3A_75 = arith.constant 0 : i32
    %dma_start3A_76 = arith.constant 0 : i32
    %dma_start3A_77 = tpu.memref_slice %arg14[%dma_start3A_75, %dma_start3A_76] : memref<10000x32xf32, #tpu.memory_space<vmem_shared>> -> memref<10000x32xf32, #tpu.memory_space<vmem_shared>>
    tpu.enqueue_indirect_dma source(%arg11 : memref<128x32xf32, #tpu.memory_space<vmem>>) target(%dma_start3A_77 : memref<10000x32xf32, #tpu.memory_space<vmem_shared>>) offsets(%dma_start3A_74 : memref<128xi32, #tpu.memory_space<vmem>>) semaphore(%arg21 : memref<!tpu.dma_semaphore, #tpu.memory_space<semaphore_mem>>) {add = true}
    %scan3A_78 = arith.constant 0 : i32
    %scan3A_79 = arith.constant 0 : i32
    %scan3A_80 = arith.constant 39 : i32
    %scan3A_81 = arith.addi %scan3A_79, %scan3A_80 : i32
    %scan3A_82 = arith.constant 1 : i32
    scf.for %scan3A_156 = %scan3A_79 to %scan3A_81 step %scan3A_82  : i32 {
      %mul3A_157 = arith.constant 4 : i32
      %mul3A_158 = arith.muli %scan3A_156, %mul3A_157 : i32
      %add3A = arith.constant 2 : i32
      %add3A_159 = arith.addi %mul3A_158, %add3A : i32
      %add3A_160 = arith.constant 0 : i32
      %add3A_161 = arith.addi %add3A_159, %add3A_160 : i32
      %dma_wait3A_162 = arith.constant 0 : i32
      %dma_wait3A_163 = arith.constant 0 : i32
      %dma_wait3A_164 = tpu.memref_slice %arg7[%dma_wait3A_162, %dma_wait3A_163] : memref<160x128xi32, #tpu.memory_space<vmem>> -> memref<1x128xi32, #tpu.memory_space<vmem>>
      %dma_wait3A_165 = tpu.memref_squeeze %dma_wait3A_164 : memref<1x128xi32, #tpu.memory_space<vmem>> -> memref<128xi32, #tpu.memory_space<vmem>>
      %dma_wait3A_166 = arith.constant 0 : i32
      %dma_wait3A_167 = arith.constant 0 : i32
      %dma_wait3A_168 = tpu.memref_slice %arg15[%dma_wait3A_166, %dma_wait3A_167] : memref<10000x32xf32, #tpu.memory_space<vmem_shared>> -> memref<10000x32xf32, #tpu.memory_space<vmem_shared>>
      tpu.wait_indirect_dma semaphore(%arg18 : memref<!tpu.dma_semaphore, #tpu.memory_space<semaphore_mem>>) src(%dma_wait3A_168 : memref<10000x32xf32, #tpu.memory_space<vmem_shared>>) dst(%arg12 : memref<128x32xf32, #tpu.memory_space<vmem>>)
      %dma_wait3A_169 = arith.constant 0 : i32
      %dma_wait3A_170 = arith.constant 0 : i32
      %dma_wait3A_171 = tpu.memref_slice %arg8[%dma_wait3A_169, %dma_wait3A_170] : memref<160x128xi32, #tpu.memory_space<vmem>> -> memref<1x128xi32, #tpu.memory_space<vmem>>
      %dma_wait3A_172 = tpu.memref_squeeze %dma_wait3A_171 : memref<1x128xi32, #tpu.memory_space<vmem>> -> memref<128xi32, #tpu.memory_space<vmem>>
      %dma_wait3A_173 = arith.constant 0 : i32
      %dma_wait3A_174 = arith.constant 0 : i32
      %dma_wait3A_175 = tpu.memref_slice %arg14[%dma_wait3A_173, %dma_wait3A_174] : memref<10000x32xf32, #tpu.memory_space<vmem_shared>> -> memref<10000x32xf32, #tpu.memory_space<vmem_shared>>
      tpu.wait_indirect_dma semaphore(%arg20 : memref<!tpu.dma_semaphore, #tpu.memory_space<semaphore_mem>>) src(%arg10 : memref<128x32xf32, #tpu.memory_space<vmem>>) dst(%dma_wait3A_175 : memref<10000x32xf32, #tpu.memory_space<vmem_shared>>)
      %add3A_176 = arith.constant 2 : i32
      %add3A_177 = arith.addi %add3A_161, %add3A_176 : i32
      %dma_start3A_178 = arith.constant 0 : i32
      %dma_start3A_179 = tpu.memref_slice %arg7[%add3A_177, %dma_start3A_178] : memref<160x128xi32, #tpu.memory_space<vmem>> -> memref<1x128xi32, #tpu.memory_space<vmem>>
      %dma_start3A_180 = tpu.memref_squeeze %dma_start3A_179 : memref<1x128xi32, #tpu.memory_space<vmem>> -> memref<128xi32, #tpu.memory_space<vmem>>
      %dma_start3A_181 = arith.constant 0 : i32
      %dma_start3A_182 = arith.constant 0 : i32
      %dma_start3A_183 = tpu.memref_slice %arg15[%dma_start3A_181, %dma_start3A_182] : memref<10000x32xf32, #tpu.memory_space<vmem_shared>> -> memref<10000x32xf32, #tpu.memory_space<vmem_shared>>
      tpu.enqueue_indirect_dma source(%dma_start3A_183 : memref<10000x32xf32, #tpu.memory_space<vmem_shared>>) target(%arg10 : memref<128x32xf32, #tpu.memory_space<vmem>>) offsets(%dma_start3A_180 : memref<128xi32, #tpu.memory_space<vmem>>) semaphore(%arg16 : memref<!tpu.dma_semaphore, #tpu.memory_space<semaphore_mem>>)
      %broadcast_in_dim3A_184 = vector.broadcast %add3A_161 : i32 to vector<16xi32>
      %parallel_loop3A_185 = arith.constant 0 : i32
      %parallel_loop3A_186 = arith.constant 128 : i32
      %parallel_loop3A_187 = arith.constant 1 : i32
      scf.for %parallel_loop3A_296 = %parallel_loop3A_185 to %parallel_loop3A_186 step %parallel_loop3A_187  : i32 {
        %parallel_loop3A_297 = vector.broadcast %parallel_loop3A_296 : i32 to vector<16xi32>
        %parallel_loop3A_298 = tpu.vector_load_idx %arg9[%broadcast_in_dim3A_184, %parallel_loop3A_297] : memref<160x128xf32, #tpu.memory_space<vmem>>[vector<16xi32>, vector<16xi32>], vector<16xf32>,
        %parallel_loop3A_299 = arith.index_cast %parallel_loop3A_296 : i32 to index
        %parallel_loop3A_300 = arith.constant 0 : index
        %parallel_loop3A_301 = tpu.vector_load %arg12[%parallel_loop3A_299, %parallel_loop3A_300] {strides = array<i32>} : memref<128x32xf32, #tpu.memory_space<vmem>>, vector<16xf32>,
        %parallel_loop3A_302 = arith.mulf %parallel_loop3A_301, %parallel_loop3A_298 : vector<16xf32>
        %parallel_loop3A_303 = arith.index_cast %parallel_loop3A_296 : i32 to index
        %parallel_loop3A_304 = arith.constant 0 : index
        %parallel_loop3A_305 = tpu.vector_load %arg12[%parallel_loop3A_303, %parallel_loop3A_304] {strides = array<i32>} : memref<128x32xf32, #tpu.memory_space<vmem>>, vector<16xf32>,
        tpu.vector_store %arg12[%parallel_loop3A_303, %parallel_loop3A_304], %parallel_loop3A_302 {strides = array<i32>} : memref<128x32xf32, #tpu.memory_space<vmem>>, vector<16xf32>,
        %parallel_loop3A_306 = arith.index_cast %parallel_loop3A_296 : i32 to index
        %parallel_loop3A_307 = arith.constant 16 : index
        %parallel_loop3A_308 = tpu.vector_load %arg12[%parallel_loop3A_306, %parallel_loop3A_307] {strides = array<i32>} : memref<128x32xf32, #tpu.memory_space<vmem>>, vector<16xf32>,
        %parallel_loop3A_309 = arith.mulf %parallel_loop3A_308, %parallel_loop3A_298 : vector<16xf32>
        %parallel_loop3A_310 = arith.index_cast %parallel_loop3A_296 : i32 to index
        %parallel_loop3A_311 = arith.constant 16 : index
        %parallel_loop3A_312 = tpu.vector_load %arg12[%parallel_loop3A_310, %parallel_loop3A_311] {strides = array<i32>} : memref<128x32xf32, #tpu.memory_space<vmem>>, vector<16xf32>,
        tpu.vector_store %arg12[%parallel_loop3A_310, %parallel_loop3A_311], %parallel_loop3A_309 {strides = array<i32>} : memref<128x32xf32, #tpu.memory_space<vmem>>, vector<16xf32>,
      } {sc.loop_unroll_factor = 8 : i64, sc.parallel_access}
      %dma_start3A_188 = arith.constant 0 : i32
      %dma_start3A_189 = tpu.memref_slice %arg8[%add3A_161, %dma_start3A_188] : memref<160x128xi32, #tpu.memory_space<vmem>> -> memref<1x128xi32, #tpu.memory_space<vmem>>
      %dma_start3A_190 = tpu.memref_squeeze %dma_start3A_189 : memref<1x128xi32, #tpu.memory_space<vmem>> -> memref<128xi32, #tpu.memory_space<vmem>>
      %dma_start3A_191 = arith.constant 0 : i32
      %dma_start3A_192 = arith.constant 0 : i32
      %dma_start3A_193 = tpu.memref_slice %arg14[%dma_start3A_191, %dma_start3A_192] : memref<10000x32xf32, #tpu.memory_space<vmem_shared>> -> memref<10000x32xf32, #tpu.memory_space<vmem_shared>>
      tpu.enqueue_indirect_dma source(%arg12 : memref<128x32xf32, #tpu.memory_space<vmem>>) target(%dma_start3A_193 : memref<10000x32xf32, #tpu.memory_space<vmem_shared>>) offsets(%dma_start3A_190 : memref<128xi32, #tpu.memory_space<vmem>>) semaphore(%arg22 : memref<!tpu.dma_semaphore, #tpu.memory_space<semaphore_mem>>) {add = true}
      %add3A_194 = arith.constant 1 : i32
      %add3A_195 = arith.addi %add3A_159, %add3A_194 : i32
      %dma_wait3A_196 = arith.constant 0 : i32
      %dma_wait3A_197 = arith.constant 0 : i32
      %dma_wait3A_198 = tpu.memref_slice %arg7[%dma_wait3A_196, %dma_wait3A_197] : memref<160x128xi32, #tpu.memory_space<vmem>> -> memref<1x128xi32, #tpu.memory_space<vmem>>
      %dma_wait3A_199 = tpu.memref_squeeze %dma_wait3A_198 : memref<1x128xi32, #tpu.memory_space<vmem>> -> memref<128xi32, #tpu.memory_space<vmem>>
      %dma_wait3A_200 = arith.constant 0 : i32
      %dma_wait3A_201 = arith.constant 0 : i32
      %dma_wait3A_202 = tpu.memref_slice %arg15[%dma_wait3A_200, %dma_wait3A_201] : memref<10000x32xf32, #tpu.memory_space<vmem_shared>> -> memref<10000x32xf32, #tpu.memory_space<vmem_shared>>
      tpu.wait_indirect_dma semaphore(%arg19 : memref<!tpu.dma_semaphore, #tpu.memory_space<semaphore_mem>>) src(%dma_wait3A_202 : memref<10000x32xf32, #tpu.memory_space<vmem_shared>>) dst(%arg13 : memref<128x32xf32, #tpu.memory_space<vmem>>)
      %dma_wait3A_203 = arith.constant 0 : i32
      %dma_wait3A_204 = arith.constant 0 : i32
      %dma_wait3A_205 = tpu.memref_slice %arg8[%dma_wait3A_203, %dma_wait3A_204] : memref<160x128xi32, #tpu.memory_space<vmem>> -> memref<1x128xi32, #tpu.memory_space<vmem>>
      %dma_wait3A_206 = tpu.memref_squeeze %dma_wait3A_205 : memref<1x128xi32, #tpu.memory_space<vmem>> -> memref<128xi32, #tpu.memory_space<vmem>>
      %dma_wait3A_207 = arith.constant 0 : i32
      %dma_wait3A_208 = arith.constant 0 : i32
      %dma_wait3A_209 = tpu.memref_slice %arg14[%dma_wait3A_207, %dma_wait3A_208] : memref<10000x32xf32, #tpu.memory_space<vmem_shared>> -> memref<10000x32xf32, #tpu.memory_space<vmem_shared>>
      tpu.wait_indirect_dma semaphore(%arg21 : memref<!tpu.dma_semaphore, #tpu.memory_space<semaphore_mem>>) src(%arg11 : memref<128x32xf32, #tpu.memory_space<vmem>>) dst(%dma_wait3A_209 : memref<10000x32xf32, #tpu.memory_space<vmem_shared>>)
      %add3A_210 = arith.constant 2 : i32
      %add3A_211 = arith.addi %add3A_195, %add3A_210 : i32
      %dma_start3A_212 = arith.constant 0 : i32
      %dma_start3A_213 = tpu.memref_slice %arg7[%add3A_211, %dma_start3A_212] : memref<160x128xi32, #tpu.memory_space<vmem>> -> memref<1x128xi32, #tpu.memory_space<vmem>>
      %dma_start3A_214 = tpu.memref_squeeze %dma_start3A_213 : memref<1x128xi32, #tpu.memory_space<vmem>> -> memref<128xi32, #tpu.memory_space<vmem>>
      %dma_start3A_215 = arith.constant 0 : i32
      %dma_start3A_216 = arith.constant 0 : i32
      %dma_start3A_217 = tpu.memref_slice %arg15[%dma_start3A_215, %dma_start3A_216] : memref<10000x32xf32, #tpu.memory_space<vmem_shared>> -> memref<10000x32xf32, #tpu.memory_space<vmem_shared>>
      tpu.enqueue_indirect_dma source(%dma_start3A_217 : memref<10000x32xf32, #tpu.memory_space<vmem_shared>>) target(%arg11 : memref<128x32xf32, #tpu.memory_space<vmem>>) offsets(%dma_start3A_214 : memref<128xi32, #tpu.memory_space<vmem>>) semaphore(%arg17 : memref<!tpu.dma_semaphore, #tpu.memory_space<semaphore_mem>>)
      %broadcast_in_dim3A_218 = vector.broadcast %add3A_195 : i32 to vector<16xi32>
      %parallel_loop3A_219 = arith.constant 0 : i32
      %parallel_loop3A_220 = arith.constant 128 : i32
      %parallel_loop3A_221 = arith.constant 1 : i32
      scf.for %parallel_loop3A_296 = %parallel_loop3A_219 to %parallel_loop3A_220 step %parallel_loop3A_221  : i32 {
        %parallel_loop3A_297 = vector.broadcast %parallel_loop3A_296 : i32 to vector<16xi32>
        %parallel_loop3A_298 = tpu.vector_load_idx %arg9[%broadcast_in_dim3A_218, %parallel_loop3A_297] : memref<160x128xf32, #tpu.memory_space<vmem>>[vector<16xi32>, vector<16xi32>], vector<16xf32>,
        %parallel_loop3A_299 = arith.index_cast %parallel_loop3A_296 : i32 to index
        %parallel_loop3A_300 = arith.constant 0 : index
        %parallel_loop3A_301 = tpu.vector_load %arg13[%parallel_loop3A_299, %parallel_loop3A_300] {strides = array<i32>} : memref<128x32xf32, #tpu.memory_space<vmem>>, vector<16xf32>,
        %parallel_loop3A_302 = arith.mulf %parallel_loop3A_301, %parallel_loop3A_298 : vector<16xf32>
        %parallel_loop3A_303 = arith.index_cast %parallel_loop3A_296 : i32 to index
        %parallel_loop3A_304 = arith.constant 0 : index
        %parallel_loop3A_305 = tpu.vector_load %arg13[%parallel_loop3A_303, %parallel_loop3A_304] {strides = array<i32>} : memref<128x32xf32, #tpu.memory_space<vmem>>, vector<16xf32>,
        tpu.vector_store %arg13[%parallel_loop3A_303, %parallel_loop3A_304], %parallel_loop3A_302 {strides = array<i32>} : memref<128x32xf32, #tpu.memory_space<vmem>>, vector<16xf32>,
        %parallel_loop3A_306 = arith.index_cast %parallel_loop3A_296 : i32 to index
        %parallel_loop3A_307 = arith.constant 16 : index
        %parallel_loop3A_308 = tpu.vector_load %arg13[%parallel_loop3A_306, %parallel_loop3A_307] {strides = array<i32>} : memref<128x32xf32, #tpu.memory_space<vmem>>, vector<16xf32>,
        %parallel_loop3A_309 = arith.mulf %parallel_loop3A_308, %parallel_loop3A_298 : vector<16xf32>
        %parallel_loop3A_310 = arith.index_cast %parallel_loop3A_296 : i32 to index
        %parallel_loop3A_311 = arith.constant 16 : index
        %parallel_loop3A_312 = tpu.vector_load %arg13[%parallel_loop3A_310, %parallel_loop3A_311] {strides = array<i32>} : memref<128x32xf32, #tpu.memory_space<vmem>>, vector<16xf32>,
        tpu.vector_store %arg13[%parallel_loop3A_310, %parallel_loop3A_311], %parallel_loop3A_309 {strides = array<i32>} : memref<128x32xf32, #tpu.memory_space<vmem>>, vector<16xf32>,
      } {sc.loop_unroll_factor = 8 : i64, sc.parallel_access}
      %dma_start3A_222 = arith.constant 0 : i32
      %dma_start3A_223 = tpu.memref_slice %arg8[%add3A_195, %dma_start3A_222] : memref<160x128xi32, #tpu.memory_space<vmem>> -> memref<1x128xi32, #tpu.memory_space<vmem>>
      %dma_start3A_224 = tpu.memref_squeeze %dma_start3A_223 : memref<1x128xi32, #tpu.memory_space<vmem>> -> memref<128xi32, #tpu.memory_space<vmem>>
      %dma_start3A_225 = arith.constant 0 : i32
      %dma_start3A_226 = arith.constant 0 : i32
      %dma_start3A_227 = tpu.memref_slice %arg14[%dma_start3A_225, %dma_start3A_226] : memref<10000x32xf32, #tpu.memory_space<vmem_shared>> -> memref<10000x32xf32, #tpu.memory_space<vmem_shared>>
      tpu.enqueue_indirect_dma source(%arg13 : memref<128x32xf32, #tpu.memory_space<vmem>>) target(%dma_start3A_227 : memref<10000x32xf32, #tpu.memory_space<vmem_shared>>) offsets(%dma_start3A_224 : memref<128xi32, #tpu.memory_space<vmem>>) semaphore(%arg23 : memref<!tpu.dma_semaphore, #tpu.memory_space<semaphore_mem>>) {add = true}
      %add3A_228 = arith.constant 2 : i32
      %add3A_229 = arith.addi %add3A_159, %add3A_228 : i32
      %dma_wait3A_230 = arith.constant 0 : i32
      %dma_wait3A_231 = arith.constant 0 : i32
      %dma_wait3A_232 = tpu.memref_slice %arg7[%dma_wait3A_230, %dma_wait3A_231] : memref<160x128xi32, #tpu.memory_space<vmem>> -> memref<1x128xi32, #tpu.memory_space<vmem>>
      %dma_wait3A_233 = tpu.memref_squeeze %dma_wait3A_232 : memref<1x128xi32, #tpu.memory_space<vmem>> -> memref<128xi32, #tpu.memory_space<vmem>>
      %dma_wait3A_234 = arith.constant 0 : i32
      %dma_wait3A_235 = arith.constant 0 : i32
      %dma_wait3A_236 = tpu.memref_slice %arg15[%dma_wait3A_234, %dma_wait3A_235] : memref<10000x32xf32, #tpu.memory_space<vmem_shared>> -> memref<10000x32xf32, #tpu.memory_space<vmem_shared>>
      tpu.wait_indirect_dma semaphore(%arg16 : memref<!tpu.dma_semaphore, #tpu.memory_space<semaphore_mem>>) src(%dma_wait3A_236 : memref<10000x32xf32, #tpu.memory_space<vmem_shared>>) dst(%arg10 : memref<128x32xf32, #tpu.memory_space<vmem>>)
      %dma_wait3A_237 = arith.constant 0 : i32
      %dma_wait3A_238 = arith.constant 0 : i32
      %dma_wait3A_239 = tpu.memref_slice %arg8[%dma_wait3A_237, %dma_wait3A_238] : memref<160x128xi32, #tpu.memory_space<vmem>> -> memref<1x128xi32, #tpu.memory_space<vmem>>
      %dma_wait3A_240 = tpu.memref_squeeze %dma_wait3A_239 : memref<1x128xi32, #tpu.memory_space<vmem>> -> memref<128xi32, #tpu.memory_space<vmem>>
      %dma_wait3A_241 = arith.constant 0 : i32
      %dma_wait3A_242 = arith.constant 0 : i32
      %dma_wait3A_243 = tpu.memref_slice %arg14[%dma_wait3A_241, %dma_wait3A_242] : memref<10000x32xf32, #tpu.memory_space<vmem_shared>> -> memref<10000x32xf32, #tpu.memory_space<vmem_shared>>
      tpu.wait_indirect_dma semaphore(%arg22 : memref<!tpu.dma_semaphore, #tpu.memory_space<semaphore_mem>>) src(%arg12 : memref<128x32xf32, #tpu.memory_space<vmem>>) dst(%dma_wait3A_243 : memref<10000x32xf32, #tpu.memory_space<vmem_shared>>)
      %add3A_244 = arith.constant 2 : i32
      %add3A_245 = arith.addi %add3A_229, %add3A_244 : i32
      %dma_start3A_246 = arith.constant 0 : i32
      %dma_start3A_247 = tpu.memref_slice %arg7[%add3A_245, %dma_start3A_246] : memref<160x128xi32, #tpu.memory_space<vmem>> -> memref<1x128xi32, #tpu.memory_space<vmem>>
      %dma_start3A_248 = tpu.memref_squeeze %dma_start3A_247 : memref<1x128xi32, #tpu.memory_space<vmem>> -> memref<128xi32, #tpu.memory_space<vmem>>
      %dma_start3A_249 = arith.constant 0 : i32
      %dma_start3A_250 = arith.constant 0 : i32
      %dma_start3A_251 = tpu.memref_slice %arg15[%dma_start3A_249, %dma_start3A_250] : memref<10000x32xf32, #tpu.memory_space<vmem_shared>> -> memref<10000x32xf32, #tpu.memory_space<vmem_shared>>
      tpu.enqueue_indirect_dma source(%dma_start3A_251 : memref<10000x32xf32, #tpu.memory_space<vmem_shared>>) target(%arg12 : memref<128x32xf32, #tpu.memory_space<vmem>>) offsets(%dma_start3A_248 : memref<128xi32, #tpu.memory_space<vmem>>) semaphore(%arg18 : memref<!tpu.dma_semaphore, #tpu.memory_space<semaphore_mem>>)
      %broadcast_in_dim3A_252 = vector.broadcast %add3A_229 : i32 to vector<16xi32>
      %parallel_loop3A_253 = arith.constant 0 : i32
      %parallel_loop3A_254 = arith.constant 128 : i32
      %parallel_loop3A_255 = arith.constant 1 : i32
      scf.for %parallel_loop3A_296 = %parallel_loop3A_253 to %parallel_loop3A_254 step %parallel_loop3A_255  : i32 {
        %parallel_loop3A_297 = vector.broadcast %parallel_loop3A_296 : i32 to vector<16xi32>
        %parallel_loop3A_298 = tpu.vector_load_idx %arg9[%broadcast_in_dim3A_252, %parallel_loop3A_297] : memref<160x128xf32, #tpu.memory_space<vmem>>[vector<16xi32>, vector<16xi32>], vector<16xf32>,
        %parallel_loop3A_299 = arith.index_cast %parallel_loop3A_296 : i32 to index
        %parallel_loop3A_300 = arith.constant 0 : index
        %parallel_loop3A_301 = tpu.vector_load %arg10[%parallel_loop3A_299, %parallel_loop3A_300] {strides = array<i32>} : memref<128x32xf32, #tpu.memory_space<vmem>>, vector<16xf32>,
        %parallel_loop3A_302 = arith.mulf %parallel_loop3A_301, %parallel_loop3A_298 : vector<16xf32>
        %parallel_loop3A_303 = arith.index_cast %parallel_loop3A_296 : i32 to index
        %parallel_loop3A_304 = arith.constant 0 : index
        %parallel_loop3A_305 = tpu.vector_load %arg10[%parallel_loop3A_303, %parallel_loop3A_304] {strides = array<i32>} : memref<128x32xf32, #tpu.memory_space<vmem>>, vector<16xf32>,
        tpu.vector_store %arg10[%parallel_loop3A_303, %parallel_loop3A_304], %parallel_loop3A_302 {strides = array<i32>} : memref<128x32xf32, #tpu.memory_space<vmem>>, vector<16xf32>,
        %parallel_loop3A_306 = arith.index_cast %parallel_loop3A_296 : i32 to index
        %parallel_loop3A_307 = arith.constant 16 : index
        %parallel_loop3A_308 = tpu.vector_load %arg10[%parallel_loop3A_306, %parallel_loop3A_307] {strides = array<i32>} : memref<128x32xf32, #tpu.memory_space<vmem>>, vector<16xf32>,
        %parallel_loop3A_309 = arith.mulf %parallel_loop3A_308, %parallel_loop3A_298 : vector<16xf32>
        %parallel_loop3A_310 = arith.index_cast %parallel_loop3A_296 : i32 to index
        %parallel_loop3A_311 = arith.constant 16 : index
        %parallel_loop3A_312 = tpu.vector_load %arg10[%parallel_loop3A_310, %parallel_loop3A_311] {strides = array<i32>} : memref<128x32xf32, #tpu.memory_space<vmem>>, vector<16xf32>,
        tpu.vector_store %arg10[%parallel_loop3A_310, %parallel_loop3A_311], %parallel_loop3A_309 {strides = array<i32>} : memref<128x32xf32, #tpu.memory_space<vmem>>, vector<16xf32>,
      } {sc.loop_unroll_factor = 8 : i64, sc.parallel_access}
      %dma_start3A_256 = arith.constant 0 : i32
      %dma_start3A_257 = tpu.memref_slice %arg8[%add3A_229, %dma_start3A_256] : memref<160x128xi32, #tpu.memory_space<vmem>> -> memref<1x128xi32, #tpu.memory_space<vmem>>
      %dma_start3A_258 = tpu.memref_squeeze %dma_start3A_257 : memref<1x128xi32, #tpu.memory_space<vmem>> -> memref<128xi32, #tpu.memory_space<vmem>>
      %dma_start3A_259 = arith.constant 0 : i32
      %dma_start3A_260 = arith.constant 0 : i32
      %dma_start3A_261 = tpu.memref_slice %arg14[%dma_start3A_259, %dma_start3A_260] : memref<10000x32xf32, #tpu.memory_space<vmem_shared>> -> memref<10000x32xf32, #tpu.memory_space<vmem_shared>>
      tpu.enqueue_indirect_dma source(%arg10 : memref<128x32xf32, #tpu.memory_space<vmem>>) target(%dma_start3A_261 : memref<10000x32xf32, #tpu.memory_space<vmem_shared>>) offsets(%dma_start3A_258 : memref<128xi32, #tpu.memory_space<vmem>>) semaphore(%arg20 : memref<!tpu.dma_semaphore, #tpu.memory_space<semaphore_mem>>) {add = true}
      %add3A_262 = arith.constant 3 : i32
      %add3A_263 = arith.addi %add3A_159, %add3A_262 : i32
      %dma_wait3A_264 = arith.constant 0 : i32
      %dma_wait3A_265 = arith.constant 0 : i32
      %dma_wait3A_266 = tpu.memref_slice %arg7[%dma_wait3A_264, %dma_wait3A_265] : memref<160x128xi32, #tpu.memory_space<vmem>> -> memref<1x128xi32, #tpu.memory_space<vmem>>
      %dma_wait3A_267 = tpu.memref_squeeze %dma_wait3A_266 : memref<1x128xi32, #tpu.memory_space<vmem>> -> memref<128xi32, #tpu.memory_space<vmem>>
      %dma_wait3A_268 = arith.constant 0 : i32
      %dma_wait3A_269 = arith.constant 0 : i32
      %dma_wait3A_270 = tpu.memref_slice %arg15[%dma_wait3A_268, %dma_wait3A_269] : memref<10000x32xf32, #tpu.memory_space<vmem_shared>> -> memref<10000x32xf32, #tpu.memory_space<vmem_shared>>
      tpu.wait_indirect_dma semaphore(%arg17 : memref<!tpu.dma_semaphore, #tpu.memory_space<semaphore_mem>>) src(%dma_wait3A_270 : memref<10000x32xf32, #tpu.memory_space<vmem_shared>>) dst(%arg11 : memref<128x32xf32, #tpu.memory_space<vmem>>)
      %dma_wait3A_271 = arith.constant 0 : i32
      %dma_wait3A_272 = arith.constant 0 : i32
      %dma_wait3A_273 = tpu.memref_slice %arg8[%dma_wait3A_271, %dma_wait3A_272] : memref<160x128xi32, #tpu.memory_space<vmem>> -> memref<1x128xi32, #tpu.memory_space<vmem>>
      %dma_wait3A_274 = tpu.memref_squeeze %dma_wait3A_273 : memref<1x128xi32, #tpu.memory_space<vmem>> -> memref<128xi32, #tpu.memory_space<vmem>>
      %dma_wait3A_275 = arith.constant 0 : i32
      %dma_wait3A_276 = arith.constant 0 : i32
      %dma_wait3A_277 = tpu.memref_slice %arg14[%dma_wait3A_275, %dma_wait3A_276] : memref<10000x32xf32, #tpu.memory_space<vmem_shared>> -> memref<10000x32xf32, #tpu.memory_space<vmem_shared>>
      tpu.wait_indirect_dma semaphore(%arg23 : memref<!tpu.dma_semaphore, #tpu.memory_space<semaphore_mem>>) src(%arg13 : memref<128x32xf32, #tpu.memory_space<vmem>>) dst(%dma_wait3A_277 : memref<10000x32xf32, #tpu.memory_space<vmem_shared>>)
      %add3A_278 = arith.constant 2 : i32
      %add3A_279 = arith.addi %add3A_263, %add3A_278 : i32
      %dma_start3A_280 = arith.constant 0 : i32
      %dma_start3A_281 = tpu.memref_slice %arg7[%add3A_279, %dma_start3A_280] : memref<160x128xi32, #tpu.memory_space<vmem>> -> memref<1x128xi32, #tpu.memory_space<vmem>>
      %dma_start3A_282 = tpu.memref_squeeze %dma_start3A_281 : memref<1x128xi32, #tpu.memory_space<vmem>> -> memref<128xi32, #tpu.memory_space<vmem>>
      %dma_start3A_283 = arith.constant 0 : i32
      %dma_start3A_284 = arith.constant 0 : i32
      %dma_start3A_285 = tpu.memref_slice %arg15[%dma_start3A_283, %dma_start3A_284] : memref<10000x32xf32, #tpu.memory_space<vmem_shared>> -> memref<10000x32xf32, #tpu.memory_space<vmem_shared>>
      tpu.enqueue_indirect_dma source(%dma_start3A_285 : memref<10000x32xf32, #tpu.memory_space<vmem_shared>>) target(%arg13 : memref<128x32xf32, #tpu.memory_space<vmem>>) offsets(%dma_start3A_282 : memref<128xi32, #tpu.memory_space<vmem>>) semaphore(%arg19 : memref<!tpu.dma_semaphore, #tpu.memory_space<semaphore_mem>>)
      %broadcast_in_dim3A_286 = vector.broadcast %add3A_263 : i32 to vector<16xi32>
      %parallel_loop3A_287 = arith.constant 0 : i32
      %parallel_loop3A_288 = arith.constant 128 : i32
      %parallel_loop3A_289 = arith.constant 1 : i32
      scf.for %parallel_loop3A_296 = %parallel_loop3A_287 to %parallel_loop3A_288 step %parallel_loop3A_289  : i32 {
        %parallel_loop3A_297 = vector.broadcast %parallel_loop3A_296 : i32 to vector<16xi32>
        %parallel_loop3A_298 = tpu.vector_load_idx %arg9[%broadcast_in_dim3A_286, %parallel_loop3A_297] : memref<160x128xf32, #tpu.memory_space<vmem>>[vector<16xi32>, vector<16xi32>], vector<16xf32>,
        %parallel_loop3A_299 = arith.index_cast %parallel_loop3A_296 : i32 to index
        %parallel_loop3A_300 = arith.constant 0 : index
        %parallel_loop3A_301 = tpu.vector_load %arg11[%parallel_loop3A_299, %parallel_loop3A_300] {strides = array<i32>} : memref<128x32xf32, #tpu.memory_space<vmem>>, vector<16xf32>,
        %parallel_loop3A_302 = arith.mulf %parallel_loop3A_301, %parallel_loop3A_298 : vector<16xf32>
        %parallel_loop3A_303 = arith.index_cast %parallel_loop3A_296 : i32 to index
        %parallel_loop3A_304 = arith.constant 0 : index
        %parallel_loop3A_305 = tpu.vector_load %arg11[%parallel_loop3A_303, %parallel_loop3A_304] {strides = array<i32>} : memref<128x32xf32, #tpu.memory_space<vmem>>, vector<16xf32>,
        tpu.vector_store %arg11[%parallel_loop3A_303, %parallel_loop3A_304], %parallel_loop3A_302 {strides = array<i32>} : memref<128x32xf32, #tpu.memory_space<vmem>>, vector<16xf32>,
        %parallel_loop3A_306 = arith.index_cast %parallel_loop3A_296 : i32 to index
        %parallel_loop3A_307 = arith.constant 16 : index
        %parallel_loop3A_308 = tpu.vector_load %arg11[%parallel_loop3A_306, %parallel_loop3A_307] {strides = array<i32>} : memref<128x32xf32, #tpu.memory_space<vmem>>, vector<16xf32>,
        %parallel_loop3A_309 = arith.mulf %parallel_loop3A_308, %parallel_loop3A_298 : vector<16xf32>
        %parallel_loop3A_310 = arith.index_cast %parallel_loop3A_296 : i32 to index
        %parallel_loop3A_311 = arith.constant 16 : index
        %parallel_loop3A_312 = tpu.vector_load %arg11[%parallel_loop3A_310, %parallel_loop3A_311] {strides = array<i32>} : memref<128x32xf32, #tpu.memory_space<vmem>>, vector<16xf32>,
        tpu.vector_store %arg11[%parallel_loop3A_310, %parallel_loop3A_311], %parallel_loop3A_309 {strides = array<i32>} : memref<128x32xf32, #tpu.memory_space<vmem>>, vector<16xf32>,
      } {sc.loop_unroll_factor = 8 : i64, sc.parallel_access}
      %dma_start3A_290 = arith.constant 0 : i32
      %dma_start3A_291 = tpu.memref_slice %arg8[%add3A_263, %dma_start3A_290] : memref<160x128xi32, #tpu.memory_space<vmem>> -> memref<1x128xi32, #tpu.memory_space<vmem>>
      %dma_start3A_292 = tpu.memref_squeeze %dma_start3A_291 : memref<1x128xi32, #tpu.memory_space<vmem>> -> memref<128xi32, #tpu.memory_space<vmem>>
      %dma_start3A_293 = arith.constant 0 : i32
      %dma_start3A_294 = arith.constant 0 : i32
      %dma_start3A_295 = tpu.memref_slice %arg14[%dma_start3A_293, %dma_start3A_294] : memref<10000x32xf32, #tpu.memory_space<vmem_shared>> -> memref<10000x32xf32, #tpu.memory_space<vmem_shared>>
      tpu.enqueue_indirect_dma source(%arg11 : memref<128x32xf32, #tpu.memory_space<vmem>>) target(%dma_start3A_295 : memref<10000x32xf32, #tpu.memory_space<vmem_shared>>) offsets(%dma_start3A_292 : memref<128xi32, #tpu.memory_space<vmem>>) semaphore(%arg21 : memref<!tpu.dma_semaphore, #tpu.memory_space<semaphore_mem>>) {add = true}
    }
    %scan3A_83 = arith.constant 39 : i32
    %dma_wait3A_84 = arith.constant 0 : i32
    %dma_wait3A_85 = arith.constant 0 : i32
    %dma_wait3A_86 = tpu.memref_slice %arg7[%dma_wait3A_84, %dma_wait3A_85] : memref<160x128xi32, #tpu.memory_space<vmem>> -> memref<1x128xi32, #tpu.memory_space<vmem>>
    %dma_wait3A_87 = tpu.memref_squeeze %dma_wait3A_86 : memref<1x128xi32, #tpu.memory_space<vmem>> -> memref<128xi32, #tpu.memory_space<vmem>>
    %dma_wait3A_88 = arith.constant 0 : i32
    %dma_wait3A_89 = arith.constant 0 : i32
    %dma_wait3A_90 = tpu.memref_slice %arg15[%dma_wait3A_88, %dma_wait3A_89] : memref<10000x32xf32, #tpu.memory_space<vmem_shared>> -> memref<10000x32xf32, #tpu.memory_space<vmem_shared>>
    tpu.wait_indirect_dma semaphore(%arg18 : memref<!tpu.dma_semaphore, #tpu.memory_space<semaphore_mem>>) src(%dma_wait3A_90 : memref<10000x32xf32, #tpu.memory_space<vmem_shared>>) dst(%arg12 : memref<128x32xf32, #tpu.memory_space<vmem>>)
    %broadcast_in_dim3A_91 = arith.constant 158 : i32
    %broadcast_in_dim3A_92 = vector.broadcast %broadcast_in_dim3A_91 : i32 to vector<16xi32>
    %parallel_loop3A_93 = arith.constant 0 : i32
    %parallel_loop3A_94 = arith.constant 128 : i32
    %parallel_loop3A_95 = arith.constant 1 : i32
    scf.for %parallel_loop3A_156 = %parallel_loop3A_93 to %parallel_loop3A_94 step %parallel_loop3A_95  : i32 {
      %parallel_loop3A_157 = vector.broadcast %parallel_loop3A_156 : i32 to vector<16xi32>
      %parallel_loop3A_158 = tpu.vector_load_idx %arg9[%broadcast_in_dim3A_92, %parallel_loop3A_157] : memref<160x128xf32, #tpu.memory_space<vmem>>[vector<16xi32>, vector<16xi32>], vector<16xf32>,
      %parallel_loop3A_159 = arith.index_cast %parallel_loop3A_156 : i32 to index
      %parallel_loop3A_160 = arith.constant 0 : index
      %parallel_loop3A_161 = tpu.vector_load %arg12[%parallel_loop3A_159, %parallel_loop3A_160] {strides = array<i32>} : memref<128x32xf32, #tpu.memory_space<vmem>>, vector<16xf32>,
      %parallel_loop3A_162 = arith.mulf %parallel_loop3A_161, %parallel_loop3A_158 : vector<16xf32>
      %parallel_loop3A_163 = arith.index_cast %parallel_loop3A_156 : i32 to index
      %parallel_loop3A_164 = arith.constant 0 : index
      %parallel_loop3A_165 = tpu.vector_load %arg12[%parallel_loop3A_163, %parallel_loop3A_164] {strides = array<i32>} : memref<128x32xf32, #tpu.memory_space<vmem>>, vector<16xf32>,
      tpu.vector_store %arg12[%parallel_loop3A_163, %parallel_loop3A_164], %parallel_loop3A_162 {strides = array<i32>} : memref<128x32xf32, #tpu.memory_space<vmem>>, vector<16xf32>,
      %parallel_loop3A_166 = arith.index_cast %parallel_loop3A_156 : i32 to index
      %parallel_loop3A_167 = arith.constant 16 : index
      %parallel_loop3A_168 = tpu.vector_load %arg12[%parallel_loop3A_166, %parallel_loop3A_167] {strides = array<i32>} : memref<128x32xf32, #tpu.memory_space<vmem>>, vector<16xf32>,
      %parallel_loop3A_169 = arith.mulf %parallel_loop3A_168, %parallel_loop3A_158 : vector<16xf32>
      %parallel_loop3A_170 = arith.index_cast %parallel_loop3A_156 : i32 to index
      %parallel_loop3A_171 = arith.constant 16 : index
      %parallel_loop3A_172 = tpu.vector_load %arg12[%parallel_loop3A_170, %parallel_loop3A_171] {strides = array<i32>} : memref<128x32xf32, #tpu.memory_space<vmem>>, vector<16xf32>,
      tpu.vector_store %arg12[%parallel_loop3A_170, %parallel_loop3A_171], %parallel_loop3A_169 {strides = array<i32>} : memref<128x32xf32, #tpu.memory_space<vmem>>, vector<16xf32>,
    } {sc.loop_unroll_factor = 8 : i64, sc.parallel_access}
    %dma_start3A_96 = arith.constant 158 : i32
    %dma_start3A_97 = arith.constant 0 : i32
    %dma_start3A_98 = tpu.memref_slice %arg8[%dma_start3A_96, %dma_start3A_97] : memref<160x128xi32, #tpu.memory_space<vmem>> -> memref<1x128xi32, #tpu.memory_space<vmem>>
    %dma_start3A_99 = tpu.memref_squeeze %dma_start3A_98 : memref<1x128xi32, #tpu.memory_space<vmem>> -> memref<128xi32, #tpu.memory_space<vmem>>
    %dma_start3A_100 = arith.constant 0 : i32
    %dma_start3A_101 = arith.constant 0 : i32
    %dma_start3A_102 = tpu.memref_slice %arg14[%dma_start3A_100, %dma_start3A_101] : memref<10000x32xf32, #tpu.memory_space<vmem_shared>> -> memref<10000x32xf32, #tpu.memory_space<vmem_shared>>
    tpu.enqueue_indirect_dma source(%arg12 : memref<128x32xf32, #tpu.memory_space<vmem>>) target(%dma_start3A_102 : memref<10000x32xf32, #tpu.memory_space<vmem_shared>>) offsets(%dma_start3A_99 : memref<128xi32, #tpu.memory_space<vmem>>) semaphore(%arg22 : memref<!tpu.dma_semaphore, #tpu.memory_space<semaphore_mem>>) {add = true}
    %dma_wait3A_103 = arith.constant 0 : i32
    %dma_wait3A_104 = arith.constant 0 : i32
    %dma_wait3A_105 = tpu.memref_slice %arg7[%dma_wait3A_103, %dma_wait3A_104] : memref<160x128xi32, #tpu.memory_space<vmem>> -> memref<1x128xi32, #tpu.memory_space<vmem>>
    %dma_wait3A_106 = tpu.memref_squeeze %dma_wait3A_105 : memref<1x128xi32, #tpu.memory_space<vmem>> -> memref<128xi32, #tpu.memory_space<vmem>>
    %dma_wait3A_107 = arith.constant 0 : i32
    %dma_wait3A_108 = arith.constant 0 : i32
    %dma_wait3A_109 = tpu.memref_slice %arg15[%dma_wait3A_107, %dma_wait3A_108] : memref<10000x32xf32, #tpu.memory_space<vmem_shared>> -> memref<10000x32xf32, #tpu.memory_space<vmem_shared>>
    tpu.wait_indirect_dma semaphore(%arg19 : memref<!tpu.dma_semaphore, #tpu.memory_space<semaphore_mem>>) src(%dma_wait3A_109 : memref<10000x32xf32, #tpu.memory_space<vmem_shared>>) dst(%arg13 : memref<128x32xf32, #tpu.memory_space<vmem>>)
    %broadcast_in_dim3A_110 = arith.constant 159 : i32
    %broadcast_in_dim3A_111 = vector.broadcast %broadcast_in_dim3A_110 : i32 to vector<16xi32>
    %parallel_loop3A_112 = arith.constant 0 : i32
    %parallel_loop3A_113 = arith.constant 128 : i32
    %parallel_loop3A_114 = arith.constant 1 : i32
    scf.for %parallel_loop3A_156 = %parallel_loop3A_112 to %parallel_loop3A_113 step %parallel_loop3A_114  : i32 {
      %parallel_loop3A_157 = vector.broadcast %parallel_loop3A_156 : i32 to vector<16xi32>
      %parallel_loop3A_158 = tpu.vector_load_idx %arg9[%broadcast_in_dim3A_111, %parallel_loop3A_157] : memref<160x128xf32, #tpu.memory_space<vmem>>[vector<16xi32>, vector<16xi32>], vector<16xf32>,
      %parallel_loop3A_159 = arith.index_cast %parallel_loop3A_156 : i32 to index
      %parallel_loop3A_160 = arith.constant 0 : index
      %parallel_loop3A_161 = tpu.vector_load %arg13[%parallel_loop3A_159, %parallel_loop3A_160] {strides = array<i32>} : memref<128x32xf32, #tpu.memory_space<vmem>>, vector<16xf32>,
      %parallel_loop3A_162 = arith.mulf %parallel_loop3A_161, %parallel_loop3A_158 : vector<16xf32>
      %parallel_loop3A_163 = arith.index_cast %parallel_loop3A_156 : i32 to index
      %parallel_loop3A_164 = arith.constant 0 : index
      %parallel_loop3A_165 = tpu.vector_load %arg13[%parallel_loop3A_163, %parallel_loop3A_164] {strides = array<i32>} : memref<128x32xf32, #tpu.memory_space<vmem>>, vector<16xf32>,
      tpu.vector_store %arg13[%parallel_loop3A_163, %parallel_loop3A_164], %parallel_loop3A_162 {strides = array<i32>} : memref<128x32xf32, #tpu.memory_space<vmem>>, vector<16xf32>,
      %parallel_loop3A_166 = arith.index_cast %parallel_loop3A_156 : i32 to index
      %parallel_loop3A_167 = arith.constant 16 : index
      %parallel_loop3A_168 = tpu.vector_load %arg13[%parallel_loop3A_166, %parallel_loop3A_167] {strides = array<i32>} : memref<128x32xf32, #tpu.memory_space<vmem>>, vector<16xf32>,
      %parallel_loop3A_169 = arith.mulf %parallel_loop3A_168, %parallel_loop3A_158 : vector<16xf32>
      %parallel_loop3A_170 = arith.index_cast %parallel_loop3A_156 : i32 to index
      %parallel_loop3A_171 = arith.constant 16 : index
      %parallel_loop3A_172 = tpu.vector_load %arg13[%parallel_loop3A_170, %parallel_loop3A_171] {strides = array<i32>} : memref<128x32xf32, #tpu.memory_space<vmem>>, vector<16xf32>,
      tpu.vector_store %arg13[%parallel_loop3A_170, %parallel_loop3A_171], %parallel_loop3A_169 {strides = array<i32>} : memref<128x32xf32, #tpu.memory_space<vmem>>, vector<16xf32>,
    } {sc.loop_unroll_factor = 8 : i64, sc.parallel_access}
    %dma_start3A_115 = arith.constant 159 : i32
    %dma_start3A_116 = arith.constant 0 : i32
    %dma_start3A_117 = tpu.memref_slice %arg8[%dma_start3A_115, %dma_start3A_116] : memref<160x128xi32, #tpu.memory_space<vmem>> -> memref<1x128xi32, #tpu.memory_space<vmem>>
    %dma_start3A_118 = tpu.memref_squeeze %dma_start3A_117 : memref<1x128xi32, #tpu.memory_space<vmem>> -> memref<128xi32, #tpu.memory_space<vmem>>
    %dma_start3A_119 = arith.constant 0 : i32
    %dma_start3A_120 = arith.constant 0 : i32
    %dma_start3A_121 = tpu.memref_slice %arg14[%dma_start3A_119, %dma_start3A_120] : memref<10000x32xf32, #tpu.memory_space<vmem_shared>> -> memref<10000x32xf32, #tpu.memory_space<vmem_shared>>
    tpu.enqueue_indirect_dma source(%arg13 : memref<128x32xf32, #tpu.memory_space<vmem>>) target(%dma_start3A_121 : memref<10000x32xf32, #tpu.memory_space<vmem_shared>>) offsets(%dma_start3A_118 : memref<128xi32, #tpu.memory_space<vmem>>) semaphore(%arg23 : memref<!tpu.dma_semaphore, #tpu.memory_space<semaphore_mem>>) {add = true}
    %dma_wait3A_122 = arith.constant 0 : i32
    %dma_wait3A_123 = arith.constant 0 : i32
    %dma_wait3A_124 = tpu.memref_slice %arg8[%dma_wait3A_122, %dma_wait3A_123] : memref<160x128xi32, #tpu.memory_space<vmem>> -> memref<1x128xi32, #tpu.memory_space<vmem>>
    %dma_wait3A_125 = tpu.memref_squeeze %dma_wait3A_124 : memref<1x128xi32, #tpu.memory_space<vmem>> -> memref<128xi32, #tpu.memory_space<vmem>>
    %dma_wait3A_126 = arith.constant 0 : i32
    %dma_wait3A_127 = arith.constant 0 : i32
    %dma_wait3A_128 = tpu.memref_slice %arg14[%dma_wait3A_126, %dma_wait3A_127] : memref<10000x32xf32, #tpu.memory_space<vmem_shared>> -> memref<10000x32xf32, #tpu.memory_space<vmem_shared>>
    tpu.wait_indirect_dma semaphore(%arg20 : memref<!tpu.dma_semaphore, #tpu.memory_space<semaphore_mem>>) src(%arg10 : memref<128x32xf32, #tpu.memory_space<vmem>>) dst(%dma_wait3A_128 : memref<10000x32xf32, #tpu.memory_space<vmem_shared>>)
    %dma_wait3A_129 = arith.constant 0 : i32
    %dma_wait3A_130 = arith.constant 0 : i32
    %dma_wait3A_131 = tpu.memref_slice %arg8[%dma_wait3A_129, %dma_wait3A_130] : memref<160x128xi32, #tpu.memory_space<vmem>> -> memref<1x128xi32, #tpu.memory_space<vmem>>
    %dma_wait3A_132 = tpu.memref_squeeze %dma_wait3A_131 : memref<1x128xi32, #tpu.memory_space<vmem>> -> memref<128xi32, #tpu.memory_space<vmem>>
    %dma_wait3A_133 = arith.constant 0 : i32
    %dma_wait3A_134 = arith.constant 0 : i32
    %dma_wait3A_135 = tpu.memref_slice %arg14[%dma_wait3A_133, %dma_wait3A_134] : memref<10000x32xf32, #tpu.memory_space<vmem_shared>> -> memref<10000x32xf32, #tpu.memory_space<vmem_shared>>
    tpu.wait_indirect_dma semaphore(%arg21 : memref<!tpu.dma_semaphore, #tpu.memory_space<semaphore_mem>>) src(%arg11 : memref<128x32xf32, #tpu.memory_space<vmem>>) dst(%dma_wait3A_135 : memref<10000x32xf32, #tpu.memory_space<vmem_shared>>)
    %dma_wait3A_136 = arith.constant 0 : i32
    %dma_wait3A_137 = arith.constant 0 : i32
    %dma_wait3A_138 = tpu.memref_slice %arg8[%dma_wait3A_136, %dma_wait3A_137] : memref<160x128xi32, #tpu.memory_space<vmem>> -> memref<1x128xi32, #tpu.memory_space<vmem>>
    %dma_wait3A_139 = tpu.memref_squeeze %dma_wait3A_138 : memref<1x128xi32, #tpu.memory_space<vmem>> -> memref<128xi32, #tpu.memory_space<vmem>>
    %dma_wait3A_140 = arith.constant 0 : i32
    %dma_wait3A_141 = arith.constant 0 : i32
    %dma_wait3A_142 = tpu.memref_slice %arg14[%dma_wait3A_140, %dma_wait3A_141] : memref<10000x32xf32, #tpu.memory_space<vmem_shared>> -> memref<10000x32xf32, #tpu.memory_space<vmem_shared>>
    tpu.wait_indirect_dma semaphore(%arg22 : memref<!tpu.dma_semaphore, #tpu.memory_space<semaphore_mem>>) src(%arg12 : memref<128x32xf32, #tpu.memory_space<vmem>>) dst(%dma_wait3A_142 : memref<10000x32xf32, #tpu.memory_space<vmem_shared>>)
    %dma_wait3A_143 = arith.constant 0 : i32
    %dma_wait3A_144 = arith.constant 0 : i32
    %dma_wait3A_145 = tpu.memref_slice %arg8[%dma_wait3A_143, %dma_wait3A_144] : memref<160x128xi32, #tpu.memory_space<vmem>> -> memref<1x128xi32, #tpu.memory_space<vmem>>
    %dma_wait3A_146 = tpu.memref_squeeze %dma_wait3A_145 : memref<1x128xi32, #tpu.memory_space<vmem>> -> memref<128xi32, #tpu.memory_space<vmem>>
    %dma_wait3A_147 = arith.constant 0 : i32
    %dma_wait3A_148 = arith.constant 0 : i32
    %dma_wait3A_149 = tpu.memref_slice %arg14[%dma_wait3A_147, %dma_wait3A_148] : memref<10000x32xf32, #tpu.memory_space<vmem_shared>> -> memref<10000x32xf32, #tpu.memory_space<vmem_shared>>
    tpu.wait_indirect_dma semaphore(%arg23 : memref<!tpu.dma_semaphore, #tpu.memory_space<semaphore_mem>>) src(%arg13 : memref<128x32xf32, #tpu.memory_space<vmem>>) dst(%dma_wait3A_149 : memref<10000x32xf32, #tpu.memory_space<vmem_shared>>)
    %barrier3A_150 = arith.constant 0 : index
    tpu.barrier barrier_id(%barrier3A_150)
    "tpu.region"() ({
      %run_scoped3A = tpu.sem_alloc : memref<!tpu.dma_semaphore, #tpu.memory_space<semaphore_mem>>
      %dma_start3A_156 = arith.constant 0 : i32
      %dma_start3A_157 = tpu.memref_slice %arg6[%arg0, %mul3A_6, %dma_start3A_156] : memref<2x10000x32xf32, #tpu.memory_space<hbm>> -> memref<1x624x32xf32, #tpu.memory_space<hbm>>
      %dma_start3A_158 = tpu.memref_squeeze %dma_start3A_157 : memref<1x624x32xf32, #tpu.memory_space<hbm>> -> memref<624x32xf32, #tpu.memory_space<hbm>>
      %dma_start3A_159 = arith.constant 0 : i32
      %dma_start3A_160 = tpu.memref_slice %arg14[%mul3A_6, %dma_start3A_159] : memref<10000x32xf32, #tpu.memory_space<vmem_shared>> -> memref<624x32xf32, #tpu.memory_space<vmem_shared>>
      tpu.enqueue_dma source(%dma_start3A_160 : memref<624x32xf32, #tpu.memory_space<vmem_shared>>) target(%dma_start3A_158 : memref<624x32xf32, #tpu.memory_space<hbm>>) target_semaphore(%run_scoped3A : memref<!tpu.dma_semaphore, #tpu.memory_space<semaphore_mem>>)
      %dma_wait3A_161 = arith.constant 0 : i32
      %dma_wait3A_162 = tpu.memref_slice %arg6[%arg0, %mul3A_6, %dma_wait3A_161] : memref<2x10000x32xf32, #tpu.memory_space<hbm>> -> memref<1x624x32xf32, #tpu.memory_space<hbm>>
      %dma_wait3A_163 = tpu.memref_squeeze %dma_wait3A_162 : memref<1x624x32xf32, #tpu.memory_space<hbm>> -> memref<624x32xf32, #tpu.memory_space<hbm>>
      %dma_wait3A_164 = arith.constant 0 : i32
      %dma_wait3A_165 = tpu.memref_slice %arg14[%mul3A_6, %dma_wait3A_164] : memref<10000x32xf32, #tpu.memory_space<vmem_shared>> -> memref<624x32xf32, #tpu.memory_space<vmem_shared>>
      tpu.wait_dma2 semaphore(%run_scoped3A : memref<!tpu.dma_semaphore, #tpu.memory_space<semaphore_mem>>) src(%dma_wait3A_165 : memref<624x32xf32, #tpu.memory_space<vmem_shared>>) dst(%dma_wait3A_163 : memref<624x32xf32, #tpu.memory_space<hbm>>)
      tpu.yield
    }) : () -> ()
    %eq3A_151 = arith.constant 15 : i32
    %eq3A_152 = arith.cmpi eq, %arg1, %eq3A_151 : i32
    %convert_element_type3A_153 = arith.extui %eq3A_152 : i1 to i32
    %cond3A_154 = arith.constant 0 : i32
    %cond3A_155 = arith.cmpi ne, %convert_element_type3A_153, %cond3A_154 : i32
    scf.if %cond3A_155 {
      "tpu.region"() ({
        %run_scoped3A = tpu.sem_alloc : memref<!tpu.dma_semaphore, #tpu.memory_space<semaphore_mem>>
        %dma_start3A_156 = arith.constant 9984 : i32
        %dma_start3A_157 = arith.constant 0 : i32
        %dma_start3A_158 = tpu.memref_slice %arg6[%arg0, %dma_start3A_156, %dma_start3A_157] : memref<2x10000x32xf32, #tpu.memory_space<hbm>> -> memref<1x16x32xf32, #tpu.memory_space<hbm>>
        %dma_start3A_159 = tpu.memref_squeeze %dma_start3A_158 : memref<1x16x32xf32, #tpu.memory_space<hbm>> -> memref<16x32xf32, #tpu.memory_space<hbm>>
        %dma_start3A_160 = arith.constant 9984 : i32
        %dma_start3A_161 = arith.constant 0 : i32
        %dma_start3A_162 = tpu.memref_slice %arg14[%dma_start3A_160, %dma_start3A_161] : memref<10000x32xf32, #tpu.memory_space<vmem_shared>> -> memref<16x32xf32, #tpu.memory_space<vmem_shared>>
        tpu.enqueue_dma source(%dma_start3A_162 : memref<16x32xf32, #tpu.memory_space<vmem_shared>>) target(%dma_start3A_159 : memref<16x32xf32, #tpu.memory_space<hbm>>) target_semaphore(%run_scoped3A : memref<!tpu.dma_semaphore, #tpu.memory_space<semaphore_mem>>)
        %dma_wait3A_163 = arith.constant 9984 : i32
        %dma_wait3A_164 = arith.constant 0 : i32
        %dma_wait3A_165 = tpu.memref_slice %arg6[%arg0, %dma_wait3A_163, %dma_wait3A_164] : memref<2x10000x32xf32, #tpu.memory_space<hbm>> -> memref<1x16x32xf32, #tpu.memory_space<hbm>>
        %dma_wait3A_166 = tpu.memref_squeeze %dma_wait3A_165 : memref<1x16x32xf32, #tpu.memory_space<hbm>> -> memref<16x32xf32, #tpu.memory_space<hbm>>
        %dma_wait3A_167 = arith.constant 9984 : i32
        %dma_wait3A_168 = arith.constant 0 : i32
        %dma_wait3A_169 = tpu.memref_slice %arg14[%dma_wait3A_167, %dma_wait3A_168] : memref<10000x32xf32, #tpu.memory_space<vmem_shared>> -> memref<16x32xf32, #tpu.memory_space<vmem_shared>>
        tpu.wait_dma2 semaphore(%run_scoped3A : memref<!tpu.dma_semaphore, #tpu.memory_space<semaphore_mem>>) src(%dma_wait3A_169 : memref<16x32xf32, #tpu.memory_space<vmem_shared>>) dst(%dma_wait3A_166 : memref<16x32xf32, #tpu.memory_space<hbm>>)
        tpu.yield
      }) : () -> ()
    } else {
    }
    return
  }
}

module attributes {stable_mosaic.version = 14 : i64} {
  func.func @body(%arg0: memref<10000x128xf32, #tpu.memory_space<vmem>>, %arg1: memref<128x64xf32, #tpu.memory_space<vmem>>, %arg2: memref<10000x64xf32, #tpu.memory_space<vmem>>) attributes {dimension_semantics = [], scalar_prefetch = 0 : i64, scratch_operands = 0 : i64, tpu.core_type = #tpu.core_type<tc>} {
    %get3A = arith.constant 0 : index
    %get3A_0 = arith.constant 0 : index
    %get3A_1 = vector.load %arg0[%get3A, %get3A_0] : memref<10000x128xf32, #tpu.memory_space<vmem>>, vector<10000x128xf32>
    %get3A_2 = arith.constant 0 : index
    %get3A_3 = arith.constant 0 : index
    %get3A_4 = vector.load %arg1[%get3A_2, %get3A_3] : memref<128x64xf32, #tpu.memory_space<vmem>>, vector<128x64xf32>
    %dot_general3A = arith.constant dense<0.000000e+00> : vector<10000x64xf32>
    %dot_general3A_5 = tpu.matmul %get3A_1, %get3A_4, %dot_general3A {dimension_numbers = #tpu.dot_dimension_numbers<[1], [0], [0], [1], [0, 0, 1, 1], [], []>, transpose_lhs_hint = false} : vector<10000x128xf32>, vector<128x64xf32>, vector<10000x64xf32> -> vector<10000x64xf32>
    %swap3A = arith.constant 0 : index
    %swap3A_6 = arith.constant 0 : index
    %swap3A_7 = vector.load %arg2[%swap3A, %swap3A_6] : memref<10000x64xf32, #tpu.memory_space<vmem>>, vector<10000x64xf32>
    tpu.vector_store %arg2[%swap3A, %swap3A_6], %dot_general3A_5 {strides = array<i32>} : memref<10000x64xf32, #tpu.memory_space<vmem>>, vector<10000x64xf32>,
    return
  }
}

module attributes {stable_mosaic.version = 14 : i64} {
  func.func @body(%arg0: memref<10000x32xf32, #tpu.memory_space<vmem>>, %arg1: memref<10000x64xf32, #tpu.memory_space<vmem>>, %arg2: memref<10000x1xf32, #tpu.memory_space<vmem>>, %arg3: memref<10000x64xf32, #tpu.memory_space<vmem>>) attributes {dimension_semantics = [], scalar_prefetch = 0 : i64, scratch_operands = 0 : i64, tpu.core_type = #tpu.core_type<tc>} {
    %get3A = arith.constant 0 : index
    %get3A_0 = arith.constant 0 : index
    %get3A_1 = vector.load %arg0[%get3A, %get3A_0] : memref<10000x32xf32, #tpu.memory_space<vmem>>, vector<10000x32xf32>
    %reduce_sum3A = arith.constant dense<0.000000e+00> : vector<10000xf32>
    %reduce_sum3A_2 = vector.multi_reduction <add>, %get3A_1, %reduce_sum3A [1] : vector<10000x32xf32> to vector<10000xf32>
    %broadcast_in_dim3A = vector.shape_cast %reduce_sum3A_2 : vector<10000xf32> to vector<10000x1xf32>
    %add3A = arith.constant 1.000000e+00 : f32
    %add3A_3 = vector.broadcast %add3A : f32 to vector<10000x1xf32>
    %add3A_4 = arith.addf %broadcast_in_dim3A, %add3A_3 : vector<10000x1xf32>
    %rsqrt3A = math.rsqrt %add3A_4 : vector<10000x1xf32>
    %swap3A = arith.constant 0 : index
    %swap3A_5 = arith.constant 0 : index
    %swap3A_6 = vector.load %arg2[%swap3A, %swap3A_5] : memref<10000x1xf32, #tpu.memory_space<vmem>>, vector<10000x1xf32>
    tpu.vector_store %arg2[%swap3A, %swap3A_5], %rsqrt3A {strides = array<i32>} : memref<10000x1xf32, #tpu.memory_space<vmem>>, vector<10000x1xf32>,
    %get3A_7 = arith.constant 0 : index
    %get3A_8 = arith.constant 0 : index
    %get3A_9 = vector.load %arg1[%get3A_7, %get3A_8] : memref<10000x64xf32, #tpu.memory_space<vmem>>, vector<10000x64xf32>
    %mul3A = vector.broadcast %rsqrt3A : vector<10000x1xf32> to vector<10000x64xf32>
    %mul3A_10 = arith.mulf %get3A_9, %mul3A : vector<10000x64xf32>
    %swap3A_11 = arith.constant 0 : index
    %swap3A_12 = arith.constant 0 : index
    %swap3A_13 = vector.load %arg3[%swap3A_11, %swap3A_12] : memref<10000x64xf32, #tpu.memory_space<vmem>>, vector<10000x64xf32>
    tpu.vector_store %arg3[%swap3A_11, %swap3A_12], %mul3A_10 {strides = array<i32>} : memref<10000x64xf32, #tpu.memory_space<vmem>>, vector<10000x64xf32>,
    return
  }
}

module attributes {stable_mosaic.version = 14 : i64} {
  func.func @body(%arg0: memref<2x10000x32xf32, #tpu.memory_space<vmem>>, %arg1: memref<10000x64xf32, #tpu.memory_space<vmem>>, %arg2: memref<10000x1xf32, #tpu.memory_space<vmem>>, %arg3: memref<1x64xf32, #tpu.memory_space<vmem>>, %arg4: memref<64x64xf32, #tpu.memory_space<vmem>>, %arg5: memref<10000x64xf32, #tpu.memory_space<vmem>>) attributes {dimension_semantics = [], scalar_prefetch = 0 : i64, scratch_operands = 0 : i64, tpu.core_type = #tpu.core_type<tc>} {
    %get3A = arith.constant 0 : index
    %get3A_0 = arith.constant 0 : index
    %get3A_1 = arith.constant 0 : index
    %get3A_2 = vector.load %arg0[%get3A, %get3A_0, %get3A_1] : memref<2x10000x32xf32, #tpu.memory_space<vmem>>, vector<1x10000x32xf32>
    %get3A_3 = vector.shape_cast %get3A_2 : vector<1x10000x32xf32> to vector<10000x32xf32>
    %get3A_4 = arith.constant 1 : index
    %get3A_5 = arith.constant 0 : index
    %get3A_6 = arith.constant 0 : index
    %get3A_7 = vector.load %arg0[%get3A_4, %get3A_5, %get3A_6] : memref<2x10000x32xf32, #tpu.memory_space<vmem>>, vector<1x10000x32xf32>
    %get3A_8 = vector.shape_cast %get3A_7 : vector<1x10000x32xf32> to vector<10000x32xf32>
    %concatenate3A = tpu.concatenate %get3A_3, %get3A_8 in 1 : vector<10000x32xf32>, vector<10000x32xf32> -> vector<10000x64xf32>
    %get3A_9 = arith.constant 0 : index
    %get3A_10 = arith.constant 0 : index
    %get3A_11 = vector.load %arg1[%get3A_9, %get3A_10] : memref<10000x64xf32, #tpu.memory_space<vmem>>, vector<10000x64xf32>
    %add3A = arith.addf %concatenate3A, %get3A_11 : vector<10000x64xf32>
    %get3A_12 = arith.constant 0 : index
    %get3A_13 = arith.constant 0 : index
    %get3A_14 = vector.load %arg2[%get3A_12, %get3A_13] : memref<10000x1xf32, #tpu.memory_space<vmem>>, vector<10000x1xf32>
    %mul3A = vector.broadcast %get3A_14 : vector<10000x1xf32> to vector<10000x64xf32>
    %mul3A_15 = arith.mulf %mul3A, %add3A : vector<10000x64xf32>
    %get3A_16 = arith.constant 0 : index
    %get3A_17 = arith.constant 0 : index
    %get3A_18 = vector.load %arg3[%get3A_16, %get3A_17] : memref<1x64xf32, #tpu.memory_space<vmem>>, vector<1x64xf32>
    %add3A_19 = vector.broadcast %get3A_18 : vector<1x64xf32> to vector<10000x64xf32>
    %add3A_20 = arith.addf %mul3A_15, %add3A_19 : vector<10000x64xf32>
    %max3A = arith.constant 0.000000e+00 : f32
    %max3A_21 = vector.broadcast %max3A : f32 to vector<10000x64xf32>
    %max3A_22 = arith.maximumf %add3A_20, %max3A_21 : vector<10000x64xf32>
    %get3A_23 = arith.constant 0 : index
    %get3A_24 = arith.constant 0 : index
    %get3A_25 = vector.load %arg4[%get3A_23, %get3A_24] : memref<64x64xf32, #tpu.memory_space<vmem>>, vector<64x64xf32>
    %dot_general3A = arith.constant dense<0.000000e+00> : vector<10000x64xf32>
    %dot_general3A_26 = tpu.matmul %max3A_22, %get3A_25, %dot_general3A {dimension_numbers = #tpu.dot_dimension_numbers<[1], [0], [0], [1], [0, 0, 1, 1], [], []>, transpose_lhs_hint = false} : vector<10000x64xf32>, vector<64x64xf32>, vector<10000x64xf32> -> vector<10000x64xf32>
    %get3A_27 = arith.constant 0 : index
    %get3A_28 = arith.constant 0 : index
    %get3A_29 = vector.load %arg2[%get3A_27, %get3A_28] : memref<10000x1xf32, #tpu.memory_space<vmem>>, vector<10000x1xf32>
    %mul3A_30 = vector.broadcast %get3A_29 : vector<10000x1xf32> to vector<10000x64xf32>
    %mul3A_31 = arith.mulf %mul3A_30, %dot_general3A_26 : vector<10000x64xf32>
    %swap3A = arith.constant 0 : index
    %swap3A_32 = arith.constant 0 : index
    %swap3A_33 = vector.load %arg5[%swap3A, %swap3A_32] : memref<10000x64xf32, #tpu.memory_space<vmem>>, vector<10000x64xf32>
    tpu.vector_store %arg5[%swap3A, %swap3A_32], %mul3A_31 {strides = array<i32>} : memref<10000x64xf32, #tpu.memory_space<vmem>>, vector<10000x64xf32>,
    return
  }
}

module attributes {stable_mosaic.version = 14 : i64} {
  func.func @body(%arg0: memref<2x10000x32xf32, #tpu.memory_space<vmem>>, %arg1: memref<10000x64xf32, #tpu.memory_space<vmem>>, %arg2: memref<10000x1xf32, #tpu.memory_space<vmem>>, %arg3: memref<1x40xf32, #tpu.memory_space<vmem>>, %arg4: memref<10000x40xf32, #tpu.memory_space<vmem>>) attributes {dimension_semantics = [], scalar_prefetch = 0 : i64, scratch_operands = 0 : i64, tpu.core_type = #tpu.core_type<tc>} {
    %get3A = arith.constant 0 : index
    %get3A_0 = arith.constant 0 : index
    %get3A_1 = vector.load %arg2[%get3A, %get3A_0] : memref<10000x1xf32, #tpu.memory_space<vmem>>, vector<10000x1xf32>
    %get3A_2 = arith.constant 0 : index
    %get3A_3 = arith.constant 0 : index
    %get3A_4 = arith.constant 0 : index
    %get3A_5 = vector.load %arg0[%get3A_2, %get3A_3, %get3A_4] : memref<2x10000x32xf32, #tpu.memory_space<vmem>>, vector<1x10000x32xf32>
    %get3A_6 = vector.shape_cast %get3A_5 : vector<1x10000x32xf32> to vector<10000x32xf32>
    %get3A_7 = arith.constant 1 : index
    %get3A_8 = arith.constant 0 : index
    %get3A_9 = arith.constant 0 : index
    %get3A_10 = vector.load %arg0[%get3A_7, %get3A_8, %get3A_9] : memref<2x10000x32xf32, #tpu.memory_space<vmem>>, vector<1x10000x32xf32>
    %get3A_11 = vector.shape_cast %get3A_10 : vector<1x10000x32xf32> to vector<10000x32xf32>
    %concatenate3A = tpu.concatenate %get3A_6, %get3A_11 in 1 : vector<10000x32xf32>, vector<10000x32xf32> -> vector<10000x64xf32>
    %get3A_12 = arith.constant 0 : index
    %get3A_13 = arith.constant 0 : index
    %get3A_14 = vector.load %arg1[%get3A_12, %get3A_13] : memref<10000x64xf32, #tpu.memory_space<vmem>>, vector<10000x64xf32>
    %add3A = arith.addf %concatenate3A, %get3A_14 : vector<10000x64xf32>
    %mul3A = vector.broadcast %get3A_1 : vector<10000x1xf32> to vector<10000x64xf32>
    %mul3A_15 = arith.mulf %mul3A, %add3A : vector<10000x64xf32>
    %slice3A = vector.extract_strided_slice %mul3A_15 {offsets = [0, 0], sizes = [10000, 40], strides = [1, 1]} : vector<10000x64xf32> to vector<10000x40xf32>
    %get3A_16 = arith.constant 0 : index
    %get3A_17 = arith.constant 0 : index
    %get3A_18 = vector.load %arg3[%get3A_16, %get3A_17] : memref<1x40xf32, #tpu.memory_space<vmem>>, vector<1x40xf32>
    %add3A_19 = vector.broadcast %get3A_18 : vector<1x40xf32> to vector<10000x40xf32>
    %add3A_20 = arith.addf %slice3A, %add3A_19 : vector<10000x40xf32>
    %reduce_max3A = arith.constant dense<0xFF800000> : vector<10000xf32>
    %reduce_max3A_21 = vector.multi_reduction <maximumf>, %add3A_20, %reduce_max3A [1] : vector<10000x40xf32> to vector<10000xf32>
    %broadcast_in_dim3A = vector.shape_cast %reduce_max3A_21 : vector<10000xf32> to vector<10000x1xf32>
    %sub3A = vector.broadcast %broadcast_in_dim3A : vector<10000x1xf32> to vector<10000x40xf32>
    %sub3A_22 = arith.subf %add3A_20, %sub3A : vector<10000x40xf32>
    %exp3A = math.exp %sub3A_22 : vector<10000x40xf32>
    %reduce_sum3A = arith.constant dense<0.000000e+00> : vector<10000xf32>
    %reduce_sum3A_23 = vector.multi_reduction <add>, %exp3A, %reduce_sum3A [1] : vector<10000x40xf32> to vector<10000xf32>
    %broadcast_in_dim3A_24 = vector.shape_cast %reduce_sum3A_23 : vector<10000xf32> to vector<10000x1xf32>
    %log3A = math.log %broadcast_in_dim3A_24 : vector<10000x1xf32>
    %add3A_25 = arith.addf %log3A, %broadcast_in_dim3A : vector<10000x1xf32>
    %sub3A_26 = vector.broadcast %add3A_25 : vector<10000x1xf32> to vector<10000x40xf32>
    %sub3A_27 = arith.subf %add3A_20, %sub3A_26 : vector<10000x40xf32>
    %swap3A = arith.constant 0 : index
    %swap3A_28 = arith.constant 0 : index
    %swap3A_29 = vector.load %arg4[%swap3A, %swap3A_28] : memref<10000x40xf32, #tpu.memory_space<vmem>>, vector<10000x40xf32>
    tpu.vector_store %arg4[%swap3A, %swap3A_28], %sub3A_27 {strides = array<i32>} : memref<10000x40xf32, #tpu.memory_space<vmem>>, vector<10000x40xf32>,
    return
  }
}

</mosaic_0001>

<sc_bundles>
// kernel: kernel.12.cloned.1.call-start
scs
__scs_entry_jumppad:
0x0: {  	(pc) =	sbr.rel $0x88, $3  }
0x1: {  	(tag) =	ssettag $0x0;
	lr =	simm.s32 $0x1  }
0x2: {  	[smem:$0x3F9A] =	sst lr;
	_ =	strace $0xD0000000  }
0x3: {  	_ = 	snop  }
0x4: {  	_ = 	snop  }
0x5: {  	_ = 	snop  }
0x6: {  	_ = 	snop  }
0x7: {  	_ = 	snop  }
__scs_overlays_trampoline_lowered:
0x8: {  	[smem:$0x3FA9] =	sst s0  }
0x9: {  	[smem:$0x3FAA] =	sst s1  }
0xa: {  	[smem:$0x3FAB] =	sst s2  }
0xb: {  	[smem:$0x3FAC] =	sst s3  }
0xc: {  	[smem:$0x3FAD] =	sst s4  }
0xd: {  	[smem:$0x3FAE] =	sst s5  }
0xe: {  	[smem:$0x3FAF] =	sst s6  }
0xf: {  	[smem:$0x3FB0] =	sst s7  }
0x10: {  	[smem:$0x3FB1] =	sst s8  }
0x11: {  	[smem:$0x3FB2] =	sst s9;
	s0 =	simm.s32 @!p0 $0x0  }
0x12: {  	s1 =	sld [smem:$0x3F98];
	s0 =	simm.s32 @p0 $0x1  }
0x13: {  	[smem:$0x3FB3] =	sst s0;
	s0 =	simm.s32 @!p1 $0x0  }
0x14: {  	s2 =	sld [smem:$0x3F97];
	s0 =	simm.s32 @p1 $0x1  }
0x15: {  	[smem:$0x3FB4] =	sst s0;
	s0 =	simm.s32 @!p2 $0x0  }
0x16: {  	s3 =	sld [smem:$0x3FDB];
	s0 =	simm.s32 @p2 $0x1  }
0x17: {  	s4 =	simm.s32 $0x1BF5;
	[smem:$0x3FB6] =	sst s0  }
0x18: {  	s0 =	sld [smem:$0x3F99];
	_ =	swait.ge [sflag:s4], $0x0  }
0x19: {  	s7 =	sld [smem:$0x3F9A]  }
0x1a: {  	s8 =	sadd.s32 $0xFFFFE003, lr  }
0x1b: {  	s9 =	sadd.s32 $0xFFFFFEF7, lr;
	s5 =	simm.s32 $0xFFFFFFFF;
	p2 =	slt.u32 s8, $0xFFFFF086  }
0x1c: {  	p1 =	slt.u32 s9, $0xF7A;
	s5 =	simm.s32 @!p2 $0x0  }
0x1d: {  	s5 =	simm.s32 @p1 $0x1;
	p0 =	seq.s32 s7, s2  }
0x1e: {  	s7 =	smul.u32 @!p0 $0xF7A, s2;
	p2 =	seq.s32 @!p0 s5, $0x0  }
0x1f: {  	s9 =	smul.u32 $0xF7A, s1;
	s8 =	simm.s32 @!p0 $0x1BF5;
	p2 =	por !p2, p0  }
0x20: {  	[sflag:s8] =	ssyncset.s32 @!p0 $0xFFFFF086;
	s6 =	sadd.s32 @!p0 s3, s7;
	s7 =	simm.s32 @!p0 $0x108  }
0x21: {  	s3 =	sadd.s32 s3, s9;
	s6 =	sadd.s32 @!p0 $0x88, s6;
	s7 =	simm.s32 @p2 $0x1082  }
0x22: {  	[simem:s7], [sflag:s8] =	dma.local @!p0 [hbm:s6], $0xF7A  }
0x23: {  	s9 =	sor.u32 $0xD0000000, s2;
	s6 =	simm.s32 $0x108;
	_ =	swait.ge @!p0 [sflag:s8], $0x0  }
0x24: {  	s3 =	sadd.s32 $0x88, s3;
	s6 =	simm.s32 @!p1 $0x1082;
	[sflag:s4] =	ssyncset.s32 $0xFFFFF086  }
0x25: {  	[simem:s6], [sflag:s4] =	dma.local [hbm:s3], $0xF7A  }
0x26: {  	[smem:$0x3F9A] =	sst s1;
	(tag) =	ssettag s2;
	_ =	strace s9  }
0x27: {  	s1 =	sld [smem:$0x3FAA]  }
0x28: {  	s2 =	sld [smem:$0x3FAB]  }
0x29: {  	s4 =	sld [smem:$0x3FAD]  }
0x2a: {  	p0 =	seq.s32 s5, $0x0;
	s5 =	sld [smem:$0x3FAE]  }
0x2b: {  	s6 =	sld [smem:$0x3FAF]  }
0x2c: {  	s7 =	sld [smem:$0x3FB0]  }
0x2d: {  	s3 =	simm.s32 $0x108;
	s8 =	sld [smem:$0x3FB1]  }
0x2e: {  	s3 =	simm.s32 @!p0 $0x1082;
	s9 =	sld [smem:$0x3FB2]  }
0x2f: {  	lr =	sadd.s32 s0, s3;
	s0 =	sld [smem:$0x3FA9]  }
0x30: {  	s3 =	sld [smem:$0x3FAC]  }
0x31: {  	[smem:$0x3FB5] =	sst s10  }
0x32: {  	s10 =	sld [smem:$0x3FB3];
	_ =	sdelay $0x3  }
0x33: {  	p0 =	seq.s32 s10, $0x1;
	s10 =	sld [smem:$0x3FB5];
	_ =	sdelay $0x3  }
0x34: {  	[smem:$0x3FB5] =	sst s10  }
0x35: {  	s10 =	sld [smem:$0x3FB4];
	_ =	sdelay $0x3  }
0x36: {  	p1 =	seq.s32 s10, $0x1;
	s10 =	sld [smem:$0x3FB5];
	_ =	sdelay $0x3  }
0x37: {  	[smem:$0x3FB5] =	sst s10  }
0x38: {  	s10 =	sld [smem:$0x3FB6]  }
0x39: {  	_ = 	snop;
	(pc) =	sbr.ind lr, $3  }
0x3a: {  	_ = 	snop  }
0x3b: {  	_ = 	snop  }
0x3c: {  	p2 =	seq.s32 s10, $0x1;
	s10 =	sld [smem:$0x3FB5]  }
0x3d: {  	_ =	shalt  }
0x3e: {  	_ =	shalt  }
0x3f: {  	_ =	shalt  }
0x40: {  	_ =	shalt  }
0x41: {  	_ =	shalt  }
0x42: {  	_ =	shalt  }
0x43: {  	_ =	shalt  }
0x44: {  	_ =	shalt  }
0x45: {  	_ =	shalt  }
0x46: {  	_ =	shalt  }
0x47: {  	_ =	shalt  }
0x48: {  	_ =	shalt  }
0x49: {  	_ =	shalt  }
0x4a: {  	_ =	shalt  }
0x4b: {  	_ =	shalt  }
0x4c: {  	_ =	shalt  }
0x4d: {  	_ =	shalt  }
0x4e: {  	_ =	shalt  }
0x4f: {  	_ =	shalt  }
0x50: {  	_ =	shalt  }
0x51: {  	_ =	shalt  }
0x52: {  	_ =	shalt  }
0x53: {  	_ =	shalt  }
0x54: {  	_ =	shalt  }
0x55: {  	_ =	shalt  }
0x56: {  	_ =	shalt  }
0x57: {  	_ =	shalt  }
0x58: {  	_ =	shalt  }
0x59: {  	_ =	shalt  }
0x5a: {  	_ =	shalt  }
0x5b: {  	_ =	shalt  }
0x5c: {  	_ =	shalt  }
0x5d: {  	_ =	shalt  }
0x5e: {  	_ =	shalt  }
0x5f: {  	_ =	shalt  }
0x60: {  	_ =	shalt  }
0x61: {  	_ =	shalt  }
0x62: {  	_ =	shalt  }
0x63: {  	_ =	shalt  }
0x64: {  	_ =	shalt  }
0x65: {  	_ =	shalt  }
0x66: {  	_ =	shalt  }
0x67: {  	_ =	shalt  }
0x68: {  	_ =	shalt  }
0x69: {  	_ =	shalt  }
0x6a: {  	_ =	shalt  }
0x6b: {  	_ =	shalt  }
0x6c: {  	_ =	shalt  }
0x6d: {  	_ =	shalt  }
0x6e: {  	_ =	shalt  }
0x6f: {  	_ =	shalt  }
0x70: {  	_ =	shalt  }
0x71: {  	_ =	shalt  }
0x72: {  	_ =	shalt  }
0x73: {  	_ =	shalt  }
0x74: {  	_ =	shalt  }
0x75: {  	_ =	shalt  }
0x76: {  	_ =	shalt  }
0x77: {  	_ =	shalt  }
0x78: {  	_ =	shalt  }
0x79: {  	_ =	shalt  }
0x7a: {  	_ =	shalt  }
0x7b: {  	_ =	shalt  }
0x7c: {  	_ =	shalt  }
0x7d: {  	_ =	shalt  }
0x7e: {  	_ =	shalt  }
0x7f: {  	_ =	shalt  }
0x80: {  	_ =	shalt  }
0x81: {  	_ =	shalt  }
0x82: {  	_ =	shalt  }
0x83: {  	_ =	shalt  }
0x84: {  	_ =	shalt  }
0x85: {  	_ =	shalt  }
0x86: {  	_ =	shalt  }
0x87: {  	_ =	shalt  }
.Lfunc_end0:
.L_simem_size_0:
called_computation.1_lowered:
.L_overlay_start_0:
0x88: {  	s2 =	sld [smem:$0x3FD9]  }
0x89: {  	s3 =	sld [smem:$0x3FFE];
	_ =	sdelay $0x1  }
0x8a: {  	s1 =	srdreg.scid  }
0x8b: {  	s0 =	sand.u32 $0x1, s1  }
0x8c: {  	s17 =	sshll.u32 s0, $0xA;
	s2 =	sadd.s32 s3, s2  }
0x8d: {  	s2 =	sadd.s32 s2, s17  }
0x8e: {  	[smem:$0x3FC1] =	sst s2  }
0x8f: {  	_ = 	snop  }
0x90: {  	s2 =	sld [smem:$0x3FD0];
	(tm) =	ssettm $0x1  }
0x91: {  	s18 =	sld [smem:$0x3FFB];
	_ =	sdelay $0x3  }
0x92: {  	_ =	strace s18  }
0x93: {  	s3 =	sld [smem:$0x3FFC];
	_ =	sdelay $0x3  }
0x94: {  	_ =	strace s3  }
0x95: {  	s3 =	sld [smem:$0x3FFD];
	_ =	sdelay $0x3  }
0x96: {  	_ =	strace s3  }
0x97: {  	_ =	strace $0x8FFFFFFF  }
0x98: {  	s19 =	sld [smem:$0x3FDB];
	_ =	sdelay $0x1  }
0x99: {  	s4 =	simm.s32 $_scs_section_size  }
0x9a: {  	s5 =	simm.s32 $_size__tile_overlayer_lowered;
	s6 =	simm.s32 $_tile_overlayer_lowered  }
0x9b: {  	s22 =	simm.s32 $0x1BFF;
	s21 =	sshll.u32 s6, $0x1;
	s3 =	sadd.s32 s4, s19  }
0x9c: {  	s7 =	simm.s32 $0x0;
	s20 =	sshll.u32 s5, $0x1;
	s5 =	sadd.s32 s21, s3  }
0x9d: {  	[timem:s7], [sflag:s22] =	dma.local [hbm:s5], s20  }
0x9e: {  	_ =	swait.ge [sflag:s22], s20  }
0x9f: {  	s4 =	ssub.s32 $0x0, s20;
	[sflag:s22] =	ssyncset.done $0x0  }
0xa0: {  	[sflag:s22] =	ssyncadd.s32 s4;
	_ =	sdelay $0x1  }
0xa1: {  	s23 =	simm.s32 $0x1B8B  }
0xa2: {  	_ =	swait.ge [sflag:s23], $0x1  }
0xa3: {  	[sflag:s23] =	ssyncset.done $0x0  }
0xa4: {  	s25 =	simm.s32 $0x1B8E;
	s24 =	sld [smem:$0x3FFE];
	[sflag:s23] =	ssyncadd.s32 $0xFFFFFFFF  }
0xa5: {  	s26 =	simm.s32 $execute0_lowered;
	[smem:$0x3FD2] =	sst s25  }
0xa6: {  	s5 =	sshll.u32 s26, $0x1;
	_ =	strace $0x80000049;
	[dreg:$0x1] =	wrdreg $0xFFFFFFFF  }
0xa7: {  	s28 =	simm.s32 $_size_execute0_lowered;
	s3 =	sadd.s32 s3, s5;
	[dreg:$0x0] =	wrdreg $0x0  }
0xa8: {  	s5 =	sshll.u32 s28, $0x1;
	[dreg:$0x2] =	wrdreg s3  }
0xa9: {  	[dreg:$0x3] =	wrdreg s5  }
0xaa: {  	[dreg:$0x4] =	wrdreg $0xC0  }
0xab: {  	_ =	task [dreg:s7], $0x5FFFF  }
0xac: {  	[dreg:$0x1] =	wrdreg $0xFFFFFFFF  }
0xad: {  	[dreg:$0x0] =	wrdreg $0x60  }
0xae: {  	[dreg:$0x2] =	wrdreg s2  }
0xaf: {  	[dreg:$0x3] =	wrdreg s24  }
0xb0: {  	[dreg:$0x4] =	wrdreg $0x130000  }
0xb1: {  	[dreg:$0x5] =	wrdreg $0x17E200  }
0xb2: {  	[dreg:$0x6] =	wrdreg $0x9  }
0xb3: {  	_ =	task.clear_ibuf [dreg:s7], $0x7FFFF;
	_ =	strace $0x90000049  }
0xb4: {  	s29 =	simm.s32 $0x9;
	_ =	strace $0x8000004B  }
0xb5: {  	_ =	swait.ge [sflag:s29], $0x1  }
0xb6: {  	[sflag:s29] =	ssyncadd.s32 $0xFFFFFFFF  }
0xb7: {  	_ =	strace $0x9000004B  }
0xb8: {  	_ =	sfence  }
0xb9: {  	s30 =	sld [smem:$0x0];
	_ =	sdelay $0x2  }
0xba: {  	s31 =	sshll.u32 s1, $0xD;
	s1 =	sshrl.u32 s1, $0x2  }
0xbb: {  	s3 =	sand.u32 $0x4000, s31;
	s1 =	sadd.s32 s1, s30  }
0xbc: {  	s0 =	sor.u32 s3, s0;
	s1 =	sshll.u32 s1, $0x11  }
0xbd: {  	s0 =	sor.u32 s1, s0  }
0xbe: {  	s0 =	sadd.s32 $0x8F2B, s0  }
0xbf: {  	[sflag:s0] =	ssyncadd.remote.s32 $0x1  }
0xc0: {  	_ =	sfence.sel $0xFFFF  }
0xc1: {  	[dreg:$0x0] =	wrdreg $0xFFFFFFFF;
	(pc) =	sbr.abs _section_cstart, $3  }
0xc2: {  	[dreg:$0x1] =	wrdreg $0xFFFFFFFF  }
0xc3: {  	_ =	task.clear_ibuf [dreg:s7], $0x2FFFF;
	_ =	strace $0x9FFFFFFF  }
0xc4: {  	(tm) =	ssettm $0x7FFFFFFF  }
0xc5: {  	_ =	shalt  }
tec
execute0_lowered:
.L_overlay_start_1:
0x0: {  	(tag) =	ssettag $0x1  }
0x1: {  	s0 =	rddreg [dreg:$0x0]  }
0x2: {  	s1 =	rddreg [dreg:$0x1]  }
0x3: {  	s2 =	rddreg [dreg:$0x2]  }
0x4: {  	s3 =	rddreg [dreg:$0x3];
	s4 =	simm.s32 $0x0  }
0x5: {  	s12 =	stileid.u32;
	s5 =	srdreg.scid;
	s20 =	simm.s32 $0xA000  }
0x6: {  	s28 =	simm.s32 $0x4;
	s29 =	simm.s32 $0x8;
	s6 =	smul.u32 $0xA00, s12  }
0x7: {  	s30 =	simm.s32 $0x80;
	s31 =	simm.s32 $0x10000;
	s24 =	smul.u32 $0x13800, s12  }
0x8: {  	[smem:$0x7FF] =	sst s4;
	s5 =	sand.u32 $0x1, s5;
	s26 =	smul.u32 $0x9C00, s12  }
0x9: {  	s9 =	sadd.s32 $0x3C800, s1;
	s13 =	smul.u32 $0x4E00, s12;
	p0 =	sne.s32 s12, $0xF  }
0xa: {  	_ =	strace $0x8000004A;
	s7 =	ssub.s32 $0x2, s5;
	s11 =	sshll.u32 s5, $0x5  }
0xb: {  	s15 =	smul.u32 $0x4E200, s5;
	s5 =	sshll.u32 s5, $0x2;
	s8 =	sadd.s32 s6, s1  }
0xc: {  	s10 =	sshrl.u32 s7, $0x1;
	s1 =	sadd.s32 $0x50200, s1;
	s0 =	sadd.s32 s0, s6  }
0xd: {  	s14 =	sadd.s32 s13, s3;
	s5 =	sadd.s32 s5, s9;
	s19 =	sadd.s32 s13, s2  }
0xe: {  	s7 =	ssub.s32 s7, s10;
	[dreg:$0x5] =	wrdreg s0;
	s25 =	sadd.s32 $0xB600, s8  }
0xf: {  	s10 =	sshrl.u32 s24, $0x2;
	s8 =	sadd.s32 $0x1600, s8;
	s0 =	sor.u32 s11, s26  }
0x10: {  	s16 =	sadd.s32 s13, s15;
	s11 =	sshrl.u32 s15, $0x3;
	s5 =	sadd.s32 $0x13800, s5  }
0x11: {  	s6 =	sshrl.u32 s14, $0x3;
	s26 =	sshrl.u32 s19, $0x3;
	[dreg:$0x6] =	wrdreg s25  }
0x12: {  	s19 =	simm.s32 $0x12000;
	[dreg:$0x7] =	wrdreg s8;
	s8 =	sadd.s32 s10, s2  }
0x13: {  	s0 =	sshrl.u32 s0, $0x3;
	[dreg:$0x9] =	wrdreg s5;
	s17 =	sshrl.u32 s16, $0x3  }
0x14: {  	s18 =	sadd.s32 s1, s11;
	s5 =	sadd.s32 $0x4E000, s2;
	[dreg:$0x11] =	wrdreg s6  }
0x15: {  	s7 =	smax.u32 s7, $0x1;
	[dreg:$0x13] =	wrdreg s26;
	s26 =	simm.s32 $0x1  }
0x16: {  	s6 =	simm.s32 $0x5;
	s0 =	sadd.s32 s9, s0;
	[dreg:$0xc] =	wrdreg s7  }
0x17: {  	s10 =	simm.s32 $0x0;
	s1 =	sadd.s32 s1, s17;
	[dreg:$0x8] =	wrdreg s0  }
0x18: {  	s21 =	sadd.s32 $0x9C00, s18;
	s22 =	sadd.s32 $0x1000, s8;
	[dreg:$0xa] =	wrdreg s1  }
0x19: {  	s23 =	sadd.s32 $0x2000, s8;
	s24 =	sadd.s32 $0x3000, s8;
	[dreg:$0xb] =	wrdreg s21  }
0x1a: {  	s25 =	sadd.s32 $0x4000, s8;
	s18 =	simm.s32 $0x9;
	[dreg:$0xd] =	wrdreg s22  }
0x1b: {  	s17 =	simm.s32 $0x5000;
	s7 =	simm.s32 $0x6;
	[dreg:$0xe] =	wrdreg s23  }
0x1c: {  	s9 =	simm.s32 $0x7;
	s0 =	sadd.s32 $0x4E000, s3;
	[dreg:$0xf] =	wrdreg s24  }
0x1d: {  	[dreg:$0x10] =	wrdreg s25;
	s21 =	simm.s32 $0xF000;
	s0 =	sshrl.u32 @!p0 s0, $0x3  }
0x1e: {  	v1 =	vimm.s32 $0x0;
	vm0 =	vcmask $0x300;
	s1 =	simm.s32 $0x2;
	[dreg:$0x12] =	wrdreg s0;
	s0 =	sshrl.u32 @!p0 s5, $0x3  }
0x1f: {  	v0 =	vimm.f32 $0.0e+00;
	v1 =	vsel vm0, $0x3, v1;
	s5 =	simm.s32 $0x3;
	[dreg:$0x14] =	wrdreg s0;
	s0 =	simm.s32 $0x11000  }
.LBB2_1:
0x20: {  	s11 =	rddreg [dreg:$0x5]  }
0x21: {  	[tilespmem:s4], [sflag:$0x9] =	stream.linear.gather [hbm4b:s11+s4], $0x5000, $0x38;
	[tilespmem:$0x1CC40] =	vst v63  }
0x22: {  	_ =	swait.ge [sflag:s18], $0x5000  }
0x23: {  	[sflag:s18] =	ssyncset.done $0x0  }
0x24: {  	s23 =	rddreg [dreg:$0x6];
	[sflag:s18] =	ssyncadd.s32 $0xFFFFB000  }
0x25: {  	[tilespmem:s17], [sflag:$0x9] =	stream.linear.gather [hbm4b:s23+s4], $0x5000, $0x38;
	[tilespmem:$0x1CC40] =	vst v63  }
0x26: {  	_ =	swait.ge [sflag:s18], $0x5000  }
0x27: {  	[sflag:s18] =	ssyncset.done $0x0  }
0x28: {  	s24 =	rddreg [dreg:$0x7];
	[sflag:s18] =	ssyncadd.s32 $0xFFFFB000  }
0x29: {  	[tilespmem:s20], [sflag:$0x9] =	stream.linear.gather [hbm4b:s24+s4], $0x5000, $0x38;
	[tilespmem:$0x1CC40] =	vst v63  }
0x2a: {  	s25 =	sand.u32 $0x3F80, s4;
	s12 =	sand.u32 $0x10, s4;
	_ =	swait.ge [sflag:s18], $0x5000  }
0x2b: {  	s13 =	sshrl.u32 s25, $0x2;
	s11 =	simm.s32 $0x40;
	[sflag:s18] =	ssyncset.done $0x0  }
0x2c: {  	s13 =	sor.u32 s12, s13;
	s12 =	simm.s32 $0x0;
	[sflag:s18] =	ssyncadd.s32 $0xFFFFB000  }
.LBB2_2:
0x2d: {  	p1 =	sne.s32 s11, $0x3FC0  }
0x2e: {  	[tilespmem:s13+$0xF000] =	vst v0;
	s12 =	sadd.s32 $0x10, s12;
	s13 =	smov.u32 s11;
	s11 =	sadd.s32 $0x40, s11  }
.Ltmp0:
0x2f: {  	(pc) =	sbr.rel @p1 .LBB2_2-.Ltmp0, $4  }
0x30: {  	_ = 	snop  }
0x31: {  	s13 =	sand.u32 $0x3F80, s13  }
0x32: {  	s14 =	sand.u32 $0x10, s12;
	s13 =	sshrl.u32 s13, $0x2  }
0x33: {  	s13 =	sor.u32 s14, s13  }
0x34: {  	[tilespmem:s13+$0xF000] =	vst v0  }
0x35: {  	[spmem:s8] =	stream.linear.scatter [tilespmem:s21], [sflag:$0x9], $0x1000, $0x38;
	[tilespmem:$0x1CC40] =	vst v63  }
0x36: {  	_ =	swait.ge [sflag:s18], $0x1000  }
0x37: {  	[sflag:s18] =	ssyncset.done $0x0  }
0x38: {  	s11 =	rddreg [dreg:$0xd];
	[sflag:s18] =	ssyncadd.s32 $0xFFFFF000  }
0x39: {  	[spmem:s11] =	stream.linear.scatter [tilespmem:s21], [sflag:$0x9], $0x1000, $0x38;
	[tilespmem:$0x1CC40] =	vst v63  }
0x3a: {  	_ =	swait.ge [sflag:s18], $0x1000  }
0x3b: {  	[sflag:s18] =	ssyncset.done $0x0  }
0x3c: {  	s14 =	rddreg [dreg:$0xe];
	[sflag:s18] =	ssyncadd.s32 $0xFFFFF000  }
0x3d: {  	[spmem:s14] =	stream.linear.scatter [tilespmem:s21], [sflag:$0x9], $0x1000, $0x38;
	[tilespmem:$0x1CC40] =	vst v63  }
0x3e: {  	_ =	swait.ge [sflag:s18], $0x1000  }
0x3f: {  	[sflag:s18] =	ssyncset.done $0x0  }
0x40: {  	s15 =	rddreg [dreg:$0xf];
	[sflag:s18] =	ssyncadd.s32 $0xFFFFF000  }
0x41: {  	[spmem:s15] =	stream.linear.scatter [tilespmem:s21], [sflag:$0x9], $0x1000, $0x38;
	[tilespmem:$0x1CC40] =	vst v63  }
0x42: {  	_ =	swait.ge [sflag:s18], $0x1000  }
0x43: {  	[sflag:s18] =	ssyncset.done $0x0  }
0x44: {  	s16 =	rddreg [dreg:$0x10];
	[sflag:s18] =	ssyncadd.s32 $0xFFFFF000  }
0x45: {  	[spmem:s16] =	stream.linear.scatter [tilespmem:s21], [sflag:$0x9], $0x1000, $0x38;
	[tilespmem:$0x1CC40] =	vst v63  }
0x46: {  	s22 =	stileid.u32;
	_ =	swait.ge [sflag:s18], $0x1000  }
0x47: {  	s11 =	sshll.u32 s22, $0x6;
	[sflag:s18] =	ssyncset.done $0x0;
	s12 =	rddreg [dreg:$0x8]  }
0x48: {  	s11 =	sor.u32 $0x1C09, s11;
	s23 =	rddreg [dreg:$0x11];
	[sflag:s18] =	ssyncadd.s32 $0xFFFFF000  }
0x49: {  	[spmem:s23@s28], [sflag:s11] =	dma.strided [hbm:s12@s29], $0x9C0, s26, $0x4   }
0x4a: {  	s13 =	simm.s32 @!p0 $0x4;
	s24 =	simm.s32 $0x1;
	_ =	swait.ge [sflag:s18], $0x9C0  }
0x4b: {  	s14 =	simm.s32 @!p0 $0x8;
	[sflag:s18] =	ssyncset.done $0x0;
	s15 =	rddreg [dreg:$0x9]  }
0x4c: {  	s12 =	simm.s32 @!p0 $0x1;
	s16 =	rddreg [dreg:$0x12];
	[sflag:s18] =	ssyncadd.s32 $0xFFFFF640  }
0x4d: {  	[spmem:s16@s13], [sflag:s11] =	dma.strided @!p0 [hbm:s15@s14], $0x40, s12, $0x4   }
0x4e: {  	s25 =	simm.s32 $0x2;
	v3 =	vmov s24;
	s15 =	simm.s32 @!p0 $0x9  }
0x4f: {  	v4 =	vmov s25;
	v3 =	vshrl.u32 v3, $0x3;
	_ =	swait.ge @!p0 [sflag:s15], $0x40  }
0x50: {  	v4 =	vshrl.u32 v4, $0x3;
	v3 =	vshll.u32 v3, v1;
	s12 =	simm.s32 $0x0;
	[sflag:s15] =	ssyncset.done @!p0 $0x0  }
0x51: {  	v4 =	vshll.u32 v4, v1;
	v3 =	vadd.s32 $0x1, v3;
	v2 =	vmov s12;
	[sflag:s15] =	ssyncadd.s32 @!p0 $0xFFFFFFC0  }
0x52: {  	v4 =	vadd.s32 $0x2, v4;
	s22 =	simm.s32 $0x4;
	v3 =	vbroadcast v3, $0x0;
	s16 =	simm.s32 $0x3;
	v2 =	vshrl.u32 v2, $0x3;
	[bflag:$0x0] =	sbarrier.arrive $0xFFFF  }
0x53: {  	v4 =	vbroadcast v4, $0x0;
	v5 =	vmov s16;
	v2 =	vshll.u32 v2, v1;
	[tilespmem:s21], [sflag:$0x1] =	stream.indirect.gather [spmem:s3], $0x20, s12, s30, $0xb8;
	[tilespmem:$0x1CC40] =	vst v63  }
0x54: {  	v6 =	vmov s22;
	s23 =	simm.s32 $0x5;
	v5 =	vshrl.u32 v5, $0x3;
	v2 =	vbroadcast v2, $0x0  }
0x55: {  	v6 =	vshrl.u32 v6, $0x3;
	v7 =	vmov s23;
	v5 =	vshll.u32 v5, v1;
	[tilespmem:s31], [sflag:$0x2] =	stream.indirect.gather [spmem:s3], $0x20, s30, s30, $0xb8;
	[tilespmem:$0x1CC40] =	vst v63  }
0x56: {  	v6 =	vshll.u32 v6, v1;
	v7 =	vshrl.u32 v7, $0x3;
	v5 =	vadd.s32 $0x3, v5;
	_ =	swait.ge [sflag:s26], $0x1000  }
0x57: {  	v6 =	vadd.s32 $0x4, v6;
	v7 =	vshll.u32 v7, v1;
	v5 =	vbroadcast v5, $0x0;
	[sflag:s26] =	ssyncset.done $0x0  }
0x58: {  	s25 =	simm.s32 $0x7;
	v10 =	vbroadcast v6, $0x0;
	v7 =	vadd.s32 $0x5, v7;
	s13 =	simm.s32 $0x100;
	[sflag:s26] =	ssyncadd.s32 $0xFFFFF000  }
0x59: {  	v9 =	vmov s25;
	v7 =	vbroadcast v7, $0x0;
	[tilespmem:s0], [sflag:$0x3] =	stream.indirect.gather [spmem:s3], $0x20, s13, s30, $0xb8;
	[tilespmem:$0x1CC40] =	vst v63  }
0x5a: {  	v6 =	vshrl.u32 v9, $0x3;
	v9 =	vld.idx.msk [tilespmem:v2+s20+$0x0], $0xffff  }
0x5b: {  	s24 =	simm.s32 $0x6;
	v6 =	vshll.u32 v6, v1;
	v11 =	vld.idx.msk [tilespmem:v3+s20+$0x0], $0xffff  }
0x5c: {  	v8 =	vmov s24;
	v6 =	vadd.s32 $0x7, v6;
	v12 =	vld.idx.msk [tilespmem:v4+s20+$0x0], $0xffff  }
0x5d: {  	v8 =	vshrl.u32 v8, $0x3;
	v3 =	vbroadcast v6, $0x0;
	v6 =	vld.idx.msk [tilespmem:v5+s20+$0x0], $0xffff  }
0x5e: {  	v8 =	vshll.u32 v8, v1;
	v5 =	vld.idx.msk [tilespmem:v10+s20+$0x0], $0xffff  }
0x5f: {  	v8 =	vadd.s32 $0x6, v8;
	s12 =	simm.s32 $0xF080;
	v4 =	vld.idx.msk [tilespmem:v7+s20+$0x0], $0xffff  }
0x60: {  	s24 =	simm.s32 $0xD;
	v2 =	vbroadcast v8, $0x0;
	v8 =	vld [tilespmem:s12+$0x70]  }
0x61: {  	s25 =	simm.s32 $0xE;
	v17 =	vmov s24;
	v15 =	vld [tilespmem:s12+$0xFFFFFF80]  }
0x62: {  	v18 =	vmov s25;
	v17 =	vshrl.u32 v17, $0x3;
	v19 =	vld [tilespmem:s12+$0xFFFFFF90]  }
0x63: {  	v18 =	vshrl.u32 v18, $0x3;
	v17 =	vshll.u32 v17, v1;
	s22 =	simm.s32 $0xB;
	v3 =	vld.idx.msk [tilespmem:v3+s20+$0x0], $0xffff  }
0x64: {  	v18 =	vshll.u32 v18, v1;
	v17 =	vadd.s32 $0x5, v17;
	v14 =	vmov s22;
	s15 =	simm.s32 $0x9;
	v20 =	vld [tilespmem:s12+$0xFFFFFFA0]  }
0x65: {  	v18 =	vadd.s32 $0x6, v18;
	v14 =	vshrl.u32 v14, $0x3;
	s23 =	simm.s32 $0xC;
	v10 =	vmov s15;
	v21 =	vld [tilespmem:s12+$0xFFFFFFB0]  }
0x66: {  	v14 =	vshll.u32 v14, v1;
	v16 =	vmov s23;
	v22 =	vld [tilespmem:s12+$0xFFFFFFC0];
	v10 =	vshrl.u32 v10, $0x3  }
0x67: {  	v16 =	vshrl.u32 v16, $0x3;
	v23 =	vld [tilespmem:s12+$0xFFFFFFD0];
	v10 =	vshll.u32 v10, v1;
	v15 =	vmul.f32 v15, v9  }
0x68: {  	s14 =	simm.s32 $0x8;
	v16 =	vshll.u32 v16, v1;
	v24 =	vadd.s32 $0x1, v10;
	v10 =	vld [tilespmem:s12+$0x10];
	v8 =	vmul.f32 v8, v3  }
0x69: {  	s16 =	simm.s32 $0xA;
	v16 =	vadd.s32 $0x4, v16;
	v7 =	vmov s14;
	v9 =	vmul.f32 v19, v9;
	v19 =	vld [tilespmem:s12+$0xFFFFFFE0];
	[tilespmem:s12+$0xFFFFFF80] =	vst v15  }
0x6a: {  	v13 =	vmov s16;
	v7 =	vshrl.u32 v7, $0x3;
	v15 =	vmul.f32 v20, v11;
	[tilespmem:s12+$0x70] =	vst v8;
	v8 =	vld [tilespmem:s12+$0xFFFFFFF0]  }
0x6b: {  	v13 =	vshrl.u32 v13, $0x3;
	v7 =	vshll.u32 v7, v1;
	[tilespmem:s12+$0xFFFFFF90] =	vst v9;
	v11 =	vmul.f32 v21, v11;
	v9 =	vld [tilespmem:s12+$0x0]  }
0x6c: {  	v13 =	vshll.u32 v13, v1;
	v7 =	vbroadcast v7, $0x0;
	v2 =	vld.idx.msk [tilespmem:v2+s20+$0x0], $0xffff;
	v21 =	vmul.f32 v22, v12;
	[tilespmem:s12+$0xFFFFFFA0] =	vst v15  }
0x6d: {  	v25 =	vadd.s32 $0x2, v13;
	v13 =	vbroadcast v24, $0x0;
	[tilespmem:s12+$0xFFFFFFB0] =	vst v11;
	v15 =	vmul.f32 v23, v12;
	v11 =	vld [tilespmem:s12+$0x20]  }
0x6e: {  	s13 =	simm.s32 $0x10;
	s14 =	simm.s32 $0xF;
	v20 =	vadd.s32 $0x3, v14;
	v14 =	vbroadcast v25, $0x0;
	[tilespmem:s12+$0xFFFFFFC0] =	vst v21;
	v12 =	vld [tilespmem:s12+$0x30];
	v19 =	vmul.f32 v19, v6  }
.LBB2_4:
0x6f: {  	p1 =	slt.u32 s13, $0x78;
	v20 =	vbroadcast v20, $0x0;
	v21 =	vmov s14;
	[tilespmem:s12+$0xFFFFFFD0] =	vst v15;
	v6 =	vmul.f32 v8, v6;
	v8 =	vld [tilespmem:s12+$0x40]  }
0x70: {  	v15 =	vbroadcast v16, $0x0;
	v16 =	vshrl.u32 v21, $0x3;
	[tilespmem:s12+$0xFFFFFFE0] =	vst v19;
	v9 =	vmul.f32 v9, v5;
	v19 =	vld [tilespmem:s12+$0x50]  }
0x71: {  	v17 =	vbroadcast v17, $0x0;
	v16 =	vshll.u32 v16, v1;
	[tilespmem:s12+$0xFFFFFFF0] =	vst v6;
	v5 =	vmul.f32 v10, v5;
	v10 =	vld [tilespmem:s12+$0x60]  }
0x72: {  	v21 =	vld.idx.msk [tilespmem:v7+s20+$0x0], $0xffff;
	v7 =	vbroadcast v18, $0x0;
	v6 =	vadd.s32 $0x7, v16;
	[tilespmem:s12+$0x0] =	vst v9;
	v9 =	vmul.f32 v11, v4  }
0x73: {  	v11 =	vld.idx.msk [tilespmem:v13+s20+$0x0], $0xffff;
	v13 =	vbroadcast v6, $0x0;
	[tilespmem:s12+$0x10] =	vst v5;
	v4 =	vmul.f32 v12, v4  }
0x74: {  	v12 =	vld.idx.msk [tilespmem:v14+s20+$0x0], $0xffff;
	[tilespmem:s12+$0x20] =	vst v9;
	v8 =	vmul.f32 v8, v2  }
0x75: {  	v6 =	vld.idx.msk [tilespmem:v20+s20+$0x0], $0xffff;
	[tilespmem:s12+$0x30] =	vst v4;
	v2 =	vmul.f32 v19, v2  }
0x76: {  	v5 =	vld.idx.msk [tilespmem:v15+s20+$0x0], $0xffff;
	[tilespmem:s12+$0x40] =	vst v8;
	v3 =	vmul.f32 v10, v3  }
0x77: {  	v4 =	vld.idx.msk [tilespmem:v17+s20+$0x0], $0xffff;
	[tilespmem:s12+$0x50] =	vst v2  }
0x78: {  	v2 =	vld.idx.msk [tilespmem:v7+s20+$0x0], $0xffff;
	[tilespmem:s12+$0x60] =	vst v3  }
0x79: {  	v7 =	vmov s13;
	s12 =	sadd.s32 $0x100, s12;
	v3 =	vld.idx.msk [tilespmem:v13+s20+$0x0], $0xffff  }
0x7a: {  	s14 =	sadd.s32 $0x1, s13;
	s15 =	sadd.s32 $0x2, s13;
	s16 =	sadd.s32 $0x3, s13;
	v7 =	vshrl.u32 v7, $0x3;
	v8 =	vld [tilespmem:s12+$0x70]  }
0x7b: {  	v9 =	vmov s14;
	s14 =	sadd.s32 $0x4, s13;
	v10 =	vmov s15;
	s15 =	sadd.s32 $0x5, s13;
	v13 =	vmov s16;
	s16 =	sadd.s32 $0x6, s13;
	v14 =	vld [tilespmem:s12+$0xFFFFFF80]  }
0x7c: {  	v15 =	vmov s14;
	v16 =	vmov s15;
	v17 =	vmov s16;
	v18 =	vld [tilespmem:s12+$0xFFFFFF90]  }
0x7d: {  	v9 =	vshrl.u32 v9, $0x3;
	v10 =	vshrl.u32 v10, $0x3;
	v7 =	vshll.u32 v7, v1;
	v19 =	vld [tilespmem:s12+$0xFFFFFFA0]  }
0x7e: {  	v15 =	vshrl.u32 v15, $0x3;
	v16 =	vshrl.u32 v16, $0x3;
	v13 =	vshrl.u32 v13, $0x3;
	v20 =	vld [tilespmem:s12+$0xFFFFFFB0]  }
0x7f: {  	v7 =	vbroadcast v7, $0x0;
	v17 =	vshrl.u32 v17, $0x3;
	v22 =	vld [tilespmem:s12+$0xFFFFFFC0];
	v8 =	vmul.f32 v8, v3  }
0x80: {  	v9 =	vshll.u32 v9, v1;
	v10 =	vshll.u32 v10, v1;
	v14 =	vmul.f32 v14, v21;
	v23 =	vld [tilespmem:s12+$0xFFFFFFD0]  }
0x81: {  	v15 =	vshll.u32 v15, v1;
	v13 =	vshll.u32 v13, v1;
	v18 =	vmul.f32 v18, v21;
	v21 =	vld [tilespmem:s12+$0xFFFFFFE0];
	[tilespmem:s12+$0x70] =	vst v8  }
.Ltmp1:
0x82: {  	v24 =	vshll.u32 v16, v1;
	v25 =	vshll.u32 v17, v1;
	[tilespmem:s12+$0xFFFFFF80] =	vst v14;
	v14 =	vmul.f32 v19, v11;
	v8 =	vld [tilespmem:s12+$0xFFFFFFF0];
	(pc) =	sbr.rel @p1 .LBB2_4-.Ltmp1, $4  }
0x83: {  	v17 =	vadd.s32 $0x1, v9;
	v19 =	vadd.s32 $0x2, v10;
	[tilespmem:s12+$0xFFFFFF90] =	vst v18;
	v11 =	vmul.f32 v20, v11;
	v9 =	vld [tilespmem:s12+$0x0]  }
0x84: {  	v16 =	vadd.s32 $0x4, v15;
	v20 =	vadd.s32 $0x3, v13;
	[tilespmem:s12+$0xFFFFFFA0] =	vst v14;
	v22 =	vmul.f32 v22, v12;
	v10 =	vld [tilespmem:s12+$0x10]  }
0x85: {  	v13 =	vbroadcast v17, $0x0;
	v17 =	vadd.s32 $0x5, v24;
	[tilespmem:s12+$0xFFFFFFB0] =	vst v11;
	v15 =	vmul.f32 v23, v12;
	v11 =	vld [tilespmem:s12+$0x20]  }
0x86: {  	s14 =	sadd.s32 $0x7, s13;
	s13 =	sadd.s32 $0x8, s13;
	v18 =	vadd.s32 $0x6, v25;
	v14 =	vbroadcast v19, $0x0;
	[tilespmem:s12+$0xFFFFFFC0] =	vst v22;
	v19 =	vmul.f32 v21, v6;
	v12 =	vld [tilespmem:s12+$0x30]  }
0x87: {  	_ = 	snop  }
0x88: {  	v22 =	vld [tilespmem:s12+$0x40]  }
0x89: {  	v23 =	vld [tilespmem:s12+$0x50]  }
0x8a: {  	v24 =	vld [tilespmem:s12+$0x60]  }
0x8b: {  	v7 =	vld.idx.msk [tilespmem:v7+s20+$0x0], $0xffff  }
0x8c: {  	v13 =	vld.idx.msk [tilespmem:v13+s20+$0x0], $0xffff  }
0x8d: {  	s13 =	sadd.s32 $0x100, s12;
	v14 =	vld.idx.msk [tilespmem:v14+s20+$0x0], $0xffff  }
0x8e: {  	v25 =	vld [tilespmem:s13+$0x70]  }
0x8f: {  	v26 =	vld [tilespmem:s13+$0xFFFFFF80]  }
0x90: {  	[tilespmem:s12+$0xFFFFFFD0] =	vst v15;
	v6 =	vmul.f32 v8, v6;
	v8 =	vld [tilespmem:s13+$0xFFFFFF90]  }
0x91: {  	v21 =	vmov s14;
	[tilespmem:s12+$0xFFFFFFE0] =	vst v19;
	v9 =	vmul.f32 v9, v5;
	v15 =	vld [tilespmem:s13+$0xFFFFFFA0]  }
0x92: {  	v20 =	vbroadcast v20, $0x0;
	v21 =	vshrl.u32 v21, $0x3;
	v19 =	vld [tilespmem:s13+$0x20];
	[tilespmem:s12+$0xFFFFFFF0] =	vst v6;
	v5 =	vmul.f32 v10, v5  }
0x93: {  	v16 =	vbroadcast v16, $0x0;
	v21 =	vshll.u32 v21, v1;
	v6 =	vld [tilespmem:s13+$0xFFFFFFB0];
	[tilespmem:s12+$0x0] =	vst v9;
	v9 =	vmul.f32 v11, v4  }
0x94: {  	v17 =	vbroadcast v17, $0x0;
	v10 =	vld [tilespmem:s13+$0xFFFFFFC0];
	v21 =	vadd.s32 $0x7, v21;
	[tilespmem:s12+$0x10] =	vst v5;
	v4 =	vmul.f32 v12, v4  }
0x95: {  	v11 =	vld [tilespmem:s13+$0xFFFFFFE0];
	v21 =	vbroadcast v21, $0x0;
	[tilespmem:s12+$0x20] =	vst v9;
	v9 =	vmul.f32 v22, v2  }
0x96: {  	v5 =	vld [tilespmem:s13+$0xFFFFFFD0];
	v3 =	vmul.f32 v24, v3;
	[tilespmem:s12+$0x30] =	vst v4  }
0x97: {  	v12 =	vld [tilespmem:s13+$0x10];
	v2 =	vmul.f32 v23, v2;
	[tilespmem:s12+$0x40] =	vst v9  }
0x98: {  	v18 =	vbroadcast v18, $0x0;
	v20 =	vld.idx.msk [tilespmem:v20+s20+$0x0], $0xffff;
	[tilespmem:s12+$0x60] =	vst v3;
	v3 =	vmul.f32 v26, v7  }
0x99: {  	v16 =	vld.idx.msk [tilespmem:v16+s20+$0x0], $0xffff;
	[tilespmem:s12+$0x50] =	vst v2;
	v7 =	vmul.f32 v8, v7  }
0x9a: {  	v17 =	vld.idx.msk [tilespmem:v17+s20+$0x0], $0xffff;
	v6 =	vmul.f32 v6, v13;
	[tilespmem:s13+$0xFFFFFF80] =	vst v3  }
0x9b: {  	v3 =	vmul.f32 v15, v13;
	[tilespmem:s13+$0xFFFFFF90] =	vst v7;
	v21 =	vld.idx.msk [tilespmem:v21+s20+$0x0], $0xffff  }
0x9c: {  	v4 =	vld [tilespmem:s13+$0xFFFFFFF0];
	[tilespmem:s13+$0xFFFFFFB0] =	vst v6;
	v5 =	vmul.f32 v5, v14  }
0x9d: {  	v9 =	vld [tilespmem:s13+$0x0];
	[tilespmem:s13+$0xFFFFFFA0] =	vst v3;
	v3 =	vmul.f32 v10, v14  }
0x9e: {  	v18 =	vld.idx.msk [tilespmem:v18+s20+$0x0], $0xffff;
	v6 =	vmul.f32 v11, v20;
	[tilespmem:s13+$0xFFFFFFD0] =	vst v5  }
0x9f: {  	v8 =	vld [tilespmem:s13+$0x40];
	v5 =	vmul.f32 v12, v16;
	[tilespmem:s13+$0xFFFFFFC0] =	vst v3  }
0xa0: {  	v7 =	vld [tilespmem:s13+$0x50];
	[tilespmem:s13+$0xFFFFFFE0] =	vst v6;
	v2 =	vmul.f32 v25, v21  }
0xa1: {  	v10 =	vld [tilespmem:s13+$0x60];
	v3 =	vmul.f32 v4, v20;
	[tilespmem:s13+$0x10] =	vst v5  }
0xa2: {  	v4 =	vmul.f32 v9, v16;
	[tilespmem:s13+$0x70] =	vst v2;
	v2 =	vld [tilespmem:s13+$0x30]  }
0xa3: {  	s25 =	simm.s32 $0x6;
	v9 =	vmul.f32 v19, v17;
	[tilespmem:s13+$0xFFFFFFF0] =	vst v3  }
0xa4: {  	s15 =	simm.s32 $0x0;
	s23 =	simm.s32 $0x3;
	v12 =	vmov s25;
	v6 =	vmul.f32 v8, v18;
	[tilespmem:s13+$0x0] =	vst v4  }
0xa5: {  	s16 =	simm.s32 $0x1;
	v8 =	vmov s15;
	v5 =	vmov s23;
	v3 =	vmul.f32 v7, v18;
	[tilespmem:s13+$0x20] =	vst v9  }
0xa6: {  	v4 =	vshrl.u32 v8, $0x3;
	v8 =	vmov s16;
	[tilespmem:s13+$0x40] =	vst v6;
	v7 =	vmul.f32 v10, v21  }
0xa7: {  	v4 =	vshll.u32 v4, v1;
	v8 =	vshrl.u32 v8, $0x3;
	[tilespmem:s13+$0x50] =	vst v3;
	v2 =	vmul.f32 v2, v17  }
0xa8: {  	v5 =	vshrl.u32 v5, $0x3;
	v4 =	vadd.s32 $0x80, v4;
	v3 =	vshll.u32 v8, v1;
	[tilespmem:s13+$0x60] =	vst v7  }
0xa9: {  	s24 =	simm.s32 $0x5;
	s15 =	simm.s32 $0x4;
	v5 =	vshll.u32 v5, v1;
	v4 =	vbroadcast v4, $0x0;
	v3 =	vadd.s32 $0x81, v3;
	[tilespmem:s13+$0x30] =	vst v2  }
0xaa: {  	v9 =	vmov s24;
	v5 =	vadd.s32 $0x83, v5;
	v3 =	vbroadcast v3, $0x0;
	[spmem:s2] =	stream.indirect.scatter.add.f32 [tilespmem:s21], [sflag:$0x5], $0x20, s17, s30, $0xb8;
	[tilespmem:$0x1CC40] =	vst v63  }
0xab: {  	s22 =	simm.s32 $0x2;
	v11 =	vmov s15;
	v6 =	vshrl.u32 v9, $0x3;
	v5 =	vbroadcast v5, $0x0;
	_ =	swait.ge [sflag:s1], $0x1000  }
0xac: {  	v10 =	vmov s22;
	v9 =	vshrl.u32 v12, $0x3;
	v6 =	vshll.u32 v6, v1;
	s13 =	simm.s32 $0x7;
	[sflag:s1] =	ssyncset.done $0x0  }
0xad: {  	s14 =	simm.s32 $0x180;
	v8 =	vshll.u32 v9, v1;
	v6 =	vadd.s32 $0x85, v6;
	v9 =	vmov s13;
	[sflag:s1] =	ssyncadd.s32 $0xFFFFF000  }
0xae: {  	v2 =	vshrl.u32 v10, $0x3;
	v10 =	vshrl.u32 v11, $0x3;
	v9 =	vshrl.u32 v9, $0x3;
	[tilespmem:s19], [sflag:$0x4] =	stream.indirect.gather [spmem:s3], $0x20, s14, s30, $0xb8;
	[tilespmem:$0x1CC40] =	vst v63  }
0xaf: {  	v7 =	vshll.u32 v10, v1;
	v10 =	vbroadcast v6, $0x0;
	v6 =	vshll.u32 v9, v1;
	v9 =	vld.idx.msk [tilespmem:v4+s20+$0x0], $0xffff  }
0xb0: {  	v2 =	vshll.u32 v2, v1;
	v4 =	vadd.s32 $0x87, v6;
	v11 =	vld.idx.msk [tilespmem:v3+s20+$0x0], $0xffff  }
0xb1: {  	s12 =	simm.s32 $0x10080;
	v2 =	vadd.s32 $0x82, v2;
	v6 =	vld.idx.msk [tilespmem:v5+s20+$0x0], $0xffff;
	v3 =	vbroadcast v4, $0x0  }
0xb2: {  	v7 =	vadd.s32 $0x84, v7;
	v2 =	vbroadcast v2, $0x0;
	v16 =	vld [tilespmem:s12+$0xFFFFFF80]  }
0xb3: {  	v8 =	vadd.s32 $0x86, v8;
	v7 =	vbroadcast v7, $0x0;
	v19 =	vld [tilespmem:s12+$0xFFFFFF90]  }
0xb4: {  	v8 =	vbroadcast v8, $0x0;
	v20 =	vld [tilespmem:s12+$0xFFFFFFA0]  }
0xb5: {  	s23 =	simm.s32 $0xC;
	v4 =	vld.idx.msk [tilespmem:v10+s20+$0x0], $0xffff  }
0xb6: {  	s25 =	simm.s32 $0xE;
	v15 =	vmov s23;
	v10 =	vld [tilespmem:s12+$0x70]  }
0xb7: {  	v18 =	vmov s25;
	v15 =	vshrl.u32 v15, $0x3;
	s22 =	simm.s32 $0xB;
	v3 =	vld.idx.msk [tilespmem:v3+s20+$0x0], $0xffff  }
0xb8: {  	s24 =	simm.s32 $0xD;
	v18 =	vshrl.u32 v18, $0x3;
	v15 =	vshll.u32 v15, v1;
	v14 =	vmov s22;
	v13 =	vld.idx.msk [tilespmem:v2+s20+$0x0], $0xffff  }
0xb9: {  	s15 =	simm.s32 $0x8;
	s16 =	simm.s32 $0x9;
	v15 =	vadd.s32 $0x84, v15;
	v14 =	vshrl.u32 v14, $0x3;
	v17 =	vmov s24;
	s17 =	simm.s32 $0xA;
	v5 =	vld.idx.msk [tilespmem:v7+s20+$0x0], $0xffff  }
0xba: {  	v12 =	vmov s17;
	v2 =	vld.idx.msk [tilespmem:v8+s20+$0x0], $0xffff;
	v7 =	vmov s15;
	v8 =	vmov s16  }
0xbb: {  	v12 =	vshrl.u32 v12, $0x3;
	v21 =	vld [tilespmem:s12+$0xFFFFFFB0];
	v7 =	vshrl.u32 v7, $0x3;
	v8 =	vshrl.u32 v8, $0x3  }
0xbc: {  	v23 =	vld [tilespmem:s12+$0xFFFFFFC0];
	v7 =	vshll.u32 v7, v1;
	v22 =	vshll.u32 v8, v1;
	v8 =	vmul.f32 v10, v3  }
0xbd: {  	v62 =	vld [tilespmem:s12+$0xFFFFFFD0];
	v10 =	vshll.u32 v12, v1;
	v12 =	vshll.u32 v14, v1;
	v14 =	vmul.f32 v16, v9  }
0xbe: {  	v17 =	vshrl.u32 v17, $0x3;
	v63 =	vld [tilespmem:s12+$0xFFFFFFE0];
	v7 =	vadd.s32 $0x80, v7;
	v9 =	vmul.f32 v19, v9;
	[tilespmem:s12+$0x70] =	vst v8  }
0xbf: {  	v7 =	vbroadcast v7, $0x0;
	v16 =	vshll.u32 v17, v1;
	[tilespmem:s12+$0xFFFFFF80] =	vst v14;
	v14 =	vmul.f32 v20, v11;
	v8 =	vld [tilespmem:s12+$0xFFFFFFF0]  }
0xc0: {  	v17 =	vshll.u32 v18, v1;
	v18 =	vadd.s32 $0x81, v22;
	[tilespmem:s12+$0xFFFFFF90] =	vst v9;
	v11 =	vmul.f32 v21, v11;
	v9 =	vld [tilespmem:s12+$0x0]  }
0xc1: {  	v19 =	vadd.s32 $0x83, v12;
	v20 =	vadd.s32 $0x82, v10;
	v21 =	vmul.f32 v23, v13;
	v10 =	vld [tilespmem:s12+$0x10];
	[tilespmem:s12+$0xFFFFFFA0] =	vst v14  }
0xc2: {  	v12 =	vbroadcast v18, $0x0;
	v16 =	vadd.s32 $0x85, v16;
	v18 =	vmul.f32 v62, v13;
	[tilespmem:s12+$0xFFFFFFB0] =	vst v11;
	v11 =	vld [tilespmem:s12+$0x20]  }
0xc3: {  	s13 =	simm.s32 $0x10;
	s14 =	simm.s32 $0xF;
	v17 =	vadd.s32 $0x86, v17;
	v13 =	vld [tilespmem:s12+$0x30];
	v14 =	vbroadcast v20, $0x0;
	[tilespmem:s12+$0xFFFFFFC0] =	vst v21;
	v20 =	vmul.f32 v63, v6  }
.LBB2_6:
0xc4: {  	p1 =	slt.u32 s13, $0x78;
	v19 =	vbroadcast v19, $0x0;
	v21 =	vmov s14;
	[tilespmem:s12+$0xFFFFFFD0] =	vst v18;
	v6 =	vmul.f32 v8, v6;
	v8 =	vld [tilespmem:s12+$0x40]  }
0xc5: {  	v15 =	vbroadcast v15, $0x0;
	v18 =	vshrl.u32 v21, $0x3;
	[tilespmem:s12+$0xFFFFFFE0] =	vst v20;
	v9 =	vmul.f32 v9, v5;
	v20 =	vld [tilespmem:s12+$0x50]  }
0xc6: {  	v16 =	vbroadcast v16, $0x0;
	v18 =	vshll.u32 v18, v1;
	[tilespmem:s12+$0xFFFFFFF0] =	vst v6;
	v5 =	vmul.f32 v10, v5;
	v10 =	vld [tilespmem:s12+$0x60]  }
0xc7: {  	v17 =	vbroadcast v17, $0x0;
	v7 =	vld.idx.msk [tilespmem:v7+s20+$0x0], $0xffff;
	v6 =	vadd.s32 $0x87, v18;
	[tilespmem:s12+$0x0] =	vst v9;
	v9 =	vmul.f32 v11, v4  }
0xc8: {  	v11 =	vld.idx.msk [tilespmem:v12+s20+$0x0], $0xffff;
	v12 =	vbroadcast v6, $0x0;
	[tilespmem:s12+$0x10] =	vst v5;
	v4 =	vmul.f32 v13, v4  }
0xc9: {  	v13 =	vld.idx.msk [tilespmem:v14+s20+$0x0], $0xffff;
	[tilespmem:s12+$0x20] =	vst v9;
	v8 =	vmul.f32 v8, v2  }
0xca: {  	v6 =	vld.idx.msk [tilespmem:v19+s20+$0x0], $0xffff;
	[tilespmem:s12+$0x30] =	vst v4;
	v2 =	vmul.f32 v20, v2  }
0xcb: {  	v5 =	vld.idx.msk [tilespmem:v15+s20+$0x0], $0xffff;
	[tilespmem:s12+$0x40] =	vst v8;
	v3 =	vmul.f32 v10, v3  }
0xcc: {  	v4 =	vld.idx.msk [tilespmem:v16+s20+$0x0], $0xffff;
	[tilespmem:s12+$0x50] =	vst v2  }
0xcd: {  	v2 =	vld.idx.msk [tilespmem:v17+s20+$0x0], $0xffff;
	[tilespmem:s12+$0x60] =	vst v3  }
0xce: {  	s14 =	sadd.s32 $0x1, s13;
	v8 =	vmov s13;
	s12 =	sadd.s32 $0x100, s12;
	v3 =	vld.idx.msk [tilespmem:v12+s20+$0x0], $0xffff  }
0xcf: {  	s15 =	sadd.s32 $0x3, s13;
	s16 =	sadd.s32 $0x4, s13;
	v9 =	vmov s14;
	s14 =	sadd.s32 $0x2, s13;
	v8 =	vshrl.u32 v8, $0x3;
	v10 =	vld [tilespmem:s12+$0x70]  }
0xd0: {  	v14 =	vmov s15;
	s15 =	sadd.s32 $0x6, s13;
	v15 =	vmov s16;
	v12 =	vmov s14;
	s14 =	sadd.s32 $0x5, s13;
	v16 =	vld [tilespmem:s12+$0xFFFFFF80]  }
0xd1: {  	v18 =	vmov s15;
	v8 =	vshll.u32 v8, v1;
	v17 =	vmov s14;
	v19 =	vld [tilespmem:s12+$0xFFFFFF90]  }
0xd2: {  	v9 =	vshrl.u32 v9, $0x3;
	v14 =	vshrl.u32 v14, $0x3;
	v12 =	vshrl.u32 v12, $0x3;
	v20 =	vld [tilespmem:s12+$0xFFFFFFA0]  }
0xd3: {  	v18 =	vshrl.u32 v18, $0x3;
	v15 =	vshrl.u32 v15, $0x3;
	v17 =	vshrl.u32 v17, $0x3;
	v21 =	vld [tilespmem:s12+$0xFFFFFFB0]  }
0xd4: {  	v9 =	vshll.u32 v9, v1;
	v8 =	vadd.s32 $0x80, v8;
	v22 =	vld [tilespmem:s12+$0xFFFFFFC0];
	v10 =	vmul.f32 v10, v3  }
0xd5: {  	v14 =	vshll.u32 v14, v1;
	v12 =	vshll.u32 v12, v1;
	v16 =	vmul.f32 v16, v7;
	v23 =	vld [tilespmem:s12+$0xFFFFFFD0]  }
0xd6: {  	v15 =	vshll.u32 v15, v1;
	v17 =	vshll.u32 v17, v1;
	v19 =	vmul.f32 v19, v7;
	v24 =	vld [tilespmem:s12+$0xFFFFFFE0];
	[tilespmem:s12+$0x70] =	vst v10  }
.Ltmp2:
0xd7: {  	v25 =	vshll.u32 v18, v1;
	v7 =	vbroadcast v8, $0x0;
	[tilespmem:s12+$0xFFFFFF80] =	vst v16;
	v10 =	vmul.f32 v20, v11;
	v8 =	vld [tilespmem:s12+$0xFFFFFFF0];
	(pc) =	sbr.rel @p1 .LBB2_6-.Ltmp2, $4  }
0xd8: {  	v16 =	vadd.s32 $0x81, v9;
	v20 =	vadd.s32 $0x82, v12;
	[tilespmem:s12+$0xFFFFFF90] =	vst v19;
	v11 =	vmul.f32 v21, v11;
	v9 =	vld [tilespmem:s12+$0x0]  }
0xd9: {  	v15 =	vadd.s32 $0x84, v15;
	v19 =	vadd.s32 $0x83, v14;
	[tilespmem:s12+$0xFFFFFFA0] =	vst v10;
	v21 =	vmul.f32 v22, v13;
	v10 =	vld [tilespmem:s12+$0x10]  }
0xda: {  	v12 =	vbroadcast v16, $0x0;
	v16 =	vadd.s32 $0x85, v17;
	[tilespmem:s12+$0xFFFFFFB0] =	vst v11;
	v18 =	vmul.f32 v23, v13;
	v11 =	vld [tilespmem:s12+$0x20]  }
0xdb: {  	s14 =	sadd.s32 $0x7, s13;
	s13 =	sadd.s32 $0x8, s13;
	v14 =	vbroadcast v20, $0x0;
	v17 =	vadd.s32 $0x86, v25;
	[tilespmem:s12+$0xFFFFFFC0] =	vst v21;
	v20 =	vmul.f32 v24, v6;
	v13 =	vld [tilespmem:s12+$0x30]  }
0xdc: {  	_ = 	snop  }
0xdd: {  	v22 =	vld [tilespmem:s12+$0x40]  }
0xde: {  	v23 =	vld [tilespmem:s12+$0x50]  }
0xdf: {  	v24 =	vld [tilespmem:s12+$0x60]  }
0xe0: {  	v7 =	vld.idx.msk [tilespmem:v7+s20+$0x0], $0xffff  }
0xe1: {  	v12 =	vld.idx.msk [tilespmem:v12+s20+$0x0], $0xffff  }
0xe2: {  	s13 =	sadd.s32 $0x100, s12;
	v14 =	vld.idx.msk [tilespmem:v14+s20+$0x0], $0xffff  }
0xe3: {  	v47 =	vld [tilespmem:s13+$0x70]  }
0xe4: {  	v49 =	vld [tilespmem:s13+$0xFFFFFF80]  }
0xe5: {  	[tilespmem:s12+$0xFFFFFFD0] =	vst v18;
	v6 =	vmul.f32 v8, v6;
	v51 =	vld [tilespmem:s13+$0xFFFFFF90]  }
0xe6: {  	v21 =	vmov s14;
	[tilespmem:s12+$0xFFFFFFE0] =	vst v20;
	v9 =	vmul.f32 v9, v5;
	v52 =	vld [tilespmem:s13+$0xFFFFFFA0]  }
0xe7: {  	v21 =	vshrl.u32 v21, $0x3;
	v53 =	vld [tilespmem:s13+$0xFFFFFFB0];
	[tilespmem:s12+$0xFFFFFFF0] =	vst v6;
	v44 =	vmul.f32 v10, v5  }
0xe8: {  	v19 =	vbroadcast v19, $0x0;
	v54 =	vld [tilespmem:s13+$0xFFFFFFD0];
	v21 =	vshll.u32 v21, v1;
	[tilespmem:s12+$0x0] =	vst v9;
	v46 =	vmul.f32 v11, v4  }
0xe9: {  	v55 =	vld [tilespmem:s13+$0xFFFFFFE0];
	v21 =	vadd.s32 $0x87, v21;
	[tilespmem:s12+$0x10] =	vst v44;
	v48 =	vmul.f32 v13, v4  }
0xea: {  	v56 =	vld [tilespmem:s13+$0xFFFFFFF0];
	v21 =	vbroadcast v21, $0x0;
	[tilespmem:s12+$0x20] =	vst v46;
	v50 =	vmul.f32 v22, v2  }
0xeb: {  	v15 =	vbroadcast v15, $0x0;
	v58 =	vld [tilespmem:s13+$0x0];
	v2 =	vmul.f32 v23, v2;
	[tilespmem:s12+$0x30] =	vst v48  }
0xec: {  	v59 =	vld [tilespmem:s13+$0x20];
	v3 =	vmul.f32 v24, v3;
	[tilespmem:s12+$0x40] =	vst v50  }
0xed: {  	v16 =	vbroadcast v16, $0x0;
	v57 =	vmul.f32 v53, v12;
	[tilespmem:s12+$0x50] =	vst v2;
	v2 =	vld [tilespmem:s13+$0xFFFFFFC0]  }
0xee: {  	v19 =	vld.idx.msk [tilespmem:v19+s20+$0x0], $0xffff;
	[tilespmem:s12+$0x60] =	vst v3;
	v3 =	vmul.f32 v49, v7  }
0xef: {  	v17 =	vbroadcast v17, $0x0;
	v60 =	vld [tilespmem:s13+$0x30];
	v5 =	vmul.f32 v54, v14;
	[tilespmem:s13+$0xFFFFFFB0] =	vst v57  }
0xf0: {  	[tilespmem:s13+$0xFFFFFF80] =	vst v3;
	v3 =	vmul.f32 v52, v12;
	v45 =	vld.idx.msk [tilespmem:v21+s20+$0x0], $0xffff  }
0xf1: {  	v15 =	vld.idx.msk [tilespmem:v15+s20+$0x0], $0xffff;
	v7 =	vmul.f32 v51, v7;
	[tilespmem:s13+$0xFFFFFFD0] =	vst v5  }
0xf2: {  	[tilespmem:s13+$0xFFFFFFA0] =	vst v3;
	v3 =	vld [tilespmem:s13+$0x10];
	v2 =	vmul.f32 v2, v14  }
0xf3: {  	v42 =	vld.idx.msk [tilespmem:v16+s20+$0x0], $0xffff;
	[tilespmem:s13+$0xFFFFFF90] =	vst v7;
	v4 =	vmul.f32 v56, v19  }
0xf4: {  	v61 =	vld [tilespmem:s13+$0x40];
	[tilespmem:s13+$0xFFFFFFC0] =	vst v2;
	v2 =	vmul.f32 v55, v19  }
0xf5: {  	v43 =	vld.idx.msk [tilespmem:v17+s20+$0x0], $0xffff;
	[tilespmem:s13+$0xFFFFFFF0] =	vst v4;
	v10 =	vmul.f32 v47, v45  }
0xf6: {  	v62 =	vld [tilespmem:s13+$0x50];
	[tilespmem:s13+$0xFFFFFFE0] =	vst v2;
	v2 =	vmul.f32 v58, v15  }
0xf7: {  	v63 =	vld [tilespmem:s13+$0x60];
	v3 =	vmul.f32 v3, v15;
	[tilespmem:s13+$0x70] =	vst v10  }
0xf8: {  	[tilespmem:s13+$0x0] =	vst v2;
	v2 =	vmul.f32 v59, v42  }
0xf9: {  	[tilespmem:s13+$0x10] =	vst v3;
	v3 =	vmul.f32 v60, v42  }
0xfa: {  	[tilespmem:s13+$0x20] =	vst v2;
	v2 =	vmul.f32 v61, v43  }
0xfb: {  	[tilespmem:s13+$0x30] =	vst v3;
	v3 =	vmul.f32 v62, v43  }
0xfc: {  	[tilespmem:s13+$0x40] =	vst v2;
	v2 =	vmul.f32 v63, v45  }
0xfd: {  	[tilespmem:s13+$0x50] =	vst v3  }
0xfe: {  	s25 =	simm.s32 $0x5080;
	s12 =	simm.s32 $0x0;
	[tilespmem:s13+$0x60] =	vst v2;
	s13 =	simm.s32 $0x0  }
0xff: {  	[spmem:s2] =	stream.indirect.scatter.add.f32 [tilespmem:s31], [sflag:$0x6], $0x20, s25, s30, $0xb8;
	[tilespmem:$0x1CC40] =	vst v63  }
.LBB2_8:
0x100: {  	s15 =	sshll.u32 s13, $0x2;
	v10 =	vmov s12;
	s22 =	simm.s32 $0x1  }
0x101: {  	s16 =	simm.s32 $0x2;
	s23 =	simm.s32 $0x3;
	s24 =	simm.s32 $0x5;
	v10 =	vshrl.u32 v10, $0x3;
	v11 =	vmov s22  }
0x102: {  	s14 =	sor.u32 $0x2, s15;
	s22 =	simm.s32 $0x4;
	v12 =	vmov s16;
	v13 =	vmov s23;
	v15 =	vmov s24  }
0x103: {  	s17 =	sshll.u32 s14, $0x7;
	v14 =	vmov s22;
	v10 =	vshll.u32 v10, v1;
	v11 =	vshrl.u32 v11, $0x3  }
0x104: {  	_ =	swait.ge [sflag:s5], $0x1000;
	v12 =	vshrl.u32 v12, $0x3;
	v13 =	vshrl.u32 v13, $0x3;
	v3 =	vmov s17  }
0x105: {  	[sflag:s5] =	ssyncset.done $0x0;
	s16 =	simm.s32 $0x7;
	v15 =	vshrl.u32 v15, $0x3;
	v11 =	vshll.u32 v11, v1;
	v4 =	vor.u32 $0x1, v3  }
0x106: {  	[sflag:s5] =	ssyncadd.s32 $0xFFFFF000;
	v17 =	vmov s16;
	v14 =	vshrl.u32 v14, $0x3;
	v11 =	vadd.s32 v11, v4  }
0x107: {  	v13 =	vshll.u32 v13, v1;
	_ =	swait.ge [sflag:s6], $0x1000;
	v6 =	vor.u32 $0x3, v3;
	v11 =	vbroadcast v11, $0x0  }
0x108: {  	s22 =	sadd.s32 $0x4, s15;
	v7 =	vor.u32 $0x4, v3;
	v10 =	vadd.s32 v3, v10;
	v14 =	vshll.u32 v14, v1;
	[sflag:s6] =	ssyncset.done $0x0  }
0x109: {  	s16 =	simm.s32 $0x11080;
	s14 =	sshll.u32 s22, $0x7;
	v10 =	vbroadcast v10, $0x0;
	v13 =	vadd.s32 v13, v6;
	v14 =	vadd.s32 v14, v7;
	[sflag:s6] =	ssyncadd.s32 $0xFFFFF000  }
0x10a: {  	v13 =	vbroadcast v13, $0x0;
	v18 =	vbroadcast v14, $0x0;
	v14 =	vshrl.u32 v17, $0x3;
	[tilespmem:s21], [sflag:$0x1] =	stream.indirect.gather [spmem:s3], $0x20, s14, s30, $0xb8;
	[tilespmem:$0x1CC40] =	vst v63  }
0x10b: {  	v12 =	vshll.u32 v12, v1;
	v2 =	vor.u32 $0x7, v3;
	v14 =	vshll.u32 v14, v1;
	v24 =	vld [tilespmem:s16+$0xFFFFFF80]  }
0x10c: {  	v15 =	vshll.u32 v15, v1;
	v5 =	vor.u32 $0x2, v3;
	v27 =	vld [tilespmem:s16+$0xFFFFFF90];
	v14 =	vadd.s32 v14, v2  }
0x10d: {  	v8 =	vor.u32 $0x5, v3;
	v12 =	vadd.s32 v12, v5;
	v19 =	vld.idx.msk [tilespmem:v11+s20+$0x0], $0xffff;
	v11 =	vbroadcast v14, $0x0  }
0x10e: {  	s25 =	simm.s32 $0x6;
	v15 =	vadd.s32 v15, v8;
	v12 =	vbroadcast v12, $0x0;
	v28 =	vld [tilespmem:s16+$0xFFFFFFA0]  }
0x10f: {  	v16 =	vmov s25;
	v15 =	vbroadcast v15, $0x0;
	v17 =	vld.idx.msk [tilespmem:v10+s20+$0x0], $0xffff  }
0x110: {  	s25 =	simm.s32 $0xA;
	v16 =	vshrl.u32 v16, $0x3;
	v14 =	vld.idx.msk [tilespmem:v13+s20+$0x0], $0xffff  }
0x111: {  	v21 =	vmov s25;
	s25 =	simm.s32 $0xE;
	v16 =	vshll.u32 v16, v1;
	v9 =	vor.u32 $0x6, v3;
	v13 =	vld.idx.msk [tilespmem:v18+s20+$0x0], $0xffff  }
0x112: {  	v26 =	vmov s25;
	v16 =	vadd.s32 v16, v9;
	v18 =	vld [tilespmem:s16+$0x70]  }
0x113: {  	s24 =	simm.s32 $0x9;
	v26 =	vshrl.u32 v26, $0x3;
	v10 =	vbroadcast v16, $0x0;
	v11 =	vld.idx.msk [tilespmem:v11+s20+$0x0], $0xffff  }
0x114: {  	s23 =	simm.s32 $0x8;
	v21 =	vshrl.u32 v21, $0x3;
	v26 =	vshll.u32 v26, v1;
	v16 =	vmov s24;
	s24 =	simm.s32 $0xC;
	v20 =	vld.idx.msk [tilespmem:v12+s20+$0x0], $0xffff  }
0x115: {  	v26 =	vadd.s32 v26, v9;
	v12 =	vld.idx.msk [tilespmem:v15+s20+$0x0], $0xffff;
	v15 =	vmov s23;
	s23 =	simm.s32 $0xB;
	v23 =	vmov s24  }
0x116: {  	v29 =	vld [tilespmem:s16+$0xFFFFFFB0];
	s24 =	simm.s32 $0xD;
	v16 =	vshrl.u32 v16, $0x3;
	v15 =	vshrl.u32 v15, $0x3;
	v22 =	vmov s23  }
0x117: {  	v31 =	vld [tilespmem:s16+$0xFFFFFFC0];
	v25 =	vmov s24;
	v23 =	vshrl.u32 v23, $0x3;
	v30 =	vshll.u32 v16, v1  }
0x118: {  	v32 =	vld [tilespmem:s16+$0xFFFFFFD0];
	v15 =	vshll.u32 v15, v1;
	v22 =	vshrl.u32 v22, $0x3;
	v16 =	vmul.f32 v18, v11  }
0x119: {  	v10 =	vld.idx.msk [tilespmem:v10+s20+$0x0], $0xffff;
	v18 =	vshll.u32 v21, v1;
	v21 =	vshll.u32 v22, v1;
	v22 =	vmul.f32 v24, v17  }
0x11a: {  	v25 =	vshrl.u32 v25, $0x3;
	v23 =	vshll.u32 v23, v1;
	v17 =	vmul.f32 v27, v17;
	v27 =	vld [tilespmem:s16+$0xFFFFFFE0];
	[tilespmem:s16+$0x70] =	vst v16  }
0x11b: {  	v30 =	vadd.s32 v30, v4;
	v15 =	vadd.s32 v3, v15;
	[tilespmem:s16+$0xFFFFFF80] =	vst v22;
	v22 =	vmul.f32 v28, v19;
	v16 =	vld [tilespmem:s16+$0xFFFFFFF0]  }
0x11c: {  	v25 =	vshll.u32 v25, v1;
	v15 =	vbroadcast v15, $0x0;
	[tilespmem:s16+$0xFFFFFF90] =	vst v17;
	v19 =	vmul.f32 v29, v19;
	v17 =	vld [tilespmem:s16+$0x0]  }
0x11d: {  	v24 =	vadd.s32 v23, v7;
	v33 =	vadd.s32 v18, v5;
	v18 =	vld [tilespmem:s16+$0x10];
	v29 =	vmul.f32 v31, v20;
	[tilespmem:s16+$0xFFFFFFA0] =	vst v22  }
0x11e: {  	v23 =	vmul.f32 v32, v20;
	v28 =	vadd.s32 v21, v6;
	v21 =	vbroadcast v30, $0x0;
	[tilespmem:s16+$0xFFFFFFB0] =	vst v19;
	v19 =	vld [tilespmem:s16+$0x20]  }
0x11f: {  	s22 =	simm.s32 $0x10;
	s23 =	simm.s32 $0xF;
	v25 =	vadd.s32 v25, v8;
	v20 =	vld [tilespmem:s16+$0x30];
	v22 =	vbroadcast v33, $0x0;
	[tilespmem:s16+$0xFFFFFFC0] =	vst v29;
	v27 =	vmul.f32 v27, v14  }
.LBB2_9:
0x120: {  	p1 =	slt.u32 s22, $0x78;
	v28 =	vbroadcast v28, $0x0;
	v29 =	vmov s23;
	[tilespmem:s16+$0xFFFFFFD0] =	vst v23;
	v14 =	vmul.f32 v16, v14;
	v16 =	vld [tilespmem:s16+$0x40]  }
0x121: {  	v23 =	vbroadcast v24, $0x0;
	v24 =	vshrl.u32 v29, $0x3;
	[tilespmem:s16+$0xFFFFFFE0] =	vst v27;
	v17 =	vmul.f32 v17, v13;
	v27 =	vld [tilespmem:s16+$0x50]  }
0x122: {  	v25 =	vbroadcast v25, $0x0;
	v24 =	vshll.u32 v24, v1;
	[tilespmem:s16+$0xFFFFFFF0] =	vst v14;
	v13 =	vmul.f32 v18, v13;
	v18 =	vld [tilespmem:s16+$0x60]  }
0x123: {  	v26 =	vbroadcast v26, $0x0;
	v15 =	vld.idx.msk [tilespmem:v15+s20+$0x0], $0xffff;
	v14 =	vadd.s32 v24, v2;
	[tilespmem:s16+$0x0] =	vst v17;
	v17 =	vmul.f32 v19, v12  }
0x124: {  	v19 =	vld.idx.msk [tilespmem:v21+s20+$0x0], $0xffff;
	v21 =	vbroadcast v14, $0x0;
	[tilespmem:s16+$0x10] =	vst v13;
	v12 =	vmul.f32 v20, v12  }
0x125: {  	v20 =	vld.idx.msk [tilespmem:v22+s20+$0x0], $0xffff;
	[tilespmem:s16+$0x20] =	vst v17;
	v16 =	vmul.f32 v16, v10  }
0x126: {  	v14 =	vld.idx.msk [tilespmem:v28+s20+$0x0], $0xffff;
	[tilespmem:s16+$0x30] =	vst v12;
	v10 =	vmul.f32 v27, v10  }
0x127: {  	v13 =	vld.idx.msk [tilespmem:v23+s20+$0x0], $0xffff;
	[tilespmem:s16+$0x40] =	vst v16;
	v11 =	vmul.f32 v18, v11  }
0x128: {  	v12 =	vld.idx.msk [tilespmem:v25+s20+$0x0], $0xffff;
	[tilespmem:s16+$0x50] =	vst v10  }
0x129: {  	v10 =	vld.idx.msk [tilespmem:v26+s20+$0x0], $0xffff;
	[tilespmem:s16+$0x60] =	vst v11  }
0x12a: {  	s23 =	sadd.s32 $0x1, s22;
	v16 =	vmov s22;
	s16 =	sadd.s32 $0x100, s16;
	v11 =	vld.idx.msk [tilespmem:v21+s20+$0x0], $0xffff  }
0x12b: {  	s24 =	sadd.s32 $0x3, s22;
	s25 =	sadd.s32 $0x4, s22;
	v17 =	vmov s23;
	s23 =	sadd.s32 $0x2, s22;
	v16 =	vshrl.u32 v16, $0x3;
	v18 =	vld [tilespmem:s16+$0x70]  }
0x12c: {  	v22 =	vmov s24;
	s24 =	sadd.s32 $0x6, s22;
	v23 =	vmov s25;
	v21 =	vmov s23;
	s23 =	sadd.s32 $0x5, s22;
	v24 =	vld [tilespmem:s16+$0xFFFFFF80]  }
0x12d: {  	v16 =	vshll.u32 v16, v1;
	v26 =	vmov s24;
	v25 =	vmov s23;
	v27 =	vld [tilespmem:s16+$0xFFFFFF90]  }
0x12e: {  	v17 =	vshrl.u32 v17, $0x3;
	v22 =	vshrl.u32 v22, $0x3;
	v21 =	vshrl.u32 v21, $0x3;
	v28 =	vld [tilespmem:s16+$0xFFFFFFA0]  }
0x12f: {  	v23 =	vshrl.u32 v23, $0x3;
	v26 =	vshrl.u32 v26, $0x3;
	v25 =	vshrl.u32 v25, $0x3;
	v29 =	vld [tilespmem:s16+$0xFFFFFFB0]  }
0x130: {  	v17 =	vshll.u32 v17, v1;
	v16 =	vadd.s32 v3, v16;
	v30 =	vld [tilespmem:s16+$0xFFFFFFC0];
	v18 =	vmul.f32 v18, v11  }
0x131: {  	v22 =	vshll.u32 v22, v1;
	v21 =	vshll.u32 v21, v1;
	v24 =	vmul.f32 v24, v15;
	v31 =	vld [tilespmem:s16+$0xFFFFFFD0]  }
0x132: {  	v23 =	vshll.u32 v23, v1;
	v25 =	vshll.u32 v25, v1;
	v27 =	vmul.f32 v27, v15;
	v32 =	vld [tilespmem:s16+$0xFFFFFFE0];
	[tilespmem:s16+$0x70] =	vst v18  }
.Ltmp3:
0x133: {  	v26 =	vshll.u32 v26, v1;
	v15 =	vbroadcast v16, $0x0;
	[tilespmem:s16+$0xFFFFFF80] =	vst v24;
	v18 =	vmul.f32 v28, v19;
	v16 =	vld [tilespmem:s16+$0xFFFFFFF0];
	(pc) =	sbr.rel @p1 .LBB2_9-.Ltmp3, $4  }
0x134: {  	v33 =	vadd.s32 v17, v4;
	v34 =	vadd.s32 v21, v5;
	[tilespmem:s16+$0xFFFFFF90] =	vst v27;
	v19 =	vmul.f32 v29, v19;
	v17 =	vld [tilespmem:s16+$0x0]  }
0x135: {  	v28 =	vadd.s32 v22, v6;
	v24 =	vadd.s32 v23, v7;
	[tilespmem:s16+$0xFFFFFFA0] =	vst v18;
	v27 =	vmul.f32 v30, v20;
	v18 =	vld [tilespmem:s16+$0x10]  }
0x136: {  	v21 =	vbroadcast v33, $0x0;
	v25 =	vadd.s32 v25, v8;
	[tilespmem:s16+$0xFFFFFFB0] =	vst v19;
	v23 =	vmul.f32 v31, v20;
	v19 =	vld [tilespmem:s16+$0x20]  }
0x137: {  	s23 =	sadd.s32 $0x7, s22;
	s22 =	sadd.s32 $0x8, s22;
	v26 =	vadd.s32 v26, v9;
	v22 =	vbroadcast v34, $0x0;
	[tilespmem:s16+$0xFFFFFFC0] =	vst v27;
	v27 =	vmul.f32 v32, v14;
	v20 =	vld [tilespmem:s16+$0x30]  }
0x138: {  	_ = 	snop  }
0x139: {  	v5 =	vld [tilespmem:s16+$0x40]  }
0x13a: {  	v7 =	vld [tilespmem:s16+$0x50]  }
0x13b: {  	v9 =	vld [tilespmem:s16+$0x60]  }
0x13c: {  	v15 =	vld.idx.msk [tilespmem:v15+s20+$0x0], $0xffff;
	s22 =	sadd.s32 $0x100, s16  }
0x13d: {  	v14 =	vmul.f32 v16, v14;
	v16 =	vld [tilespmem:s22+$0xFFFFFF80]  }
0x13e: {  	v4 =	vmov s23;
	[tilespmem:s16+$0xFFFFFFD0] =	vst v23;
	v23 =	vld [tilespmem:s22+$0xFFFFFF90]  }
0x13f: {  	v3 =	vbroadcast v28, $0x0;
	v4 =	vshrl.u32 v4, $0x3;
	[tilespmem:s16+$0xFFFFFFF0] =	vst v14;
	v14 =	vld [tilespmem:s22+$0xFFFFFFA0]  }
0x140: {  	v17 =	vmul.f32 v17, v13;
	v4 =	vshll.u32 v4, v1;
	v13 =	vmul.f32 v18, v13;
	v18 =	vld [tilespmem:s22+$0xFFFFFFB0]  }
0x141: {  	v6 =	vbroadcast v24, $0x0;
	v2 =	vadd.s32 v4, v2;
	v4 =	vld.idx.msk [tilespmem:v21+s20+$0x0], $0xffff  }
0x142: {  	v24 =	vbroadcast v26, $0x0;
	v21 =	vld.idx.msk [tilespmem:v22+s20+$0x0], $0xffff;
	[tilespmem:s16+$0x0] =	vst v17;
	v17 =	vmul.f32 v19, v12  }
0x143: {  	[tilespmem:s16+$0x10] =	vst v13;
	v13 =	vld [tilespmem:s22+$0xFFFFFFC0]  }
0x144: {  	v8 =	vbroadcast v25, $0x0;
	v2 =	vbroadcast v2, $0x0;
	[tilespmem:s16+$0x20] =	vst v17;
	v17 =	vld [tilespmem:s22+$0xFFFFFFD0]  }
0x145: {  	v5 =	vmul.f32 v5, v10;
	v7 =	vmul.f32 v7, v10;
	v10 =	vld [tilespmem:s22+$0xFFFFFFE0]  }
0x146: {  	[tilespmem:s16+$0xFFFFFFE0] =	vst v27;
	v12 =	vmul.f32 v20, v12;
	v3 =	vld.idx.msk [tilespmem:v3+s20+$0x0], $0xffff  }
0x147: {  	v6 =	vld.idx.msk [tilespmem:v6+s20+$0x0], $0xffff;
	[tilespmem:s16+$0x40] =	vst v5;
	v5 =	vmul.f32 v9, v11  }
0x148: {  	v22 =	vld.idx.msk [tilespmem:v24+s20+$0x0], $0xffff;
	[tilespmem:s16+$0x30] =	vst v12  }
0x149: {  	v24 =	vld [tilespmem:s22+$0x70];
	[tilespmem:s16+$0x60] =	vst v5;
	v5 =	vmul.f32 v16, v15  }
0x14a: {  	[tilespmem:s16+$0x50] =	vst v7;
	v15 =	vmul.f32 v23, v15;
	v2 =	vld.idx.msk [tilespmem:v2+s20+$0x0], $0xffff  }
0x14b: {  	v8 =	vld.idx.msk [tilespmem:v8+s20+$0x0], $0xffff;
	[tilespmem:s22+$0xFFFFFF80] =	vst v5;
	v5 =	vmul.f32 v14, v4  }
0x14c: {  	v9 =	vld [tilespmem:s22+$0xFFFFFFF0];
	[tilespmem:s22+$0xFFFFFF90] =	vst v15;
	v4 =	vmul.f32 v18, v4  }
0x14d: {  	v11 =	vld [tilespmem:s22+$0x0];
	[tilespmem:s22+$0xFFFFFFA0] =	vst v5;
	v5 =	vmul.f32 v13, v21  }
0x14e: {  	v12 =	vld [tilespmem:s22+$0x10];
	[tilespmem:s22+$0xFFFFFFB0] =	vst v4;
	v4 =	vmul.f32 v17, v21  }
0x14f: {  	v14 =	vld [tilespmem:s22+$0x30];
	v7 =	vmul.f32 v24, v2;
	[tilespmem:s22+$0xFFFFFFC0] =	vst v5  }
0x150: {  	v15 =	vld [tilespmem:s22+$0x40];
	v5 =	vmul.f32 v10, v3;
	[tilespmem:s22+$0xFFFFFFD0] =	vst v4  }
0x151: {  	v13 =	vld [tilespmem:s22+$0x50];
	v3 =	vmul.f32 v9, v3;
	[tilespmem:s22+$0x70] =	vst v7  }
0x152: {  	v16 =	vld [tilespmem:s22+$0x60];
	v4 =	vmul.f32 v11, v6;
	[tilespmem:s22+$0xFFFFFFE0] =	vst v5  }
0x153: {  	v6 =	vmul.f32 v12, v6;
	v7 =	vld [tilespmem:s22+$0x20];
	[tilespmem:s22+$0xFFFFFFF0] =	vst v3  }
0x154: {  	s23 =	sor.u32 $0x3, s15;
	v10 =	vmul.f32 v14, v8;
	[tilespmem:s22+$0x0] =	vst v4  }
0x155: {  	s24 =	simm.s32 $0x0;
	s16 =	sshll.u32 s23, $0x7;
	v11 =	vmul.f32 v15, v22;
	[tilespmem:s22+$0x10] =	vst v6  }
0x156: {  	v14 =	vmov s24;
	s24 =	simm.s32 $0x2;
	v3 =	vmov s16;
	v12 =	vmul.f32 v13, v22;
	[tilespmem:s22+$0x30] =	vst v10  }
0x157: {  	v15 =	vmov s24;
	v13 =	vmul.f32 v16, v2;
	v4 =	vor.u32 $0x1, v3;
	[tilespmem:s22+$0x40] =	vst v11  }
0x158: {  	s25 =	simm.s32 $0x1;
	s23 =	simm.s32 $0x3;
	v5 =	vor.u32 $0x2, v3;
	v6 =	vor.u32 $0x3, v3;
	[tilespmem:s22+$0x50] =	vst v12;
	v9 =	vmul.f32 v7, v8  }
0x159: {  	s17 =	sand.u32 $0x3FFFFF80, s17;
	v10 =	vshrl.u32 v14, $0x3;
	v14 =	vmov s25;
	s25 =	simm.s32 $0x4;
	v11 =	vmov s23;
	[tilespmem:s22+$0x60] =	vst v13  }
0x15a: {  	s17 =	sadd.s32 $0x5000, s17;
	v16 =	vmov s25;
	v10 =	vshll.u32 v10, v1;
	v14 =	vshrl.u32 v14, $0x3;
	[tilespmem:s22+$0x20] =	vst v9  }
0x15b: {  	v11 =	vshrl.u32 v11, $0x3;
	v13 =	vshrl.u32 v15, $0x3;
	v15 =	vshrl.u32 v16, $0x3;
	[spmem:s2] =	stream.indirect.scatter.add.f32 [tilespmem:s0], [sflag:$0x7], $0x20, s17, s30, $0xb8;
	[tilespmem:$0x1CC40] =	vst v63  }
0x15c: {  	v10 =	vadd.s32 v3, v10;
	v14 =	vshll.u32 v14, v1;
	v11 =	vshll.u32 v11, v1;
	_ =	swait.ge [sflag:s28], $0x1000  }
0x15d: {  	v13 =	vshll.u32 v13, v1;
	v10 =	vbroadcast v10, $0x0;
	v14 =	vadd.s32 v14, v4;
	[sflag:s28] =	ssyncset.done $0x0  }
0x15e: {  	v15 =	vshll.u32 v15, v1;
	v13 =	vadd.s32 v13, v5;
	v14 =	vbroadcast v14, $0x0;
	[sflag:s28] =	ssyncadd.s32 $0xFFFFF000  }
0x15f: {  	s25 =	simm.s32 $0x6;
	v11 =	vadd.s32 v11, v6;
	v7 =	vor.u32 $0x4, v3;
	v13 =	vbroadcast v13, $0x0;
	_ =	swait.ge [sflag:s7], $0x1000  }
0x160: {  	s23 =	sadd.s32 $0x5, s15;
	v17 =	vmov s25;
	v11 =	vbroadcast v11, $0x0;
	v15 =	vadd.s32 v15, v7;
	s22 =	simm.s32 $0x7;
	[sflag:s7] =	ssyncset.done $0x0  }
0x161: {  	s15 =	sshll.u32 s23, $0x7;
	v16 =	vshrl.u32 v17, $0x3;
	v15 =	vbroadcast v15, $0x0;
	v17 =	vmov s22;
	[sflag:s7] =	ssyncadd.s32 $0xFFFFF000  }
0x162: {  	v16 =	vshll.u32 v16, v1;
	v9 =	vor.u32 $0x6, v3;
	v17 =	vshrl.u32 v17, $0x3;
	[tilespmem:s31], [sflag:$0x2] =	stream.indirect.gather [spmem:s3], $0x20, s15, s30, $0xb8;
	[tilespmem:$0x1CC40] =	vst v63  }
0x163: {  	s24 =	simm.s32 $0x5;
	v2 =	vor.u32 $0x7, v3;
	v16 =	vadd.s32 v16, v9;
	v17 =	vshll.u32 v17, v1;
	v18 =	vld.idx.msk [tilespmem:v10+s20+$0x0], $0xffff  }
0x164: {  	v12 =	vmov s24;
	v10 =	vbroadcast v16, $0x0;
	v16 =	vadd.s32 v17, v2;
	v17 =	vld.idx.msk [tilespmem:v14+s20+$0x0], $0xffff  }
0x165: {  	v12 =	vshrl.u32 v12, $0x3;
	v19 =	vld.idx.msk [tilespmem:v13+s20+$0x0], $0xffff  }
0x166: {  	v8 =	vor.u32 $0x5, v3;
	v12 =	vshll.u32 v12, v1;
	v14 =	vld.idx.msk [tilespmem:v11+s20+$0x0], $0xffff;
	v16 =	vbroadcast v16, $0x0  }
0x167: {  	v12 =	vadd.s32 v12, v8;
	s17 =	simm.s32 $0x12080;
	v13 =	vld.idx.msk [tilespmem:v15+s20+$0x0], $0xffff  }
0x168: {  	v12 =	vbroadcast v12, $0x0;
	v20 =	vld [tilespmem:s17+$0x70]  }
0x169: {  	s24 =	simm.s32 $0x8;
	v24 =	vld [tilespmem:s17+$0xFFFFFF80]  }
0x16a: {  	s23 =	simm.s32 $0xA;
	v15 =	vmov s24;
	s24 =	simm.s32 $0xB;
	v29 =	vld [tilespmem:s17+$0xFFFFFFB0]  }
0x16b: {  	v21 =	vmov s23;
	v31 =	vld [tilespmem:s17+$0xFFFFFFC0];
	v22 =	vmov s24;
	s24 =	simm.s32 $0xD  }
0x16c: {  	v21 =	vshrl.u32 v21, $0x3;
	v15 =	vshrl.u32 v15, $0x3;
	v25 =	vmov s24;
	v11 =	vld.idx.msk [tilespmem:v16+s20+$0x0], $0xffff  }
0x16d: {  	s25 =	simm.s32 $0x9;
	v27 =	vld [tilespmem:s17+$0xFFFFFF90];
	v15 =	vshll.u32 v15, v1;
	v22 =	vshrl.u32 v22, $0x3;
	v25 =	vshrl.u32 v25, $0x3  }
0x16e: {  	v12 =	vld.idx.msk [tilespmem:v12+s20+$0x0], $0xffff;
	v15 =	vadd.s32 v3, v15;
	v25 =	vshll.u32 v25, v1;
	v16 =	vmov s25;
	s25 =	simm.s32 $0xC  }
0x16f: {  	v28 =	vld [tilespmem:s17+$0xFFFFFFA0];
	v15 =	vbroadcast v15, $0x0;
	v29 =	vmul.f32 v29, v17;
	v23 =	vmov s25;
	s25 =	simm.s32 $0xE  }
0x170: {  	v32 =	vld [tilespmem:s17+$0xFFFFFFD0];
	v31 =	vmul.f32 v31, v19;
	v16 =	vshrl.u32 v16, $0x3;
	v26 =	vmov s25  }
0x171: {  	v10 =	vld.idx.msk [tilespmem:v10+s20+$0x0], $0xffff;
	v30 =	vshll.u32 v16, v1;
	v16 =	vmul.f32 v20, v11;
	v20 =	vshll.u32 v21, v1  }
0x172: {  	[tilespmem:s17+$0xFFFFFFB0] =	vst v29;
	v21 =	vshll.u32 v22, v1;
	v22 =	vmul.f32 v24, v18;
	v18 =	vmul.f32 v27, v18;
	v27 =	vld [tilespmem:s17+$0xFFFFFFE0]  }
0x173: {  	v25 =	vadd.s32 v25, v8;
	v23 =	vshrl.u32 v23, $0x3;
	v26 =	vshrl.u32 v26, $0x3;
	[tilespmem:s17+$0x70] =	vst v16;
	v16 =	vld [tilespmem:s17+$0xFFFFFFF0]  }
0x174: {  	v23 =	vshll.u32 v23, v1;
	v30 =	vadd.s32 v30, v4;
	[tilespmem:s17+$0xFFFFFF80] =	vst v22;
	v22 =	vmul.f32 v28, v17;
	v17 =	vld [tilespmem:s17+$0x0]  }
0x175: {  	v26 =	vshll.u32 v26, v1;
	v24 =	vadd.s32 v23, v7;
	v23 =	vmul.f32 v32, v19;
	[tilespmem:s17+$0xFFFFFF90] =	vst v18;
	v18 =	vld [tilespmem:s17+$0x10]  }
0x176: {  	[tilespmem:s17+$0xFFFFFFC0] =	vst v31;
	v19 =	vld [tilespmem:s17+$0x20];
	v20 =	vadd.s32 v20, v5;
	v28 =	vadd.s32 v21, v6;
	v21 =	vbroadcast v30, $0x0  }
0x177: {  	s23 =	simm.s32 $0xF;
	s22 =	simm.s32 $0x10;
	v26 =	vadd.s32 v26, v9;
	[tilespmem:s17+$0xFFFFFFA0] =	vst v22;
	v22 =	vbroadcast v20, $0x0;
	v20 =	vld [tilespmem:s17+$0x30];
	v27 =	vmul.f32 v27, v14  }
.LBB2_11:
0x178: {  	p1 =	slt.u32 s22, $0x78;
	v28 =	vbroadcast v28, $0x0;
	v29 =	vmov s23;
	[tilespmem:s17+$0xFFFFFFD0] =	vst v23;
	v14 =	vmul.f32 v16, v14;
	v16 =	vld [tilespmem:s17+$0x40]  }
0x179: {  	v23 =	vbroadcast v24, $0x0;
	v24 =	vshrl.u32 v29, $0x3;
	[tilespmem:s17+$0xFFFFFFE0] =	vst v27;
	v17 =	vmul.f32 v17, v13;
	v27 =	vld [tilespmem:s17+$0x50]  }
0x17a: {  	v25 =	vbroadcast v25, $0x0;
	v24 =	vshll.u32 v24, v1;
	[tilespmem:s17+$0xFFFFFFF0] =	vst v14;
	v13 =	vmul.f32 v18, v13;
	v18 =	vld [tilespmem:s17+$0x60]  }
0x17b: {  	v26 =	vbroadcast v26, $0x0;
	v15 =	vld.idx.msk [tilespmem:v15+s20+$0x0], $0xffff;
	v14 =	vadd.s32 v24, v2;
	[tilespmem:s17+$0x0] =	vst v17;
	v17 =	vmul.f32 v19, v12  }
0x17c: {  	v19 =	vld.idx.msk [tilespmem:v21+s20+$0x0], $0xffff;
	v21 =	vbroadcast v14, $0x0;
	[tilespmem:s17+$0x10] =	vst v13;
	v12 =	vmul.f32 v20, v12  }
0x17d: {  	v20 =	vld.idx.msk [tilespmem:v22+s20+$0x0], $0xffff;
	[tilespmem:s17+$0x20] =	vst v17;
	v16 =	vmul.f32 v16, v10  }
0x17e: {  	v14 =	vld.idx.msk [tilespmem:v28+s20+$0x0], $0xffff;
	[tilespmem:s17+$0x30] =	vst v12;
	v10 =	vmul.f32 v27, v10  }
0x17f: {  	v13 =	vld.idx.msk [tilespmem:v23+s20+$0x0], $0xffff;
	[tilespmem:s17+$0x40] =	vst v16;
	v11 =	vmul.f32 v18, v11  }
0x180: {  	v12 =	vld.idx.msk [tilespmem:v25+s20+$0x0], $0xffff;
	[tilespmem:s17+$0x50] =	vst v10  }
0x181: {  	v10 =	vld.idx.msk [tilespmem:v26+s20+$0x0], $0xffff;
	[tilespmem:s17+$0x60] =	vst v11  }
0x182: {  	s23 =	sadd.s32 $0x1, s22;
	v16 =	vmov s22;
	s17 =	sadd.s32 $0x100, s17;
	v11 =	vld.idx.msk [tilespmem:v21+s20+$0x0], $0xffff  }
0x183: {  	s24 =	sadd.s32 $0x3, s22;
	s25 =	sadd.s32 $0x4, s22;
	v17 =	vmov s23;
	s23 =	sadd.s32 $0x2, s22;
	v16 =	vshrl.u32 v16, $0x3;
	v18 =	vld [tilespmem:s17+$0x70]  }
0x184: {  	v22 =	vmov s24;
	s24 =	sadd.s32 $0x6, s22;
	v23 =	vmov s25;
	v21 =	vmov s23;
	s23 =	sadd.s32 $0x5, s22;
	v24 =	vld [tilespmem:s17+$0xFFFFFF80]  }
0x185: {  	v16 =	vshll.u32 v16, v1;
	v26 =	vmov s24;
	v25 =	vmov s23;
	v27 =	vld [tilespmem:s17+$0xFFFFFF90]  }
0x186: {  	v17 =	vshrl.u32 v17, $0x3;
	v22 =	vshrl.u32 v22, $0x3;
	v21 =	vshrl.u32 v21, $0x3;
	v28 =	vld [tilespmem:s17+$0xFFFFFFA0]  }
0x187: {  	v23 =	vshrl.u32 v23, $0x3;
	v26 =	vshrl.u32 v26, $0x3;
	v25 =	vshrl.u32 v25, $0x3;
	v29 =	vld [tilespmem:s17+$0xFFFFFFB0]  }
0x188: {  	v17 =	vshll.u32 v17, v1;
	v16 =	vadd.s32 v3, v16;
	v30 =	vld [tilespmem:s17+$0xFFFFFFC0];
	v18 =	vmul.f32 v18, v11  }
0x189: {  	v22 =	vshll.u32 v22, v1;
	v21 =	vshll.u32 v21, v1;
	v24 =	vmul.f32 v24, v15;
	v31 =	vld [tilespmem:s17+$0xFFFFFFD0]  }
0x18a: {  	v23 =	vshll.u32 v23, v1;
	v25 =	vshll.u32 v25, v1;
	v27 =	vmul.f32 v27, v15;
	v32 =	vld [tilespmem:s17+$0xFFFFFFE0];
	[tilespmem:s17+$0x70] =	vst v18  }
.Ltmp4:
0x18b: {  	v26 =	vshll.u32 v26, v1;
	v15 =	vbroadcast v16, $0x0;
	[tilespmem:s17+$0xFFFFFF80] =	vst v24;
	v18 =	vmul.f32 v28, v19;
	v16 =	vld [tilespmem:s17+$0xFFFFFFF0];
	(pc) =	sbr.rel @p1 .LBB2_11-.Ltmp4, $4  }
0x18c: {  	v33 =	vadd.s32 v17, v4;
	v34 =	vadd.s32 v21, v5;
	[tilespmem:s17+$0xFFFFFF90] =	vst v27;
	v19 =	vmul.f32 v29, v19;
	v17 =	vld [tilespmem:s17+$0x0]  }
0x18d: {  	v28 =	vadd.s32 v22, v6;
	v24 =	vadd.s32 v23, v7;
	[tilespmem:s17+$0xFFFFFFA0] =	vst v18;
	v27 =	vmul.f32 v30, v20;
	v18 =	vld [tilespmem:s17+$0x10]  }
0x18e: {  	v21 =	vbroadcast v33, $0x0;
	v25 =	vadd.s32 v25, v8;
	[tilespmem:s17+$0xFFFFFFB0] =	vst v19;
	v23 =	vmul.f32 v31, v20;
	v19 =	vld [tilespmem:s17+$0x20]  }
0x18f: {  	s23 =	sadd.s32 $0x7, s22;
	s22 =	sadd.s32 $0x8, s22;
	v26 =	vadd.s32 v26, v9;
	v22 =	vbroadcast v34, $0x0;
	[tilespmem:s17+$0xFFFFFFC0] =	vst v27;
	v27 =	vmul.f32 v32, v14;
	v20 =	vld [tilespmem:s17+$0x30]  }
0x190: {  	_ = 	snop  }
0x191: {  	v5 =	vld [tilespmem:s17+$0x40]  }
0x192: {  	v7 =	vld [tilespmem:s17+$0x50]  }
0x193: {  	v9 =	vld [tilespmem:s17+$0x60]  }
0x194: {  	v15 =	vld.idx.msk [tilespmem:v15+s20+$0x0], $0xffff;
	s22 =	sadd.s32 $0x100, s17  }
0x195: {  	v14 =	vmul.f32 v16, v14;
	v16 =	vld [tilespmem:s22+$0xFFFFFF80]  }
0x196: {  	v4 =	vmov s23;
	[tilespmem:s17+$0xFFFFFFD0] =	vst v23;
	v23 =	vld [tilespmem:s22+$0xFFFFFF90]  }
0x197: {  	v3 =	vbroadcast v28, $0x0;
	v4 =	vshrl.u32 v4, $0x3;
	[tilespmem:s17+$0xFFFFFFF0] =	vst v14;
	v14 =	vld [tilespmem:s22+$0xFFFFFFA0]  }
0x198: {  	v17 =	vmul.f32 v17, v13;
	v4 =	vshll.u32 v4, v1;
	v13 =	vmul.f32 v18, v13;
	v18 =	vld [tilespmem:s22+$0xFFFFFFB0]  }
0x199: {  	v6 =	vbroadcast v24, $0x0;
	v2 =	vadd.s32 v4, v2;
	v4 =	vld.idx.msk [tilespmem:v21+s20+$0x0], $0xffff  }
0x19a: {  	v24 =	vbroadcast v26, $0x0;
	v21 =	vld.idx.msk [tilespmem:v22+s20+$0x0], $0xffff;
	[tilespmem:s17+$0x0] =	vst v17;
	v17 =	vmul.f32 v19, v12  }
0x19b: {  	[tilespmem:s17+$0x10] =	vst v13;
	v13 =	vld [tilespmem:s22+$0xFFFFFFC0]  }
0x19c: {  	v8 =	vbroadcast v25, $0x0;
	v2 =	vbroadcast v2, $0x0;
	[tilespmem:s17+$0x20] =	vst v17;
	v17 =	vld [tilespmem:s22+$0xFFFFFFD0]  }
0x19d: {  	v5 =	vmul.f32 v5, v10;
	v7 =	vmul.f32 v7, v10;
	v10 =	vld [tilespmem:s22+$0xFFFFFFE0]  }
0x19e: {  	[tilespmem:s17+$0xFFFFFFE0] =	vst v27;
	v12 =	vmul.f32 v20, v12;
	v3 =	vld.idx.msk [tilespmem:v3+s20+$0x0], $0xffff  }
0x19f: {  	v6 =	vld.idx.msk [tilespmem:v6+s20+$0x0], $0xffff;
	[tilespmem:s17+$0x40] =	vst v5;
	v5 =	vmul.f32 v9, v11  }
0x1a0: {  	v22 =	vld.idx.msk [tilespmem:v24+s20+$0x0], $0xffff;
	[tilespmem:s17+$0x30] =	vst v12  }
0x1a1: {  	v24 =	vld [tilespmem:s22+$0x70];
	[tilespmem:s17+$0x60] =	vst v5;
	v5 =	vmul.f32 v16, v15  }
0x1a2: {  	[tilespmem:s17+$0x50] =	vst v7;
	v15 =	vmul.f32 v23, v15;
	v2 =	vld.idx.msk [tilespmem:v2+s20+$0x0], $0xffff  }
0x1a3: {  	v8 =	vld.idx.msk [tilespmem:v8+s20+$0x0], $0xffff;
	[tilespmem:s22+$0xFFFFFF80] =	vst v5;
	v5 =	vmul.f32 v14, v4  }
0x1a4: {  	v9 =	vld [tilespmem:s22+$0xFFFFFFF0];
	[tilespmem:s22+$0xFFFFFF90] =	vst v15;
	v4 =	vmul.f32 v18, v4  }
0x1a5: {  	v11 =	vld [tilespmem:s22+$0x0];
	[tilespmem:s22+$0xFFFFFFA0] =	vst v5;
	v5 =	vmul.f32 v13, v21  }
0x1a6: {  	v12 =	vld [tilespmem:s22+$0x10];
	[tilespmem:s22+$0xFFFFFFB0] =	vst v4;
	v4 =	vmul.f32 v17, v21  }
0x1a7: {  	v14 =	vld [tilespmem:s22+$0x30];
	v7 =	vmul.f32 v24, v2;
	[tilespmem:s22+$0xFFFFFFC0] =	vst v5  }
0x1a8: {  	v15 =	vld [tilespmem:s22+$0x40];
	v5 =	vmul.f32 v10, v3;
	[tilespmem:s22+$0xFFFFFFD0] =	vst v4  }
0x1a9: {  	v13 =	vld [tilespmem:s22+$0x50];
	v3 =	vmul.f32 v9, v3;
	[tilespmem:s22+$0x70] =	vst v7  }
0x1aa: {  	v16 =	vld [tilespmem:s22+$0x60];
	v4 =	vmul.f32 v11, v6;
	[tilespmem:s22+$0xFFFFFFE0] =	vst v5  }
0x1ab: {  	v6 =	vmul.f32 v12, v6;
	v7 =	vld [tilespmem:s22+$0x20];
	[tilespmem:s22+$0xFFFFFFF0] =	vst v3  }
0x1ac: {  	v10 =	vmul.f32 v14, v8;
	[tilespmem:s22+$0x0] =	vst v4  }
0x1ad: {  	s23 =	simm.s32 $0x0;
	v11 =	vmul.f32 v15, v22;
	[tilespmem:s22+$0x10] =	vst v6  }
0x1ae: {  	v14 =	vmov s23;
	s23 =	simm.s32 $0x2;
	v3 =	vmov s14;
	v12 =	vmul.f32 v13, v22;
	[tilespmem:s22+$0x30] =	vst v10  }
0x1af: {  	v15 =	vmov s23;
	v13 =	vmul.f32 v16, v2;
	v4 =	vor.u32 $0x1, v3;
	[tilespmem:s22+$0x40] =	vst v11  }
0x1b0: {  	s24 =	simm.s32 $0x1;
	s25 =	simm.s32 $0x3;
	v5 =	vor.u32 $0x2, v3;
	v6 =	vor.u32 $0x3, v3;
	[tilespmem:s22+$0x50] =	vst v12;
	v9 =	vmul.f32 v7, v8  }
0x1b1: {  	s16 =	sand.u32 $0x3FFFFF80, s16;
	v10 =	vshrl.u32 v14, $0x3;
	v14 =	vmov s24;
	s24 =	simm.s32 $0x4;
	v11 =	vmov s25;
	[tilespmem:s22+$0x60] =	vst v13  }
0x1b2: {  	s16 =	sadd.s32 $0x5000, s16;
	v16 =	vmov s24;
	v10 =	vshll.u32 v10, v1;
	v14 =	vshrl.u32 v14, $0x3;
	[tilespmem:s22+$0x20] =	vst v9  }
0x1b3: {  	v11 =	vshrl.u32 v11, $0x3;
	v13 =	vshrl.u32 v15, $0x3;
	v15 =	vshrl.u32 v16, $0x3;
	[spmem:s2] =	stream.indirect.scatter.add.f32 [tilespmem:s19], [sflag:$0x8], $0x20, s16, s30, $0xb8;
	[tilespmem:$0x1CC40] =	vst v63  }
0x1b4: {  	v10 =	vadd.s32 v3, v10;
	v14 =	vshll.u32 v14, v1;
	v11 =	vshll.u32 v11, v1;
	_ =	swait.ge [sflag:s26], $0x1000  }
0x1b5: {  	v13 =	vshll.u32 v13, v1;
	v10 =	vbroadcast v10, $0x0;
	v14 =	vadd.s32 v14, v4;
	[sflag:s26] =	ssyncset.done $0x0  }
0x1b6: {  	v15 =	vshll.u32 v15, v1;
	v13 =	vadd.s32 v13, v5;
	v14 =	vbroadcast v14, $0x0;
	[sflag:s26] =	ssyncadd.s32 $0xFFFFF000  }
0x1b7: {  	s17 =	sshll.u32 s13, $0x9;
	s25 =	simm.s32 $0x6;
	v11 =	vadd.s32 v11, v6;
	v7 =	vor.u32 $0x4, v3;
	v13 =	vbroadcast v13, $0x0;
	_ =	swait.ge [sflag:s9], $0x1000  }
0x1b8: {  	v17 =	vmov s25;
	v11 =	vbroadcast v11, $0x0;
	v15 =	vadd.s32 v15, v7;
	s22 =	simm.s32 $0x7;
	s16 =	sand.u32 $0x3FFFFE00, s17;
	[sflag:s9] =	ssyncset.done $0x0  }
0x1b9: {  	v16 =	vshrl.u32 v17, $0x3;
	v15 =	vbroadcast v15, $0x0;
	v17 =	vmov s22;
	s23 =	sadd.s32 $0x300, s16;
	[sflag:s9] =	ssyncadd.s32 $0xFFFFF000  }
0x1ba: {  	v16 =	vshll.u32 v16, v1;
	v9 =	vor.u32 $0x6, v3;
	v17 =	vshrl.u32 v17, $0x3;
	[tilespmem:s0], [sflag:$0x3] =	stream.indirect.gather [spmem:s3], $0x20, s23, s30, $0xb8;
	[tilespmem:$0x1CC40] =	vst v63  }
0x1bb: {  	v2 =	vor.u32 $0x7, v3;
	s24 =	simm.s32 $0x5;
	v16 =	vadd.s32 v16, v9;
	v17 =	vshll.u32 v17, v1;
	v18 =	vld.idx.msk [tilespmem:v10+s20+$0x0], $0xffff  }
0x1bc: {  	v12 =	vmov s24;
	v10 =	vbroadcast v16, $0x0;
	v16 =	vadd.s32 v17, v2;
	v17 =	vld.idx.msk [tilespmem:v14+s20+$0x0], $0xffff  }
0x1bd: {  	v12 =	vshrl.u32 v12, $0x3;
	v19 =	vld.idx.msk [tilespmem:v13+s20+$0x0], $0xffff  }
0x1be: {  	v8 =	vor.u32 $0x5, v3;
	v12 =	vshll.u32 v12, v1;
	v14 =	vld.idx.msk [tilespmem:v11+s20+$0x0], $0xffff;
	v16 =	vbroadcast v16, $0x0  }
0x1bf: {  	v12 =	vadd.s32 v12, v8;
	s17 =	simm.s32 $0xF080;
	v13 =	vld.idx.msk [tilespmem:v15+s20+$0x0], $0xffff  }
0x1c0: {  	v12 =	vbroadcast v12, $0x0;
	v20 =	vld [tilespmem:s17+$0x70]  }
0x1c1: {  	s24 =	simm.s32 $0x8;
	v24 =	vld [tilespmem:s17+$0xFFFFFF80]  }
0x1c2: {  	s23 =	simm.s32 $0xA;
	v15 =	vmov s24;
	s24 =	simm.s32 $0xB;
	v29 =	vld [tilespmem:s17+$0xFFFFFFB0]  }
0x1c3: {  	v21 =	vmov s23;
	v31 =	vld [tilespmem:s17+$0xFFFFFFC0];
	v22 =	vmov s24;
	s24 =	simm.s32 $0xD  }
0x1c4: {  	v15 =	vshrl.u32 v15, $0x3;
	v21 =	vshrl.u32 v21, $0x3;
	v25 =	vmov s24;
	v11 =	vld.idx.msk [tilespmem:v16+s20+$0x0], $0xffff  }
0x1c5: {  	s25 =	simm.s32 $0x9;
	v27 =	vld [tilespmem:s17+$0xFFFFFF90];
	v15 =	vshll.u32 v15, v1;
	v22 =	vshrl.u32 v22, $0x3;
	v25 =	vshrl.u32 v25, $0x3  }
0x1c6: {  	v12 =	vld.idx.msk [tilespmem:v12+s20+$0x0], $0xffff;
	v15 =	vadd.s32 v3, v15;
	v25 =	vshll.u32 v25, v1;
	v16 =	vmov s25;
	s25 =	simm.s32 $0xC  }
0x1c7: {  	v28 =	vld [tilespmem:s17+$0xFFFFFFA0];
	v15 =	vbroadcast v15, $0x0;
	v29 =	vmul.f32 v29, v17;
	v23 =	vmov s25;
	s25 =	simm.s32 $0xE  }
0x1c8: {  	v32 =	vld [tilespmem:s17+$0xFFFFFFD0];
	v31 =	vmul.f32 v31, v19;
	v16 =	vshrl.u32 v16, $0x3;
	v26 =	vmov s25  }
0x1c9: {  	v10 =	vld.idx.msk [tilespmem:v10+s20+$0x0], $0xffff;
	v30 =	vshll.u32 v16, v1;
	v16 =	vmul.f32 v20, v11;
	v20 =	vshll.u32 v21, v1  }
0x1ca: {  	[tilespmem:s17+$0xFFFFFFB0] =	vst v29;
	v21 =	vshll.u32 v22, v1;
	v22 =	vmul.f32 v24, v18;
	v18 =	vmul.f32 v27, v18;
	v27 =	vld [tilespmem:s17+$0xFFFFFFE0]  }
0x1cb: {  	v25 =	vadd.s32 v25, v8;
	v23 =	vshrl.u32 v23, $0x3;
	v26 =	vshrl.u32 v26, $0x3;
	[tilespmem:s17+$0x70] =	vst v16;
	v16 =	vld [tilespmem:s17+$0xFFFFFFF0]  }
0x1cc: {  	v23 =	vshll.u32 v23, v1;
	v30 =	vadd.s32 v30, v4;
	[tilespmem:s17+$0xFFFFFF80] =	vst v22;
	v22 =	vmul.f32 v28, v17;
	v17 =	vld [tilespmem:s17+$0x0]  }
0x1cd: {  	v26 =	vshll.u32 v26, v1;
	v24 =	vadd.s32 v23, v7;
	v23 =	vmul.f32 v32, v19;
	[tilespmem:s17+$0xFFFFFF90] =	vst v18;
	v18 =	vld [tilespmem:s17+$0x10]  }
0x1ce: {  	[tilespmem:s17+$0xFFFFFFC0] =	vst v31;
	v19 =	vld [tilespmem:s17+$0x20];
	v20 =	vadd.s32 v20, v5;
	v28 =	vadd.s32 v21, v6;
	v21 =	vbroadcast v30, $0x0  }
0x1cf: {  	s22 =	simm.s32 $0x10;
	s23 =	simm.s32 $0xF;
	v26 =	vadd.s32 v26, v9;
	[tilespmem:s17+$0xFFFFFFA0] =	vst v22;
	v22 =	vbroadcast v20, $0x0;
	v20 =	vld [tilespmem:s17+$0x30];
	v27 =	vmul.f32 v27, v14  }
.LBB2_13:
0x1d0: {  	p1 =	slt.u32 s22, $0x78;
	v28 =	vbroadcast v28, $0x0;
	v29 =	vmov s23;
	[tilespmem:s17+$0xFFFFFFD0] =	vst v23;
	v14 =	vmul.f32 v16, v14;
	v16 =	vld [tilespmem:s17+$0x40]  }
0x1d1: {  	v23 =	vbroadcast v24, $0x0;
	v24 =	vshrl.u32 v29, $0x3;
	[tilespmem:s17+$0xFFFFFFE0] =	vst v27;
	v17 =	vmul.f32 v17, v13;
	v27 =	vld [tilespmem:s17+$0x50]  }
0x1d2: {  	v25 =	vbroadcast v25, $0x0;
	v24 =	vshll.u32 v24, v1;
	[tilespmem:s17+$0xFFFFFFF0] =	vst v14;
	v13 =	vmul.f32 v18, v13;
	v18 =	vld [tilespmem:s17+$0x60]  }
0x1d3: {  	v26 =	vbroadcast v26, $0x0;
	v15 =	vld.idx.msk [tilespmem:v15+s20+$0x0], $0xffff;
	v14 =	vadd.s32 v24, v2;
	[tilespmem:s17+$0x0] =	vst v17;
	v17 =	vmul.f32 v19, v12  }
0x1d4: {  	v19 =	vld.idx.msk [tilespmem:v21+s20+$0x0], $0xffff;
	v21 =	vbroadcast v14, $0x0;
	[tilespmem:s17+$0x10] =	vst v13;
	v12 =	vmul.f32 v20, v12  }
0x1d5: {  	v20 =	vld.idx.msk [tilespmem:v22+s20+$0x0], $0xffff;
	[tilespmem:s17+$0x20] =	vst v17;
	v16 =	vmul.f32 v16, v10  }
0x1d6: {  	v14 =	vld.idx.msk [tilespmem:v28+s20+$0x0], $0xffff;
	[tilespmem:s17+$0x30] =	vst v12;
	v10 =	vmul.f32 v27, v10  }
0x1d7: {  	v13 =	vld.idx.msk [tilespmem:v23+s20+$0x0], $0xffff;
	[tilespmem:s17+$0x40] =	vst v16;
	v11 =	vmul.f32 v18, v11  }
0x1d8: {  	v12 =	vld.idx.msk [tilespmem:v25+s20+$0x0], $0xffff;
	[tilespmem:s17+$0x50] =	vst v10  }
0x1d9: {  	v10 =	vld.idx.msk [tilespmem:v26+s20+$0x0], $0xffff;
	[tilespmem:s17+$0x60] =	vst v11  }
0x1da: {  	s23 =	sadd.s32 $0x1, s22;
	v16 =	vmov s22;
	s17 =	sadd.s32 $0x100, s17;
	v11 =	vld.idx.msk [tilespmem:v21+s20+$0x0], $0xffff  }
0x1db: {  	s24 =	sadd.s32 $0x3, s22;
	s25 =	sadd.s32 $0x4, s22;
	v17 =	vmov s23;
	s23 =	sadd.s32 $0x2, s22;
	v16 =	vshrl.u32 v16, $0x3;
	v18 =	vld [tilespmem:s17+$0x70]  }
0x1dc: {  	v22 =	vmov s24;
	s24 =	sadd.s32 $0x6, s22;
	v23 =	vmov s25;
	v21 =	vmov s23;
	s23 =	sadd.s32 $0x5, s22;
	v24 =	vld [tilespmem:s17+$0xFFFFFF80]  }
0x1dd: {  	v16 =	vshll.u32 v16, v1;
	v26 =	vmov s24;
	v25 =	vmov s23;
	v27 =	vld [tilespmem:s17+$0xFFFFFF90]  }
0x1de: {  	v17 =	vshrl.u32 v17, $0x3;
	v22 =	vshrl.u32 v22, $0x3;
	v21 =	vshrl.u32 v21, $0x3;
	v28 =	vld [tilespmem:s17+$0xFFFFFFA0]  }
0x1df: {  	v23 =	vshrl.u32 v23, $0x3;
	v26 =	vshrl.u32 v26, $0x3;
	v25 =	vshrl.u32 v25, $0x3;
	v29 =	vld [tilespmem:s17+$0xFFFFFFB0]  }
0x1e0: {  	v17 =	vshll.u32 v17, v1;
	v16 =	vadd.s32 v3, v16;
	v30 =	vld [tilespmem:s17+$0xFFFFFFC0];
	v18 =	vmul.f32 v18, v11  }
0x1e1: {  	v22 =	vshll.u32 v22, v1;
	v21 =	vshll.u32 v21, v1;
	v24 =	vmul.f32 v24, v15;
	v31 =	vld [tilespmem:s17+$0xFFFFFFD0]  }
0x1e2: {  	v23 =	vshll.u32 v23, v1;
	v25 =	vshll.u32 v25, v1;
	v27 =	vmul.f32 v27, v15;
	v32 =	vld [tilespmem:s17+$0xFFFFFFE0];
	[tilespmem:s17+$0x70] =	vst v18  }
.Ltmp5:
0x1e3: {  	v26 =	vshll.u32 v26, v1;
	v15 =	vbroadcast v16, $0x0;
	[tilespmem:s17+$0xFFFFFF80] =	vst v24;
	v18 =	vmul.f32 v28, v19;
	v16 =	vld [tilespmem:s17+$0xFFFFFFF0];
	(pc) =	sbr.rel @p1 .LBB2_13-.Ltmp5, $4  }
0x1e4: {  	v33 =	vadd.s32 v17, v4;
	v34 =	vadd.s32 v21, v5;
	[tilespmem:s17+$0xFFFFFF90] =	vst v27;
	v19 =	vmul.f32 v29, v19;
	v17 =	vld [tilespmem:s17+$0x0]  }
0x1e5: {  	v28 =	vadd.s32 v22, v6;
	v24 =	vadd.s32 v23, v7;
	[tilespmem:s17+$0xFFFFFFA0] =	vst v18;
	v27 =	vmul.f32 v30, v20;
	v18 =	vld [tilespmem:s17+$0x10]  }
0x1e6: {  	v21 =	vbroadcast v33, $0x0;
	v25 =	vadd.s32 v25, v8;
	[tilespmem:s17+$0xFFFFFFB0] =	vst v19;
	v23 =	vmul.f32 v31, v20;
	v19 =	vld [tilespmem:s17+$0x20]  }
0x1e7: {  	s23 =	sadd.s32 $0x7, s22;
	s22 =	sadd.s32 $0x8, s22;
	v26 =	vadd.s32 v26, v9;
	v22 =	vbroadcast v34, $0x0;
	[tilespmem:s17+$0xFFFFFFC0] =	vst v27;
	v27 =	vmul.f32 v32, v14;
	v20 =	vld [tilespmem:s17+$0x30]  }
0x1e8: {  	_ = 	snop  }
0x1e9: {  	v5 =	vld [tilespmem:s17+$0x40]  }
0x1ea: {  	v7 =	vld [tilespmem:s17+$0x50]  }
0x1eb: {  	v9 =	vld [tilespmem:s17+$0x60]  }
0x1ec: {  	v15 =	vld.idx.msk [tilespmem:v15+s20+$0x0], $0xffff;
	s22 =	sadd.s32 $0x100, s17  }
0x1ed: {  	v14 =	vmul.f32 v16, v14;
	v16 =	vld [tilespmem:s22+$0xFFFFFF80]  }
0x1ee: {  	v4 =	vmov s23;
	[tilespmem:s17+$0xFFFFFFD0] =	vst v23;
	v23 =	vld [tilespmem:s22+$0xFFFFFF90]  }
0x1ef: {  	v3 =	vbroadcast v28, $0x0;
	v4 =	vshrl.u32 v4, $0x3;
	[tilespmem:s17+$0xFFFFFFF0] =	vst v14;
	v14 =	vld [tilespmem:s22+$0xFFFFFFA0]  }
0x1f0: {  	v17 =	vmul.f32 v17, v13;
	v4 =	vshll.u32 v4, v1;
	v13 =	vmul.f32 v18, v13;
	v18 =	vld [tilespmem:s22+$0xFFFFFFB0]  }
0x1f1: {  	v6 =	vbroadcast v24, $0x0;
	v2 =	vadd.s32 v4, v2;
	v4 =	vld.idx.msk [tilespmem:v21+s20+$0x0], $0xffff  }
0x1f2: {  	v24 =	vbroadcast v26, $0x0;
	v21 =	vld.idx.msk [tilespmem:v22+s20+$0x0], $0xffff;
	[tilespmem:s17+$0x0] =	vst v17;
	v17 =	vmul.f32 v19, v12  }
0x1f3: {  	[tilespmem:s17+$0x10] =	vst v13;
	v13 =	vld [tilespmem:s22+$0xFFFFFFC0]  }
0x1f4: {  	v2 =	vbroadcast v2, $0x0;
	[tilespmem:s17+$0x20] =	vst v17;
	v17 =	vld [tilespmem:s22+$0xFFFFFFD0]  }
0x1f5: {  	v5 =	vmul.f32 v5, v10;
	v7 =	vmul.f32 v7, v10;
	v10 =	vld [tilespmem:s22+$0xFFFFFFE0]  }
0x1f6: {  	v3 =	vld.idx.msk [tilespmem:v3+s20+$0x0], $0xffff  }
0x1f7: {  	[tilespmem:s17+$0xFFFFFFE0] =	vst v27;
	v12 =	vmul.f32 v20, v12;
	v6 =	vld.idx.msk [tilespmem:v6+s20+$0x0], $0xffff  }
0x1f8: {  	v22 =	vld.idx.msk [tilespmem:v24+s20+$0x0], $0xffff;
	[tilespmem:s17+$0x40] =	vst v5;
	v5 =	vmul.f32 v9, v11  }
0x1f9: {  	v24 =	vld [tilespmem:s22+$0x70];
	[tilespmem:s17+$0x30] =	vst v12  }
0x1fa: {  	v12 =	vld [tilespmem:s22+$0x10];
	[tilespmem:s17+$0x60] =	vst v5;
	v5 =	vmul.f32 v16, v15  }
0x1fb: {  	[tilespmem:s17+$0x50] =	vst v7;
	v15 =	vmul.f32 v23, v15;
	v2 =	vld.idx.msk [tilespmem:v2+s20+$0x0], $0xffff  }
0x1fc: {  	v8 =	vbroadcast v25, $0x0;
	v9 =	vld [tilespmem:s22+$0xFFFFFFF0];
	[tilespmem:s22+$0xFFFFFF80] =	vst v5;
	v5 =	vmul.f32 v14, v4  }
0x1fd: {  	v11 =	vld [tilespmem:s22+$0x0];
	[tilespmem:s22+$0xFFFFFF90] =	vst v15;
	v4 =	vmul.f32 v18, v4  }
0x1fe: {  	v16 =	vld [tilespmem:s22+$0x60];
	[tilespmem:s22+$0xFFFFFFA0] =	vst v5;
	v5 =	vmul.f32 v13, v21  }
0x1ff: {  	v15 =	vld [tilespmem:s22+$0x40];
	[tilespmem:s22+$0xFFFFFFB0] =	vst v4;
	v4 =	vmul.f32 v17, v21  }
0x200: {  	v13 =	vld [tilespmem:s22+$0x50];
	v7 =	vmul.f32 v24, v2;
	[tilespmem:s22+$0xFFFFFFC0] =	vst v5  }
0x201: {  	v5 =	vmul.f32 v10, v3;
	[tilespmem:s22+$0xFFFFFFD0] =	vst v4  }
0x202: {  	v8 =	vld.idx.msk [tilespmem:v8+s20+$0x0], $0xffff;
	v3 =	vmul.f32 v9, v3;
	[tilespmem:s22+$0x70] =	vst v7  }
0x203: {  	s25 =	simm.s32 $0x0;
	v4 =	vmul.f32 v11, v6;
	v7 =	vld [tilespmem:s22+$0x20];
	[tilespmem:s22+$0xFFFFFFE0] =	vst v5  }
0x204: {  	s24 =	simm.s32 $0x2;
	v14 =	vld [tilespmem:s22+$0x30];
	v6 =	vmul.f32 v12, v6;
	v12 =	vmov s25;
	v10 =	vmul.f32 v15, v22;
	[tilespmem:s22+$0xFFFFFFF0] =	vst v3  }
0x205: {  	s25 =	simm.s32 $0x3;
	v15 =	vmov s24;
	[tilespmem:s22+$0x0] =	vst v4;
	v11 =	vmul.f32 v13, v22;
	v13 =	vmul.f32 v16, v2  }
0x206: {  	s24 =	simm.s32 $0x5;
	v2 =	vmov s15;
	v16 =	vmov s25;
	[tilespmem:s22+$0x40] =	vst v10;
	v10 =	vshrl.u32 v12, $0x3  }
0x207: {  	[tilespmem:s22+$0x10] =	vst v6;
	v12 =	vmov s24;
	v3 =	vor.u32 $0x1, v2;
	v4 =	vor.u32 $0x2, v2  }
0x208: {  	v6 =	vor.u32 $0x3, v2;
	v9 =	vor.u32 $0x6, v2;
	[tilespmem:s22+$0x50] =	vst v11;
	v5 =	vmul.f32 v7, v8  }
0x209: {  	s25 =	simm.s32 $0x6;
	v10 =	vshll.u32 v10, v1;
	v12 =	vshrl.u32 v12, $0x3;
	[tilespmem:s22+$0x60] =	vst v13;
	v8 =	vmul.f32 v14, v8  }
0x20a: {  	s23 =	simm.s32 $0x1;
	v11 =	vmov s25;
	v13 =	vshrl.u32 v15, $0x3;
	v15 =	vshrl.u32 v16, $0x3;
	[tilespmem:s22+$0x20] =	vst v5  }
0x20b: {  	s14 =	sadd.s32 $0x5000, s14;
	v10 =	vadd.s32 v2, v10;
	v12 =	vshll.u32 v12, v1;
	v14 =	vmov s23;
	[tilespmem:s22+$0x30] =	vst v8  }
0x20c: {  	v11 =	vshrl.u32 v11, $0x3;
	v13 =	vshll.u32 v13, v1;
	v14 =	vshrl.u32 v14, $0x3;
	[spmem:s2] =	stream.indirect.scatter.add.f32 [tilespmem:s21], [sflag:$0x5], $0x20, s14, s30, $0xb8;
	[tilespmem:$0x1CC40] =	vst v63  }
0x20d: {  	v15 =	vshll.u32 v15, v1;
	v10 =	vbroadcast v10, $0x0;
	s23 =	simm.s32 $0x4;
	v14 =	vshll.u32 v14, v1;
	_ =	swait.ge [sflag:s1], $0x1000  }
0x20e: {  	v7 =	vor.u32 $0x4, v2;
	v17 =	vmov s23;
	v14 =	vadd.s32 v14, v3;
	[sflag:s1] =	ssyncset.done $0x0  }
0x20f: {  	v13 =	vadd.s32 v13, v4;
	v16 =	vshrl.u32 v17, $0x3;
	v14 =	vbroadcast v14, $0x0;
	[sflag:s1] =	ssyncadd.s32 $0xFFFFF000  }
0x210: {  	v15 =	vadd.s32 v15, v6;
	v13 =	vbroadcast v13, $0x0;
	v16 =	vshll.u32 v16, v1;
	_ =	swait.ge [sflag:s29], $0x1000  }
0x211: {  	v15 =	vbroadcast v15, $0x0;
	v8 =	vor.u32 $0x5, v2;
	s22 =	simm.s32 $0x7;
	v16 =	vadd.s32 v16, v7;
	[sflag:s29] =	ssyncset.done $0x0  }
0x212: {  	s23 =	sadd.s32 $0x380, s16;
	v17 =	vmov s22;
	v12 =	vadd.s32 v12, v8;
	v16 =	vbroadcast v16, $0x0;
	[sflag:s29] =	ssyncadd.s32 $0xFFFFF000  }
0x213: {  	v11 =	vshll.u32 v11, v1;
	v17 =	vshrl.u32 v17, $0x3;
	v12 =	vbroadcast v12, $0x0;
	[tilespmem:s19], [sflag:$0x4] =	stream.indirect.gather [spmem:s3], $0x20, s23, s30, $0xb8;
	[tilespmem:$0x1CC40] =	vst v63  }
0x214: {  	v11 =	vadd.s32 v11, v9;
	v5 =	vor.u32 $0x7, v2;
	v17 =	vshll.u32 v17, v1;
	v18 =	vld.idx.msk [tilespmem:v10+s20+$0x0], $0xffff  }
0x215: {  	v10 =	vbroadcast v11, $0x0;
	v11 =	vadd.s32 v17, v5;
	v17 =	vld.idx.msk [tilespmem:v14+s20+$0x0], $0xffff  }
0x216: {  	v19 =	vld.idx.msk [tilespmem:v13+s20+$0x0], $0xffff;
	v11 =	vbroadcast v11, $0x0  }
0x217: {  	v14 =	vld.idx.msk [tilespmem:v15+s20+$0x0], $0xffff  }
0x218: {  	v13 =	vld.idx.msk [tilespmem:v16+s20+$0x0], $0xffff  }
0x219: {  	s14 =	simm.s32 $0x10080;
	v12 =	vld.idx.msk [tilespmem:v12+s20+$0x0], $0xffff  }
0x21a: {  	s17 =	simm.s32 $0xA;
	v20 =	vld [tilespmem:s14+$0x70]  }
0x21b: {  	v21 =	vmov s17;
	s22 =	simm.s32 $0xB;
	v29 =	vld [tilespmem:s14+$0xFFFFFFB0]  }
0x21c: {  	v21 =	vshrl.u32 v21, $0x3;
	s24 =	simm.s32 $0x8;
	s25 =	simm.s32 $0x9;
	v22 =	vmov s22;
	v11 =	vld.idx.msk [tilespmem:v11+s20+$0x0], $0xffff  }
0x21d: {  	v22 =	vshrl.u32 v22, $0x3;
	s23 =	simm.s32 $0xC;
	v15 =	vmov s24;
	v16 =	vmov s25;
	s24 =	simm.s32 $0xD;
	v24 =	vld [tilespmem:s14+$0xFFFFFF80]  }
0x21e: {  	v23 =	vmov s23;
	s25 =	simm.s32 $0xE;
	v27 =	vld [tilespmem:s14+$0xFFFFFF90];
	v15 =	vshrl.u32 v15, $0x3;
	v25 =	vmov s24  }
0x21f: {  	v28 =	vld [tilespmem:s14+$0xFFFFFFA0];
	v26 =	vmov s25;
	v16 =	vshrl.u32 v16, $0x3;
	v23 =	vshrl.u32 v23, $0x3  }
0x220: {  	v31 =	vld [tilespmem:s14+$0xFFFFFFC0];
	v15 =	vshll.u32 v15, v1;
	v25 =	vshrl.u32 v25, $0x3;
	v30 =	vshll.u32 v16, v1  }
0x221: {  	v32 =	vld [tilespmem:s14+$0xFFFFFFE0];
	v23 =	vshll.u32 v23, v1;
	v29 =	vmul.f32 v29, v17;
	v16 =	vmul.f32 v20, v11  }
0x222: {  	v20 =	vshll.u32 v21, v1;
	v21 =	vshll.u32 v22, v1;
	v22 =	vmul.f32 v24, v18;
	v24 =	vld [tilespmem:s14+$0xFFFFFFD0]  }
0x223: {  	v26 =	vshrl.u32 v26, $0x3;
	v15 =	vadd.s32 v2, v15;
	v25 =	vshll.u32 v25, v1;
	v10 =	vld.idx.msk [tilespmem:v10+s20+$0x0], $0xffff;
	[tilespmem:s14+$0xFFFFFFB0] =	vst v29  }
0x224: {  	v33 =	vshll.u32 v26, v1;
	v26 =	vadd.s32 v30, v3;
	v18 =	vmul.f32 v27, v18;
	[tilespmem:s14+$0x70] =	vst v16;
	v16 =	vld [tilespmem:s14+$0xFFFFFFF0]  }
0x225: {  	v27 =	vadd.s32 v21, v6;
	v21 =	vmul.f32 v31, v19;
	[tilespmem:s14+$0xFFFFFF80] =	vst v22;
	v22 =	vmul.f32 v28, v17;
	v17 =	vld [tilespmem:s14+$0x0]  }
0x226: {  	v23 =	vadd.s32 v23, v7;
	v15 =	vbroadcast v15, $0x0;
	v25 =	vadd.s32 v25, v8;
	[tilespmem:s14+$0xFFFFFF90] =	vst v18;
	v18 =	vld [tilespmem:s14+$0x10]  }
0x227: {  	v28 =	vadd.s32 v20, v4;
	v20 =	vbroadcast v26, $0x0;
	[tilespmem:s14+$0xFFFFFFC0] =	vst v21;
	v26 =	vmul.f32 v24, v19;
	v19 =	vld [tilespmem:s14+$0x20]  }
0x228: {  	s17 =	simm.s32 $0xF;
	s16 =	simm.s32 $0x10;
	v21 =	vld [tilespmem:s14+$0x30];
	[tilespmem:s14+$0xFFFFFFA0] =	vst v22;
	v22 =	vbroadcast v28, $0x0;
	v28 =	vmul.f32 v32, v14;
	v24 =	vadd.s32 v33, v9  }
.LBB2_15:
0x229: {  	p1 =	slt.u32 s16, $0x78;
	v27 =	vbroadcast v27, $0x0;
	v29 =	vmov s17;
	[tilespmem:s14+$0xFFFFFFD0] =	vst v26;
	v14 =	vmul.f32 v16, v14;
	v16 =	vld [tilespmem:s14+$0x40]  }
0x22a: {  	v23 =	vbroadcast v23, $0x0;
	v26 =	vshrl.u32 v29, $0x3;
	[tilespmem:s14+$0xFFFFFFE0] =	vst v28;
	v17 =	vmul.f32 v17, v13;
	v28 =	vld [tilespmem:s14+$0x50]  }
0x22b: {  	v25 =	vbroadcast v25, $0x0;
	v26 =	vshll.u32 v26, v1;
	[tilespmem:s14+$0xFFFFFFF0] =	vst v14;
	v13 =	vmul.f32 v18, v13;
	v18 =	vld [tilespmem:s14+$0x60]  }
0x22c: {  	v24 =	vbroadcast v24, $0x0;
	v15 =	vld.idx.msk [tilespmem:v15+s20+$0x0], $0xffff;
	v14 =	vadd.s32 v26, v5;
	[tilespmem:s14+$0x0] =	vst v17;
	v17 =	vmul.f32 v19, v12  }
0x22d: {  	v19 =	vld.idx.msk [tilespmem:v20+s20+$0x0], $0xffff;
	v20 =	vbroadcast v14, $0x0;
	[tilespmem:s14+$0x10] =	vst v13;
	v12 =	vmul.f32 v21, v12  }
0x22e: {  	v21 =	vld.idx.msk [tilespmem:v22+s20+$0x0], $0xffff;
	[tilespmem:s14+$0x20] =	vst v17;
	v16 =	vmul.f32 v16, v10  }
0x22f: {  	v14 =	vld.idx.msk [tilespmem:v27+s20+$0x0], $0xffff;
	[tilespmem:s14+$0x30] =	vst v12;
	v10 =	vmul.f32 v28, v10  }
0x230: {  	v13 =	vld.idx.msk [tilespmem:v23+s20+$0x0], $0xffff;
	[tilespmem:s14+$0x40] =	vst v16;
	v11 =	vmul.f32 v18, v11  }
0x231: {  	v12 =	vld.idx.msk [tilespmem:v25+s20+$0x0], $0xffff;
	[tilespmem:s14+$0x50] =	vst v10  }
0x232: {  	v10 =	vld.idx.msk [tilespmem:v24+s20+$0x0], $0xffff;
	[tilespmem:s14+$0x60] =	vst v11  }
0x233: {  	s17 =	sadd.s32 $0x1, s16;
	v16 =	vmov s16;
	s14 =	sadd.s32 $0x100, s14;
	v11 =	vld.idx.msk [tilespmem:v20+s20+$0x0], $0xffff  }
0x234: {  	s22 =	sadd.s32 $0x3, s16;
	s23 =	sadd.s32 $0x4, s16;
	v17 =	vmov s17;
	s17 =	sadd.s32 $0x2, s16;
	v16 =	vshrl.u32 v16, $0x3;
	v18 =	vld [tilespmem:s14+$0x70]  }
0x235: {  	v22 =	vmov s22;
	s22 =	sadd.s32 $0x6, s16;
	v23 =	vmov s23;
	v20 =	vmov s17;
	s17 =	sadd.s32 $0x5, s16;
	v24 =	vld [tilespmem:s14+$0xFFFFFF80]  }
0x236: {  	v26 =	vmov s22;
	v16 =	vshll.u32 v16, v1;
	v25 =	vmov s17;
	v27 =	vld [tilespmem:s14+$0xFFFFFF90]  }
0x237: {  	v17 =	vshrl.u32 v17, $0x3;
	v22 =	vshrl.u32 v22, $0x3;
	v20 =	vshrl.u32 v20, $0x3;
	v28 =	vld [tilespmem:s14+$0xFFFFFFA0]  }
0x238: {  	v26 =	vshrl.u32 v26, $0x3;
	v23 =	vshrl.u32 v23, $0x3;
	v25 =	vshrl.u32 v25, $0x3;
	v29 =	vld [tilespmem:s14+$0xFFFFFFB0]  }
0x239: {  	v17 =	vshll.u32 v17, v1;
	v16 =	vadd.s32 v2, v16;
	v30 =	vld [tilespmem:s14+$0xFFFFFFC0];
	v18 =	vmul.f32 v18, v11  }
0x23a: {  	v22 =	vshll.u32 v22, v1;
	v20 =	vshll.u32 v20, v1;
	v24 =	vmul.f32 v24, v15;
	v31 =	vld [tilespmem:s14+$0xFFFFFFD0]  }
0x23b: {  	v23 =	vshll.u32 v23, v1;
	v25 =	vshll.u32 v25, v1;
	v27 =	vmul.f32 v27, v15;
	v32 =	vld [tilespmem:s14+$0xFFFFFFE0];
	[tilespmem:s14+$0x70] =	vst v18  }
.Ltmp6:
0x23c: {  	v33 =	vshll.u32 v26, v1;
	v15 =	vbroadcast v16, $0x0;
	[tilespmem:s14+$0xFFFFFF80] =	vst v24;
	v18 =	vmul.f32 v28, v19;
	v16 =	vld [tilespmem:s14+$0xFFFFFFF0];
	(pc) =	sbr.rel @p1 .LBB2_15-.Ltmp6, $4  }
0x23d: {  	v24 =	vadd.s32 v17, v3;
	v28 =	vadd.s32 v20, v4;
	[tilespmem:s14+$0xFFFFFF90] =	vst v27;
	v19 =	vmul.f32 v29, v19;
	v17 =	vld [tilespmem:s14+$0x0]  }
0x23e: {  	v23 =	vadd.s32 v23, v7;
	v27 =	vadd.s32 v22, v6;
	[tilespmem:s14+$0xFFFFFFA0] =	vst v18;
	v29 =	vmul.f32 v30, v21;
	v18 =	vld [tilespmem:s14+$0x10]  }
0x23f: {  	v25 =	vadd.s32 v25, v8;
	v20 =	vbroadcast v24, $0x0;
	[tilespmem:s14+$0xFFFFFFB0] =	vst v19;
	v26 =	vmul.f32 v31, v21;
	v19 =	vld [tilespmem:s14+$0x20]  }
0x240: {  	s17 =	sadd.s32 $0x7, s16;
	s16 =	sadd.s32 $0x8, s16;
	v22 =	vbroadcast v28, $0x0;
	v24 =	vadd.s32 v33, v9;
	[tilespmem:s14+$0xFFFFFFC0] =	vst v29;
	v28 =	vmul.f32 v32, v14;
	v21 =	vld [tilespmem:s14+$0x30]  }
0x241: {  	_ = 	snop  }
0x242: {  	v4 =	vld [tilespmem:s14+$0x40]  }
0x243: {  	v7 =	vld [tilespmem:s14+$0x50]  }
0x244: {  	v9 =	vld [tilespmem:s14+$0x60]  }
0x245: {  	v31 =	vld.idx.msk [tilespmem:v15+s20+$0x0], $0xffff  }
0x246: {  	v20 =	vld.idx.msk [tilespmem:v20+s20+$0x0], $0xffff  }
0x247: {  	s16 =	sadd.s32 $0x100, s14;
	v22 =	vld.idx.msk [tilespmem:v22+s20+$0x0], $0xffff  }
0x248: {  	v36 =	vld [tilespmem:s16+$0x70]  }
0x249: {  	v38 =	vld [tilespmem:s16+$0xFFFFFF80]  }
0x24a: {  	[tilespmem:s14+$0xFFFFFFD0] =	vst v26;
	v14 =	vmul.f32 v16, v14;
	v39 =	vld [tilespmem:s16+$0xFFFFFF90]  }
0x24b: {  	[tilespmem:s14+$0xFFFFFFE0] =	vst v28;
	v33 =	vmul.f32 v17, v13;
	v40 =	vld [tilespmem:s16+$0xFFFFFFA0]  }
0x24c: {  	v42 =	vld [tilespmem:s16+$0xFFFFFFB0];
	[tilespmem:s14+$0xFFFFFFF0] =	vst v14;
	v34 =	vmul.f32 v18, v13  }
0x24d: {  	v2 =	vbroadcast v27, $0x0;
	v43 =	vld [tilespmem:s16+$0xFFFFFFC0];
	[tilespmem:s14+$0x0] =	vst v33;
	v35 =	vmul.f32 v19, v12  }
0x24e: {  	v46 =	vld [tilespmem:s16+$0xFFFFFFD0];
	[tilespmem:s14+$0x10] =	vst v34;
	v37 =	vmul.f32 v21, v12  }
0x24f: {  	v3 =	vmov s17;
	v6 =	vbroadcast v23, $0x0;
	v47 =	vld [tilespmem:s16+$0xFFFFFFE0];
	[tilespmem:s14+$0x20] =	vst v35;
	v4 =	vmul.f32 v4, v10  }
0x250: {  	v8 =	vbroadcast v25, $0x0;
	v3 =	vshrl.u32 v3, $0x3;
	v49 =	vld [tilespmem:s16+$0xFFFFFFF0];
	v7 =	vmul.f32 v7, v10;
	[tilespmem:s14+$0x30] =	vst v37  }
0x251: {  	v32 =	vbroadcast v24, $0x0;
	v51 =	vld [tilespmem:s16+$0x0];
	v3 =	vshll.u32 v3, v1;
	v41 =	vmul.f32 v9, v11;
	[tilespmem:s14+$0x40] =	vst v4  }
0x252: {  	v55 =	vld [tilespmem:s16+$0x20];
	v3 =	vadd.s32 v3, v5;
	v45 =	vmul.f32 v38, v31;
	[tilespmem:s14+$0x50] =	vst v7  }
0x253: {  	v3 =	vbroadcast v3, $0x0;
	v2 =	vld.idx.msk [tilespmem:v2+s20+$0x0], $0xffff;
	v5 =	vmul.f32 v39, v31;
	[tilespmem:s14+$0x60] =	vst v41  }
0x254: {  	v58 =	vld [tilespmem:s16+$0x40];
	v48 =	vmul.f32 v40, v20;
	[tilespmem:s16+$0xFFFFFF80] =	vst v45  }
0x255: {  	v6 =	vld.idx.msk [tilespmem:v6+s20+$0x0], $0xffff;
	v50 =	vmul.f32 v42, v20;
	[tilespmem:s16+$0xFFFFFF90] =	vst v5  }
0x256: {  	v8 =	vld.idx.msk [tilespmem:v8+s20+$0x0], $0xffff;
	v52 =	vmul.f32 v43, v22;
	[tilespmem:s16+$0xFFFFFFA0] =	vst v48  }
0x257: {  	v15 =	vld.idx.msk [tilespmem:v32+s20+$0x0], $0xffff;
	v54 =	vmul.f32 v46, v22;
	[tilespmem:s16+$0xFFFFFFB0] =	vst v50  }
0x258: {  	v53 =	vld [tilespmem:s16+$0x10];
	[tilespmem:s16+$0xFFFFFFC0] =	vst v52;
	v56 =	vmul.f32 v47, v2  }
0x259: {  	[tilespmem:s16+$0xFFFFFFD0] =	vst v54;
	v3 =	vld.idx.msk [tilespmem:v3+s20+$0x0], $0xffff;
	v2 =	vmul.f32 v49, v2  }
0x25a: {  	v57 =	vld [tilespmem:s16+$0x30];
	v59 =	vmul.f32 v51, v6;
	[tilespmem:s16+$0xFFFFFFE0] =	vst v56  }
0x25b: {  	v61 =	vld [tilespmem:s16+$0x60];
	v62 =	vmul.f32 v55, v8;
	[tilespmem:s16+$0xFFFFFFF0] =	vst v2  }
0x25c: {  	v60 =	vld [tilespmem:s16+$0x50];
	v63 =	vmul.f32 v58, v15;
	[tilespmem:s16+$0x0] =	vst v59  }
0x25d: {  	v2 =	vmul.f32 v53, v6;
	[tilespmem:s16+$0x20] =	vst v62  }
0x25e: {  	s13 =	sadd.s32 $0x1, s13;
	[tilespmem:s16+$0x40] =	vst v63;
	v44 =	vmul.f32 v36, v3  }
0x25f: {  	p1 =	sne.s32 s13, $0x27;
	[tilespmem:s16+$0x10] =	vst v2;
	v2 =	vmul.f32 v57, v8  }
.Ltmp7:
0x260: {  	v3 =	vmul.f32 v61, v3;
	[tilespmem:s16+$0x70] =	vst v44;
	(pc) =	sbr.rel @p1 .LBB2_8-.Ltmp7, $4  }
0x261: {  	[tilespmem:s16+$0x30] =	vst v2;
	v2 =	vmul.f32 v60, v15  }
0x262: {  	[tilespmem:s16+$0x60] =	vst v3  }
0x263: {  	s25 =	sadd.s32 $0x5000, s15;
	[tilespmem:s16+$0x50] =	vst v2  }
0x264: {  	[spmem:s2] =	stream.indirect.scatter.add.f32 [tilespmem:s31], [sflag:$0x6], $0x20, s25, s30, $0xb8;
	[tilespmem:$0x1CC40] =	vst v63  }
0x265: {  	s24 =	simm.s32 $0x1  }
0x266: {  	s12 =	simm.s32 $0x0;
	s25 =	simm.s32 $0x3;
	v3 =	vmov s24  }
0x267: {  	s14 =	simm.s32 $0x4;
	s15 =	simm.s32 $0x7;
	v2 =	vmov s12;
	v5 =	vmov s25;
	v3 =	vshrl.u32 v3, $0x3  }
0x268: {  	v6 =	vmov s14;
	v9 =	vmov s15;
	v3 =	vshll.u32 v3, v1  }
0x269: {  	v2 =	vshrl.u32 v2, $0x3;
	v5 =	vshrl.u32 v5, $0x3;
	v3 =	vadd.s32 $0x4F01, v3  }
0x26a: {  	v6 =	vshrl.u32 v6, $0x3;
	v2 =	vshll.u32 v2, v1;
	v3 =	vbroadcast v3, $0x0  }
0x26b: {  	_ =	swait.ge [sflag:s5], $0x1000;
	v5 =	vshll.u32 v5, v1;
	v6 =	vshll.u32 v6, v1;
	v2 =	vadd.s32 $0x4F00, v2  }
0x26c: {  	[sflag:s5] =	ssyncset.done $0x0;
	v5 =	vadd.s32 $0x4F03, v5;
	v6 =	vadd.s32 $0x4F04, v6;
	v2 =	vbroadcast v2, $0x0  }
0x26d: {  	s12 =	simm.s32 $0x11080;
	[sflag:s5] =	ssyncadd.s32 $0xFFFFF000;
	v5 =	vbroadcast v5, $0x0;
	v10 =	vbroadcast v6, $0x0;
	v6 =	vshrl.u32 v9, $0x3  }
0x26e: {  	s13 =	simm.s32 $0x2;
	v16 =	vld [tilespmem:s12+$0xFFFFFF80];
	v6 =	vshll.u32 v6, v1  }
0x26f: {  	v4 =	vmov s13;
	s13 =	simm.s32 $0x5;
	v19 =	vld [tilespmem:s12+$0xFFFFFF90];
	v6 =	vadd.s32 $0x4F07, v6  }
0x270: {  	v7 =	vmov s13;
	v4 =	vshrl.u32 v4, $0x3;
	v11 =	vld.idx.msk [tilespmem:v3+s20+$0x0], $0xffff;
	v3 =	vbroadcast v6, $0x0  }
0x271: {  	s14 =	simm.s32 $0x6;
	v7 =	vshrl.u32 v7, $0x3;
	v4 =	vshll.u32 v4, v1;
	v20 =	vld [tilespmem:s12+$0xFFFFFFA0]  }
0x272: {  	v8 =	vmov s14;
	v7 =	vshll.u32 v7, v1;
	v4 =	vadd.s32 $0x4F02, v4;
	v9 =	vld.idx.msk [tilespmem:v2+s20+$0x0], $0xffff  }
0x273: {  	v8 =	vshrl.u32 v8, $0x3;
	v4 =	vbroadcast v4, $0x0;
	v7 =	vadd.s32 $0x4F05, v7;
	v6 =	vld.idx.msk [tilespmem:v5+s20+$0x0], $0xffff  }
0x274: {  	s22 =	simm.s32 $0xA;
	v8 =	vshll.u32 v8, v1;
	v7 =	vbroadcast v7, $0x0;
	v5 =	vld.idx.msk [tilespmem:v10+s20+$0x0], $0xffff  }
0x275: {  	s23 =	simm.s32 $0xB;
	s15 =	simm.s32 $0xC;
	v13 =	vmov s22;
	v8 =	vadd.s32 $0x4F06, v8;
	v10 =	vld [tilespmem:s12+$0x70]  }
0x276: {  	v14 =	vmov s23;
	s24 =	simm.s32 $0xD;
	s25 =	simm.s32 $0xE;
	v15 =	vmov s15;
	v2 =	vbroadcast v8, $0x0;
	v3 =	vld.idx.msk [tilespmem:v3+s20+$0x0], $0xffff  }
0x277: {  	v17 =	vmov s24;
	v18 =	vmov s25;
	v13 =	vshrl.u32 v13, $0x3;
	v21 =	vld [tilespmem:s12+$0xFFFFFFB0]  }
0x278: {  	s17 =	simm.s32 $0x9;
	v14 =	vshrl.u32 v14, $0x3;
	v15 =	vshrl.u32 v15, $0x3;
	v17 =	vshrl.u32 v17, $0x3;
	v23 =	vld [tilespmem:s12+$0xFFFFFFC0]  }
0x279: {  	s16 =	simm.s32 $0x8;
	v18 =	vshrl.u32 v18, $0x3;
	v15 =	vshll.u32 v15, v1;
	v12 =	vld.idx.msk [tilespmem:v4+s20+$0x0], $0xffff;
	v8 =	vmov s17  }
0x27a: {  	v17 =	vshll.u32 v17, v1;
	v4 =	vld.idx.msk [tilespmem:v7+s20+$0x0], $0xffff;
	v7 =	vmov s16;
	v8 =	vshrl.u32 v8, $0x3  }
0x27b: {  	v24 =	vld [tilespmem:s12+$0xFFFFFFD0];
	v7 =	vshrl.u32 v7, $0x3;
	v22 =	vshll.u32 v8, v1;
	v8 =	vmul.f32 v10, v3  }
0x27c: {  	v2 =	vld.idx.msk [tilespmem:v2+s20+$0x0], $0xffff;
	v10 =	vshll.u32 v13, v1;
	v13 =	vshll.u32 v14, v1;
	v14 =	vmul.f32 v16, v9  }
0x27d: {  	v18 =	vshll.u32 v18, v1;
	v7 =	vshll.u32 v7, v1;
	v9 =	vmul.f32 v19, v9;
	v19 =	vld [tilespmem:s12+$0xFFFFFFE0];
	[tilespmem:s12+$0x70] =	vst v8  }
0x27e: {  	v17 =	vadd.s32 $0x4F05, v17;
	v7 =	vadd.s32 $0x4F00, v7;
	[tilespmem:s12+$0xFFFFFF80] =	vst v14;
	v14 =	vmul.f32 v20, v11;
	v8 =	vld [tilespmem:s12+$0xFFFFFFF0]  }
0x27f: {  	v22 =	vadd.s32 $0x4F01, v22;
	v7 =	vbroadcast v7, $0x0;
	[tilespmem:s12+$0xFFFFFF90] =	vst v9;
	v11 =	vmul.f32 v21, v11;
	v9 =	vld [tilespmem:s12+$0x0]  }
0x280: {  	v16 =	vadd.s32 $0x4F04, v15;
	v25 =	vadd.s32 $0x4F02, v10;
	v10 =	vld [tilespmem:s12+$0x10];
	v21 =	vmul.f32 v23, v12;
	[tilespmem:s12+$0xFFFFFFA0] =	vst v14  }
0x281: {  	v15 =	vmul.f32 v24, v12;
	v20 =	vadd.s32 $0x4F03, v13;
	v13 =	vbroadcast v22, $0x0;
	[tilespmem:s12+$0xFFFFFFB0] =	vst v11;
	v11 =	vld [tilespmem:s12+$0x20]  }
0x282: {  	s14 =	simm.s32 $0xF;
	s13 =	simm.s32 $0x10;
	v18 =	vadd.s32 $0x4F06, v18;
	v12 =	vld [tilespmem:s12+$0x30];
	v14 =	vbroadcast v25, $0x0;
	[tilespmem:s12+$0xFFFFFFC0] =	vst v21;
	v19 =	vmul.f32 v19, v6  }
.LBB2_18:
0x283: {  	p1 =	slt.u32 s13, $0x78;
	v20 =	vbroadcast v20, $0x0;
	v21 =	vmov s14;
	[tilespmem:s12+$0xFFFFFFD0] =	vst v15;
	v6 =	vmul.f32 v8, v6;
	v8 =	vld [tilespmem:s12+$0x40]  }
0x284: {  	v15 =	vbroadcast v16, $0x0;
	v16 =	vshrl.u32 v21, $0x3;
	[tilespmem:s12+$0xFFFFFFE0] =	vst v19;
	v9 =	vmul.f32 v9, v5;
	v19 =	vld [tilespmem:s12+$0x50]  }
0x285: {  	v17 =	vbroadcast v17, $0x0;
	v16 =	vshll.u32 v16, v1;
	[tilespmem:s12+$0xFFFFFFF0] =	vst v6;
	v5 =	vmul.f32 v10, v5;
	v10 =	vld [tilespmem:s12+$0x60]  }
0x286: {  	v18 =	vbroadcast v18, $0x0;
	v7 =	vld.idx.msk [tilespmem:v7+s20+$0x0], $0xffff;
	v6 =	vadd.s32 $0x4F07, v16;
	[tilespmem:s12+$0x0] =	vst v9;
	v9 =	vmul.f32 v11, v4  }
0x287: {  	v11 =	vld.idx.msk [tilespmem:v13+s20+$0x0], $0xffff;
	v13 =	vbroadcast v6, $0x0;
	[tilespmem:s12+$0x10] =	vst v5;
	v4 =	vmul.f32 v12, v4  }
0x288: {  	v12 =	vld.idx.msk [tilespmem:v14+s20+$0x0], $0xffff;
	[tilespmem:s12+$0x20] =	vst v9;
	v8 =	vmul.f32 v8, v2  }
0x289: {  	v6 =	vld.idx.msk [tilespmem:v20+s20+$0x0], $0xffff;
	[tilespmem:s12+$0x30] =	vst v4;
	v2 =	vmul.f32 v19, v2  }
0x28a: {  	v5 =	vld.idx.msk [tilespmem:v15+s20+$0x0], $0xffff;
	[tilespmem:s12+$0x40] =	vst v8;
	v3 =	vmul.f32 v10, v3  }
0x28b: {  	v4 =	vld.idx.msk [tilespmem:v17+s20+$0x0], $0xffff;
	[tilespmem:s12+$0x50] =	vst v2  }
0x28c: {  	v2 =	vld.idx.msk [tilespmem:v18+s20+$0x0], $0xffff;
	[tilespmem:s12+$0x60] =	vst v3  }
0x28d: {  	s14 =	sadd.s32 $0x1, s13;
	v8 =	vmov s13;
	s12 =	sadd.s32 $0x100, s12;
	v3 =	vld.idx.msk [tilespmem:v13+s20+$0x0], $0xffff  }
0x28e: {  	s15 =	sadd.s32 $0x3, s13;
	s16 =	sadd.s32 $0x4, s13;
	v9 =	vmov s14;
	s14 =	sadd.s32 $0x2, s13;
	v8 =	vshrl.u32 v8, $0x3;
	v10 =	vld [tilespmem:s12+$0x70]  }
0x28f: {  	v14 =	vmov s15;
	s15 =	sadd.s32 $0x6, s13;
	v15 =	vmov s16;
	v13 =	vmov s14;
	s14 =	sadd.s32 $0x5, s13;
	v16 =	vld [tilespmem:s12+$0xFFFFFF80]  }
0x290: {  	v8 =	vshll.u32 v8, v1;
	v18 =	vmov s15;
	v17 =	vmov s14;
	v19 =	vld [tilespmem:s12+$0xFFFFFF90]  }
0x291: {  	v9 =	vshrl.u32 v9, $0x3;
	v14 =	vshrl.u32 v14, $0x3;
	v13 =	vshrl.u32 v13, $0x3;
	v20 =	vld [tilespmem:s12+$0xFFFFFFA0]  }
0x292: {  	v15 =	vshrl.u32 v15, $0x3;
	v18 =	vshrl.u32 v18, $0x3;
	v17 =	vshrl.u32 v17, $0x3;
	v21 =	vld [tilespmem:s12+$0xFFFFFFB0]  }
0x293: {  	v9 =	vshll.u32 v9, v1;
	v8 =	vadd.s32 $0x4F00, v8;
	v22 =	vld [tilespmem:s12+$0xFFFFFFC0];
	v10 =	vmul.f32 v10, v3  }
0x294: {  	v14 =	vshll.u32 v14, v1;
	v13 =	vshll.u32 v13, v1;
	v16 =	vmul.f32 v16, v7;
	v23 =	vld [tilespmem:s12+$0xFFFFFFD0]  }
0x295: {  	v15 =	vshll.u32 v15, v1;
	v17 =	vshll.u32 v17, v1;
	v19 =	vmul.f32 v19, v7;
	v24 =	vld [tilespmem:s12+$0xFFFFFFE0];
	[tilespmem:s12+$0x70] =	vst v10  }
.Ltmp8:
0x296: {  	v18 =	vshll.u32 v18, v1;
	v7 =	vbroadcast v8, $0x0;
	[tilespmem:s12+$0xFFFFFF80] =	vst v16;
	v10 =	vmul.f32 v20, v11;
	v8 =	vld [tilespmem:s12+$0xFFFFFFF0];
	(pc) =	sbr.rel @p1 .LBB2_18-.Ltmp8, $4  }
0x297: {  	v25 =	vadd.s32 $0x4F01, v9;
	v26 =	vadd.s32 $0x4F02, v13;
	[tilespmem:s12+$0xFFFFFF90] =	vst v19;
	v11 =	vmul.f32 v21, v11;
	v9 =	vld [tilespmem:s12+$0x0]  }
0x298: {  	v20 =	vadd.s32 $0x4F03, v14;
	v16 =	vadd.s32 $0x4F04, v15;
	[tilespmem:s12+$0xFFFFFFA0] =	vst v10;
	v19 =	vmul.f32 v22, v12;
	v10 =	vld [tilespmem:s12+$0x10]  }
0x299: {  	v13 =	vbroadcast v25, $0x0;
	v17 =	vadd.s32 $0x4F05, v17;
	[tilespmem:s12+$0xFFFFFFB0] =	vst v11;
	v15 =	vmul.f32 v23, v12;
	v11 =	vld [tilespmem:s12+$0x20]  }
0x29a: {  	s14 =	sadd.s32 $0x7, s13;
	s13 =	sadd.s32 $0x8, s13;
	v18 =	vadd.s32 $0x4F06, v18;
	v14 =	vbroadcast v26, $0x0;
	[tilespmem:s12+$0xFFFFFFC0] =	vst v19;
	v19 =	vmul.f32 v24, v6;
	v12 =	vld [tilespmem:s12+$0x30]  }
0x29b: {  	_ = 	snop  }
0x29c: {  	v22 =	vld [tilespmem:s12+$0x40]  }
0x29d: {  	v23 =	vld [tilespmem:s12+$0x50]  }
0x29e: {  	v24 =	vld [tilespmem:s12+$0x60]  }
0x29f: {  	v7 =	vld.idx.msk [tilespmem:v7+s20+$0x0], $0xffff  }
0x2a0: {  	v13 =	vld.idx.msk [tilespmem:v13+s20+$0x0], $0xffff  }
0x2a1: {  	s13 =	sadd.s32 $0x100, s12;
	v14 =	vld.idx.msk [tilespmem:v14+s20+$0x0], $0xffff  }
0x2a2: {  	v25 =	vld [tilespmem:s13+$0x70]  }
0x2a3: {  	v26 =	vld [tilespmem:s13+$0xFFFFFF80]  }
0x2a4: {  	[tilespmem:s12+$0xFFFFFFD0] =	vst v15;
	v6 =	vmul.f32 v8, v6;
	v8 =	vld [tilespmem:s13+$0xFFFFFF90]  }
0x2a5: {  	v21 =	vmov s14;
	[tilespmem:s12+$0xFFFFFFE0] =	vst v19;
	v9 =	vmul.f32 v9, v5;
	v15 =	vld [tilespmem:s13+$0xFFFFFFA0]  }
0x2a6: {  	v20 =	vbroadcast v20, $0x0;
	v21 =	vshrl.u32 v21, $0x3;
	v19 =	vld [tilespmem:s13+$0x20];
	[tilespmem:s12+$0xFFFFFFF0] =	vst v6;
	v5 =	vmul.f32 v10, v5  }
0x2a7: {  	v16 =	vbroadcast v16, $0x0;
	v21 =	vshll.u32 v21, v1;
	v6 =	vld [tilespmem:s13+$0xFFFFFFB0];
	[tilespmem:s12+$0x0] =	vst v9;
	v9 =	vmul.f32 v11, v4  }
0x2a8: {  	v17 =	vbroadcast v17, $0x0;
	v10 =	vld [tilespmem:s13+$0xFFFFFFC0];
	v21 =	vadd.s32 $0x4F07, v21;
	[tilespmem:s12+$0x10] =	vst v5;
	v4 =	vmul.f32 v12, v4  }
0x2a9: {  	v11 =	vld [tilespmem:s13+$0xFFFFFFE0];
	v21 =	vbroadcast v21, $0x0;
	[tilespmem:s12+$0x20] =	vst v9;
	v9 =	vmul.f32 v22, v2  }
0x2aa: {  	v5 =	vld [tilespmem:s13+$0xFFFFFFD0];
	v3 =	vmul.f32 v24, v3;
	[tilespmem:s12+$0x30] =	vst v4  }
0x2ab: {  	v12 =	vld [tilespmem:s13+$0x10];
	v2 =	vmul.f32 v23, v2;
	[tilespmem:s12+$0x40] =	vst v9  }
0x2ac: {  	v18 =	vbroadcast v18, $0x0;
	v20 =	vld.idx.msk [tilespmem:v20+s20+$0x0], $0xffff;
	[tilespmem:s12+$0x60] =	vst v3;
	v3 =	vmul.f32 v26, v7  }
0x2ad: {  	v16 =	vld.idx.msk [tilespmem:v16+s20+$0x0], $0xffff;
	[tilespmem:s12+$0x50] =	vst v2;
	v7 =	vmul.f32 v8, v7  }
0x2ae: {  	v17 =	vld.idx.msk [tilespmem:v17+s20+$0x0], $0xffff;
	v6 =	vmul.f32 v6, v13;
	[tilespmem:s13+$0xFFFFFF80] =	vst v3  }
0x2af: {  	v3 =	vmul.f32 v15, v13;
	[tilespmem:s13+$0xFFFFFF90] =	vst v7;
	v21 =	vld.idx.msk [tilespmem:v21+s20+$0x0], $0xffff  }
0x2b0: {  	v4 =	vld [tilespmem:s13+$0xFFFFFFF0];
	[tilespmem:s13+$0xFFFFFFB0] =	vst v6;
	v5 =	vmul.f32 v5, v14  }
0x2b1: {  	v9 =	vld [tilespmem:s13+$0x0];
	[tilespmem:s13+$0xFFFFFFA0] =	vst v3;
	v3 =	vmul.f32 v10, v14  }
0x2b2: {  	v18 =	vld.idx.msk [tilespmem:v18+s20+$0x0], $0xffff;
	v6 =	vmul.f32 v11, v20;
	[tilespmem:s13+$0xFFFFFFD0] =	vst v5  }
0x2b3: {  	v8 =	vld [tilespmem:s13+$0x40];
	v5 =	vmul.f32 v12, v16;
	[tilespmem:s13+$0xFFFFFFC0] =	vst v3  }
0x2b4: {  	v7 =	vld [tilespmem:s13+$0x50];
	[tilespmem:s13+$0xFFFFFFE0] =	vst v6;
	v2 =	vmul.f32 v25, v21  }
0x2b5: {  	v10 =	vld [tilespmem:s13+$0x60];
	v3 =	vmul.f32 v4, v20;
	[tilespmem:s13+$0x10] =	vst v5  }
0x2b6: {  	s23 =	simm.s32 $0x3;
	s15 =	simm.s32 $0x4;
	v4 =	vmul.f32 v9, v16;
	[tilespmem:s13+$0x70] =	vst v2;
	v2 =	vld [tilespmem:s13+$0x30]  }
0x2b7: {  	s16 =	simm.s32 $0x0;
	v11 =	vmov s15;
	v9 =	vmul.f32 v19, v17;
	v5 =	vmov s23;
	[tilespmem:s13+$0xFFFFFFF0] =	vst v3  }
0x2b8: {  	s17 =	simm.s32 $0x1;
	v6 =	vmul.f32 v8, v18;
	v8 =	vmov s16;
	v5 =	vshrl.u32 v5, $0x3;
	[tilespmem:s13+$0x0] =	vst v4  }
0x2b9: {  	v3 =	vmul.f32 v7, v18;
	v4 =	vshrl.u32 v8, $0x3;
	v8 =	vmov s17;
	[tilespmem:s13+$0x20] =	vst v9  }
0x2ba: {  	[tilespmem:s13+$0x40] =	vst v6;
	v7 =	vmul.f32 v10, v21;
	v4 =	vshll.u32 v4, v1;
	v8 =	vshrl.u32 v8, $0x3  }
0x2bb: {  	v4 =	vadd.s32 $0x4F80, v4;
	[tilespmem:s13+$0x50] =	vst v3;
	v3 =	vshll.u32 v8, v1;
	v2 =	vmul.f32 v2, v17  }
0x2bc: {  	s24 =	simm.s32 $0x5;
	v5 =	vshll.u32 v5, v1;
	[tilespmem:s13+$0x60] =	vst v7;
	v4 =	vbroadcast v4, $0x0;
	v3 =	vadd.s32 $0x4F81, v3  }
0x2bd: {  	s22 =	simm.s32 $0x2;
	s25 =	simm.s32 $0x6;
	v9 =	vmov s24;
	v5 =	vadd.s32 $0x4F83, v5;
	v3 =	vbroadcast v3, $0x0;
	[tilespmem:s13+$0x30] =	vst v2;
	s13 =	simm.s32 $0x9F00  }
0x2be: {  	v12 =	vmov s25;
	v6 =	vshrl.u32 v9, $0x3;
	v5 =	vbroadcast v5, $0x0;
	[spmem:s2] =	stream.indirect.scatter.add.f32 [tilespmem:s0], [sflag:$0x7], $0x20, s13, s30, $0xb8;
	[tilespmem:$0x1CC40] =	vst v63  }
0x2bf: {  	s14 =	simm.s32 $0x7;
	v10 =	vmov s22;
	v9 =	vshrl.u32 v12, $0x3;
	v6 =	vshll.u32 v6, v1;
	_ =	swait.ge [sflag:s28], $0x1000  }
0x2c0: {  	v8 =	vshll.u32 v9, v1;
	v9 =	vmov s14;
	v6 =	vadd.s32 $0x4F85, v6;
	[sflag:s28] =	ssyncset.done $0x0  }
0x2c1: {  	v9 =	vshrl.u32 v9, $0x3;
	v2 =	vshrl.u32 v10, $0x3;
	v10 =	vshrl.u32 v11, $0x3;
	[sflag:s28] =	ssyncadd.s32 $0xFFFFF000  }
0x2c2: {  	v7 =	vshll.u32 v10, v1;
	v10 =	vbroadcast v6, $0x0;
	v6 =	vshll.u32 v9, v1;
	v9 =	vld.idx.msk [tilespmem:v4+s20+$0x0], $0xffff  }
0x2c3: {  	v2 =	vshll.u32 v2, v1;
	v4 =	vadd.s32 $0x4F87, v6;
	v11 =	vld.idx.msk [tilespmem:v3+s20+$0x0], $0xffff  }
0x2c4: {  	s12 =	simm.s32 $0x12080;
	v2 =	vadd.s32 $0x4F82, v2;
	v6 =	vld.idx.msk [tilespmem:v5+s20+$0x0], $0xffff;
	v3 =	vbroadcast v4, $0x0  }
0x2c5: {  	v7 =	vadd.s32 $0x4F84, v7;
	v2 =	vbroadcast v2, $0x0;
	v16 =	vld [tilespmem:s12+$0xFFFFFF80]  }
0x2c6: {  	v8 =	vadd.s32 $0x4F86, v8;
	v7 =	vbroadcast v7, $0x0;
	v19 =	vld [tilespmem:s12+$0xFFFFFF90]  }
0x2c7: {  	v8 =	vbroadcast v8, $0x0;
	v20 =	vld [tilespmem:s12+$0xFFFFFFA0]  }
0x2c8: {  	s23 =	simm.s32 $0xC;
	v4 =	vld.idx.msk [tilespmem:v10+s20+$0x0], $0xffff  }
0x2c9: {  	s25 =	simm.s32 $0xE;
	v15 =	vmov s23;
	v10 =	vld [tilespmem:s12+$0x70]  }
0x2ca: {  	s17 =	simm.s32 $0xA;
	v18 =	vmov s25;
	v15 =	vshrl.u32 v15, $0x3;
	v3 =	vld.idx.msk [tilespmem:v3+s20+$0x0], $0xffff  }
0x2cb: {  	s22 =	simm.s32 $0xB;
	v12 =	vmov s17;
	v18 =	vshrl.u32 v18, $0x3;
	v15 =	vshll.u32 v15, v1;
	v13 =	vld.idx.msk [tilespmem:v2+s20+$0x0], $0xffff  }
0x2cc: {  	s15 =	simm.s32 $0x8;
	s16 =	simm.s32 $0x9;
	v14 =	vmov s22;
	v12 =	vshrl.u32 v12, $0x3;
	v15 =	vadd.s32 $0x4F84, v15;
	v5 =	vld.idx.msk [tilespmem:v7+s20+$0x0], $0xffff  }
0x2cd: {  	s24 =	simm.s32 $0xD;
	v14 =	vshrl.u32 v14, $0x3;
	v2 =	vld.idx.msk [tilespmem:v8+s20+$0x0], $0xffff;
	v7 =	vmov s15;
	v8 =	vmov s16  }
0x2ce: {  	v17 =	vmov s24;
	v21 =	vld [tilespmem:s12+$0xFFFFFFB0];
	v7 =	vshrl.u32 v7, $0x3;
	v8 =	vshrl.u32 v8, $0x3  }
0x2cf: {  	v23 =	vld [tilespmem:s12+$0xFFFFFFC0];
	v7 =	vshll.u32 v7, v1;
	v22 =	vshll.u32 v8, v1;
	v8 =	vmul.f32 v10, v3  }
0x2d0: {  	v62 =	vld [tilespmem:s12+$0xFFFFFFD0];
	v10 =	vshll.u32 v12, v1;
	v12 =	vshll.u32 v14, v1;
	v14 =	vmul.f32 v16, v9  }
0x2d1: {  	v17 =	vshrl.u32 v17, $0x3;
	v63 =	vld [tilespmem:s12+$0xFFFFFFE0];
	v7 =	vadd.s32 $0x4F80, v7;
	v9 =	vmul.f32 v19, v9;
	[tilespmem:s12+$0x70] =	vst v8  }
0x2d2: {  	v7 =	vbroadcast v7, $0x0;
	v16 =	vshll.u32 v17, v1;
	[tilespmem:s12+$0xFFFFFF80] =	vst v14;
	v14 =	vmul.f32 v20, v11;
	v8 =	vld [tilespmem:s12+$0xFFFFFFF0]  }
0x2d3: {  	v17 =	vshll.u32 v18, v1;
	v18 =	vadd.s32 $0x4F81, v22;
	[tilespmem:s12+$0xFFFFFF90] =	vst v9;
	v11 =	vmul.f32 v21, v11;
	v9 =	vld [tilespmem:s12+$0x0]  }
0x2d4: {  	v19 =	vadd.s32 $0x4F83, v12;
	v20 =	vadd.s32 $0x4F82, v10;
	v21 =	vmul.f32 v23, v13;
	v10 =	vld [tilespmem:s12+$0x10];
	[tilespmem:s12+$0xFFFFFFA0] =	vst v14  }
0x2d5: {  	v12 =	vbroadcast v18, $0x0;
	v16 =	vadd.s32 $0x4F85, v16;
	v18 =	vmul.f32 v62, v13;
	[tilespmem:s12+$0xFFFFFFB0] =	vst v11;
	v11 =	vld [tilespmem:s12+$0x20]  }
0x2d6: {  	s17 =	simm.s32 $0x5000;
	s14 =	simm.s32 $0xF;
	s13 =	simm.s32 $0x10;
	v17 =	vadd.s32 $0x4F86, v17;
	v13 =	vld [tilespmem:s12+$0x30];
	v14 =	vbroadcast v20, $0x0;
	[tilespmem:s12+$0xFFFFFFC0] =	vst v21;
	v20 =	vmul.f32 v63, v6  }
.LBB2_20:
0x2d7: {  	p1 =	slt.u32 s13, $0x78;
	v19 =	vbroadcast v19, $0x0;
	v21 =	vmov s14;
	[tilespmem:s12+$0xFFFFFFD0] =	vst v18;
	v6 =	vmul.f32 v8, v6;
	v8 =	vld [tilespmem:s12+$0x40]  }
0x2d8: {  	v15 =	vbroadcast v15, $0x0;
	v18 =	vshrl.u32 v21, $0x3;
	[tilespmem:s12+$0xFFFFFFE0] =	vst v20;
	v9 =	vmul.f32 v9, v5;
	v20 =	vld [tilespmem:s12+$0x50]  }
0x2d9: {  	v16 =	vbroadcast v16, $0x0;
	v18 =	vshll.u32 v18, v1;
	[tilespmem:s12+$0xFFFFFFF0] =	vst v6;
	v5 =	vmul.f32 v10, v5;
	v10 =	vld [tilespmem:s12+$0x60]  }
0x2da: {  	v17 =	vbroadcast v17, $0x0;
	v7 =	vld.idx.msk [tilespmem:v7+s20+$0x0], $0xffff;
	v6 =	vadd.s32 $0x4F87, v18;
	[tilespmem:s12+$0x0] =	vst v9;
	v9 =	vmul.f32 v11, v4  }
0x2db: {  	v11 =	vld.idx.msk [tilespmem:v12+s20+$0x0], $0xffff;
	v12 =	vbroadcast v6, $0x0;
	[tilespmem:s12+$0x10] =	vst v5;
	v4 =	vmul.f32 v13, v4  }
0x2dc: {  	v13 =	vld.idx.msk [tilespmem:v14+s20+$0x0], $0xffff;
	[tilespmem:s12+$0x20] =	vst v9;
	v8 =	vmul.f32 v8, v2  }
0x2dd: {  	v6 =	vld.idx.msk [tilespmem:v19+s20+$0x0], $0xffff;
	[tilespmem:s12+$0x30] =	vst v4;
	v2 =	vmul.f32 v20, v2  }
0x2de: {  	v5 =	vld.idx.msk [tilespmem:v15+s20+$0x0], $0xffff;
	[tilespmem:s12+$0x40] =	vst v8;
	v3 =	vmul.f32 v10, v3  }
0x2df: {  	v4 =	vld.idx.msk [tilespmem:v16+s20+$0x0], $0xffff;
	[tilespmem:s12+$0x50] =	vst v2  }
0x2e0: {  	v2 =	vld.idx.msk [tilespmem:v17+s20+$0x0], $0xffff;
	[tilespmem:s12+$0x60] =	vst v3  }
0x2e1: {  	s14 =	sadd.s32 $0x1, s13;
	v8 =	vmov s13;
	s12 =	sadd.s32 $0x100, s12;
	v3 =	vld.idx.msk [tilespmem:v12+s20+$0x0], $0xffff  }
0x2e2: {  	s15 =	sadd.s32 $0x3, s13;
	s16 =	sadd.s32 $0x4, s13;
	v9 =	vmov s14;
	s14 =	sadd.s32 $0x2, s13;
	v8 =	vshrl.u32 v8, $0x3;
	v10 =	vld [tilespmem:s12+$0x70]  }
0x2e3: {  	v14 =	vmov s15;
	s15 =	sadd.s32 $0x6, s13;
	v15 =	vmov s16;
	v12 =	vmov s14;
	s14 =	sadd.s32 $0x5, s13;
	v16 =	vld [tilespmem:s12+$0xFFFFFF80]  }
0x2e4: {  	v18 =	vmov s15;
	v8 =	vshll.u32 v8, v1;
	v17 =	vmov s14;
	v19 =	vld [tilespmem:s12+$0xFFFFFF90]  }
0x2e5: {  	v9 =	vshrl.u32 v9, $0x3;
	v14 =	vshrl.u32 v14, $0x3;
	v12 =	vshrl.u32 v12, $0x3;
	v20 =	vld [tilespmem:s12+$0xFFFFFFA0]  }
0x2e6: {  	v18 =	vshrl.u32 v18, $0x3;
	v15 =	vshrl.u32 v15, $0x3;
	v17 =	vshrl.u32 v17, $0x3;
	v21 =	vld [tilespmem:s12+$0xFFFFFFB0]  }
0x2e7: {  	v9 =	vshll.u32 v9, v1;
	v8 =	vadd.s32 $0x4F80, v8;
	v22 =	vld [tilespmem:s12+$0xFFFFFFC0];
	v10 =	vmul.f32 v10, v3  }
0x2e8: {  	v14 =	vshll.u32 v14, v1;
	v12 =	vshll.u32 v12, v1;
	v16 =	vmul.f32 v16, v7;
	v23 =	vld [tilespmem:s12+$0xFFFFFFD0]  }
0x2e9: {  	v15 =	vshll.u32 v15, v1;
	v17 =	vshll.u32 v17, v1;
	v19 =	vmul.f32 v19, v7;
	v24 =	vld [tilespmem:s12+$0xFFFFFFE0];
	[tilespmem:s12+$0x70] =	vst v10  }
.Ltmp9:
0x2ea: {  	v25 =	vshll.u32 v18, v1;
	v7 =	vbroadcast v8, $0x0;
	[tilespmem:s12+$0xFFFFFF80] =	vst v16;
	v10 =	vmul.f32 v20, v11;
	v8 =	vld [tilespmem:s12+$0xFFFFFFF0];
	(pc) =	sbr.rel @p1 .LBB2_20-.Ltmp9, $4  }
0x2eb: {  	v16 =	vadd.s32 $0x4F81, v9;
	v20 =	vadd.s32 $0x4F82, v12;
	[tilespmem:s12+$0xFFFFFF90] =	vst v19;
	v11 =	vmul.f32 v21, v11;
	v9 =	vld [tilespmem:s12+$0x0]  }
0x2ec: {  	v15 =	vadd.s32 $0x4F84, v15;
	v19 =	vadd.s32 $0x4F83, v14;
	[tilespmem:s12+$0xFFFFFFA0] =	vst v10;
	v21 =	vmul.f32 v22, v13;
	v10 =	vld [tilespmem:s12+$0x10]  }
0x2ed: {  	v12 =	vbroadcast v16, $0x0;
	v16 =	vadd.s32 $0x4F85, v17;
	[tilespmem:s12+$0xFFFFFFB0] =	vst v11;
	v18 =	vmul.f32 v23, v13;
	v11 =	vld [tilespmem:s12+$0x20]  }
0x2ee: {  	s14 =	sadd.s32 $0x7, s13;
	s13 =	sadd.s32 $0x8, s13;
	v14 =	vbroadcast v20, $0x0;
	v17 =	vadd.s32 $0x4F86, v25;
	[tilespmem:s12+$0xFFFFFFC0] =	vst v21;
	v20 =	vmul.f32 v24, v6;
	v13 =	vld [tilespmem:s12+$0x30]  }
0x2ef: {  	_ = 	snop  }
0x2f0: {  	v22 =	vld [tilespmem:s12+$0x40]  }
0x2f1: {  	v23 =	vld [tilespmem:s12+$0x50]  }
0x2f2: {  	v24 =	vld [tilespmem:s12+$0x60]  }
0x2f3: {  	v7 =	vld.idx.msk [tilespmem:v7+s20+$0x0], $0xffff  }
0x2f4: {  	v12 =	vld.idx.msk [tilespmem:v12+s20+$0x0], $0xffff  }
0x2f5: {  	s13 =	sadd.s32 $0x100, s12;
	v14 =	vld.idx.msk [tilespmem:v14+s20+$0x0], $0xffff  }
0x2f6: {  	v47 =	vld [tilespmem:s13+$0x70]  }
0x2f7: {  	v49 =	vld [tilespmem:s13+$0xFFFFFF80]  }
0x2f8: {  	[tilespmem:s12+$0xFFFFFFD0] =	vst v18;
	v6 =	vmul.f32 v8, v6;
	v51 =	vld [tilespmem:s13+$0xFFFFFF90]  }
0x2f9: {  	v21 =	vmov s14;
	[tilespmem:s12+$0xFFFFFFE0] =	vst v20;
	v9 =	vmul.f32 v9, v5;
	v52 =	vld [tilespmem:s13+$0xFFFFFFA0]  }
0x2fa: {  	v21 =	vshrl.u32 v21, $0x3;
	v53 =	vld [tilespmem:s13+$0xFFFFFFB0];
	[tilespmem:s12+$0xFFFFFFF0] =	vst v6;
	v44 =	vmul.f32 v10, v5  }
0x2fb: {  	v19 =	vbroadcast v19, $0x0;
	v54 =	vld [tilespmem:s13+$0xFFFFFFD0];
	v21 =	vshll.u32 v21, v1;
	[tilespmem:s12+$0x0] =	vst v9;
	v46 =	vmul.f32 v11, v4  }
0x2fc: {  	v55 =	vld [tilespmem:s13+$0xFFFFFFE0];
	v21 =	vadd.s32 $0x4F87, v21;
	[tilespmem:s12+$0x10] =	vst v44;
	v48 =	vmul.f32 v13, v4  }
0x2fd: {  	v56 =	vld [tilespmem:s13+$0xFFFFFFF0];
	v21 =	vbroadcast v21, $0x0;
	[tilespmem:s12+$0x20] =	vst v46;
	v50 =	vmul.f32 v22, v2  }
0x2fe: {  	v15 =	vbroadcast v15, $0x0;
	v58 =	vld [tilespmem:s13+$0x0];
	v2 =	vmul.f32 v23, v2;
	[tilespmem:s12+$0x30] =	vst v48  }
0x2ff: {  	v59 =	vld [tilespmem:s13+$0x20];
	v3 =	vmul.f32 v24, v3;
	[tilespmem:s12+$0x40] =	vst v50  }
0x300: {  	v16 =	vbroadcast v16, $0x0;
	v57 =	vmul.f32 v53, v12;
	[tilespmem:s12+$0x50] =	vst v2;
	v2 =	vld [tilespmem:s13+$0xFFFFFFC0]  }
0x301: {  	v19 =	vld.idx.msk [tilespmem:v19+s20+$0x0], $0xffff;
	[tilespmem:s12+$0x60] =	vst v3;
	v3 =	vmul.f32 v49, v7  }
0x302: {  	v17 =	vbroadcast v17, $0x0;
	v60 =	vld [tilespmem:s13+$0x30];
	v5 =	vmul.f32 v54, v14;
	[tilespmem:s13+$0xFFFFFFB0] =	vst v57  }
0x303: {  	[tilespmem:s13+$0xFFFFFF80] =	vst v3;
	v3 =	vmul.f32 v52, v12;
	v45 =	vld.idx.msk [tilespmem:v21+s20+$0x0], $0xffff  }
0x304: {  	v15 =	vld.idx.msk [tilespmem:v15+s20+$0x0], $0xffff;
	v7 =	vmul.f32 v51, v7;
	[tilespmem:s13+$0xFFFFFFD0] =	vst v5  }
0x305: {  	[tilespmem:s13+$0xFFFFFFA0] =	vst v3;
	v3 =	vld [tilespmem:s13+$0x10];
	v2 =	vmul.f32 v2, v14  }
0x306: {  	v42 =	vld.idx.msk [tilespmem:v16+s20+$0x0], $0xffff;
	[tilespmem:s13+$0xFFFFFF90] =	vst v7;
	v4 =	vmul.f32 v56, v19  }
0x307: {  	v61 =	vld [tilespmem:s13+$0x40];
	[tilespmem:s13+$0xFFFFFFC0] =	vst v2;
	v2 =	vmul.f32 v55, v19  }
0x308: {  	v43 =	vld.idx.msk [tilespmem:v17+s20+$0x0], $0xffff;
	[tilespmem:s13+$0xFFFFFFF0] =	vst v4;
	v10 =	vmul.f32 v47, v45  }
0x309: {  	v62 =	vld [tilespmem:s13+$0x50];
	[tilespmem:s13+$0xFFFFFFE0] =	vst v2;
	v2 =	vmul.f32 v58, v15  }
0x30a: {  	v63 =	vld [tilespmem:s13+$0x60];
	v3 =	vmul.f32 v3, v15;
	[tilespmem:s13+$0x70] =	vst v10  }
0x30b: {  	[tilespmem:s13+$0x0] =	vst v2;
	v2 =	vmul.f32 v59, v42  }
0x30c: {  	[tilespmem:s13+$0x10] =	vst v3;
	v3 =	vmul.f32 v60, v42  }
0x30d: {  	[tilespmem:s13+$0x20] =	vst v2;
	v2 =	vmul.f32 v61, v43  }
0x30e: {  	[tilespmem:s13+$0x30] =	vst v3;
	v3 =	vmul.f32 v62, v43  }
0x30f: {  	[tilespmem:s13+$0x40] =	vst v2;
	v2 =	vmul.f32 v63, v45  }
0x310: {  	[tilespmem:s13+$0x50] =	vst v3  }
0x311: {  	s22 =	simm.s32 $0x9F80;
	[tilespmem:s13+$0x60] =	vst v2  }
0x312: {  	[spmem:s2] =	stream.indirect.scatter.add.f32 [tilespmem:s19], [sflag:$0x8], $0x20, s22, s30, $0xb8;
	[tilespmem:$0x1CC40] =	vst v63  }
0x313: {  	_ =	swait.ge [sflag:s6], $0x1000  }
0x314: {  	[sflag:s6] =	ssyncset.done $0x0  }
0x315: {  	[sflag:s6] =	ssyncadd.s32 $0xFFFFF000  }
0x316: {  	_ =	swait.ge [sflag:s7], $0x1000  }
0x317: {  	[sflag:s7] =	ssyncset.done $0x0  }
0x318: {  	[sflag:s7] =	ssyncadd.s32 $0xFFFFF000  }
0x319: {  	_ =	swait.ge [sflag:s9], $0x1000  }
0x31a: {  	[sflag:s9] =	ssyncset.done $0x0  }
0x31b: {  	[sflag:s9] =	ssyncadd.s32 $0xFFFFF000  }
0x31c: {  	_ =	swait.ge [sflag:s29], $0x1000  }
0x31d: {  	[sflag:s29] =	ssyncset.done $0x0  }
0x31e: {  	[sflag:s29] =	ssyncadd.s32 $0xFFFFF000  }
0x31f: {  	[bflag:$0x0] =	sbarrier.arrive $0xFFFF  }
0x320: {  	s23 =	rddreg [dreg:$0xa]  }
0x321: {  	s24 =	rddreg [dreg:$0x13]  }
0x322: {  	[hbm:s23], [sflag:s11] =	dma.local [spmem:s24], $0x9C0  }
0x323: {  	_ =	swait.ge [sflag:s18], $0x9C0  }
0x324: {  	[sflag:s18] =	ssyncset.done $0x0;
	s12 =	rddreg [dreg:$0xb]  }
0x325: {  	s13 =	rddreg [dreg:$0x14];
	[sflag:s18] =	ssyncadd.s32 $0xFFFFF640  }
0x326: {  	[hbm:s12], [sflag:s11] =	dma.local @!p0 [spmem:s13], $0x40  }
0x327: {  	s11 =	simm.s32 @!p0 $0x9  }
0x328: {  	_ =	swait.ge @!p0 [sflag:s11], $0x40  }
0x329: {  	s10 =	sadd.s32 $0x1, s10;
	s25 =	rddreg [dreg:$0xc]  }
0x32a: {  	p1 =	sne.s32 s10, s25  }
.Ltmp10:
0x32b: {  	_ = 	snop;
	(pc) =	sbr.rel @p1 .LBB2_1-.Ltmp10, $3  }
0x32c: {  	_ =	sdelay $0x1  }
0x32d: {  	[sflag:s11] =	ssyncset.done @!p0 $0x0  }
0x32e: {  	[sflag:s11] =	ssyncadd.s32 @!p0 $0xFFFFFFC0  }
0x32f: {  	_ =	sfence.sel $0x180000  }
0x330: {  	[bflag:$0x0] =	sbarrier.arrive $0xFFFF  }
0x331: {  	_ =	strace $0x9000004A  }
0x332: {  	s0 =	stileid.u32;
	[bflag:$0x2] =	sbarrier.arrive $0xFFFF  }
0x333: {  	p0 =	sne.s32 s0, $0x0;
	s0 =	rddreg [dreg:$0x4]  }
0x334: {  	s0 =	sadd.s32 @!p0 $0x100000, s0  }
0x335: {  	[sflag:s0] =	ssyncadd.tile.s32 @!p0 $0x1;
	_ =	shalt  }
.Lfunc_end2:
_tile_overlayer_lowered:
.L_overlay_start_2:
0x336: {  	(tag) =	ssettag $0x2  }
0x337: {  	s0 =	rddreg [dreg:$0x0];
	s2 =	stileid.u32  }
0x338: {  	s1 =	rddreg [dreg:$0x1];
	p0 =	sne.s32 s2, $0x0  }
0x339: {  	s3 =	rddreg [dreg:$0x2];
	[bflag:$0x3] =	sbarrier.arrive $0xFFFF;
	s2 =	simm.s32 @!p0 $0x1C09  }
0x33a: {  	[timem:s3], [sflag:s2] =	dma.local @!p0 [hbm:s0], s1  }
0x33b: {  	s0 =	simm.s32 @!p0 $0x9  }
0x33c: {  	_ =	swait.ge @!p0 [sflag:s0], s1  }
0x33d: {  	s1 =	ssub.s32 @!p0 $0x0, s1;
	[sflag:s0] =	ssyncset.done @!p0 $0x0  }
0x33e: {  	[sflag:s0] =	ssyncadd.s32 @!p0 s1  }
0x33f: {  	[bflag:$0x3] =	sbarrier.arrive $0xFFFF  }
0x340: {  	_ =	shalt  }

// kernel: kernel.15.cloned.1.call-start
scs
__scs_entry_jumppad:
0x0: {  	(pc) =	sbr.rel $0x88, $3  }
0x1: {  	(tag) =	ssettag $0x0;
	lr =	simm.s32 $0x1  }
0x2: {  	[smem:$0x3F9A] =	sst lr;
	_ =	strace $0xD0000000  }
0x3: {  	_ = 	snop  }
0x4: {  	_ = 	snop  }
0x5: {  	_ = 	snop  }
0x6: {  	_ = 	snop  }
0x7: {  	_ = 	snop  }
__scs_overlays_trampoline_lowered:
0x8: {  	[smem:$0x3FA9] =	sst s0  }
0x9: {  	[smem:$0x3FAA] =	sst s1  }
0xa: {  	[smem:$0x3FAB] =	sst s2  }
0xb: {  	[smem:$0x3FAC] =	sst s3  }
0xc: {  	[smem:$0x3FAD] =	sst s4  }
0xd: {  	[smem:$0x3FAE] =	sst s5  }
0xe: {  	[smem:$0x3FAF] =	sst s6  }
0xf: {  	[smem:$0x3FB0] =	sst s7  }
0x10: {  	[smem:$0x3FB1] =	sst s8  }
0x11: {  	[smem:$0x3FB2] =	sst s9;
	s0 =	simm.s32 @!p0 $0x0  }
0x12: {  	s1 =	sld [smem:$0x3F98];
	s0 =	simm.s32 @p0 $0x1  }
0x13: {  	[smem:$0x3FB3] =	sst s0;
	s0 =	simm.s32 @!p1 $0x0  }
0x14: {  	s2 =	sld [smem:$0x3F97];
	s0 =	simm.s32 @p1 $0x1  }
0x15: {  	[smem:$0x3FB4] =	sst s0;
	s0 =	simm.s32 @!p2 $0x0  }
0x16: {  	s3 =	sld [smem:$0x3FDB];
	s0 =	simm.s32 @p2 $0x1  }
0x17: {  	s4 =	simm.s32 $0x1BF5;
	[smem:$0x3FB6] =	sst s0  }
0x18: {  	s0 =	sld [smem:$0x3F99];
	_ =	swait.ge [sflag:s4], $0x0  }
0x19: {  	s7 =	sld [smem:$0x3F9A]  }
0x1a: {  	s8 =	sadd.s32 $0xFFFFE003, lr  }
0x1b: {  	s9 =	sadd.s32 $0xFFFFFEF7, lr;
	s5 =	simm.s32 $0xFFFFFFFF;
	p2 =	slt.u32 s8, $0xFFFFF086  }
0x1c: {  	p1 =	slt.u32 s9, $0xF7A;
	s5 =	simm.s32 @!p2 $0x0  }
0x1d: {  	s5 =	simm.s32 @p1 $0x1;
	p0 =	seq.s32 s7, s2  }
0x1e: {  	s7 =	smul.u32 @!p0 $0xF7A, s2;
	p2 =	seq.s32 @!p0 s5, $0x0  }
0x1f: {  	s9 =	smul.u32 $0xF7A, s1;
	s8 =	simm.s32 @!p0 $0x1BF5;
	p2 =	por !p2, p0  }
0x20: {  	[sflag:s8] =	ssyncset.s32 @!p0 $0xFFFFF086;
	s6 =	sadd.s32 @!p0 s3, s7;
	s7 =	simm.s32 @!p0 $0x108  }
0x21: {  	s3 =	sadd.s32 s3, s9;
	s6 =	sadd.s32 @!p0 $0x88, s6;
	s7 =	simm.s32 @p2 $0x1082  }
0x22: {  	[simem:s7], [sflag:s8] =	dma.local @!p0 [hbm:s6], $0xF7A  }
0x23: {  	s9 =	sor.u32 $0xD0000000, s2;
	s6 =	simm.s32 $0x108;
	_ =	swait.ge @!p0 [sflag:s8], $0x0  }
0x24: {  	s3 =	sadd.s32 $0x88, s3;
	s6 =	simm.s32 @!p1 $0x1082;
	[sflag:s4] =	ssyncset.s32 $0xFFFFF086  }
0x25: {  	[simem:s6], [sflag:s4] =	dma.local [hbm:s3], $0xF7A  }
0x26: {  	[smem:$0x3F9A] =	sst s1;
	(tag) =	ssettag s2;
	_ =	strace s9  }
0x27: {  	s1 =	sld [smem:$0x3FAA]  }
0x28: {  	s2 =	sld [smem:$0x3FAB]  }
0x29: {  	s4 =	sld [smem:$0x3FAD]  }
0x2a: {  	p0 =	seq.s32 s5, $0x0;
	s5 =	sld [smem:$0x3FAE]  }
0x2b: {  	s6 =	sld [smem:$0x3FAF]  }
0x2c: {  	s7 =	sld [smem:$0x3FB0]  }
0x2d: {  	s3 =	simm.s32 $0x108;
	s8 =	sld [smem:$0x3FB1]  }
0x2e: {  	s3 =	simm.s32 @!p0 $0x1082;
	s9 =	sld [smem:$0x3FB2]  }
0x2f: {  	lr =	sadd.s32 s0, s3;
	s0 =	sld [smem:$0x3FA9]  }
0x30: {  	s3 =	sld [smem:$0x3FAC]  }
0x31: {  	[smem:$0x3FB5] =	sst s10  }
0x32: {  	s10 =	sld [smem:$0x3FB3];
	_ =	sdelay $0x3  }
0x33: {  	p0 =	seq.s32 s10, $0x1;
	s10 =	sld [smem:$0x3FB5];
	_ =	sdelay $0x3  }
0x34: {  	[smem:$0x3FB5] =	sst s10  }
0x35: {  	s10 =	sld [smem:$0x3FB4];
	_ =	sdelay $0x3  }
0x36: {  	p1 =	seq.s32 s10, $0x1;
	s10 =	sld [smem:$0x3FB5];
	_ =	sdelay $0x3  }
0x37: {  	[smem:$0x3FB5] =	sst s10  }
0x38: {  	s10 =	sld [smem:$0x3FB6]  }
0x39: {  	_ = 	snop;
	(pc) =	sbr.ind lr, $3  }
0x3a: {  	_ = 	snop  }
0x3b: {  	_ = 	snop  }
0x3c: {  	p2 =	seq.s32 s10, $0x1;
	s10 =	sld [smem:$0x3FB5]  }
0x3d: {  	_ =	shalt  }
0x3e: {  	_ =	shalt  }
0x3f: {  	_ =	shalt  }
0x40: {  	_ =	shalt  }
0x41: {  	_ =	shalt  }
0x42: {  	_ =	shalt  }
0x43: {  	_ =	shalt  }
0x44: {  	_ =	shalt  }
0x45: {  	_ =	shalt  }
0x46: {  	_ =	shalt  }
0x47: {  	_ =	shalt  }
0x48: {  	_ =	shalt  }
0x49: {  	_ =	shalt  }
0x4a: {  	_ =	shalt  }
0x4b: {  	_ =	shalt  }
0x4c: {  	_ =	shalt  }
0x4d: {  	_ =	shalt  }
0x4e: {  	_ =	shalt  }
0x4f: {  	_ =	shalt  }
0x50: {  	_ =	shalt  }
0x51: {  	_ =	shalt  }
0x52: {  	_ =	shalt  }
0x53: {  	_ =	shalt  }
0x54: {  	_ =	shalt  }
0x55: {  	_ =	shalt  }
0x56: {  	_ =	shalt  }
0x57: {  	_ =	shalt  }
0x58: {  	_ =	shalt  }
0x59: {  	_ =	shalt  }
0x5a: {  	_ =	shalt  }
0x5b: {  	_ =	shalt  }
0x5c: {  	_ =	shalt  }
0x5d: {  	_ =	shalt  }
0x5e: {  	_ =	shalt  }
0x5f: {  	_ =	shalt  }
0x60: {  	_ =	shalt  }
0x61: {  	_ =	shalt  }
0x62: {  	_ =	shalt  }
0x63: {  	_ =	shalt  }
0x64: {  	_ =	shalt  }
0x65: {  	_ =	shalt  }
0x66: {  	_ =	shalt  }
0x67: {  	_ =	shalt  }
0x68: {  	_ =	shalt  }
0x69: {  	_ =	shalt  }
0x6a: {  	_ =	shalt  }
0x6b: {  	_ =	shalt  }
0x6c: {  	_ =	shalt  }
0x6d: {  	_ =	shalt  }
0x6e: {  	_ =	shalt  }
0x6f: {  	_ =	shalt  }
0x70: {  	_ =	shalt  }
0x71: {  	_ =	shalt  }
0x72: {  	_ =	shalt  }
0x73: {  	_ =	shalt  }
0x74: {  	_ =	shalt  }
0x75: {  	_ =	shalt  }
0x76: {  	_ =	shalt  }
0x77: {  	_ =	shalt  }
0x78: {  	_ =	shalt  }
0x79: {  	_ =	shalt  }
0x7a: {  	_ =	shalt  }
0x7b: {  	_ =	shalt  }
0x7c: {  	_ =	shalt  }
0x7d: {  	_ =	shalt  }
0x7e: {  	_ =	shalt  }
0x7f: {  	_ =	shalt  }
0x80: {  	_ =	shalt  }
0x81: {  	_ =	shalt  }
0x82: {  	_ =	shalt  }
0x83: {  	_ =	shalt  }
0x84: {  	_ =	shalt  }
0x85: {  	_ =	shalt  }
0x86: {  	_ =	shalt  }
0x87: {  	_ =	shalt  }
.Lfunc_end0:
.L_simem_size_0:
called_computation.2_lowered:
.L_overlay_start_0:
0x88: {  	s2 =	sld [smem:$0x3FD9]  }
0x89: {  	s3 =	sld [smem:$0x3FFE];
	_ =	sdelay $0x1  }
0x8a: {  	s1 =	srdreg.scid  }
0x8b: {  	s0 =	sand.u32 $0x1, s1  }
0x8c: {  	s17 =	sshll.u32 s0, $0xA;
	s2 =	sadd.s32 s3, s2  }
0x8d: {  	s2 =	sadd.s32 s2, s17  }
0x8e: {  	[smem:$0x3FC1] =	sst s2  }
0x8f: {  	_ = 	snop  }
0x90: {  	s2 =	sld [smem:$0x3FD0];
	(tm) =	ssettm $0x1  }
0x91: {  	s18 =	sld [smem:$0x3FFB];
	_ =	sdelay $0x3  }
0x92: {  	_ =	strace s18  }
0x93: {  	s3 =	sld [smem:$0x3FFC];
	_ =	sdelay $0x3  }
0x94: {  	_ =	strace s3  }
0x95: {  	s3 =	sld [smem:$0x3FFD];
	_ =	sdelay $0x3  }
0x96: {  	_ =	strace s3  }
0x97: {  	_ =	strace $0x8FFFFFFF  }
0x98: {  	s19 =	sld [smem:$0x3FDB];
	_ =	sdelay $0x1  }
0x99: {  	s4 =	simm.s32 $_scs_section_size  }
0x9a: {  	s5 =	simm.s32 $_size__tile_overlayer_lowered;
	s6 =	simm.s32 $_tile_overlayer_lowered  }
0x9b: {  	s22 =	simm.s32 $0x1BFF;
	s21 =	sshll.u32 s6, $0x1;
	s3 =	sadd.s32 s4, s19  }
0x9c: {  	s7 =	simm.s32 $0x0;
	s20 =	sshll.u32 s5, $0x1;
	s5 =	sadd.s32 s21, s3  }
0x9d: {  	[timem:s7], [sflag:s22] =	dma.local [hbm:s5], s20  }
0x9e: {  	_ =	swait.ge [sflag:s22], s20  }
0x9f: {  	s4 =	ssub.s32 $0x0, s20;
	[sflag:s22] =	ssyncset.done $0x0  }
0xa0: {  	[sflag:s22] =	ssyncadd.s32 s4;
	_ =	sdelay $0x1  }
0xa1: {  	s23 =	simm.s32 $0x1B8B  }
0xa2: {  	_ =	swait.ge [sflag:s23], $0x1  }
0xa3: {  	[sflag:s23] =	ssyncset.done $0x0  }
0xa4: {  	s25 =	simm.s32 $0x1B8E;
	s24 =	sld [smem:$0x3FFE];
	[sflag:s23] =	ssyncadd.s32 $0xFFFFFFFF  }
0xa5: {  	s26 =	simm.s32 $execute0_lowered;
	[smem:$0x3FD2] =	sst s25  }
0xa6: {  	s5 =	sshll.u32 s26, $0x1;
	_ =	strace $0x8000004C;
	[dreg:$0x1] =	wrdreg $0xFFFFFFFF  }
0xa7: {  	s28 =	simm.s32 $_size_execute0_lowered;
	s3 =	sadd.s32 s3, s5;
	[dreg:$0x0] =	wrdreg $0x0  }
0xa8: {  	s5 =	sshll.u32 s28, $0x1;
	[dreg:$0x2] =	wrdreg s3  }
0xa9: {  	[dreg:$0x3] =	wrdreg s5  }
0xaa: {  	[dreg:$0x4] =	wrdreg $0xC0  }
0xab: {  	_ =	task [dreg:s7], $0x5FFFF  }
0xac: {  	[dreg:$0x1] =	wrdreg $0xFFFFFFFF  }
0xad: {  	[dreg:$0x0] =	wrdreg $0x60  }
0xae: {  	[dreg:$0x2] =	wrdreg s2  }
0xaf: {  	[dreg:$0x3] =	wrdreg s24  }
0xb0: {  	[dreg:$0x4] =	wrdreg $0x130000  }
0xb1: {  	[dreg:$0x5] =	wrdreg $0x17E200  }
0xb2: {  	[dreg:$0x6] =	wrdreg $0x9  }
0xb3: {  	_ =	task.clear_ibuf [dreg:s7], $0x7FFFF;
	_ =	strace $0x9000004C  }
0xb4: {  	s29 =	simm.s32 $0x9;
	_ =	strace $0x8000004E  }
0xb5: {  	_ =	swait.ge [sflag:s29], $0x1  }
0xb6: {  	[sflag:s29] =	ssyncadd.s32 $0xFFFFFFFF  }
0xb7: {  	_ =	strace $0x9000004E  }
0xb8: {  	_ =	sfence  }
0xb9: {  	s30 =	sld [smem:$0x0];
	_ =	sdelay $0x2  }
0xba: {  	s31 =	sshll.u32 s1, $0xD;
	s1 =	sshrl.u32 s1, $0x2  }
0xbb: {  	s3 =	sand.u32 $0x4000, s31;
	s1 =	sadd.s32 s1, s30  }
0xbc: {  	s0 =	sor.u32 s3, s0;
	s1 =	sshll.u32 s1, $0x11  }
0xbd: {  	s0 =	sor.u32 s1, s0  }
0xbe: {  	s0 =	sadd.s32 $0x8F2B, s0  }
0xbf: {  	[sflag:s0] =	ssyncadd.remote.s32 $0x1  }
0xc0: {  	_ =	sfence.sel $0xFFFF  }
0xc1: {  	[dreg:$0x0] =	wrdreg $0xFFFFFFFF;
	(pc) =	sbr.abs _section_cstart, $3  }
0xc2: {  	[dreg:$0x1] =	wrdreg $0xFFFFFFFF  }
0xc3: {  	_ =	task.clear_ibuf [dreg:s7], $0x2FFFF;
	_ =	strace $0x9FFFFFFF  }
0xc4: {  	(tm) =	ssettm $0x7FFFFFFF  }
0xc5: {  	_ =	shalt  }
tec
execute0_lowered:
.L_overlay_start_1:
0x0: {  	(tag) =	ssettag $0x1  }
0x1: {  	s0 =	rddreg [dreg:$0x0]  }
0x2: {  	s1 =	rddreg [dreg:$0x1]  }
0x3: {  	s2 =	rddreg [dreg:$0x2]  }
0x4: {  	s3 =	rddreg [dreg:$0x3];
	s4 =	simm.s32 $0x0  }
0x5: {  	s12 =	stileid.u32;
	s5 =	srdreg.scid;
	s20 =	simm.s32 $0xA000  }
0x6: {  	s28 =	simm.s32 $0x4;
	s29 =	simm.s32 $0x8;
	s6 =	smul.u32 $0xA00, s12  }
0x7: {  	s30 =	simm.s32 $0x80;
	s31 =	simm.s32 $0x10000;
	s24 =	smul.u32 $0x13800, s12  }
0x8: {  	[smem:$0x7FF] =	sst s4;
	s5 =	sand.u32 $0x1, s5;
	s26 =	smul.u32 $0x9C00, s12  }
0x9: {  	s9 =	sadd.s32 $0x3C800, s1;
	s13 =	smul.u32 $0x4E00, s12;
	p0 =	sne.s32 s12, $0xF  }
0xa: {  	_ =	strace $0x8000004D;
	s7 =	ssub.s32 $0x2, s5;
	s11 =	sshll.u32 s5, $0x5  }
0xb: {  	s15 =	smul.u32 $0x4E200, s5;
	s5 =	sshll.u32 s5, $0x2;
	s8 =	sadd.s32 s6, s1  }
0xc: {  	s10 =	sshrl.u32 s7, $0x1;
	s1 =	sadd.s32 $0x50200, s1;
	s0 =	sadd.s32 s0, s6  }
0xd: {  	s14 =	sadd.s32 s13, s3;
	s5 =	sadd.s32 s5, s9;
	s19 =	sadd.s32 s13, s2  }
0xe: {  	s7 =	ssub.s32 s7, s10;
	[dreg:$0x5] =	wrdreg s0;
	s25 =	sadd.s32 $0xB600, s8  }
0xf: {  	s10 =	sshrl.u32 s24, $0x2;
	s8 =	sadd.s32 $0x1600, s8;
	s0 =	sor.u32 s11, s26  }
0x10: {  	s16 =	sadd.s32 s13, s15;
	s11 =	sshrl.u32 s15, $0x3;
	s5 =	sadd.s32 $0x13800, s5  }
0x11: {  	s6 =	sshrl.u32 s14, $0x3;
	s26 =	sshrl.u32 s19, $0x3;
	[dreg:$0x6] =	wrdreg s25  }
0x12: {  	s19 =	simm.s32 $0x12000;
	[dreg:$0x7] =	wrdreg s8;
	s8 =	sadd.s32 s10, s2  }
0x13: {  	s0 =	sshrl.u32 s0, $0x3;
	[dreg:$0x9] =	wrdreg s5;
	s17 =	sshrl.u32 s16, $0x3  }
0x14: {  	s18 =	sadd.s32 s1, s11;
	s5 =	sadd.s32 $0x4E000, s2;
	[dreg:$0x11] =	wrdreg s6  }
0x15: {  	s7 =	smax.u32 s7, $0x1;
	[dreg:$0x13] =	wrdreg s26;
	s26 =	simm.s32 $0x1  }
0x16: {  	s6 =	simm.s32 $0x5;
	s0 =	sadd.s32 s9, s0;
	[dreg:$0xc] =	wrdreg s7  }
0x17: {  	s10 =	simm.s32 $0x0;
	s1 =	sadd.s32 s1, s17;
	[dreg:$0x8] =	wrdreg s0  }
0x18: {  	s21 =	sadd.s32 $0x9C00, s18;
	s22 =	sadd.s32 $0x1000, s8;
	[dreg:$0xa] =	wrdreg s1  }
0x19: {  	s23 =	sadd.s32 $0x2000, s8;
	s24 =	sadd.s32 $0x3000, s8;
	[dreg:$0xb] =	wrdreg s21  }
0x1a: {  	s25 =	sadd.s32 $0x4000, s8;
	s18 =	simm.s32 $0x9;
	[dreg:$0xd] =	wrdreg s22  }
0x1b: {  	s17 =	simm.s32 $0x5000;
	s7 =	simm.s32 $0x6;
	[dreg:$0xe] =	wrdreg s23  }
0x1c: {  	s9 =	simm.s32 $0x7;
	s0 =	sadd.s32 $0x4E000, s3;
	[dreg:$0xf] =	wrdreg s24  }
0x1d: {  	[dreg:$0x10] =	wrdreg s25;
	s21 =	simm.s32 $0xF000;
	s0 =	sshrl.u32 @!p0 s0, $0x3  }
0x1e: {  	v1 =	vimm.s32 $0x0;
	vm0 =	vcmask $0x300;
	s1 =	simm.s32 $0x2;
	[dreg:$0x12] =	wrdreg s0;
	s0 =	sshrl.u32 @!p0 s5, $0x3  }
0x1f: {  	v0 =	vimm.f32 $0.0e+00;
	v1 =	vsel vm0, $0x3, v1;
	s5 =	simm.s32 $0x3;
	[dreg:$0x14] =	wrdreg s0;
	s0 =	simm.s32 $0x11000  }
.LBB2_1:
0x20: {  	s11 =	rddreg [dreg:$0x5]  }
0x21: {  	[tilespmem:s4], [sflag:$0x9] =	stream.linear.gather [hbm4b:s11+s4], $0x5000, $0x38;
	[tilespmem:$0x1CC40] =	vst v63  }
0x22: {  	_ =	swait.ge [sflag:s18], $0x5000  }
0x23: {  	[sflag:s18] =	ssyncset.done $0x0  }
0x24: {  	s23 =	rddreg [dreg:$0x6];
	[sflag:s18] =	ssyncadd.s32 $0xFFFFB000  }
0x25: {  	[tilespmem:s17], [sflag:$0x9] =	stream.linear.gather [hbm4b:s23+s4], $0x5000, $0x38;
	[tilespmem:$0x1CC40] =	vst v63  }
0x26: {  	_ =	swait.ge [sflag:s18], $0x5000  }
0x27: {  	[sflag:s18] =	ssyncset.done $0x0  }
0x28: {  	s24 =	rddreg [dreg:$0x7];
	[sflag:s18] =	ssyncadd.s32 $0xFFFFB000  }
0x29: {  	[tilespmem:s20], [sflag:$0x9] =	stream.linear.gather [hbm4b:s24+s4], $0x5000, $0x38;
	[tilespmem:$0x1CC40] =	vst v63  }
0x2a: {  	s25 =	sand.u32 $0x3F80, s4;
	s12 =	sand.u32 $0x10, s4;
	_ =	swait.ge [sflag:s18], $0x5000  }
0x2b: {  	s13 =	sshrl.u32 s25, $0x2;
	s11 =	simm.s32 $0x40;
	[sflag:s18] =	ssyncset.done $0x0  }
0x2c: {  	s13 =	sor.u32 s12, s13;
	s12 =	simm.s32 $0x0;
	[sflag:s18] =	ssyncadd.s32 $0xFFFFB000  }
.LBB2_2:
0x2d: {  	p1 =	sne.s32 s11, $0x3FC0  }
0x2e: {  	[tilespmem:s13+$0xF000] =	vst v0;
	s12 =	sadd.s32 $0x10, s12;
	s13 =	smov.u32 s11;
	s11 =	sadd.s32 $0x40, s11  }
.Ltmp0:
0x2f: {  	(pc) =	sbr.rel @p1 .LBB2_2-.Ltmp0, $4  }
0x30: {  	_ = 	snop  }
0x31: {  	s13 =	sand.u32 $0x3F80, s13  }
0x32: {  	s14 =	sand.u32 $0x10, s12;
	s13 =	sshrl.u32 s13, $0x2  }
0x33: {  	s13 =	sor.u32 s14, s13  }
0x34: {  	[tilespmem:s13+$0xF000] =	vst v0  }
0x35: {  	[spmem:s8] =	stream.linear.scatter [tilespmem:s21], [sflag:$0x9], $0x1000, $0x38;
	[tilespmem:$0x1CC40] =	vst v63  }
0x36: {  	_ =	swait.ge [sflag:s18], $0x1000  }
0x37: {  	[sflag:s18] =	ssyncset.done $0x0  }
0x38: {  	s11 =	rddreg [dreg:$0xd];
	[sflag:s18] =	ssyncadd.s32 $0xFFFFF000  }
0x39: {  	[spmem:s11] =	stream.linear.scatter [tilespmem:s21], [sflag:$0x9], $0x1000, $0x38;
	[tilespmem:$0x1CC40] =	vst v63  }
0x3a: {  	_ =	swait.ge [sflag:s18], $0x1000  }
0x3b: {  	[sflag:s18] =	ssyncset.done $0x0  }
0x3c: {  	s14 =	rddreg [dreg:$0xe];
	[sflag:s18] =	ssyncadd.s32 $0xFFFFF000  }
0x3d: {  	[spmem:s14] =	stream.linear.scatter [tilespmem:s21], [sflag:$0x9], $0x1000, $0x38;
	[tilespmem:$0x1CC40] =	vst v63  }
0x3e: {  	_ =	swait.ge [sflag:s18], $0x1000  }
0x3f: {  	[sflag:s18] =	ssyncset.done $0x0  }
0x40: {  	s15 =	rddreg [dreg:$0xf];
	[sflag:s18] =	ssyncadd.s32 $0xFFFFF000  }
0x41: {  	[spmem:s15] =	stream.linear.scatter [tilespmem:s21], [sflag:$0x9], $0x1000, $0x38;
	[tilespmem:$0x1CC40] =	vst v63  }
0x42: {  	_ =	swait.ge [sflag:s18], $0x1000  }
0x43: {  	[sflag:s18] =	ssyncset.done $0x0  }
0x44: {  	s16 =	rddreg [dreg:$0x10];
	[sflag:s18] =	ssyncadd.s32 $0xFFFFF000  }
0x45: {  	[spmem:s16] =	stream.linear.scatter [tilespmem:s21], [sflag:$0x9], $0x1000, $0x38;
	[tilespmem:$0x1CC40] =	vst v63  }
0x46: {  	s22 =	stileid.u32;
	_ =	swait.ge [sflag:s18], $0x1000  }
0x47: {  	s11 =	sshll.u32 s22, $0x6;
	[sflag:s18] =	ssyncset.done $0x0;
	s12 =	rddreg [dreg:$0x8]  }
0x48: {  	s11 =	sor.u32 $0x1C09, s11;
	s23 =	rddreg [dreg:$0x11];
	[sflag:s18] =	ssyncadd.s32 $0xFFFFF000  }
0x49: {  	[spmem:s23@s28], [sflag:s11] =	dma.strided [hbm:s12@s29], $0x9C0, s26, $0x4   }
0x4a: {  	s13 =	simm.s32 @!p0 $0x4;
	s24 =	simm.s32 $0x1;
	_ =	swait.ge [sflag:s18], $0x9C0  }
0x4b: {  	s14 =	simm.s32 @!p0 $0x8;
	[sflag:s18] =	ssyncset.done $0x0;
	s15 =	rddreg [dreg:$0x9]  }
0x4c: {  	s12 =	simm.s32 @!p0 $0x1;
	s16 =	rddreg [dreg:$0x12];
	[sflag:s18] =	ssyncadd.s32 $0xFFFFF640  }
0x4d: {  	[spmem:s16@s13], [sflag:s11] =	dma.strided @!p0 [hbm:s15@s14], $0x40, s12, $0x4   }
0x4e: {  	s25 =	simm.s32 $0x2;
	v3 =	vmov s24;
	s15 =	simm.s32 @!p0 $0x9  }
0x4f: {  	v4 =	vmov s25;
	v3 =	vshrl.u32 v3, $0x3;
	_ =	swait.ge @!p0 [sflag:s15], $0x40  }
0x50: {  	v4 =	vshrl.u32 v4, $0x3;
	v3 =	vshll.u32 v3, v1;
	s12 =	simm.s32 $0x0;
	[sflag:s15] =	ssyncset.done @!p0 $0x0  }
0x51: {  	v4 =	vshll.u32 v4, v1;
	v3 =	vadd.s32 $0x1, v3;
	v2 =	vmov s12;
	[sflag:s15] =	ssyncadd.s32 @!p0 $0xFFFFFFC0  }
0x52: {  	v4 =	vadd.s32 $0x2, v4;
	s22 =	simm.s32 $0x4;
	v3 =	vbroadcast v3, $0x0;
	s16 =	simm.s32 $0x3;
	v2 =	vshrl.u32 v2, $0x3;
	[bflag:$0x0] =	sbarrier.arrive $0xFFFF  }
0x53: {  	v4 =	vbroadcast v4, $0x0;
	v5 =	vmov s16;
	v2 =	vshll.u32 v2, v1;
	[tilespmem:s21], [sflag:$0x1] =	stream.indirect.gather [spmem:s3], $0x20, s12, s30, $0xb8;
	[tilespmem:$0x1CC40] =	vst v63  }
0x54: {  	v6 =	vmov s22;
	s23 =	simm.s32 $0x5;
	v5 =	vshrl.u32 v5, $0x3;
	v2 =	vbroadcast v2, $0x0  }
0x55: {  	v6 =	vshrl.u32 v6, $0x3;
	v7 =	vmov s23;
	v5 =	vshll.u32 v5, v1;
	[tilespmem:s31], [sflag:$0x2] =	stream.indirect.gather [spmem:s3], $0x20, s30, s30, $0xb8;
	[tilespmem:$0x1CC40] =	vst v63  }
0x56: {  	v6 =	vshll.u32 v6, v1;
	v7 =	vshrl.u32 v7, $0x3;
	v5 =	vadd.s32 $0x3, v5;
	_ =	swait.ge [sflag:s26], $0x1000  }
0x57: {  	v6 =	vadd.s32 $0x4, v6;
	v7 =	vshll.u32 v7, v1;
	v5 =	vbroadcast v5, $0x0;
	[sflag:s26] =	ssyncset.done $0x0  }
0x58: {  	s25 =	simm.s32 $0x7;
	v10 =	vbroadcast v6, $0x0;
	v7 =	vadd.s32 $0x5, v7;
	s13 =	simm.s32 $0x100;
	[sflag:s26] =	ssyncadd.s32 $0xFFFFF000  }
0x59: {  	v9 =	vmov s25;
	v7 =	vbroadcast v7, $0x0;
	[tilespmem:s0], [sflag:$0x3] =	stream.indirect.gather [spmem:s3], $0x20, s13, s30, $0xb8;
	[tilespmem:$0x1CC40] =	vst v63  }
0x5a: {  	v6 =	vshrl.u32 v9, $0x3;
	v9 =	vld.idx.msk [tilespmem:v2+s20+$0x0], $0xffff  }
0x5b: {  	s24 =	simm.s32 $0x6;
	v6 =	vshll.u32 v6, v1;
	v11 =	vld.idx.msk [tilespmem:v3+s20+$0x0], $0xffff  }
0x5c: {  	v8 =	vmov s24;
	v6 =	vadd.s32 $0x7, v6;
	v12 =	vld.idx.msk [tilespmem:v4+s20+$0x0], $0xffff  }
0x5d: {  	v8 =	vshrl.u32 v8, $0x3;
	v3 =	vbroadcast v6, $0x0;
	v6 =	vld.idx.msk [tilespmem:v5+s20+$0x0], $0xffff  }
0x5e: {  	v8 =	vshll.u32 v8, v1;
	v5 =	vld.idx.msk [tilespmem:v10+s20+$0x0], $0xffff  }
0x5f: {  	v8 =	vadd.s32 $0x6, v8;
	s12 =	simm.s32 $0xF080;
	v4 =	vld.idx.msk [tilespmem:v7+s20+$0x0], $0xffff  }
0x60: {  	s24 =	simm.s32 $0xD;
	v2 =	vbroadcast v8, $0x0;
	v8 =	vld [tilespmem:s12+$0x70]  }
0x61: {  	s25 =	simm.s32 $0xE;
	v17 =	vmov s24;
	v15 =	vld [tilespmem:s12+$0xFFFFFF80]  }
0x62: {  	v18 =	vmov s25;
	v17 =	vshrl.u32 v17, $0x3;
	v19 =	vld [tilespmem:s12+$0xFFFFFF90]  }
0x63: {  	v18 =	vshrl.u32 v18, $0x3;
	v17 =	vshll.u32 v17, v1;
	s22 =	simm.s32 $0xB;
	v3 =	vld.idx.msk [tilespmem:v3+s20+$0x0], $0xffff  }
0x64: {  	v18 =	vshll.u32 v18, v1;
	v17 =	vadd.s32 $0x5, v17;
	v14 =	vmov s22;
	s15 =	simm.s32 $0x9;
	v20 =	vld [tilespmem:s12+$0xFFFFFFA0]  }
0x65: {  	v18 =	vadd.s32 $0x6, v18;
	v14 =	vshrl.u32 v14, $0x3;
	s23 =	simm.s32 $0xC;
	v10 =	vmov s15;
	v21 =	vld [tilespmem:s12+$0xFFFFFFB0]  }
0x66: {  	v14 =	vshll.u32 v14, v1;
	v16 =	vmov s23;
	v22 =	vld [tilespmem:s12+$0xFFFFFFC0];
	v10 =	vshrl.u32 v10, $0x3  }
0x67: {  	v16 =	vshrl.u32 v16, $0x3;
	v23 =	vld [tilespmem:s12+$0xFFFFFFD0];
	v10 =	vshll.u32 v10, v1;
	v15 =	vmul.f32 v15, v9  }
0x68: {  	s14 =	simm.s32 $0x8;
	v16 =	vshll.u32 v16, v1;
	v24 =	vadd.s32 $0x1, v10;
	v10 =	vld [tilespmem:s12+$0x10];
	v8 =	vmul.f32 v8, v3  }
0x69: {  	s16 =	simm.s32 $0xA;
	v16 =	vadd.s32 $0x4, v16;
	v7 =	vmov s14;
	v9 =	vmul.f32 v19, v9;
	v19 =	vld [tilespmem:s12+$0xFFFFFFE0];
	[tilespmem:s12+$0xFFFFFF80] =	vst v15  }
0x6a: {  	v13 =	vmov s16;
	v7 =	vshrl.u32 v7, $0x3;
	v15 =	vmul.f32 v20, v11;
	[tilespmem:s12+$0x70] =	vst v8;
	v8 =	vld [tilespmem:s12+$0xFFFFFFF0]  }
0x6b: {  	v13 =	vshrl.u32 v13, $0x3;
	v7 =	vshll.u32 v7, v1;
	[tilespmem:s12+$0xFFFFFF90] =	vst v9;
	v11 =	vmul.f32 v21, v11;
	v9 =	vld [tilespmem:s12+$0x0]  }
0x6c: {  	v13 =	vshll.u32 v13, v1;
	v7 =	vbroadcast v7, $0x0;
	v2 =	vld.idx.msk [tilespmem:v2+s20+$0x0], $0xffff;
	v21 =	vmul.f32 v22, v12;
	[tilespmem:s12+$0xFFFFFFA0] =	vst v15  }
0x6d: {  	v25 =	vadd.s32 $0x2, v13;
	v13 =	vbroadcast v24, $0x0;
	[tilespmem:s12+$0xFFFFFFB0] =	vst v11;
	v15 =	vmul.f32 v23, v12;
	v11 =	vld [tilespmem:s12+$0x20]  }
0x6e: {  	s13 =	simm.s32 $0x10;
	s14 =	simm.s32 $0xF;
	v20 =	vadd.s32 $0x3, v14;
	v14 =	vbroadcast v25, $0x0;
	[tilespmem:s12+$0xFFFFFFC0] =	vst v21;
	v12 =	vld [tilespmem:s12+$0x30];
	v19 =	vmul.f32 v19, v6  }
.LBB2_4:
0x6f: {  	p1 =	slt.u32 s13, $0x78;
	v20 =	vbroadcast v20, $0x0;
	v21 =	vmov s14;
	[tilespmem:s12+$0xFFFFFFD0] =	vst v15;
	v6 =	vmul.f32 v8, v6;
	v8 =	vld [tilespmem:s12+$0x40]  }
0x70: {  	v15 =	vbroadcast v16, $0x0;
	v16 =	vshrl.u32 v21, $0x3;
	[tilespmem:s12+$0xFFFFFFE0] =	vst v19;
	v9 =	vmul.f32 v9, v5;
	v19 =	vld [tilespmem:s12+$0x50]  }
0x71: {  	v17 =	vbroadcast v17, $0x0;
	v16 =	vshll.u32 v16, v1;
	[tilespmem:s12+$0xFFFFFFF0] =	vst v6;
	v5 =	vmul.f32 v10, v5;
	v10 =	vld [tilespmem:s12+$0x60]  }
0x72: {  	v21 =	vld.idx.msk [tilespmem:v7+s20+$0x0], $0xffff;
	v7 =	vbroadcast v18, $0x0;
	v6 =	vadd.s32 $0x7, v16;
	[tilespmem:s12+$0x0] =	vst v9;
	v9 =	vmul.f32 v11, v4  }
0x73: {  	v11 =	vld.idx.msk [tilespmem:v13+s20+$0x0], $0xffff;
	v13 =	vbroadcast v6, $0x0;
	[tilespmem:s12+$0x10] =	vst v5;
	v4 =	vmul.f32 v12, v4  }
0x74: {  	v12 =	vld.idx.msk [tilespmem:v14+s20+$0x0], $0xffff;
	[tilespmem:s12+$0x20] =	vst v9;
	v8 =	vmul.f32 v8, v2  }
0x75: {  	v6 =	vld.idx.msk [tilespmem:v20+s20+$0x0], $0xffff;
	[tilespmem:s12+$0x30] =	vst v4;
	v2 =	vmul.f32 v19, v2  }
0x76: {  	v5 =	vld.idx.msk [tilespmem:v15+s20+$0x0], $0xffff;
	[tilespmem:s12+$0x40] =	vst v8;
	v3 =	vmul.f32 v10, v3  }
0x77: {  	v4 =	vld.idx.msk [tilespmem:v17+s20+$0x0], $0xffff;
	[tilespmem:s12+$0x50] =	vst v2  }
0x78: {  	v2 =	vld.idx.msk [tilespmem:v7+s20+$0x0], $0xffff;
	[tilespmem:s12+$0x60] =	vst v3  }
0x79: {  	v7 =	vmov s13;
	s12 =	sadd.s32 $0x100, s12;
	v3 =	vld.idx.msk [tilespmem:v13+s20+$0x0], $0xffff  }
0x7a: {  	s14 =	sadd.s32 $0x1, s13;
	s15 =	sadd.s32 $0x2, s13;
	s16 =	sadd.s32 $0x3, s13;
	v7 =	vshrl.u32 v7, $0x3;
	v8 =	vld [tilespmem:s12+$0x70]  }
0x7b: {  	v9 =	vmov s14;
	s14 =	sadd.s32 $0x4, s13;
	v10 =	vmov s15;
	s15 =	sadd.s32 $0x5, s13;
	v13 =	vmov s16;
	s16 =	sadd.s32 $0x6, s13;
	v14 =	vld [tilespmem:s12+$0xFFFFFF80]  }
0x7c: {  	v15 =	vmov s14;
	v16 =	vmov s15;
	v17 =	vmov s16;
	v18 =	vld [tilespmem:s12+$0xFFFFFF90]  }
0x7d: {  	v9 =	vshrl.u32 v9, $0x3;
	v10 =	vshrl.u32 v10, $0x3;
	v7 =	vshll.u32 v7, v1;
	v19 =	vld [tilespmem:s12+$0xFFFFFFA0]  }
0x7e: {  	v15 =	vshrl.u32 v15, $0x3;
	v16 =	vshrl.u32 v16, $0x3;
	v13 =	vshrl.u32 v13, $0x3;
	v20 =	vld [tilespmem:s12+$0xFFFFFFB0]  }
0x7f: {  	v7 =	vbroadcast v7, $0x0;
	v17 =	vshrl.u32 v17, $0x3;
	v22 =	vld [tilespmem:s12+$0xFFFFFFC0];
	v8 =	vmul.f32 v8, v3  }
0x80: {  	v9 =	vshll.u32 v9, v1;
	v10 =	vshll.u32 v10, v1;
	v14 =	vmul.f32 v14, v21;
	v23 =	vld [tilespmem:s12+$0xFFFFFFD0]  }
0x81: {  	v15 =	vshll.u32 v15, v1;
	v13 =	vshll.u32 v13, v1;
	v18 =	vmul.f32 v18, v21;
	v21 =	vld [tilespmem:s12+$0xFFFFFFE0];
	[tilespmem:s12+$0x70] =	vst v8  }
.Ltmp1:
0x82: {  	v24 =	vshll.u32 v16, v1;
	v25 =	vshll.u32 v17, v1;
	[tilespmem:s12+$0xFFFFFF80] =	vst v14;
	v14 =	vmul.f32 v19, v11;
	v8 =	vld [tilespmem:s12+$0xFFFFFFF0];
	(pc) =	sbr.rel @p1 .LBB2_4-.Ltmp1, $4  }
0x83: {  	v17 =	vadd.s32 $0x1, v9;
	v19 =	vadd.s32 $0x2, v10;
	[tilespmem:s12+$0xFFFFFF90] =	vst v18;
	v11 =	vmul.f32 v20, v11;
	v9 =	vld [tilespmem:s12+$0x0]  }
0x84: {  	v16 =	vadd.s32 $0x4, v15;
	v20 =	vadd.s32 $0x3, v13;
	[tilespmem:s12+$0xFFFFFFA0] =	vst v14;
	v22 =	vmul.f32 v22, v12;
	v10 =	vld [tilespmem:s12+$0x10]  }
0x85: {  	v13 =	vbroadcast v17, $0x0;
	v17 =	vadd.s32 $0x5, v24;
	[tilespmem:s12+$0xFFFFFFB0] =	vst v11;
	v15 =	vmul.f32 v23, v12;
	v11 =	vld [tilespmem:s12+$0x20]  }
0x86: {  	s14 =	sadd.s32 $0x7, s13;
	s13 =	sadd.s32 $0x8, s13;
	v18 =	vadd.s32 $0x6, v25;
	v14 =	vbroadcast v19, $0x0;
	[tilespmem:s12+$0xFFFFFFC0] =	vst v22;
	v19 =	vmul.f32 v21, v6;
	v12 =	vld [tilespmem:s12+$0x30]  }
0x87: {  	_ = 	snop  }
0x88: {  	v22 =	vld [tilespmem:s12+$0x40]  }
0x89: {  	v23 =	vld [tilespmem:s12+$0x50]  }
0x8a: {  	v24 =	vld [tilespmem:s12+$0x60]  }
0x8b: {  	v7 =	vld.idx.msk [tilespmem:v7+s20+$0x0], $0xffff  }
0x8c: {  	v13 =	vld.idx.msk [tilespmem:v13+s20+$0x0], $0xffff  }
0x8d: {  	s13 =	sadd.s32 $0x100, s12;
	v14 =	vld.idx.msk [tilespmem:v14+s20+$0x0], $0xffff  }
0x8e: {  	v25 =	vld [tilespmem:s13+$0x70]  }
0x8f: {  	v26 =	vld [tilespmem:s13+$0xFFFFFF80]  }
0x90: {  	[tilespmem:s12+$0xFFFFFFD0] =	vst v15;
	v6 =	vmul.f32 v8, v6;
	v8 =	vld [tilespmem:s13+$0xFFFFFF90]  }
0x91: {  	v21 =	vmov s14;
	[tilespmem:s12+$0xFFFFFFE0] =	vst v19;
	v9 =	vmul.f32 v9, v5;
	v15 =	vld [tilespmem:s13+$0xFFFFFFA0]  }
0x92: {  	v20 =	vbroadcast v20, $0x0;
	v21 =	vshrl.u32 v21, $0x3;
	v19 =	vld [tilespmem:s13+$0x20];
	[tilespmem:s12+$0xFFFFFFF0] =	vst v6;
	v5 =	vmul.f32 v10, v5  }
0x93: {  	v16 =	vbroadcast v16, $0x0;
	v21 =	vshll.u32 v21, v1;
	v6 =	vld [tilespmem:s13+$0xFFFFFFB0];
	[tilespmem:s12+$0x0] =	vst v9;
	v9 =	vmul.f32 v11, v4  }
0x94: {  	v17 =	vbroadcast v17, $0x0;
	v10 =	vld [tilespmem:s13+$0xFFFFFFC0];
	v21 =	vadd.s32 $0x7, v21;
	[tilespmem:s12+$0x10] =	vst v5;
	v4 =	vmul.f32 v12, v4  }
0x95: {  	v11 =	vld [tilespmem:s13+$0xFFFFFFE0];
	v21 =	vbroadcast v21, $0x0;
	[tilespmem:s12+$0x20] =	vst v9;
	v9 =	vmul.f32 v22, v2  }
0x96: {  	v5 =	vld [tilespmem:s13+$0xFFFFFFD0];
	v3 =	vmul.f32 v24, v3;
	[tilespmem:s12+$0x30] =	vst v4  }
0x97: {  	v12 =	vld [tilespmem:s13+$0x10];
	v2 =	vmul.f32 v23, v2;
	[tilespmem:s12+$0x40] =	vst v9  }
0x98: {  	v18 =	vbroadcast v18, $0x0;
	v20 =	vld.idx.msk [tilespmem:v20+s20+$0x0], $0xffff;
	[tilespmem:s12+$0x60] =	vst v3;
	v3 =	vmul.f32 v26, v7  }
0x99: {  	v16 =	vld.idx.msk [tilespmem:v16+s20+$0x0], $0xffff;
	[tilespmem:s12+$0x50] =	vst v2;
	v7 =	vmul.f32 v8, v7  }
0x9a: {  	v17 =	vld.idx.msk [tilespmem:v17+s20+$0x0], $0xffff;
	v6 =	vmul.f32 v6, v13;
	[tilespmem:s13+$0xFFFFFF80] =	vst v3  }
0x9b: {  	v3 =	vmul.f32 v15, v13;
	[tilespmem:s13+$0xFFFFFF90] =	vst v7;
	v21 =	vld.idx.msk [tilespmem:v21+s20+$0x0], $0xffff  }
0x9c: {  	v4 =	vld [tilespmem:s13+$0xFFFFFFF0];
	[tilespmem:s13+$0xFFFFFFB0] =	vst v6;
	v5 =	vmul.f32 v5, v14  }
0x9d: {  	v9 =	vld [tilespmem:s13+$0x0];
	[tilespmem:s13+$0xFFFFFFA0] =	vst v3;
	v3 =	vmul.f32 v10, v14  }
0x9e: {  	v18 =	vld.idx.msk [tilespmem:v18+s20+$0x0], $0xffff;
	v6 =	vmul.f32 v11, v20;
	[tilespmem:s13+$0xFFFFFFD0] =	vst v5  }
0x9f: {  	v8 =	vld [tilespmem:s13+$0x40];
	v5 =	vmul.f32 v12, v16;
	[tilespmem:s13+$0xFFFFFFC0] =	vst v3  }
0xa0: {  	v7 =	vld [tilespmem:s13+$0x50];
	[tilespmem:s13+$0xFFFFFFE0] =	vst v6;
	v2 =	vmul.f32 v25, v21  }
0xa1: {  	v10 =	vld [tilespmem:s13+$0x60];
	v3 =	vmul.f32 v4, v20;
	[tilespmem:s13+$0x10] =	vst v5  }
0xa2: {  	v4 =	vmul.f32 v9, v16;
	[tilespmem:s13+$0x70] =	vst v2;
	v2 =	vld [tilespmem:s13+$0x30]  }
0xa3: {  	s25 =	simm.s32 $0x6;
	v9 =	vmul.f32 v19, v17;
	[tilespmem:s13+$0xFFFFFFF0] =	vst v3  }
0xa4: {  	s15 =	simm.s32 $0x0;
	s23 =	simm.s32 $0x3;
	v12 =	vmov s25;
	v6 =	vmul.f32 v8, v18;
	[tilespmem:s13+$0x0] =	vst v4  }
0xa5: {  	s16 =	simm.s32 $0x1;
	v8 =	vmov s15;
	v5 =	vmov s23;
	v3 =	vmul.f32 v7, v18;
	[tilespmem:s13+$0x20] =	vst v9  }
0xa6: {  	v4 =	vshrl.u32 v8, $0x3;
	v8 =	vmov s16;
	[tilespmem:s13+$0x40] =	vst v6;
	v7 =	vmul.f32 v10, v21  }
0xa7: {  	v4 =	vshll.u32 v4, v1;
	v8 =	vshrl.u32 v8, $0x3;
	[tilespmem:s13+$0x50] =	vst v3;
	v2 =	vmul.f32 v2, v17  }
0xa8: {  	v5 =	vshrl.u32 v5, $0x3;
	v4 =	vadd.s32 $0x80, v4;
	v3 =	vshll.u32 v8, v1;
	[tilespmem:s13+$0x60] =	vst v7  }
0xa9: {  	s24 =	simm.s32 $0x5;
	s15 =	simm.s32 $0x4;
	v5 =	vshll.u32 v5, v1;
	v4 =	vbroadcast v4, $0x0;
	v3 =	vadd.s32 $0x81, v3;
	[tilespmem:s13+$0x30] =	vst v2  }
0xaa: {  	v9 =	vmov s24;
	v5 =	vadd.s32 $0x83, v5;
	v3 =	vbroadcast v3, $0x0;
	[spmem:s2] =	stream.indirect.scatter.add.f32 [tilespmem:s21], [sflag:$0x5], $0x20, s17, s30, $0xb8;
	[tilespmem:$0x1CC40] =	vst v63  }
0xab: {  	s22 =	simm.s32 $0x2;
	v11 =	vmov s15;
	v6 =	vshrl.u32 v9, $0x3;
	v5 =	vbroadcast v5, $0x0;
	_ =	swait.ge [sflag:s1], $0x1000  }
0xac: {  	v10 =	vmov s22;
	v9 =	vshrl.u32 v12, $0x3;
	v6 =	vshll.u32 v6, v1;
	s13 =	simm.s32 $0x7;
	[sflag:s1] =	ssyncset.done $0x0  }
0xad: {  	s14 =	simm.s32 $0x180;
	v8 =	vshll.u32 v9, v1;
	v6 =	vadd.s32 $0x85, v6;
	v9 =	vmov s13;
	[sflag:s1] =	ssyncadd.s32 $0xFFFFF000  }
0xae: {  	v2 =	vshrl.u32 v10, $0x3;
	v10 =	vshrl.u32 v11, $0x3;
	v9 =	vshrl.u32 v9, $0x3;
	[tilespmem:s19], [sflag:$0x4] =	stream.indirect.gather [spmem:s3], $0x20, s14, s30, $0xb8;
	[tilespmem:$0x1CC40] =	vst v63  }
0xaf: {  	v7 =	vshll.u32 v10, v1;
	v10 =	vbroadcast v6, $0x0;
	v6 =	vshll.u32 v9, v1;
	v9 =	vld.idx.msk [tilespmem:v4+s20+$0x0], $0xffff  }
0xb0: {  	v2 =	vshll.u32 v2, v1;
	v4 =	vadd.s32 $0x87, v6;
	v11 =	vld.idx.msk [tilespmem:v3+s20+$0x0], $0xffff  }
0xb1: {  	s12 =	simm.s32 $0x10080;
	v2 =	vadd.s32 $0x82, v2;
	v6 =	vld.idx.msk [tilespmem:v5+s20+$0x0], $0xffff;
	v3 =	vbroadcast v4, $0x0  }
0xb2: {  	v7 =	vadd.s32 $0x84, v7;
	v2 =	vbroadcast v2, $0x0;
	v16 =	vld [tilespmem:s12+$0xFFFFFF80]  }
0xb3: {  	v8 =	vadd.s32 $0x86, v8;
	v7 =	vbroadcast v7, $0x0;
	v19 =	vld [tilespmem:s12+$0xFFFFFF90]  }
0xb4: {  	v8 =	vbroadcast v8, $0x0;
	v20 =	vld [tilespmem:s12+$0xFFFFFFA0]  }
0xb5: {  	s23 =	simm.s32 $0xC;
	v4 =	vld.idx.msk [tilespmem:v10+s20+$0x0], $0xffff  }
0xb6: {  	s25 =	simm.s32 $0xE;
	v15 =	vmov s23;
	v10 =	vld [tilespmem:s12+$0x70]  }
0xb7: {  	v18 =	vmov s25;
	v15 =	vshrl.u32 v15, $0x3;
	s22 =	simm.s32 $0xB;
	v3 =	vld.idx.msk [tilespmem:v3+s20+$0x0], $0xffff  }
0xb8: {  	s24 =	simm.s32 $0xD;
	v18 =	vshrl.u32 v18, $0x3;
	v15 =	vshll.u32 v15, v1;
	v14 =	vmov s22;
	v13 =	vld.idx.msk [tilespmem:v2+s20+$0x0], $0xffff  }
0xb9: {  	s15 =	simm.s32 $0x8;
	s16 =	simm.s32 $0x9;
	v15 =	vadd.s32 $0x84, v15;
	v14 =	vshrl.u32 v14, $0x3;
	v17 =	vmov s24;
	s17 =	simm.s32 $0xA;
	v5 =	vld.idx.msk [tilespmem:v7+s20+$0x0], $0xffff  }
0xba: {  	v12 =	vmov s17;
	v2 =	vld.idx.msk [tilespmem:v8+s20+$0x0], $0xffff;
	v7 =	vmov s15;
	v8 =	vmov s16  }
0xbb: {  	v12 =	vshrl.u32 v12, $0x3;
	v21 =	vld [tilespmem:s12+$0xFFFFFFB0];
	v7 =	vshrl.u32 v7, $0x3;
	v8 =	vshrl.u32 v8, $0x3  }
0xbc: {  	v23 =	vld [tilespmem:s12+$0xFFFFFFC0];
	v7 =	vshll.u32 v7, v1;
	v22 =	vshll.u32 v8, v1;
	v8 =	vmul.f32 v10, v3  }
0xbd: {  	v62 =	vld [tilespmem:s12+$0xFFFFFFD0];
	v10 =	vshll.u32 v12, v1;
	v12 =	vshll.u32 v14, v1;
	v14 =	vmul.f32 v16, v9  }
0xbe: {  	v17 =	vshrl.u32 v17, $0x3;
	v63 =	vld [tilespmem:s12+$0xFFFFFFE0];
	v7 =	vadd.s32 $0x80, v7;
	v9 =	vmul.f32 v19, v9;
	[tilespmem:s12+$0x70] =	vst v8  }
0xbf: {  	v7 =	vbroadcast v7, $0x0;
	v16 =	vshll.u32 v17, v1;
	[tilespmem:s12+$0xFFFFFF80] =	vst v14;
	v14 =	vmul.f32 v20, v11;
	v8 =	vld [tilespmem:s12+$0xFFFFFFF0]  }
0xc0: {  	v17 =	vshll.u32 v18, v1;
	v18 =	vadd.s32 $0x81, v22;
	[tilespmem:s12+$0xFFFFFF90] =	vst v9;
	v11 =	vmul.f32 v21, v11;
	v9 =	vld [tilespmem:s12+$0x0]  }
0xc1: {  	v19 =	vadd.s32 $0x83, v12;
	v20 =	vadd.s32 $0x82, v10;
	v21 =	vmul.f32 v23, v13;
	v10 =	vld [tilespmem:s12+$0x10];
	[tilespmem:s12+$0xFFFFFFA0] =	vst v14  }
0xc2: {  	v12 =	vbroadcast v18, $0x0;
	v16 =	vadd.s32 $0x85, v16;
	v18 =	vmul.f32 v62, v13;
	[tilespmem:s12+$0xFFFFFFB0] =	vst v11;
	v11 =	vld [tilespmem:s12+$0x20]  }
0xc3: {  	s13 =	simm.s32 $0x10;
	s14 =	simm.s32 $0xF;
	v17 =	vadd.s32 $0x86, v17;
	v13 =	vld [tilespmem:s12+$0x30];
	v14 =	vbroadcast v20, $0x0;
	[tilespmem:s12+$0xFFFFFFC0] =	vst v21;
	v20 =	vmul.f32 v63, v6  }
.LBB2_6:
0xc4: {  	p1 =	slt.u32 s13, $0x78;
	v19 =	vbroadcast v19, $0x0;
	v21 =	vmov s14;
	[tilespmem:s12+$0xFFFFFFD0] =	vst v18;
	v6 =	vmul.f32 v8, v6;
	v8 =	vld [tilespmem:s12+$0x40]  }
0xc5: {  	v15 =	vbroadcast v15, $0x0;
	v18 =	vshrl.u32 v21, $0x3;
	[tilespmem:s12+$0xFFFFFFE0] =	vst v20;
	v9 =	vmul.f32 v9, v5;
	v20 =	vld [tilespmem:s12+$0x50]  }
0xc6: {  	v16 =	vbroadcast v16, $0x0;
	v18 =	vshll.u32 v18, v1;
	[tilespmem:s12+$0xFFFFFFF0] =	vst v6;
	v5 =	vmul.f32 v10, v5;
	v10 =	vld [tilespmem:s12+$0x60]  }
0xc7: {  	v17 =	vbroadcast v17, $0x0;
	v7 =	vld.idx.msk [tilespmem:v7+s20+$0x0], $0xffff;
	v6 =	vadd.s32 $0x87, v18;
	[tilespmem:s12+$0x0] =	vst v9;
	v9 =	vmul.f32 v11, v4  }
0xc8: {  	v11 =	vld.idx.msk [tilespmem:v12+s20+$0x0], $0xffff;
	v12 =	vbroadcast v6, $0x0;
	[tilespmem:s12+$0x10] =	vst v5;
	v4 =	vmul.f32 v13, v4  }
0xc9: {  	v13 =	vld.idx.msk [tilespmem:v14+s20+$0x0], $0xffff;
	[tilespmem:s12+$0x20] =	vst v9;
	v8 =	vmul.f32 v8, v2  }
0xca: {  	v6 =	vld.idx.msk [tilespmem:v19+s20+$0x0], $0xffff;
	[tilespmem:s12+$0x30] =	vst v4;
	v2 =	vmul.f32 v20, v2  }
0xcb: {  	v5 =	vld.idx.msk [tilespmem:v15+s20+$0x0], $0xffff;
	[tilespmem:s12+$0x40] =	vst v8;
	v3 =	vmul.f32 v10, v3  }
0xcc: {  	v4 =	vld.idx.msk [tilespmem:v16+s20+$0x0], $0xffff;
	[tilespmem:s12+$0x50] =	vst v2  }
0xcd: {  	v2 =	vld.idx.msk [tilespmem:v17+s20+$0x0], $0xffff;
	[tilespmem:s12+$0x60] =	vst v3  }
0xce: {  	s14 =	sadd.s32 $0x1, s13;
	v8 =	vmov s13;
	s12 =	sadd.s32 $0x100, s12;
	v3 =	vld.idx.msk [tilespmem:v12+s20+$0x0], $0xffff  }
0xcf: {  	s15 =	sadd.s32 $0x3, s13;
	s16 =	sadd.s32 $0x4, s13;
	v9 =	vmov s14;
	s14 =	sadd.s32 $0x2, s13;
	v8 =	vshrl.u32 v8, $0x3;
	v10 =	vld [tilespmem:s12+$0x70]  }
0xd0: {  	v14 =	vmov s15;
	s15 =	sadd.s32 $0x6, s13;
	v15 =	vmov s16;
	v12 =	vmov s14;
	s14 =	sadd.s32 $0x5, s13;
	v16 =	vld [tilespmem:s12+$0xFFFFFF80]  }
0xd1: {  	v18 =	vmov s15;
	v8 =	vshll.u32 v8, v1;
	v17 =	vmov s14;
	v19 =	vld [tilespmem:s12+$0xFFFFFF90]  }
0xd2: {  	v9 =	vshrl.u32 v9, $0x3;
	v14 =	vshrl.u32 v14, $0x3;
	v12 =	vshrl.u32 v12, $0x3;
	v20 =	vld [tilespmem:s12+$0xFFFFFFA0]  }
0xd3: {  	v18 =	vshrl.u32 v18, $0x3;
	v15 =	vshrl.u32 v15, $0x3;
	v17 =	vshrl.u32 v17, $0x3;
	v21 =	vld [tilespmem:s12+$0xFFFFFFB0]  }
0xd4: {  	v9 =	vshll.u32 v9, v1;
	v8 =	vadd.s32 $0x80, v8;
	v22 =	vld [tilespmem:s12+$0xFFFFFFC0];
	v10 =	vmul.f32 v10, v3  }
0xd5: {  	v14 =	vshll.u32 v14, v1;
	v12 =	vshll.u32 v12, v1;
	v16 =	vmul.f32 v16, v7;
	v23 =	vld [tilespmem:s12+$0xFFFFFFD0]  }
0xd6: {  	v15 =	vshll.u32 v15, v1;
	v17 =	vshll.u32 v17, v1;
	v19 =	vmul.f32 v19, v7;
	v24 =	vld [tilespmem:s12+$0xFFFFFFE0];
	[tilespmem:s12+$0x70] =	vst v10  }
.Ltmp2:
0xd7: {  	v25 =	vshll.u32 v18, v1;
	v7 =	vbroadcast v8, $0x0;
	[tilespmem:s12+$0xFFFFFF80] =	vst v16;
	v10 =	vmul.f32 v20, v11;
	v8 =	vld [tilespmem:s12+$0xFFFFFFF0];
	(pc) =	sbr.rel @p1 .LBB2_6-.Ltmp2, $4  }
0xd8: {  	v16 =	vadd.s32 $0x81, v9;
	v20 =	vadd.s32 $0x82, v12;
	[tilespmem:s12+$0xFFFFFF90] =	vst v19;
	v11 =	vmul.f32 v21, v11;
	v9 =	vld [tilespmem:s12+$0x0]  }
0xd9: {  	v15 =	vadd.s32 $0x84, v15;
	v19 =	vadd.s32 $0x83, v14;
	[tilespmem:s12+$0xFFFFFFA0] =	vst v10;
	v21 =	vmul.f32 v22, v13;
	v10 =	vld [tilespmem:s12+$0x10]  }
0xda: {  	v12 =	vbroadcast v16, $0x0;
	v16 =	vadd.s32 $0x85, v17;
	[tilespmem:s12+$0xFFFFFFB0] =	vst v11;
	v18 =	vmul.f32 v23, v13;
	v11 =	vld [tilespmem:s12+$0x20]  }
0xdb: {  	s14 =	sadd.s32 $0x7, s13;
	s13 =	sadd.s32 $0x8, s13;
	v14 =	vbroadcast v20, $0x0;
	v17 =	vadd.s32 $0x86, v25;
	[tilespmem:s12+$0xFFFFFFC0] =	vst v21;
	v20 =	vmul.f32 v24, v6;
	v13 =	vld [tilespmem:s12+$0x30]  }
0xdc: {  	_ = 	snop  }
0xdd: {  	v22 =	vld [tilespmem:s12+$0x40]  }
0xde: {  	v23 =	vld [tilespmem:s12+$0x50]  }
0xdf: {  	v24 =	vld [tilespmem:s12+$0x60]  }
0xe0: {  	v7 =	vld.idx.msk [tilespmem:v7+s20+$0x0], $0xffff  }
0xe1: {  	v12 =	vld.idx.msk [tilespmem:v12+s20+$0x0], $0xffff  }
0xe2: {  	s13 =	sadd.s32 $0x100, s12;
	v14 =	vld.idx.msk [tilespmem:v14+s20+$0x0], $0xffff  }
0xe3: {  	v47 =	vld [tilespmem:s13+$0x70]  }
0xe4: {  	v49 =	vld [tilespmem:s13+$0xFFFFFF80]  }
0xe5: {  	[tilespmem:s12+$0xFFFFFFD0] =	vst v18;
	v6 =	vmul.f32 v8, v6;
	v51 =	vld [tilespmem:s13+$0xFFFFFF90]  }
0xe6: {  	v21 =	vmov s14;
	[tilespmem:s12+$0xFFFFFFE0] =	vst v20;
	v9 =	vmul.f32 v9, v5;
	v52 =	vld [tilespmem:s13+$0xFFFFFFA0]  }
0xe7: {  	v21 =	vshrl.u32 v21, $0x3;
	v53 =	vld [tilespmem:s13+$0xFFFFFFB0];
	[tilespmem:s12+$0xFFFFFFF0] =	vst v6;
	v44 =	vmul.f32 v10, v5  }
0xe8: {  	v19 =	vbroadcast v19, $0x0;
	v54 =	vld [tilespmem:s13+$0xFFFFFFD0];
	v21 =	vshll.u32 v21, v1;
	[tilespmem:s12+$0x0] =	vst v9;
	v46 =	vmul.f32 v11, v4  }
0xe9: {  	v55 =	vld [tilespmem:s13+$0xFFFFFFE0];
	v21 =	vadd.s32 $0x87, v21;
	[tilespmem:s12+$0x10] =	vst v44;
	v48 =	vmul.f32 v13, v4  }
0xea: {  	v56 =	vld [tilespmem:s13+$0xFFFFFFF0];
	v21 =	vbroadcast v21, $0x0;
	[tilespmem:s12+$0x20] =	vst v46;
	v50 =	vmul.f32 v22, v2  }
0xeb: {  	v15 =	vbroadcast v15, $0x0;
	v58 =	vld [tilespmem:s13+$0x0];
	v2 =	vmul.f32 v23, v2;
	[tilespmem:s12+$0x30] =	vst v48  }
0xec: {  	v59 =	vld [tilespmem:s13+$0x20];
	v3 =	vmul.f32 v24, v3;
	[tilespmem:s12+$0x40] =	vst v50  }
0xed: {  	v16 =	vbroadcast v16, $0x0;
	v57 =	vmul.f32 v53, v12;
	[tilespmem:s12+$0x50] =	vst v2;
	v2 =	vld [tilespmem:s13+$0xFFFFFFC0]  }
0xee: {  	v19 =	vld.idx.msk [tilespmem:v19+s20+$0x0], $0xffff;
	[tilespmem:s12+$0x60] =	vst v3;
	v3 =	vmul.f32 v49, v7  }
0xef: {  	v17 =	vbroadcast v17, $0x0;
	v60 =	vld [tilespmem:s13+$0x30];
	v5 =	vmul.f32 v54, v14;
	[tilespmem:s13+$0xFFFFFFB0] =	vst v57  }
0xf0: {  	[tilespmem:s13+$0xFFFFFF80] =	vst v3;
	v3 =	vmul.f32 v52, v12;
	v45 =	vld.idx.msk [tilespmem:v21+s20+$0x0], $0xffff  }
0xf1: {  	v15 =	vld.idx.msk [tilespmem:v15+s20+$0x0], $0xffff;
	v7 =	vmul.f32 v51, v7;
	[tilespmem:s13+$0xFFFFFFD0] =	vst v5  }
0xf2: {  	[tilespmem:s13+$0xFFFFFFA0] =	vst v3;
	v3 =	vld [tilespmem:s13+$0x10];
	v2 =	vmul.f32 v2, v14  }
0xf3: {  	v42 =	vld.idx.msk [tilespmem:v16+s20+$0x0], $0xffff;
	[tilespmem:s13+$0xFFFFFF90] =	vst v7;
	v4 =	vmul.f32 v56, v19  }
0xf4: {  	v61 =	vld [tilespmem:s13+$0x40];
	[tilespmem:s13+$0xFFFFFFC0] =	vst v2;
	v2 =	vmul.f32 v55, v19  }
0xf5: {  	v43 =	vld.idx.msk [tilespmem:v17+s20+$0x0], $0xffff;
	[tilespmem:s13+$0xFFFFFFF0] =	vst v4;
	v10 =	vmul.f32 v47, v45  }
0xf6: {  	v62 =	vld [tilespmem:s13+$0x50];
	[tilespmem:s13+$0xFFFFFFE0] =	vst v2;
	v2 =	vmul.f32 v58, v15  }
0xf7: {  	v63 =	vld [tilespmem:s13+$0x60];
	v3 =	vmul.f32 v3, v15;
	[tilespmem:s13+$0x70] =	vst v10  }
0xf8: {  	[tilespmem:s13+$0x0] =	vst v2;
	v2 =	vmul.f32 v59, v42  }
0xf9: {  	[tilespmem:s13+$0x10] =	vst v3;
	v3 =	vmul.f32 v60, v42  }
0xfa: {  	[tilespmem:s13+$0x20] =	vst v2;
	v2 =	vmul.f32 v61, v43  }
0xfb: {  	[tilespmem:s13+$0x30] =	vst v3;
	v3 =	vmul.f32 v62, v43  }
0xfc: {  	[tilespmem:s13+$0x40] =	vst v2;
	v2 =	vmul.f32 v63, v45  }
0xfd: {  	[tilespmem:s13+$0x50] =	vst v3  }
0xfe: {  	s25 =	simm.s32 $0x5080;
	s12 =	simm.s32 $0x0;
	[tilespmem:s13+$0x60] =	vst v2;
	s13 =	simm.s32 $0x0  }
0xff: {  	[spmem:s2] =	stream.indirect.scatter.add.f32 [tilespmem:s31], [sflag:$0x6], $0x20, s25, s30, $0xb8;
	[tilespmem:$0x1CC40] =	vst v63  }
.LBB2_8:
0x100: {  	s15 =	sshll.u32 s13, $0x2;
	v10 =	vmov s12;
	s22 =	simm.s32 $0x1  }
0x101: {  	s16 =	simm.s32 $0x2;
	s23 =	simm.s32 $0x3;
	s24 =	simm.s32 $0x5;
	v10 =	vshrl.u32 v10, $0x3;
	v11 =	vmov s22  }
0x102: {  	s14 =	sor.u32 $0x2, s15;
	s22 =	simm.s32 $0x4;
	v12 =	vmov s16;
	v13 =	vmov s23;
	v15 =	vmov s24  }
0x103: {  	s17 =	sshll.u32 s14, $0x7;
	v14 =	vmov s22;
	v10 =	vshll.u32 v10, v1;
	v11 =	vshrl.u32 v11, $0x3  }
0x104: {  	_ =	swait.ge [sflag:s5], $0x1000;
	v12 =	vshrl.u32 v12, $0x3;
	v13 =	vshrl.u32 v13, $0x3;
	v3 =	vmov s17  }
0x105: {  	[sflag:s5] =	ssyncset.done $0x0;
	s16 =	simm.s32 $0x7;
	v15 =	vshrl.u32 v15, $0x3;
	v11 =	vshll.u32 v11, v1;
	v4 =	vor.u32 $0x1, v3  }
0x106: {  	[sflag:s5] =	ssyncadd.s32 $0xFFFFF000;
	v17 =	vmov s16;
	v14 =	vshrl.u32 v14, $0x3;
	v11 =	vadd.s32 v11, v4  }
0x107: {  	v13 =	vshll.u32 v13, v1;
	_ =	swait.ge [sflag:s6], $0x1000;
	v6 =	vor.u32 $0x3, v3;
	v11 =	vbroadcast v11, $0x0  }
0x108: {  	s22 =	sadd.s32 $0x4, s15;
	v7 =	vor.u32 $0x4, v3;
	v10 =	vadd.s32 v3, v10;
	v14 =	vshll.u32 v14, v1;
	[sflag:s6] =	ssyncset.done $0x0  }
0x109: {  	s16 =	simm.s32 $0x11080;
	s14 =	sshll.u32 s22, $0x7;
	v10 =	vbroadcast v10, $0x0;
	v13 =	vadd.s32 v13, v6;
	v14 =	vadd.s32 v14, v7;
	[sflag:s6] =	ssyncadd.s32 $0xFFFFF000  }
0x10a: {  	v13 =	vbroadcast v13, $0x0;
	v18 =	vbroadcast v14, $0x0;
	v14 =	vshrl.u32 v17, $0x3;
	[tilespmem:s21], [sflag:$0x1] =	stream.indirect.gather [spmem:s3], $0x20, s14, s30, $0xb8;
	[tilespmem:$0x1CC40] =	vst v63  }
0x10b: {  	v12 =	vshll.u32 v12, v1;
	v2 =	vor.u32 $0x7, v3;
	v14 =	vshll.u32 v14, v1;
	v24 =	vld [tilespmem:s16+$0xFFFFFF80]  }
0x10c: {  	v15 =	vshll.u32 v15, v1;
	v5 =	vor.u32 $0x2, v3;
	v27 =	vld [tilespmem:s16+$0xFFFFFF90];
	v14 =	vadd.s32 v14, v2  }
0x10d: {  	v8 =	vor.u32 $0x5, v3;
	v12 =	vadd.s32 v12, v5;
	v19 =	vld.idx.msk [tilespmem:v11+s20+$0x0], $0xffff;
	v11 =	vbroadcast v14, $0x0  }
0x10e: {  	s25 =	simm.s32 $0x6;
	v15 =	vadd.s32 v15, v8;
	v12 =	vbroadcast v12, $0x0;
	v28 =	vld [tilespmem:s16+$0xFFFFFFA0]  }
0x10f: {  	v16 =	vmov s25;
	v15 =	vbroadcast v15, $0x0;
	v17 =	vld.idx.msk [tilespmem:v10+s20+$0x0], $0xffff  }
0x110: {  	s25 =	simm.s32 $0xA;
	v16 =	vshrl.u32 v16, $0x3;
	v14 =	vld.idx.msk [tilespmem:v13+s20+$0x0], $0xffff  }
0x111: {  	v21 =	vmov s25;
	s25 =	simm.s32 $0xE;
	v16 =	vshll.u32 v16, v1;
	v9 =	vor.u32 $0x6, v3;
	v13 =	vld.idx.msk [tilespmem:v18+s20+$0x0], $0xffff  }
0x112: {  	v26 =	vmov s25;
	v16 =	vadd.s32 v16, v9;
	v18 =	vld [tilespmem:s16+$0x70]  }
0x113: {  	s24 =	simm.s32 $0x9;
	v26 =	vshrl.u32 v26, $0x3;
	v10 =	vbroadcast v16, $0x0;
	v11 =	vld.idx.msk [tilespmem:v11+s20+$0x0], $0xffff  }
0x114: {  	s23 =	simm.s32 $0x8;
	v21 =	vshrl.u32 v21, $0x3;
	v26 =	vshll.u32 v26, v1;
	v16 =	vmov s24;
	s24 =	simm.s32 $0xC;
	v20 =	vld.idx.msk [tilespmem:v12+s20+$0x0], $0xffff  }
0x115: {  	v26 =	vadd.s32 v26, v9;
	v12 =	vld.idx.msk [tilespmem:v15+s20+$0x0], $0xffff;
	v15 =	vmov s23;
	s23 =	simm.s32 $0xB;
	v23 =	vmov s24  }
0x116: {  	v29 =	vld [tilespmem:s16+$0xFFFFFFB0];
	s24 =	simm.s32 $0xD;
	v16 =	vshrl.u32 v16, $0x3;
	v15 =	vshrl.u32 v15, $0x3;
	v22 =	vmov s23  }
0x117: {  	v31 =	vld [tilespmem:s16+$0xFFFFFFC0];
	v25 =	vmov s24;
	v23 =	vshrl.u32 v23, $0x3;
	v30 =	vshll.u32 v16, v1  }
0x118: {  	v32 =	vld [tilespmem:s16+$0xFFFFFFD0];
	v15 =	vshll.u32 v15, v1;
	v22 =	vshrl.u32 v22, $0x3;
	v16 =	vmul.f32 v18, v11  }
0x119: {  	v10 =	vld.idx.msk [tilespmem:v10+s20+$0x0], $0xffff;
	v18 =	vshll.u32 v21, v1;
	v21 =	vshll.u32 v22, v1;
	v22 =	vmul.f32 v24, v17  }
0x11a: {  	v25 =	vshrl.u32 v25, $0x3;
	v23 =	vshll.u32 v23, v1;
	v17 =	vmul.f32 v27, v17;
	v27 =	vld [tilespmem:s16+$0xFFFFFFE0];
	[tilespmem:s16+$0x70] =	vst v16  }
0x11b: {  	v30 =	vadd.s32 v30, v4;
	v15 =	vadd.s32 v3, v15;
	[tilespmem:s16+$0xFFFFFF80] =	vst v22;
	v22 =	vmul.f32 v28, v19;
	v16 =	vld [tilespmem:s16+$0xFFFFFFF0]  }
0x11c: {  	v25 =	vshll.u32 v25, v1;
	v15 =	vbroadcast v15, $0x0;
	[tilespmem:s16+$0xFFFFFF90] =	vst v17;
	v19 =	vmul.f32 v29, v19;
	v17 =	vld [tilespmem:s16+$0x0]  }
0x11d: {  	v24 =	vadd.s32 v23, v7;
	v33 =	vadd.s32 v18, v5;
	v18 =	vld [tilespmem:s16+$0x10];
	v29 =	vmul.f32 v31, v20;
	[tilespmem:s16+$0xFFFFFFA0] =	vst v22  }
0x11e: {  	v23 =	vmul.f32 v32, v20;
	v28 =	vadd.s32 v21, v6;
	v21 =	vbroadcast v30, $0x0;
	[tilespmem:s16+$0xFFFFFFB0] =	vst v19;
	v19 =	vld [tilespmem:s16+$0x20]  }
0x11f: {  	s22 =	simm.s32 $0x10;
	s23 =	simm.s32 $0xF;
	v25 =	vadd.s32 v25, v8;
	v20 =	vld [tilespmem:s16+$0x30];
	v22 =	vbroadcast v33, $0x0;
	[tilespmem:s16+$0xFFFFFFC0] =	vst v29;
	v27 =	vmul.f32 v27, v14  }
.LBB2_9:
0x120: {  	p1 =	slt.u32 s22, $0x78;
	v28 =	vbroadcast v28, $0x0;
	v29 =	vmov s23;
	[tilespmem:s16+$0xFFFFFFD0] =	vst v23;
	v14 =	vmul.f32 v16, v14;
	v16 =	vld [tilespmem:s16+$0x40]  }
0x121: {  	v23 =	vbroadcast v24, $0x0;
	v24 =	vshrl.u32 v29, $0x3;
	[tilespmem:s16+$0xFFFFFFE0] =	vst v27;
	v17 =	vmul.f32 v17, v13;
	v27 =	vld [tilespmem:s16+$0x50]  }
0x122: {  	v25 =	vbroadcast v25, $0x0;
	v24 =	vshll.u32 v24, v1;
	[tilespmem:s16+$0xFFFFFFF0] =	vst v14;
	v13 =	vmul.f32 v18, v13;
	v18 =	vld [tilespmem:s16+$0x60]  }
0x123: {  	v26 =	vbroadcast v26, $0x0;
	v15 =	vld.idx.msk [tilespmem:v15+s20+$0x0], $0xffff;
	v14 =	vadd.s32 v24, v2;
	[tilespmem:s16+$0x0] =	vst v17;
	v17 =	vmul.f32 v19, v12  }
0x124: {  	v19 =	vld.idx.msk [tilespmem:v21+s20+$0x0], $0xffff;
	v21 =	vbroadcast v14, $0x0;
	[tilespmem:s16+$0x10] =	vst v13;
	v12 =	vmul.f32 v20, v12  }
0x125: {  	v20 =	vld.idx.msk [tilespmem:v22+s20+$0x0], $0xffff;
	[tilespmem:s16+$0x20] =	vst v17;
	v16 =	vmul.f32 v16, v10  }
0x126: {  	v14 =	vld.idx.msk [tilespmem:v28+s20+$0x0], $0xffff;
	[tilespmem:s16+$0x30] =	vst v12;
	v10 =	vmul.f32 v27, v10  }
0x127: {  	v13 =	vld.idx.msk [tilespmem:v23+s20+$0x0], $0xffff;
	[tilespmem:s16+$0x40] =	vst v16;
	v11 =	vmul.f32 v18, v11  }
0x128: {  	v12 =	vld.idx.msk [tilespmem:v25+s20+$0x0], $0xffff;
	[tilespmem:s16+$0x50] =	vst v10  }
0x129: {  	v10 =	vld.idx.msk [tilespmem:v26+s20+$0x0], $0xffff;
	[tilespmem:s16+$0x60] =	vst v11  }
0x12a: {  	s23 =	sadd.s32 $0x1, s22;
	v16 =	vmov s22;
	s16 =	sadd.s32 $0x100, s16;
	v11 =	vld.idx.msk [tilespmem:v21+s20+$0x0], $0xffff  }
0x12b: {  	s24 =	sadd.s32 $0x3, s22;
	s25 =	sadd.s32 $0x4, s22;
	v17 =	vmov s23;
	s23 =	sadd.s32 $0x2, s22;
	v16 =	vshrl.u32 v16, $0x3;
	v18 =	vld [tilespmem:s16+$0x70]  }
0x12c: {  	v22 =	vmov s24;
	s24 =	sadd.s32 $0x6, s22;
	v23 =	vmov s25;
	v21 =	vmov s23;
	s23 =	sadd.s32 $0x5, s22;
	v24 =	vld [tilespmem:s16+$0xFFFFFF80]  }
0x12d: {  	v16 =	vshll.u32 v16, v1;
	v26 =	vmov s24;
	v25 =	vmov s23;
	v27 =	vld [tilespmem:s16+$0xFFFFFF90]  }
0x12e: {  	v17 =	vshrl.u32 v17, $0x3;
	v22 =	vshrl.u32 v22, $0x3;
	v21 =	vshrl.u32 v21, $0x3;
	v28 =	vld [tilespmem:s16+$0xFFFFFFA0]  }
0x12f: {  	v23 =	vshrl.u32 v23, $0x3;
	v26 =	vshrl.u32 v26, $0x3;
	v25 =	vshrl.u32 v25, $0x3;
	v29 =	vld [tilespmem:s16+$0xFFFFFFB0]  }
0x130: {  	v17 =	vshll.u32 v17, v1;
	v16 =	vadd.s32 v3, v16;
	v30 =	vld [tilespmem:s16+$0xFFFFFFC0];
	v18 =	vmul.f32 v18, v11  }
0x131: {  	v22 =	vshll.u32 v22, v1;
	v21 =	vshll.u32 v21, v1;
	v24 =	vmul.f32 v24, v15;
	v31 =	vld [tilespmem:s16+$0xFFFFFFD0]  }
0x132: {  	v23 =	vshll.u32 v23, v1;
	v25 =	vshll.u32 v25, v1;
	v27 =	vmul.f32 v27, v15;
	v32 =	vld [tilespmem:s16+$0xFFFFFFE0];
	[tilespmem:s16+$0x70] =	vst v18  }
.Ltmp3:
0x133: {  	v26 =	vshll.u32 v26, v1;
	v15 =	vbroadcast v16, $0x0;
	[tilespmem:s16+$0xFFFFFF80] =	vst v24;
	v18 =	vmul.f32 v28, v19;
	v16 =	vld [tilespmem:s16+$0xFFFFFFF0];
	(pc) =	sbr.rel @p1 .LBB2_9-.Ltmp3, $4  }
0x134: {  	v33 =	vadd.s32 v17, v4;
	v34 =	vadd.s32 v21, v5;
	[tilespmem:s16+$0xFFFFFF90] =	vst v27;
	v19 =	vmul.f32 v29, v19;
	v17 =	vld [tilespmem:s16+$0x0]  }
0x135: {  	v28 =	vadd.s32 v22, v6;
	v24 =	vadd.s32 v23, v7;
	[tilespmem:s16+$0xFFFFFFA0] =	vst v18;
	v27 =	vmul.f32 v30, v20;
	v18 =	vld [tilespmem:s16+$0x10]  }
0x136: {  	v21 =	vbroadcast v33, $0x0;
	v25 =	vadd.s32 v25, v8;
	[tilespmem:s16+$0xFFFFFFB0] =	vst v19;
	v23 =	vmul.f32 v31, v20;
	v19 =	vld [tilespmem:s16+$0x20]  }
0x137: {  	s23 =	sadd.s32 $0x7, s22;
	s22 =	sadd.s32 $0x8, s22;
	v26 =	vadd.s32 v26, v9;
	v22 =	vbroadcast v34, $0x0;
	[tilespmem:s16+$0xFFFFFFC0] =	vst v27;
	v27 =	vmul.f32 v32, v14;
	v20 =	vld [tilespmem:s16+$0x30]  }
0x138: {  	_ = 	snop  }
0x139: {  	v5 =	vld [tilespmem:s16+$0x40]  }
0x13a: {  	v7 =	vld [tilespmem:s16+$0x50]  }
0x13b: {  	v9 =	vld [tilespmem:s16+$0x60]  }
0x13c: {  	v15 =	vld.idx.msk [tilespmem:v15+s20+$0x0], $0xffff;
	s22 =	sadd.s32 $0x100, s16  }
0x13d: {  	v14 =	vmul.f32 v16, v14;
	v16 =	vld [tilespmem:s22+$0xFFFFFF80]  }
0x13e: {  	v4 =	vmov s23;
	[tilespmem:s16+$0xFFFFFFD0] =	vst v23;
	v23 =	vld [tilespmem:s22+$0xFFFFFF90]  }
0x13f: {  	v3 =	vbroadcast v28, $0x0;
	v4 =	vshrl.u32 v4, $0x3;
	[tilespmem:s16+$0xFFFFFFF0] =	vst v14;
	v14 =	vld [tilespmem:s22+$0xFFFFFFA0]  }
0x140: {  	v17 =	vmul.f32 v17, v13;
	v4 =	vshll.u32 v4, v1;
	v13 =	vmul.f32 v18, v13;
	v18 =	vld [tilespmem:s22+$0xFFFFFFB0]  }
0x141: {  	v6 =	vbroadcast v24, $0x0;
	v2 =	vadd.s32 v4, v2;
	v4 =	vld.idx.msk [tilespmem:v21+s20+$0x0], $0xffff  }
0x142: {  	v24 =	vbroadcast v26, $0x0;
	v21 =	vld.idx.msk [tilespmem:v22+s20+$0x0], $0xffff;
	[tilespmem:s16+$0x0] =	vst v17;
	v17 =	vmul.f32 v19, v12  }
0x143: {  	[tilespmem:s16+$0x10] =	vst v13;
	v13 =	vld [tilespmem:s22+$0xFFFFFFC0]  }
0x144: {  	v8 =	vbroadcast v25, $0x0;
	v2 =	vbroadcast v2, $0x0;
	[tilespmem:s16+$0x20] =	vst v17;
	v17 =	vld [tilespmem:s22+$0xFFFFFFD0]  }
0x145: {  	v5 =	vmul.f32 v5, v10;
	v7 =	vmul.f32 v7, v10;
	v10 =	vld [tilespmem:s22+$0xFFFFFFE0]  }
0x146: {  	[tilespmem:s16+$0xFFFFFFE0] =	vst v27;
	v12 =	vmul.f32 v20, v12;
	v3 =	vld.idx.msk [tilespmem:v3+s20+$0x0], $0xffff  }
0x147: {  	v6 =	vld.idx.msk [tilespmem:v6+s20+$0x0], $0xffff;
	[tilespmem:s16+$0x40] =	vst v5;
	v5 =	vmul.f32 v9, v11  }
0x148: {  	v22 =	vld.idx.msk [tilespmem:v24+s20+$0x0], $0xffff;
	[tilespmem:s16+$0x30] =	vst v12  }
0x149: {  	v24 =	vld [tilespmem:s22+$0x70];
	[tilespmem:s16+$0x60] =	vst v5;
	v5 =	vmul.f32 v16, v15  }
0x14a: {  	[tilespmem:s16+$0x50] =	vst v7;
	v15 =	vmul.f32 v23, v15;
	v2 =	vld.idx.msk [tilespmem:v2+s20+$0x0], $0xffff  }
0x14b: {  	v8 =	vld.idx.msk [tilespmem:v8+s20+$0x0], $0xffff;
	[tilespmem:s22+$0xFFFFFF80] =	vst v5;
	v5 =	vmul.f32 v14, v4  }
0x14c: {  	v9 =	vld [tilespmem:s22+$0xFFFFFFF0];
	[tilespmem:s22+$0xFFFFFF90] =	vst v15;
	v4 =	vmul.f32 v18, v4  }
0x14d: {  	v11 =	vld [tilespmem:s22+$0x0];
	[tilespmem:s22+$0xFFFFFFA0] =	vst v5;
	v5 =	vmul.f32 v13, v21  }
0x14e: {  	v12 =	vld [tilespmem:s22+$0x10];
	[tilespmem:s22+$0xFFFFFFB0] =	vst v4;
	v4 =	vmul.f32 v17, v21  }
0x14f: {  	v14 =	vld [tilespmem:s22+$0x30];
	v7 =	vmul.f32 v24, v2;
	[tilespmem:s22+$0xFFFFFFC0] =	vst v5  }
0x150: {  	v15 =	vld [tilespmem:s22+$0x40];
	v5 =	vmul.f32 v10, v3;
	[tilespmem:s22+$0xFFFFFFD0] =	vst v4  }
0x151: {  	v13 =	vld [tilespmem:s22+$0x50];
	v3 =	vmul.f32 v9, v3;
	[tilespmem:s22+$0x70] =	vst v7  }
0x152: {  	v16 =	vld [tilespmem:s22+$0x60];
	v4 =	vmul.f32 v11, v6;
	[tilespmem:s22+$0xFFFFFFE0] =	vst v5  }
0x153: {  	v6 =	vmul.f32 v12, v6;
	v7 =	vld [tilespmem:s22+$0x20];
	[tilespmem:s22+$0xFFFFFFF0] =	vst v3  }
0x154: {  	s23 =	sor.u32 $0x3, s15;
	v10 =	vmul.f32 v14, v8;
	[tilespmem:s22+$0x0] =	vst v4  }
0x155: {  	s24 =	simm.s32 $0x0;
	s16 =	sshll.u32 s23, $0x7;
	v11 =	vmul.f32 v15, v22;
	[tilespmem:s22+$0x10] =	vst v6  }
0x156: {  	v14 =	vmov s24;
	s24 =	simm.s32 $0x2;
	v3 =	vmov s16;
	v12 =	vmul.f32 v13, v22;
	[tilespmem:s22+$0x30] =	vst v10  }
0x157: {  	v15 =	vmov s24;
	v13 =	vmul.f32 v16, v2;
	v4 =	vor.u32 $0x1, v3;
	[tilespmem:s22+$0x40] =	vst v11  }
0x158: {  	s25 =	simm.s32 $0x1;
	s23 =	simm.s32 $0x3;
	v5 =	vor.u32 $0x2, v3;
	v6 =	vor.u32 $0x3, v3;
	[tilespmem:s22+$0x50] =	vst v12;
	v9 =	vmul.f32 v7, v8  }
0x159: {  	s17 =	sand.u32 $0x3FFFFF80, s17;
	v10 =	vshrl.u32 v14, $0x3;
	v14 =	vmov s25;
	s25 =	simm.s32 $0x4;
	v11 =	vmov s23;
	[tilespmem:s22+$0x60] =	vst v13  }
0x15a: {  	s17 =	sadd.s32 $0x5000, s17;
	v16 =	vmov s25;
	v10 =	vshll.u32 v10, v1;
	v14 =	vshrl.u32 v14, $0x3;
	[tilespmem:s22+$0x20] =	vst v9  }
0x15b: {  	v11 =	vshrl.u32 v11, $0x3;
	v13 =	vshrl.u32 v15, $0x3;
	v15 =	vshrl.u32 v16, $0x3;
	[spmem:s2] =	stream.indirect.scatter.add.f32 [tilespmem:s0], [sflag:$0x7], $0x20, s17, s30, $0xb8;
	[tilespmem:$0x1CC40] =	vst v63  }
0x15c: {  	v10 =	vadd.s32 v3, v10;
	v14 =	vshll.u32 v14, v1;
	v11 =	vshll.u32 v11, v1;
	_ =	swait.ge [sflag:s28], $0x1000  }
0x15d: {  	v13 =	vshll.u32 v13, v1;
	v10 =	vbroadcast v10, $0x0;
	v14 =	vadd.s32 v14, v4;
	[sflag:s28] =	ssyncset.done $0x0  }
0x15e: {  	v15 =	vshll.u32 v15, v1;
	v13 =	vadd.s32 v13, v5;
	v14 =	vbroadcast v14, $0x0;
	[sflag:s28] =	ssyncadd.s32 $0xFFFFF000  }
0x15f: {  	s25 =	simm.s32 $0x6;
	v11 =	vadd.s32 v11, v6;
	v7 =	vor.u32 $0x4, v3;
	v13 =	vbroadcast v13, $0x0;
	_ =	swait.ge [sflag:s7], $0x1000  }
0x160: {  	s23 =	sadd.s32 $0x5, s15;
	v17 =	vmov s25;
	v11 =	vbroadcast v11, $0x0;
	v15 =	vadd.s32 v15, v7;
	s22 =	simm.s32 $0x7;
	[sflag:s7] =	ssyncset.done $0x0  }
0x161: {  	s15 =	sshll.u32 s23, $0x7;
	v16 =	vshrl.u32 v17, $0x3;
	v15 =	vbroadcast v15, $0x0;
	v17 =	vmov s22;
	[sflag:s7] =	ssyncadd.s32 $0xFFFFF000  }
0x162: {  	v16 =	vshll.u32 v16, v1;
	v9 =	vor.u32 $0x6, v3;
	v17 =	vshrl.u32 v17, $0x3;
	[tilespmem:s31], [sflag:$0x2] =	stream.indirect.gather [spmem:s3], $0x20, s15, s30, $0xb8;
	[tilespmem:$0x1CC40] =	vst v63  }
0x163: {  	s24 =	simm.s32 $0x5;
	v2 =	vor.u32 $0x7, v3;
	v16 =	vadd.s32 v16, v9;
	v17 =	vshll.u32 v17, v1;
	v18 =	vld.idx.msk [tilespmem:v10+s20+$0x0], $0xffff  }
0x164: {  	v12 =	vmov s24;
	v10 =	vbroadcast v16, $0x0;
	v16 =	vadd.s32 v17, v2;
	v17 =	vld.idx.msk [tilespmem:v14+s20+$0x0], $0xffff  }
0x165: {  	v12 =	vshrl.u32 v12, $0x3;
	v19 =	vld.idx.msk [tilespmem:v13+s20+$0x0], $0xffff  }
0x166: {  	v8 =	vor.u32 $0x5, v3;
	v12 =	vshll.u32 v12, v1;
	v14 =	vld.idx.msk [tilespmem:v11+s20+$0x0], $0xffff;
	v16 =	vbroadcast v16, $0x0  }
0x167: {  	v12 =	vadd.s32 v12, v8;
	s17 =	simm.s32 $0x12080;
	v13 =	vld.idx.msk [tilespmem:v15+s20+$0x0], $0xffff  }
0x168: {  	v12 =	vbroadcast v12, $0x0;
	v20 =	vld [tilespmem:s17+$0x70]  }
0x169: {  	s24 =	simm.s32 $0x8;
	v24 =	vld [tilespmem:s17+$0xFFFFFF80]  }
0x16a: {  	s23 =	simm.s32 $0xA;
	v15 =	vmov s24;
	s24 =	simm.s32 $0xB;
	v29 =	vld [tilespmem:s17+$0xFFFFFFB0]  }
0x16b: {  	v21 =	vmov s23;
	v31 =	vld [tilespmem:s17+$0xFFFFFFC0];
	v22 =	vmov s24;
	s24 =	simm.s32 $0xD  }
0x16c: {  	v21 =	vshrl.u32 v21, $0x3;
	v15 =	vshrl.u32 v15, $0x3;
	v25 =	vmov s24;
	v11 =	vld.idx.msk [tilespmem:v16+s20+$0x0], $0xffff  }
0x16d: {  	s25 =	simm.s32 $0x9;
	v27 =	vld [tilespmem:s17+$0xFFFFFF90];
	v15 =	vshll.u32 v15, v1;
	v22 =	vshrl.u32 v22, $0x3;
	v25 =	vshrl.u32 v25, $0x3  }
0x16e: {  	v12 =	vld.idx.msk [tilespmem:v12+s20+$0x0], $0xffff;
	v15 =	vadd.s32 v3, v15;
	v25 =	vshll.u32 v25, v1;
	v16 =	vmov s25;
	s25 =	simm.s32 $0xC  }
0x16f: {  	v28 =	vld [tilespmem:s17+$0xFFFFFFA0];
	v15 =	vbroadcast v15, $0x0;
	v29 =	vmul.f32 v29, v17;
	v23 =	vmov s25;
	s25 =	simm.s32 $0xE  }
0x170: {  	v32 =	vld [tilespmem:s17+$0xFFFFFFD0];
	v31 =	vmul.f32 v31, v19;
	v16 =	vshrl.u32 v16, $0x3;
	v26 =	vmov s25  }
0x171: {  	v10 =	vld.idx.msk [tilespmem:v10+s20+$0x0], $0xffff;
	v30 =	vshll.u32 v16, v1;
	v16 =	vmul.f32 v20, v11;
	v20 =	vshll.u32 v21, v1  }
0x172: {  	[tilespmem:s17+$0xFFFFFFB0] =	vst v29;
	v21 =	vshll.u32 v22, v1;
	v22 =	vmul.f32 v24, v18;
	v18 =	vmul.f32 v27, v18;
	v27 =	vld [tilespmem:s17+$0xFFFFFFE0]  }
0x173: {  	v25 =	vadd.s32 v25, v8;
	v23 =	vshrl.u32 v23, $0x3;
	v26 =	vshrl.u32 v26, $0x3;
	[tilespmem:s17+$0x70] =	vst v16;
	v16 =	vld [tilespmem:s17+$0xFFFFFFF0]  }
0x174: {  	v23 =	vshll.u32 v23, v1;
	v30 =	vadd.s32 v30, v4;
	[tilespmem:s17+$0xFFFFFF80] =	vst v22;
	v22 =	vmul.f32 v28, v17;
	v17 =	vld [tilespmem:s17+$0x0]  }
0x175: {  	v26 =	vshll.u32 v26, v1;
	v24 =	vadd.s32 v23, v7;
	v23 =	vmul.f32 v32, v19;
	[tilespmem:s17+$0xFFFFFF90] =	vst v18;
	v18 =	vld [tilespmem:s17+$0x10]  }
0x176: {  	[tilespmem:s17+$0xFFFFFFC0] =	vst v31;
	v19 =	vld [tilespmem:s17+$0x20];
	v20 =	vadd.s32 v20, v5;
	v28 =	vadd.s32 v21, v6;
	v21 =	vbroadcast v30, $0x0  }
0x177: {  	s23 =	simm.s32 $0xF;
	s22 =	simm.s32 $0x10;
	v26 =	vadd.s32 v26, v9;
	[tilespmem:s17+$0xFFFFFFA0] =	vst v22;
	v22 =	vbroadcast v20, $0x0;
	v20 =	vld [tilespmem:s17+$0x30];
	v27 =	vmul.f32 v27, v14  }
.LBB2_11:
0x178: {  	p1 =	slt.u32 s22, $0x78;
	v28 =	vbroadcast v28, $0x0;
	v29 =	vmov s23;
	[tilespmem:s17+$0xFFFFFFD0] =	vst v23;
	v14 =	vmul.f32 v16, v14;
	v16 =	vld [tilespmem:s17+$0x40]  }
0x179: {  	v23 =	vbroadcast v24, $0x0;
	v24 =	vshrl.u32 v29, $0x3;
	[tilespmem:s17+$0xFFFFFFE0] =	vst v27;
	v17 =	vmul.f32 v17, v13;
	v27 =	vld [tilespmem:s17+$0x50]  }
0x17a: {  	v25 =	vbroadcast v25, $0x0;
	v24 =	vshll.u32 v24, v1;
	[tilespmem:s17+$0xFFFFFFF0] =	vst v14;
	v13 =	vmul.f32 v18, v13;
	v18 =	vld [tilespmem:s17+$0x60]  }
0x17b: {  	v26 =	vbroadcast v26, $0x0;
	v15 =	vld.idx.msk [tilespmem:v15+s20+$0x0], $0xffff;
	v14 =	vadd.s32 v24, v2;
	[tilespmem:s17+$0x0] =	vst v17;
	v17 =	vmul.f32 v19, v12  }
0x17c: {  	v19 =	vld.idx.msk [tilespmem:v21+s20+$0x0], $0xffff;
	v21 =	vbroadcast v14, $0x0;
	[tilespmem:s17+$0x10] =	vst v13;
	v12 =	vmul.f32 v20, v12  }
0x17d: {  	v20 =	vld.idx.msk [tilespmem:v22+s20+$0x0], $0xffff;
	[tilespmem:s17+$0x20] =	vst v17;
	v16 =	vmul.f32 v16, v10  }
0x17e: {  	v14 =	vld.idx.msk [tilespmem:v28+s20+$0x0], $0xffff;
	[tilespmem:s17+$0x30] =	vst v12;
	v10 =	vmul.f32 v27, v10  }
0x17f: {  	v13 =	vld.idx.msk [tilespmem:v23+s20+$0x0], $0xffff;
	[tilespmem:s17+$0x40] =	vst v16;
	v11 =	vmul.f32 v18, v11  }
0x180: {  	v12 =	vld.idx.msk [tilespmem:v25+s20+$0x0], $0xffff;
	[tilespmem:s17+$0x50] =	vst v10  }
0x181: {  	v10 =	vld.idx.msk [tilespmem:v26+s20+$0x0], $0xffff;
	[tilespmem:s17+$0x60] =	vst v11  }
0x182: {  	s23 =	sadd.s32 $0x1, s22;
	v16 =	vmov s22;
	s17 =	sadd.s32 $0x100, s17;
	v11 =	vld.idx.msk [tilespmem:v21+s20+$0x0], $0xffff  }
0x183: {  	s24 =	sadd.s32 $0x3, s22;
	s25 =	sadd.s32 $0x4, s22;
	v17 =	vmov s23;
	s23 =	sadd.s32 $0x2, s22;
	v16 =	vshrl.u32 v16, $0x3;
	v18 =	vld [tilespmem:s17+$0x70]  }
0x184: {  	v22 =	vmov s24;
	s24 =	sadd.s32 $0x6, s22;
	v23 =	vmov s25;
	v21 =	vmov s23;
	s23 =	sadd.s32 $0x5, s22;
	v24 =	vld [tilespmem:s17+$0xFFFFFF80]  }
0x185: {  	v16 =	vshll.u32 v16, v1;
	v26 =	vmov s24;
	v25 =	vmov s23;
	v27 =	vld [tilespmem:s17+$0xFFFFFF90]  }
0x186: {  	v17 =	vshrl.u32 v17, $0x3;
	v22 =	vshrl.u32 v22, $0x3;
	v21 =	vshrl.u32 v21, $0x3;
	v28 =	vld [tilespmem:s17+$0xFFFFFFA0]  }
0x187: {  	v23 =	vshrl.u32 v23, $0x3;
	v26 =	vshrl.u32 v26, $0x3;
	v25 =	vshrl.u32 v25, $0x3;
	v29 =	vld [tilespmem:s17+$0xFFFFFFB0]  }
0x188: {  	v17 =	vshll.u32 v17, v1;
	v16 =	vadd.s32 v3, v16;
	v30 =	vld [tilespmem:s17+$0xFFFFFFC0];
	v18 =	vmul.f32 v18, v11  }
0x189: {  	v22 =	vshll.u32 v22, v1;
	v21 =	vshll.u32 v21, v1;
	v24 =	vmul.f32 v24, v15;
	v31 =	vld [tilespmem:s17+$0xFFFFFFD0]  }
0x18a: {  	v23 =	vshll.u32 v23, v1;
	v25 =	vshll.u32 v25, v1;
	v27 =	vmul.f32 v27, v15;
	v32 =	vld [tilespmem:s17+$0xFFFFFFE0];
	[tilespmem:s17+$0x70] =	vst v18  }
.Ltmp4:
0x18b: {  	v26 =	vshll.u32 v26, v1;
	v15 =	vbroadcast v16, $0x0;
	[tilespmem:s17+$0xFFFFFF80] =	vst v24;
	v18 =	vmul.f32 v28, v19;
	v16 =	vld [tilespmem:s17+$0xFFFFFFF0];
	(pc) =	sbr.rel @p1 .LBB2_11-.Ltmp4, $4  }
0x18c: {  	v33 =	vadd.s32 v17, v4;
	v34 =	vadd.s32 v21, v5;
	[tilespmem:s17+$0xFFFFFF90] =	vst v27;
	v19 =	vmul.f32 v29, v19;
	v17 =	vld [tilespmem:s17+$0x0]  }
0x18d: {  	v28 =	vadd.s32 v22, v6;
	v24 =	vadd.s32 v23, v7;
	[tilespmem:s17+$0xFFFFFFA0] =	vst v18;
	v27 =	vmul.f32 v30, v20;
	v18 =	vld [tilespmem:s17+$0x10]  }
0x18e: {  	v21 =	vbroadcast v33, $0x0;
	v25 =	vadd.s32 v25, v8;
	[tilespmem:s17+$0xFFFFFFB0] =	vst v19;
	v23 =	vmul.f32 v31, v20;
	v19 =	vld [tilespmem:s17+$0x20]  }
0x18f: {  	s23 =	sadd.s32 $0x7, s22;
	s22 =	sadd.s32 $0x8, s22;
	v26 =	vadd.s32 v26, v9;
	v22 =	vbroadcast v34, $0x0;
	[tilespmem:s17+$0xFFFFFFC0] =	vst v27;
	v27 =	vmul.f32 v32, v14;
	v20 =	vld [tilespmem:s17+$0x30]  }
0x190: {  	_ = 	snop  }
0x191: {  	v5 =	vld [tilespmem:s17+$0x40]  }
0x192: {  	v7 =	vld [tilespmem:s17+$0x50]  }
0x193: {  	v9 =	vld [tilespmem:s17+$0x60]  }
0x194: {  	v15 =	vld.idx.msk [tilespmem:v15+s20+$0x0], $0xffff;
	s22 =	sadd.s32 $0x100, s17  }
0x195: {  	v14 =	vmul.f32 v16, v14;
	v16 =	vld [tilespmem:s22+$0xFFFFFF80]  }
0x196: {  	v4 =	vmov s23;
	[tilespmem:s17+$0xFFFFFFD0] =	vst v23;
	v23 =	vld [tilespmem:s22+$0xFFFFFF90]  }
0x197: {  	v3 =	vbroadcast v28, $0x0;
	v4 =	vshrl.u32 v4, $0x3;
	[tilespmem:s17+$0xFFFFFFF0] =	vst v14;
	v14 =	vld [tilespmem:s22+$0xFFFFFFA0]  }
0x198: {  	v17 =	vmul.f32 v17, v13;
	v4 =	vshll.u32 v4, v1;
	v13 =	vmul.f32 v18, v13;
	v18 =	vld [tilespmem:s22+$0xFFFFFFB0]  }
0x199: {  	v6 =	vbroadcast v24, $0x0;
	v2 =	vadd.s32 v4, v2;
	v4 =	vld.idx.msk [tilespmem:v21+s20+$0x0], $0xffff  }
0x19a: {  	v24 =	vbroadcast v26, $0x0;
	v21 =	vld.idx.msk [tilespmem:v22+s20+$0x0], $0xffff;
	[tilespmem:s17+$0x0] =	vst v17;
	v17 =	vmul.f32 v19, v12  }
0x19b: {  	[tilespmem:s17+$0x10] =	vst v13;
	v13 =	vld [tilespmem:s22+$0xFFFFFFC0]  }
0x19c: {  	v8 =	vbroadcast v25, $0x0;
	v2 =	vbroadcast v2, $0x0;
	[tilespmem:s17+$0x20] =	vst v17;
	v17 =	vld [tilespmem:s22+$0xFFFFFFD0]  }
0x19d: {  	v5 =	vmul.f32 v5, v10;
	v7 =	vmul.f32 v7, v10;
	v10 =	vld [tilespmem:s22+$0xFFFFFFE0]  }
0x19e: {  	[tilespmem:s17+$0xFFFFFFE0] =	vst v27;
	v12 =	vmul.f32 v20, v12;
	v3 =	vld.idx.msk [tilespmem:v3+s20+$0x0], $0xffff  }
0x19f: {  	v6 =	vld.idx.msk [tilespmem:v6+s20+$0x0], $0xffff;
	[tilespmem:s17+$0x40] =	vst v5;
	v5 =	vmul.f32 v9, v11  }
0x1a0: {  	v22 =	vld.idx.msk [tilespmem:v24+s20+$0x0], $0xffff;
	[tilespmem:s17+$0x30] =	vst v12  }
0x1a1: {  	v24 =	vld [tilespmem:s22+$0x70];
	[tilespmem:s17+$0x60] =	vst v5;
	v5 =	vmul.f32 v16, v15  }
0x1a2: {  	[tilespmem:s17+$0x50] =	vst v7;
	v15 =	vmul.f32 v23, v15;
	v2 =	vld.idx.msk [tilespmem:v2+s20+$0x0], $0xffff  }
0x1a3: {  	v8 =	vld.idx.msk [tilespmem:v8+s20+$0x0], $0xffff;
	[tilespmem:s22+$0xFFFFFF80] =	vst v5;
	v5 =	vmul.f32 v14, v4  }
0x1a4: {  	v9 =	vld [tilespmem:s22+$0xFFFFFFF0];
	[tilespmem:s22+$0xFFFFFF90] =	vst v15;
	v4 =	vmul.f32 v18, v4  }
0x1a5: {  	v11 =	vld [tilespmem:s22+$0x0];
	[tilespmem:s22+$0xFFFFFFA0] =	vst v5;
	v5 =	vmul.f32 v13, v21  }
0x1a6: {  	v12 =	vld [tilespmem:s22+$0x10];
	[tilespmem:s22+$0xFFFFFFB0] =	vst v4;
	v4 =	vmul.f32 v17, v21  }
0x1a7: {  	v14 =	vld [tilespmem:s22+$0x30];
	v7 =	vmul.f32 v24, v2;
	[tilespmem:s22+$0xFFFFFFC0] =	vst v5  }
0x1a8: {  	v15 =	vld [tilespmem:s22+$0x40];
	v5 =	vmul.f32 v10, v3;
	[tilespmem:s22+$0xFFFFFFD0] =	vst v4  }
0x1a9: {  	v13 =	vld [tilespmem:s22+$0x50];
	v3 =	vmul.f32 v9, v3;
	[tilespmem:s22+$0x70] =	vst v7  }
0x1aa: {  	v16 =	vld [tilespmem:s22+$0x60];
	v4 =	vmul.f32 v11, v6;
	[tilespmem:s22+$0xFFFFFFE0] =	vst v5  }
0x1ab: {  	v6 =	vmul.f32 v12, v6;
	v7 =	vld [tilespmem:s22+$0x20];
	[tilespmem:s22+$0xFFFFFFF0] =	vst v3  }
0x1ac: {  	v10 =	vmul.f32 v14, v8;
	[tilespmem:s22+$0x0] =	vst v4  }
0x1ad: {  	s23 =	simm.s32 $0x0;
	v11 =	vmul.f32 v15, v22;
	[tilespmem:s22+$0x10] =	vst v6  }
0x1ae: {  	v14 =	vmov s23;
	s23 =	simm.s32 $0x2;
	v3 =	vmov s14;
	v12 =	vmul.f32 v13, v22;
	[tilespmem:s22+$0x30] =	vst v10  }
0x1af: {  	v15 =	vmov s23;
	v13 =	vmul.f32 v16, v2;
	v4 =	vor.u32 $0x1, v3;
	[tilespmem:s22+$0x40] =	vst v11  }
0x1b0: {  	s24 =	simm.s32 $0x1;
	s25 =	simm.s32 $0x3;
	v5 =	vor.u32 $0x2, v3;
	v6 =	vor.u32 $0x3, v3;
	[tilespmem:s22+$0x50] =	vst v12;
	v9 =	vmul.f32 v7, v8  }
0x1b1: {  	s16 =	sand.u32 $0x3FFFFF80, s16;
	v10 =	vshrl.u32 v14, $0x3;
	v14 =	vmov s24;
	s24 =	simm.s32 $0x4;
	v11 =	vmov s25;
	[tilespmem:s22+$0x60] =	vst v13  }
0x1b2: {  	s16 =	sadd.s32 $0x5000, s16;
	v16 =	vmov s24;
	v10 =	vshll.u32 v10, v1;
	v14 =	vshrl.u32 v14, $0x3;
	[tilespmem:s22+$0x20] =	vst v9  }
0x1b3: {  	v11 =	vshrl.u32 v11, $0x3;
	v13 =	vshrl.u32 v15, $0x3;
	v15 =	vshrl.u32 v16, $0x3;
	[spmem:s2] =	stream.indirect.scatter.add.f32 [tilespmem:s19], [sflag:$0x8], $0x20, s16, s30, $0xb8;
	[tilespmem:$0x1CC40] =	vst v63  }
0x1b4: {  	v10 =	vadd.s32 v3, v10;
	v14 =	vshll.u32 v14, v1;
	v11 =	vshll.u32 v11, v1;
	_ =	swait.ge [sflag:s26], $0x1000  }
0x1b5: {  	v13 =	vshll.u32 v13, v1;
	v10 =	vbroadcast v10, $0x0;
	v14 =	vadd.s32 v14, v4;
	[sflag:s26] =	ssyncset.done $0x0  }
0x1b6: {  	v15 =	vshll.u32 v15, v1;
	v13 =	vadd.s32 v13, v5;
	v14 =	vbroadcast v14, $0x0;
	[sflag:s26] =	ssyncadd.s32 $0xFFFFF000  }
0x1b7: {  	s17 =	sshll.u32 s13, $0x9;
	s25 =	simm.s32 $0x6;
	v11 =	vadd.s32 v11, v6;
	v7 =	vor.u32 $0x4, v3;
	v13 =	vbroadcast v13, $0x0;
	_ =	swait.ge [sflag:s9], $0x1000  }
0x1b8: {  	v17 =	vmov s25;
	v11 =	vbroadcast v11, $0x0;
	v15 =	vadd.s32 v15, v7;
	s22 =	simm.s32 $0x7;
	s16 =	sand.u32 $0x3FFFFE00, s17;
	[sflag:s9] =	ssyncset.done $0x0  }
0x1b9: {  	v16 =	vshrl.u32 v17, $0x3;
	v15 =	vbroadcast v15, $0x0;
	v17 =	vmov s22;
	s23 =	sadd.s32 $0x300, s16;
	[sflag:s9] =	ssyncadd.s32 $0xFFFFF000  }
0x1ba: {  	v16 =	vshll.u32 v16, v1;
	v9 =	vor.u32 $0x6, v3;
	v17 =	vshrl.u32 v17, $0x3;
	[tilespmem:s0], [sflag:$0x3] =	stream.indirect.gather [spmem:s3], $0x20, s23, s30, $0xb8;
	[tilespmem:$0x1CC40] =	vst v63  }
0x1bb: {  	v2 =	vor.u32 $0x7, v3;
	s24 =	simm.s32 $0x5;
	v16 =	vadd.s32 v16, v9;
	v17 =	vshll.u32 v17, v1;
	v18 =	vld.idx.msk [tilespmem:v10+s20+$0x0], $0xffff  }
0x1bc: {  	v12 =	vmov s24;
	v10 =	vbroadcast v16, $0x0;
	v16 =	vadd.s32 v17, v2;
	v17 =	vld.idx.msk [tilespmem:v14+s20+$0x0], $0xffff  }
0x1bd: {  	v12 =	vshrl.u32 v12, $0x3;
	v19 =	vld.idx.msk [tilespmem:v13+s20+$0x0], $0xffff  }
0x1be: {  	v8 =	vor.u32 $0x5, v3;
	v12 =	vshll.u32 v12, v1;
	v14 =	vld.idx.msk [tilespmem:v11+s20+$0x0], $0xffff;
	v16 =	vbroadcast v16, $0x0  }
0x1bf: {  	v12 =	vadd.s32 v12, v8;
	s17 =	simm.s32 $0xF080;
	v13 =	vld.idx.msk [tilespmem:v15+s20+$0x0], $0xffff  }
0x1c0: {  	v12 =	vbroadcast v12, $0x0;
	v20 =	vld [tilespmem:s17+$0x70]  }
0x1c1: {  	s24 =	simm.s32 $0x8;
	v24 =	vld [tilespmem:s17+$0xFFFFFF80]  }
0x1c2: {  	s23 =	simm.s32 $0xA;
	v15 =	vmov s24;
	s24 =	simm.s32 $0xB;
	v29 =	vld [tilespmem:s17+$0xFFFFFFB0]  }
0x1c3: {  	v21 =	vmov s23;
	v31 =	vld [tilespmem:s17+$0xFFFFFFC0];
	v22 =	vmov s24;
	s24 =	simm.s32 $0xD  }
0x1c4: {  	v15 =	vshrl.u32 v15, $0x3;
	v21 =	vshrl.u32 v21, $0x3;
	v25 =	vmov s24;
	v11 =	vld.idx.msk [tilespmem:v16+s20+$0x0], $0xffff  }
0x1c5: {  	s25 =	simm.s32 $0x9;
	v27 =	vld [tilespmem:s17+$0xFFFFFF90];
	v15 =	vshll.u32 v15, v1;
	v22 =	vshrl.u32 v22, $0x3;
	v25 =	vshrl.u32 v25, $0x3  }
0x1c6: {  	v12 =	vld.idx.msk [tilespmem:v12+s20+$0x0], $0xffff;
	v15 =	vadd.s32 v3, v15;
	v25 =	vshll.u32 v25, v1;
	v16 =	vmov s25;
	s25 =	simm.s32 $0xC  }
0x1c7: {  	v28 =	vld [tilespmem:s17+$0xFFFFFFA0];
	v15 =	vbroadcast v15, $0x0;
	v29 =	vmul.f32 v29, v17;
	v23 =	vmov s25;
	s25 =	simm.s32 $0xE  }
0x1c8: {  	v32 =	vld [tilespmem:s17+$0xFFFFFFD0];
	v31 =	vmul.f32 v31, v19;
	v16 =	vshrl.u32 v16, $0x3;
	v26 =	vmov s25  }
0x1c9: {  	v10 =	vld.idx.msk [tilespmem:v10+s20+$0x0], $0xffff;
	v30 =	vshll.u32 v16, v1;
	v16 =	vmul.f32 v20, v11;
	v20 =	vshll.u32 v21, v1  }
0x1ca: {  	[tilespmem:s17+$0xFFFFFFB0] =	vst v29;
	v21 =	vshll.u32 v22, v1;
	v22 =	vmul.f32 v24, v18;
	v18 =	vmul.f32 v27, v18;
	v27 =	vld [tilespmem:s17+$0xFFFFFFE0]  }
0x1cb: {  	v25 =	vadd.s32 v25, v8;
	v23 =	vshrl.u32 v23, $0x3;
	v26 =	vshrl.u32 v26, $0x3;
	[tilespmem:s17+$0x70] =	vst v16;
	v16 =	vld [tilespmem:s17+$0xFFFFFFF0]  }
0x1cc: {  	v23 =	vshll.u32 v23, v1;
	v30 =	vadd.s32 v30, v4;
	[tilespmem:s17+$0xFFFFFF80] =	vst v22;
	v22 =	vmul.f32 v28, v17;
	v17 =	vld [tilespmem:s17+$0x0]  }
0x1cd: {  	v26 =	vshll.u32 v26, v1;
	v24 =	vadd.s32 v23, v7;
	v23 =	vmul.f32 v32, v19;
	[tilespmem:s17+$0xFFFFFF90] =	vst v18;
	v18 =	vld [tilespmem:s17+$0x10]  }
0x1ce: {  	[tilespmem:s17+$0xFFFFFFC0] =	vst v31;
	v19 =	vld [tilespmem:s17+$0x20];
	v20 =	vadd.s32 v20, v5;
	v28 =	vadd.s32 v21, v6;
	v21 =	vbroadcast v30, $0x0  }
0x1cf: {  	s22 =	simm.s32 $0x10;
	s23 =	simm.s32 $0xF;
	v26 =	vadd.s32 v26, v9;
	[tilespmem:s17+$0xFFFFFFA0] =	vst v22;
	v22 =	vbroadcast v20, $0x0;
	v20 =	vld [tilespmem:s17+$0x30];
	v27 =	vmul.f32 v27, v14  }
.LBB2_13:
0x1d0: {  	p1 =	slt.u32 s22, $0x78;
	v28 =	vbroadcast v28, $0x0;
	v29 =	vmov s23;
	[tilespmem:s17+$0xFFFFFFD0] =	vst v23;
	v14 =	vmul.f32 v16, v14;
	v16 =	vld [tilespmem:s17+$0x40]  }
0x1d1: {  	v23 =	vbroadcast v24, $0x0;
	v24 =	vshrl.u32 v29, $0x3;
	[tilespmem:s17+$0xFFFFFFE0] =	vst v27;
	v17 =	vmul.f32 v17, v13;
	v27 =	vld [tilespmem:s17+$0x50]  }
0x1d2: {  	v25 =	vbroadcast v25, $0x0;
	v24 =	vshll.u32 v24, v1;
	[tilespmem:s17+$0xFFFFFFF0] =	vst v14;
	v13 =	vmul.f32 v18, v13;
	v18 =	vld [tilespmem:s17+$0x60]  }
0x1d3: {  	v26 =	vbroadcast v26, $0x0;
	v15 =	vld.idx.msk [tilespmem:v15+s20+$0x0], $0xffff;
	v14 =	vadd.s32 v24, v2;
	[tilespmem:s17+$0x0] =	vst v17;
	v17 =	vmul.f32 v19, v12  }
0x1d4: {  	v19 =	vld.idx.msk [tilespmem:v21+s20+$0x0], $0xffff;
	v21 =	vbroadcast v14, $0x0;
	[tilespmem:s17+$0x10] =	vst v13;
	v12 =	vmul.f32 v20, v12  }
0x1d5: {  	v20 =	vld.idx.msk [tilespmem:v22+s20+$0x0], $0xffff;
	[tilespmem:s17+$0x20] =	vst v17;
	v16 =	vmul.f32 v16, v10  }
0x1d6: {  	v14 =	vld.idx.msk [tilespmem:v28+s20+$0x0], $0xffff;
	[tilespmem:s17+$0x30] =	vst v12;
	v10 =	vmul.f32 v27, v10  }
0x1d7: {  	v13 =	vld.idx.msk [tilespmem:v23+s20+$0x0], $0xffff;
	[tilespmem:s17+$0x40] =	vst v16;
	v11 =	vmul.f32 v18, v11  }
0x1d8: {  	v12 =	vld.idx.msk [tilespmem:v25+s20+$0x0], $0xffff;
	[tilespmem:s17+$0x50] =	vst v10  }
0x1d9: {  	v10 =	vld.idx.msk [tilespmem:v26+s20+$0x0], $0xffff;
	[tilespmem:s17+$0x60] =	vst v11  }
0x1da: {  	s23 =	sadd.s32 $0x1, s22;
	v16 =	vmov s22;
	s17 =	sadd.s32 $0x100, s17;
	v11 =	vld.idx.msk [tilespmem:v21+s20+$0x0], $0xffff  }
0x1db: {  	s24 =	sadd.s32 $0x3, s22;
	s25 =	sadd.s32 $0x4, s22;
	v17 =	vmov s23;
	s23 =	sadd.s32 $0x2, s22;
	v16 =	vshrl.u32 v16, $0x3;
	v18 =	vld [tilespmem:s17+$0x70]  }
0x1dc: {  	v22 =	vmov s24;
	s24 =	sadd.s32 $0x6, s22;
	v23 =	vmov s25;
	v21 =	vmov s23;
	s23 =	sadd.s32 $0x5, s22;
	v24 =	vld [tilespmem:s17+$0xFFFFFF80]  }
0x1dd: {  	v16 =	vshll.u32 v16, v1;
	v26 =	vmov s24;
	v25 =	vmov s23;
	v27 =	vld [tilespmem:s17+$0xFFFFFF90]  }
0x1de: {  	v17 =	vshrl.u32 v17, $0x3;
	v22 =	vshrl.u32 v22, $0x3;
	v21 =	vshrl.u32 v21, $0x3;
	v28 =	vld [tilespmem:s17+$0xFFFFFFA0]  }
0x1df: {  	v23 =	vshrl.u32 v23, $0x3;
	v26 =	vshrl.u32 v26, $0x3;
	v25 =	vshrl.u32 v25, $0x3;
	v29 =	vld [tilespmem:s17+$0xFFFFFFB0]  }
0x1e0: {  	v17 =	vshll.u32 v17, v1;
	v16 =	vadd.s32 v3, v16;
	v30 =	vld [tilespmem:s17+$0xFFFFFFC0];
	v18 =	vmul.f32 v18, v11  }
0x1e1: {  	v22 =	vshll.u32 v22, v1;
	v21 =	vshll.u32 v21, v1;
	v24 =	vmul.f32 v24, v15;
	v31 =	vld [tilespmem:s17+$0xFFFFFFD0]  }
0x1e2: {  	v23 =	vshll.u32 v23, v1;
	v25 =	vshll.u32 v25, v1;
	v27 =	vmul.f32 v27, v15;
	v32 =	vld [tilespmem:s17+$0xFFFFFFE0];
	[tilespmem:s17+$0x70] =	vst v18  }
.Ltmp5:
0x1e3: {  	v26 =	vshll.u32 v26, v1;
	v15 =	vbroadcast v16, $0x0;
	[tilespmem:s17+$0xFFFFFF80] =	vst v24;
	v18 =	vmul.f32 v28, v19;
	v16 =	vld [tilespmem:s17+$0xFFFFFFF0];
	(pc) =	sbr.rel @p1 .LBB2_13-.Ltmp5, $4  }
0x1e4: {  	v33 =	vadd.s32 v17, v4;
	v34 =	vadd.s32 v21, v5;
	[tilespmem:s17+$0xFFFFFF90] =	vst v27;
	v19 =	vmul.f32 v29, v19;
	v17 =	vld [tilespmem:s17+$0x0]  }
0x1e5: {  	v28 =	vadd.s32 v22, v6;
	v24 =	vadd.s32 v23, v7;
	[tilespmem:s17+$0xFFFFFFA0] =	vst v18;
	v27 =	vmul.f32 v30, v20;
	v18 =	vld [tilespmem:s17+$0x10]  }
0x1e6: {  	v21 =	vbroadcast v33, $0x0;
	v25 =	vadd.s32 v25, v8;
	[tilespmem:s17+$0xFFFFFFB0] =	vst v19;
	v23 =	vmul.f32 v31, v20;
	v19 =	vld [tilespmem:s17+$0x20]  }
0x1e7: {  	s23 =	sadd.s32 $0x7, s22;
	s22 =	sadd.s32 $0x8, s22;
	v26 =	vadd.s32 v26, v9;
	v22 =	vbroadcast v34, $0x0;
	[tilespmem:s17+$0xFFFFFFC0] =	vst v27;
	v27 =	vmul.f32 v32, v14;
	v20 =	vld [tilespmem:s17+$0x30]  }
0x1e8: {  	_ = 	snop  }
0x1e9: {  	v5 =	vld [tilespmem:s17+$0x40]  }
0x1ea: {  	v7 =	vld [tilespmem:s17+$0x50]  }
0x1eb: {  	v9 =	vld [tilespmem:s17+$0x60]  }
0x1ec: {  	v15 =	vld.idx.msk [tilespmem:v15+s20+$0x0], $0xffff;
	s22 =	sadd.s32 $0x100, s17  }
0x1ed: {  	v14 =	vmul.f32 v16, v14;
	v16 =	vld [tilespmem:s22+$0xFFFFFF80]  }
0x1ee: {  	v4 =	vmov s23;
	[tilespmem:s17+$0xFFFFFFD0] =	vst v23;
	v23 =	vld [tilespmem:s22+$0xFFFFFF90]  }
0x1ef: {  	v3 =	vbroadcast v28, $0x0;
	v4 =	vshrl.u32 v4, $0x3;
	[tilespmem:s17+$0xFFFFFFF0] =	vst v14;
	v14 =	vld [tilespmem:s22+$0xFFFFFFA0]  }
0x1f0: {  	v17 =	vmul.f32 v17, v13;
	v4 =	vshll.u32 v4, v1;
	v13 =	vmul.f32 v18, v13;
	v18 =	vld [tilespmem:s22+$0xFFFFFFB0]  }
0x1f1: {  	v6 =	vbroadcast v24, $0x0;
	v2 =	vadd.s32 v4, v2;
	v4 =	vld.idx.msk [tilespmem:v21+s20+$0x0], $0xffff  }
0x1f2: {  	v24 =	vbroadcast v26, $0x0;
	v21 =	vld.idx.msk [tilespmem:v22+s20+$0x0], $0xffff;
	[tilespmem:s17+$0x0] =	vst v17;
	v17 =	vmul.f32 v19, v12  }
0x1f3: {  	[tilespmem:s17+$0x10] =	vst v13;
	v13 =	vld [tilespmem:s22+$0xFFFFFFC0]  }
0x1f4: {  	v2 =	vbroadcast v2, $0x0;
	[tilespmem:s17+$0x20] =	vst v17;
	v17 =	vld [tilespmem:s22+$0xFFFFFFD0]  }
0x1f5: {  	v5 =	vmul.f32 v5, v10;
	v7 =	vmul.f32 v7, v10;
	v10 =	vld [tilespmem:s22+$0xFFFFFFE0]  }
0x1f6: {  	v3 =	vld.idx.msk [tilespmem:v3+s20+$0x0], $0xffff  }
0x1f7: {  	[tilespmem:s17+$0xFFFFFFE0] =	vst v27;
	v12 =	vmul.f32 v20, v12;
	v6 =	vld.idx.msk [tilespmem:v6+s20+$0x0], $0xffff  }
0x1f8: {  	v22 =	vld.idx.msk [tilespmem:v24+s20+$0x0], $0xffff;
	[tilespmem:s17+$0x40] =	vst v5;
	v5 =	vmul.f32 v9, v11  }
0x1f9: {  	v24 =	vld [tilespmem:s22+$0x70];
	[tilespmem:s17+$0x30] =	vst v12  }
0x1fa: {  	v12 =	vld [tilespmem:s22+$0x10];
	[tilespmem:s17+$0x60] =	vst v5;
	v5 =	vmul.f32 v16, v15  }
0x1fb: {  	[tilespmem:s17+$0x50] =	vst v7;
	v15 =	vmul.f32 v23, v15;
	v2 =	vld.idx.msk [tilespmem:v2+s20+$0x0], $0xffff  }
0x1fc: {  	v8 =	vbroadcast v25, $0x0;
	v9 =	vld [tilespmem:s22+$0xFFFFFFF0];
	[tilespmem:s22+$0xFFFFFF80] =	vst v5;
	v5 =	vmul.f32 v14, v4  }
0x1fd: {  	v11 =	vld [tilespmem:s22+$0x0];
	[tilespmem:s22+$0xFFFFFF90] =	vst v15;
	v4 =	vmul.f32 v18, v4  }
0x1fe: {  	v16 =	vld [tilespmem:s22+$0x60];
	[tilespmem:s22+$0xFFFFFFA0] =	vst v5;
	v5 =	vmul.f32 v13, v21  }
0x1ff: {  	v15 =	vld [tilespmem:s22+$0x40];
	[tilespmem:s22+$0xFFFFFFB0] =	vst v4;
	v4 =	vmul.f32 v17, v21  }
0x200: {  	v13 =	vld [tilespmem:s22+$0x50];
	v7 =	vmul.f32 v24, v2;
	[tilespmem:s22+$0xFFFFFFC0] =	vst v5  }
0x201: {  	v5 =	vmul.f32 v10, v3;
	[tilespmem:s22+$0xFFFFFFD0] =	vst v4  }
0x202: {  	v8 =	vld.idx.msk [tilespmem:v8+s20+$0x0], $0xffff;
	v3 =	vmul.f32 v9, v3;
	[tilespmem:s22+$0x70] =	vst v7  }
0x203: {  	s25 =	simm.s32 $0x0;
	v4 =	vmul.f32 v11, v6;
	v7 =	vld [tilespmem:s22+$0x20];
	[tilespmem:s22+$0xFFFFFFE0] =	vst v5  }
0x204: {  	s24 =	simm.s32 $0x2;
	v14 =	vld [tilespmem:s22+$0x30];
	v6 =	vmul.f32 v12, v6;
	v12 =	vmov s25;
	v10 =	vmul.f32 v15, v22;
	[tilespmem:s22+$0xFFFFFFF0] =	vst v3  }
0x205: {  	s25 =	simm.s32 $0x3;
	v15 =	vmov s24;
	[tilespmem:s22+$0x0] =	vst v4;
	v11 =	vmul.f32 v13, v22;
	v13 =	vmul.f32 v16, v2  }
0x206: {  	s24 =	simm.s32 $0x5;
	v2 =	vmov s15;
	v16 =	vmov s25;
	[tilespmem:s22+$0x40] =	vst v10;
	v10 =	vshrl.u32 v12, $0x3  }
0x207: {  	[tilespmem:s22+$0x10] =	vst v6;
	v12 =	vmov s24;
	v3 =	vor.u32 $0x1, v2;
	v4 =	vor.u32 $0x2, v2  }
0x208: {  	v6 =	vor.u32 $0x3, v2;
	v9 =	vor.u32 $0x6, v2;
	[tilespmem:s22+$0x50] =	vst v11;
	v5 =	vmul.f32 v7, v8  }
0x209: {  	s25 =	simm.s32 $0x6;
	v10 =	vshll.u32 v10, v1;
	v12 =	vshrl.u32 v12, $0x3;
	[tilespmem:s22+$0x60] =	vst v13;
	v8 =	vmul.f32 v14, v8  }
0x20a: {  	s23 =	simm.s32 $0x1;
	v11 =	vmov s25;
	v13 =	vshrl.u32 v15, $0x3;
	v15 =	vshrl.u32 v16, $0x3;
	[tilespmem:s22+$0x20] =	vst v5  }
0x20b: {  	s14 =	sadd.s32 $0x5000, s14;
	v10 =	vadd.s32 v2, v10;
	v12 =	vshll.u32 v12, v1;
	v14 =	vmov s23;
	[tilespmem:s22+$0x30] =	vst v8  }
0x20c: {  	v11 =	vshrl.u32 v11, $0x3;
	v13 =	vshll.u32 v13, v1;
	v14 =	vshrl.u32 v14, $0x3;
	[spmem:s2] =	stream.indirect.scatter.add.f32 [tilespmem:s21], [sflag:$0x5], $0x20, s14, s30, $0xb8;
	[tilespmem:$0x1CC40] =	vst v63  }
0x20d: {  	v15 =	vshll.u32 v15, v1;
	v10 =	vbroadcast v10, $0x0;
	s23 =	simm.s32 $0x4;
	v14 =	vshll.u32 v14, v1;
	_ =	swait.ge [sflag:s1], $0x1000  }
0x20e: {  	v7 =	vor.u32 $0x4, v2;
	v17 =	vmov s23;
	v14 =	vadd.s32 v14, v3;
	[sflag:s1] =	ssyncset.done $0x0  }
0x20f: {  	v13 =	vadd.s32 v13, v4;
	v16 =	vshrl.u32 v17, $0x3;
	v14 =	vbroadcast v14, $0x0;
	[sflag:s1] =	ssyncadd.s32 $0xFFFFF000  }
0x210: {  	v15 =	vadd.s32 v15, v6;
	v13 =	vbroadcast v13, $0x0;
	v16 =	vshll.u32 v16, v1;
	_ =	swait.ge [sflag:s29], $0x1000  }
0x211: {  	v15 =	vbroadcast v15, $0x0;
	v8 =	vor.u32 $0x5, v2;
	s22 =	simm.s32 $0x7;
	v16 =	vadd.s32 v16, v7;
	[sflag:s29] =	ssyncset.done $0x0  }
0x212: {  	s23 =	sadd.s32 $0x380, s16;
	v17 =	vmov s22;
	v12 =	vadd.s32 v12, v8;
	v16 =	vbroadcast v16, $0x0;
	[sflag:s29] =	ssyncadd.s32 $0xFFFFF000  }
0x213: {  	v11 =	vshll.u32 v11, v1;
	v17 =	vshrl.u32 v17, $0x3;
	v12 =	vbroadcast v12, $0x0;
	[tilespmem:s19], [sflag:$0x4] =	stream.indirect.gather [spmem:s3], $0x20, s23, s30, $0xb8;
	[tilespmem:$0x1CC40] =	vst v63  }
0x214: {  	v11 =	vadd.s32 v11, v9;
	v5 =	vor.u32 $0x7, v2;
	v17 =	vshll.u32 v17, v1;
	v18 =	vld.idx.msk [tilespmem:v10+s20+$0x0], $0xffff  }
0x215: {  	v10 =	vbroadcast v11, $0x0;
	v11 =	vadd.s32 v17, v5;
	v17 =	vld.idx.msk [tilespmem:v14+s20+$0x0], $0xffff  }
0x216: {  	v19 =	vld.idx.msk [tilespmem:v13+s20+$0x0], $0xffff;
	v11 =	vbroadcast v11, $0x0  }
0x217: {  	v14 =	vld.idx.msk [tilespmem:v15+s20+$0x0], $0xffff  }
0x218: {  	v13 =	vld.idx.msk [tilespmem:v16+s20+$0x0], $0xffff  }
0x219: {  	s14 =	simm.s32 $0x10080;
	v12 =	vld.idx.msk [tilespmem:v12+s20+$0x0], $0xffff  }
0x21a: {  	s17 =	simm.s32 $0xA;
	v20 =	vld [tilespmem:s14+$0x70]  }
0x21b: {  	v21 =	vmov s17;
	s22 =	simm.s32 $0xB;
	v29 =	vld [tilespmem:s14+$0xFFFFFFB0]  }
0x21c: {  	v21 =	vshrl.u32 v21, $0x3;
	s24 =	simm.s32 $0x8;
	s25 =	simm.s32 $0x9;
	v22 =	vmov s22;
	v11 =	vld.idx.msk [tilespmem:v11+s20+$0x0], $0xffff  }
0x21d: {  	v22 =	vshrl.u32 v22, $0x3;
	s23 =	simm.s32 $0xC;
	v15 =	vmov s24;
	v16 =	vmov s25;
	s24 =	simm.s32 $0xD;
	v24 =	vld [tilespmem:s14+$0xFFFFFF80]  }
0x21e: {  	v23 =	vmov s23;
	s25 =	simm.s32 $0xE;
	v27 =	vld [tilespmem:s14+$0xFFFFFF90];
	v15 =	vshrl.u32 v15, $0x3;
	v25 =	vmov s24  }
0x21f: {  	v28 =	vld [tilespmem:s14+$0xFFFFFFA0];
	v26 =	vmov s25;
	v16 =	vshrl.u32 v16, $0x3;
	v23 =	vshrl.u32 v23, $0x3  }
0x220: {  	v31 =	vld [tilespmem:s14+$0xFFFFFFC0];
	v15 =	vshll.u32 v15, v1;
	v25 =	vshrl.u32 v25, $0x3;
	v30 =	vshll.u32 v16, v1  }
0x221: {  	v32 =	vld [tilespmem:s14+$0xFFFFFFE0];
	v23 =	vshll.u32 v23, v1;
	v29 =	vmul.f32 v29, v17;
	v16 =	vmul.f32 v20, v11  }
0x222: {  	v20 =	vshll.u32 v21, v1;
	v21 =	vshll.u32 v22, v1;
	v22 =	vmul.f32 v24, v18;
	v24 =	vld [tilespmem:s14+$0xFFFFFFD0]  }
0x223: {  	v26 =	vshrl.u32 v26, $0x3;
	v15 =	vadd.s32 v2, v15;
	v25 =	vshll.u32 v25, v1;
	v10 =	vld.idx.msk [tilespmem:v10+s20+$0x0], $0xffff;
	[tilespmem:s14+$0xFFFFFFB0] =	vst v29  }
0x224: {  	v33 =	vshll.u32 v26, v1;
	v26 =	vadd.s32 v30, v3;
	v18 =	vmul.f32 v27, v18;
	[tilespmem:s14+$0x70] =	vst v16;
	v16 =	vld [tilespmem:s14+$0xFFFFFFF0]  }
0x225: {  	v27 =	vadd.s32 v21, v6;
	v21 =	vmul.f32 v31, v19;
	[tilespmem:s14+$0xFFFFFF80] =	vst v22;
	v22 =	vmul.f32 v28, v17;
	v17 =	vld [tilespmem:s14+$0x0]  }
0x226: {  	v23 =	vadd.s32 v23, v7;
	v15 =	vbroadcast v15, $0x0;
	v25 =	vadd.s32 v25, v8;
	[tilespmem:s14+$0xFFFFFF90] =	vst v18;
	v18 =	vld [tilespmem:s14+$0x10]  }
0x227: {  	v28 =	vadd.s32 v20, v4;
	v20 =	vbroadcast v26, $0x0;
	[tilespmem:s14+$0xFFFFFFC0] =	vst v21;
	v26 =	vmul.f32 v24, v19;
	v19 =	vld [tilespmem:s14+$0x20]  }
0x228: {  	s17 =	simm.s32 $0xF;
	s16 =	simm.s32 $0x10;
	v21 =	vld [tilespmem:s14+$0x30];
	[tilespmem:s14+$0xFFFFFFA0] =	vst v22;
	v22 =	vbroadcast v28, $0x0;
	v28 =	vmul.f32 v32, v14;
	v24 =	vadd.s32 v33, v9  }
.LBB2_15:
0x229: {  	p1 =	slt.u32 s16, $0x78;
	v27 =	vbroadcast v27, $0x0;
	v29 =	vmov s17;
	[tilespmem:s14+$0xFFFFFFD0] =	vst v26;
	v14 =	vmul.f32 v16, v14;
	v16 =	vld [tilespmem:s14+$0x40]  }
0x22a: {  	v23 =	vbroadcast v23, $0x0;
	v26 =	vshrl.u32 v29, $0x3;
	[tilespmem:s14+$0xFFFFFFE0] =	vst v28;
	v17 =	vmul.f32 v17, v13;
	v28 =	vld [tilespmem:s14+$0x50]  }
0x22b: {  	v25 =	vbroadcast v25, $0x0;
	v26 =	vshll.u32 v26, v1;
	[tilespmem:s14+$0xFFFFFFF0] =	vst v14;
	v13 =	vmul.f32 v18, v13;
	v18 =	vld [tilespmem:s14+$0x60]  }
0x22c: {  	v24 =	vbroadcast v24, $0x0;
	v15 =	vld.idx.msk [tilespmem:v15+s20+$0x0], $0xffff;
	v14 =	vadd.s32 v26, v5;
	[tilespmem:s14+$0x0] =	vst v17;
	v17 =	vmul.f32 v19, v12  }
0x22d: {  	v19 =	vld.idx.msk [tilespmem:v20+s20+$0x0], $0xffff;
	v20 =	vbroadcast v14, $0x0;
	[tilespmem:s14+$0x10] =	vst v13;
	v12 =	vmul.f32 v21, v12  }
0x22e: {  	v21 =	vld.idx.msk [tilespmem:v22+s20+$0x0], $0xffff;
	[tilespmem:s14+$0x20] =	vst v17;
	v16 =	vmul.f32 v16, v10  }
0x22f: {  	v14 =	vld.idx.msk [tilespmem:v27+s20+$0x0], $0xffff;
	[tilespmem:s14+$0x30] =	vst v12;
	v10 =	vmul.f32 v28, v10  }
0x230: {  	v13 =	vld.idx.msk [tilespmem:v23+s20+$0x0], $0xffff;
	[tilespmem:s14+$0x40] =	vst v16;
	v11 =	vmul.f32 v18, v11  }
0x231: {  	v12 =	vld.idx.msk [tilespmem:v25+s20+$0x0], $0xffff;
	[tilespmem:s14+$0x50] =	vst v10  }
0x232: {  	v10 =	vld.idx.msk [tilespmem:v24+s20+$0x0], $0xffff;
	[tilespmem:s14+$0x60] =	vst v11  }
0x233: {  	s17 =	sadd.s32 $0x1, s16;
	v16 =	vmov s16;
	s14 =	sadd.s32 $0x100, s14;
	v11 =	vld.idx.msk [tilespmem:v20+s20+$0x0], $0xffff  }
0x234: {  	s22 =	sadd.s32 $0x3, s16;
	s23 =	sadd.s32 $0x4, s16;
	v17 =	vmov s17;
	s17 =	sadd.s32 $0x2, s16;
	v16 =	vshrl.u32 v16, $0x3;
	v18 =	vld [tilespmem:s14+$0x70]  }
0x235: {  	v22 =	vmov s22;
	s22 =	sadd.s32 $0x6, s16;
	v23 =	vmov s23;
	v20 =	vmov s17;
	s17 =	sadd.s32 $0x5, s16;
	v24 =	vld [tilespmem:s14+$0xFFFFFF80]  }
0x236: {  	v26 =	vmov s22;
	v16 =	vshll.u32 v16, v1;
	v25 =	vmov s17;
	v27 =	vld [tilespmem:s14+$0xFFFFFF90]  }
0x237: {  	v17 =	vshrl.u32 v17, $0x3;
	v22 =	vshrl.u32 v22, $0x3;
	v20 =	vshrl.u32 v20, $0x3;
	v28 =	vld [tilespmem:s14+$0xFFFFFFA0]  }
0x238: {  	v26 =	vshrl.u32 v26, $0x3;
	v23 =	vshrl.u32 v23, $0x3;
	v25 =	vshrl.u32 v25, $0x3;
	v29 =	vld [tilespmem:s14+$0xFFFFFFB0]  }
0x239: {  	v17 =	vshll.u32 v17, v1;
	v16 =	vadd.s32 v2, v16;
	v30 =	vld [tilespmem:s14+$0xFFFFFFC0];
	v18 =	vmul.f32 v18, v11  }
0x23a: {  	v22 =	vshll.u32 v22, v1;
	v20 =	vshll.u32 v20, v1;
	v24 =	vmul.f32 v24, v15;
	v31 =	vld [tilespmem:s14+$0xFFFFFFD0]  }
0x23b: {  	v23 =	vshll.u32 v23, v1;
	v25 =	vshll.u32 v25, v1;
	v27 =	vmul.f32 v27, v15;
	v32 =	vld [tilespmem:s14+$0xFFFFFFE0];
	[tilespmem:s14+$0x70] =	vst v18  }
.Ltmp6:
0x23c: {  	v33 =	vshll.u32 v26, v1;
	v15 =	vbroadcast v16, $0x0;
	[tilespmem:s14+$0xFFFFFF80] =	vst v24;
	v18 =	vmul.f32 v28, v19;
	v16 =	vld [tilespmem:s14+$0xFFFFFFF0];
	(pc) =	sbr.rel @p1 .LBB2_15-.Ltmp6, $4  }
0x23d: {  	v24 =	vadd.s32 v17, v3;
	v28 =	vadd.s32 v20, v4;
	[tilespmem:s14+$0xFFFFFF90] =	vst v27;
	v19 =	vmul.f32 v29, v19;
	v17 =	vld [tilespmem:s14+$0x0]  }
0x23e: {  	v23 =	vadd.s32 v23, v7;
	v27 =	vadd.s32 v22, v6;
	[tilespmem:s14+$0xFFFFFFA0] =	vst v18;
	v29 =	vmul.f32 v30, v21;
	v18 =	vld [tilespmem:s14+$0x10]  }
0x23f: {  	v25 =	vadd.s32 v25, v8;
	v20 =	vbroadcast v24, $0x0;
	[tilespmem:s14+$0xFFFFFFB0] =	vst v19;
	v26 =	vmul.f32 v31, v21;
	v19 =	vld [tilespmem:s14+$0x20]  }
0x240: {  	s17 =	sadd.s32 $0x7, s16;
	s16 =	sadd.s32 $0x8, s16;
	v22 =	vbroadcast v28, $0x0;
	v24 =	vadd.s32 v33, v9;
	[tilespmem:s14+$0xFFFFFFC0] =	vst v29;
	v28 =	vmul.f32 v32, v14;
	v21 =	vld [tilespmem:s14+$0x30]  }
0x241: {  	_ = 	snop  }
0x242: {  	v4 =	vld [tilespmem:s14+$0x40]  }
0x243: {  	v7 =	vld [tilespmem:s14+$0x50]  }
0x244: {  	v9 =	vld [tilespmem:s14+$0x60]  }
0x245: {  	v31 =	vld.idx.msk [tilespmem:v15+s20+$0x0], $0xffff  }
0x246: {  	v20 =	vld.idx.msk [tilespmem:v20+s20+$0x0], $0xffff  }
0x247: {  	s16 =	sadd.s32 $0x100, s14;
	v22 =	vld.idx.msk [tilespmem:v22+s20+$0x0], $0xffff  }
0x248: {  	v36 =	vld [tilespmem:s16+$0x70]  }
0x249: {  	v38 =	vld [tilespmem:s16+$0xFFFFFF80]  }
0x24a: {  	[tilespmem:s14+$0xFFFFFFD0] =	vst v26;
	v14 =	vmul.f32 v16, v14;
	v39 =	vld [tilespmem:s16+$0xFFFFFF90]  }
0x24b: {  	[tilespmem:s14+$0xFFFFFFE0] =	vst v28;
	v33 =	vmul.f32 v17, v13;
	v40 =	vld [tilespmem:s16+$0xFFFFFFA0]  }
0x24c: {  	v42 =	vld [tilespmem:s16+$0xFFFFFFB0];
	[tilespmem:s14+$0xFFFFFFF0] =	vst v14;
	v34 =	vmul.f32 v18, v13  }
0x24d: {  	v2 =	vbroadcast v27, $0x0;
	v43 =	vld [tilespmem:s16+$0xFFFFFFC0];
	[tilespmem:s14+$0x0] =	vst v33;
	v35 =	vmul.f32 v19, v12  }
0x24e: {  	v46 =	vld [tilespmem:s16+$0xFFFFFFD0];
	[tilespmem:s14+$0x10] =	vst v34;
	v37 =	vmul.f32 v21, v12  }
0x24f: {  	v3 =	vmov s17;
	v6 =	vbroadcast v23, $0x0;
	v47 =	vld [tilespmem:s16+$0xFFFFFFE0];
	[tilespmem:s14+$0x20] =	vst v35;
	v4 =	vmul.f32 v4, v10  }
0x250: {  	v8 =	vbroadcast v25, $0x0;
	v3 =	vshrl.u32 v3, $0x3;
	v49 =	vld [tilespmem:s16+$0xFFFFFFF0];
	v7 =	vmul.f32 v7, v10;
	[tilespmem:s14+$0x30] =	vst v37  }
0x251: {  	v32 =	vbroadcast v24, $0x0;
	v51 =	vld [tilespmem:s16+$0x0];
	v3 =	vshll.u32 v3, v1;
	v41 =	vmul.f32 v9, v11;
	[tilespmem:s14+$0x40] =	vst v4  }
0x252: {  	v55 =	vld [tilespmem:s16+$0x20];
	v3 =	vadd.s32 v3, v5;
	v45 =	vmul.f32 v38, v31;
	[tilespmem:s14+$0x50] =	vst v7  }
0x253: {  	v3 =	vbroadcast v3, $0x0;
	v2 =	vld.idx.msk [tilespmem:v2+s20+$0x0], $0xffff;
	v5 =	vmul.f32 v39, v31;
	[tilespmem:s14+$0x60] =	vst v41  }
0x254: {  	v58 =	vld [tilespmem:s16+$0x40];
	v48 =	vmul.f32 v40, v20;
	[tilespmem:s16+$0xFFFFFF80] =	vst v45  }
0x255: {  	v6 =	vld.idx.msk [tilespmem:v6+s20+$0x0], $0xffff;
	v50 =	vmul.f32 v42, v20;
	[tilespmem:s16+$0xFFFFFF90] =	vst v5  }
0x256: {  	v8 =	vld.idx.msk [tilespmem:v8+s20+$0x0], $0xffff;
	v52 =	vmul.f32 v43, v22;
	[tilespmem:s16+$0xFFFFFFA0] =	vst v48  }
0x257: {  	v15 =	vld.idx.msk [tilespmem:v32+s20+$0x0], $0xffff;
	v54 =	vmul.f32 v46, v22;
	[tilespmem:s16+$0xFFFFFFB0] =	vst v50  }
0x258: {  	v53 =	vld [tilespmem:s16+$0x10];
	[tilespmem:s16+$0xFFFFFFC0] =	vst v52;
	v56 =	vmul.f32 v47, v2  }
0x259: {  	[tilespmem:s16+$0xFFFFFFD0] =	vst v54;
	v3 =	vld.idx.msk [tilespmem:v3+s20+$0x0], $0xffff;
	v2 =	vmul.f32 v49, v2  }
0x25a: {  	v57 =	vld [tilespmem:s16+$0x30];
	v59 =	vmul.f32 v51, v6;
	[tilespmem:s16+$0xFFFFFFE0] =	vst v56  }
0x25b: {  	v61 =	vld [tilespmem:s16+$0x60];
	v62 =	vmul.f32 v55, v8;
	[tilespmem:s16+$0xFFFFFFF0] =	vst v2  }
0x25c: {  	v60 =	vld [tilespmem:s16+$0x50];
	v63 =	vmul.f32 v58, v15;
	[tilespmem:s16+$0x0] =	vst v59  }
0x25d: {  	v2 =	vmul.f32 v53, v6;
	[tilespmem:s16+$0x20] =	vst v62  }
0x25e: {  	s13 =	sadd.s32 $0x1, s13;
	[tilespmem:s16+$0x40] =	vst v63;
	v44 =	vmul.f32 v36, v3  }
0x25f: {  	p1 =	sne.s32 s13, $0x27;
	[tilespmem:s16+$0x10] =	vst v2;
	v2 =	vmul.f32 v57, v8  }
.Ltmp7:
0x260: {  	v3 =	vmul.f32 v61, v3;
	[tilespmem:s16+$0x70] =	vst v44;
	(pc) =	sbr.rel @p1 .LBB2_8-.Ltmp7, $4  }
0x261: {  	[tilespmem:s16+$0x30] =	vst v2;
	v2 =	vmul.f32 v60, v15  }
0x262: {  	[tilespmem:s16+$0x60] =	vst v3  }
0x263: {  	s25 =	sadd.s32 $0x5000, s15;
	[tilespmem:s16+$0x50] =	vst v2  }
0x264: {  	[spmem:s2] =	stream.indirect.scatter.add.f32 [tilespmem:s31], [sflag:$0x6], $0x20, s25, s30, $0xb8;
	[tilespmem:$0x1CC40] =	vst v63  }
0x265: {  	s24 =	simm.s32 $0x1  }
0x266: {  	s12 =	simm.s32 $0x0;
	s25 =	simm.s32 $0x3;
	v3 =	vmov s24  }
0x267: {  	s14 =	simm.s32 $0x4;
	s15 =	simm.s32 $0x7;
	v2 =	vmov s12;
	v5 =	vmov s25;
	v3 =	vshrl.u32 v3, $0x3  }
0x268: {  	v6 =	vmov s14;
	v9 =	vmov s15;
	v3 =	vshll.u32 v3, v1  }
0x269: {  	v2 =	vshrl.u32 v2, $0x3;
	v5 =	vshrl.u32 v5, $0x3;
	v3 =	vadd.s32 $0x4F01, v3  }
0x26a: {  	v6 =	vshrl.u32 v6, $0x3;
	v2 =	vshll.u32 v2, v1;
	v3 =	vbroadcast v3, $0x0  }
0x26b: {  	_ =	swait.ge [sflag:s5], $0x1000;
	v5 =	vshll.u32 v5, v1;
	v6 =	vshll.u32 v6, v1;
	v2 =	vadd.s32 $0x4F00, v2  }
0x26c: {  	[sflag:s5] =	ssyncset.done $0x0;
	v5 =	vadd.s32 $0x4F03, v5;
	v6 =	vadd.s32 $0x4F04, v6;
	v2 =	vbroadcast v2, $0x0  }
0x26d: {  	s12 =	simm.s32 $0x11080;
	[sflag:s5] =	ssyncadd.s32 $0xFFFFF000;
	v5 =	vbroadcast v5, $0x0;
	v10 =	vbroadcast v6, $0x0;
	v6 =	vshrl.u32 v9, $0x3  }
0x26e: {  	s13 =	simm.s32 $0x2;
	v16 =	vld [tilespmem:s12+$0xFFFFFF80];
	v6 =	vshll.u32 v6, v1  }
0x26f: {  	v4 =	vmov s13;
	s13 =	simm.s32 $0x5;
	v19 =	vld [tilespmem:s12+$0xFFFFFF90];
	v6 =	vadd.s32 $0x4F07, v6  }
0x270: {  	v7 =	vmov s13;
	v4 =	vshrl.u32 v4, $0x3;
	v11 =	vld.idx.msk [tilespmem:v3+s20+$0x0], $0xffff;
	v3 =	vbroadcast v6, $0x0  }
0x271: {  	s14 =	simm.s32 $0x6;
	v7 =	vshrl.u32 v7, $0x3;
	v4 =	vshll.u32 v4, v1;
	v20 =	vld [tilespmem:s12+$0xFFFFFFA0]  }
0x272: {  	v8 =	vmov s14;
	v7 =	vshll.u32 v7, v1;
	v4 =	vadd.s32 $0x4F02, v4;
	v9 =	vld.idx.msk [tilespmem:v2+s20+$0x0], $0xffff  }
0x273: {  	v8 =	vshrl.u32 v8, $0x3;
	v4 =	vbroadcast v4, $0x0;
	v7 =	vadd.s32 $0x4F05, v7;
	v6 =	vld.idx.msk [tilespmem:v5+s20+$0x0], $0xffff  }
0x274: {  	s22 =	simm.s32 $0xA;
	v8 =	vshll.u32 v8, v1;
	v7 =	vbroadcast v7, $0x0;
	v5 =	vld.idx.msk [tilespmem:v10+s20+$0x0], $0xffff  }
0x275: {  	s23 =	simm.s32 $0xB;
	s15 =	simm.s32 $0xC;
	v13 =	vmov s22;
	v8 =	vadd.s32 $0x4F06, v8;
	v10 =	vld [tilespmem:s12+$0x70]  }
0x276: {  	v14 =	vmov s23;
	s24 =	simm.s32 $0xD;
	s25 =	simm.s32 $0xE;
	v15 =	vmov s15;
	v2 =	vbroadcast v8, $0x0;
	v3 =	vld.idx.msk [tilespmem:v3+s20+$0x0], $0xffff  }
0x277: {  	v17 =	vmov s24;
	v18 =	vmov s25;
	v13 =	vshrl.u32 v13, $0x3;
	v21 =	vld [tilespmem:s12+$0xFFFFFFB0]  }
0x278: {  	s17 =	simm.s32 $0x9;
	v14 =	vshrl.u32 v14, $0x3;
	v15 =	vshrl.u32 v15, $0x3;
	v17 =	vshrl.u32 v17, $0x3;
	v23 =	vld [tilespmem:s12+$0xFFFFFFC0]  }
0x279: {  	s16 =	simm.s32 $0x8;
	v18 =	vshrl.u32 v18, $0x3;
	v15 =	vshll.u32 v15, v1;
	v12 =	vld.idx.msk [tilespmem:v4+s20+$0x0], $0xffff;
	v8 =	vmov s17  }
0x27a: {  	v17 =	vshll.u32 v17, v1;
	v4 =	vld.idx.msk [tilespmem:v7+s20+$0x0], $0xffff;
	v7 =	vmov s16;
	v8 =	vshrl.u32 v8, $0x3  }
0x27b: {  	v24 =	vld [tilespmem:s12+$0xFFFFFFD0];
	v7 =	vshrl.u32 v7, $0x3;
	v22 =	vshll.u32 v8, v1;
	v8 =	vmul.f32 v10, v3  }
0x27c: {  	v2 =	vld.idx.msk [tilespmem:v2+s20+$0x0], $0xffff;
	v10 =	vshll.u32 v13, v1;
	v13 =	vshll.u32 v14, v1;
	v14 =	vmul.f32 v16, v9  }
0x27d: {  	v18 =	vshll.u32 v18, v1;
	v7 =	vshll.u32 v7, v1;
	v9 =	vmul.f32 v19, v9;
	v19 =	vld [tilespmem:s12+$0xFFFFFFE0];
	[tilespmem:s12+$0x70] =	vst v8  }
0x27e: {  	v17 =	vadd.s32 $0x4F05, v17;
	v7 =	vadd.s32 $0x4F00, v7;
	[tilespmem:s12+$0xFFFFFF80] =	vst v14;
	v14 =	vmul.f32 v20, v11;
	v8 =	vld [tilespmem:s12+$0xFFFFFFF0]  }
0x27f: {  	v22 =	vadd.s32 $0x4F01, v22;
	v7 =	vbroadcast v7, $0x0;
	[tilespmem:s12+$0xFFFFFF90] =	vst v9;
	v11 =	vmul.f32 v21, v11;
	v9 =	vld [tilespmem:s12+$0x0]  }
0x280: {  	v16 =	vadd.s32 $0x4F04, v15;
	v25 =	vadd.s32 $0x4F02, v10;
	v10 =	vld [tilespmem:s12+$0x10];
	v21 =	vmul.f32 v23, v12;
	[tilespmem:s12+$0xFFFFFFA0] =	vst v14  }
0x281: {  	v15 =	vmul.f32 v24, v12;
	v20 =	vadd.s32 $0x4F03, v13;
	v13 =	vbroadcast v22, $0x0;
	[tilespmem:s12+$0xFFFFFFB0] =	vst v11;
	v11 =	vld [tilespmem:s12+$0x20]  }
0x282: {  	s14 =	simm.s32 $0xF;
	s13 =	simm.s32 $0x10;
	v18 =	vadd.s32 $0x4F06, v18;
	v12 =	vld [tilespmem:s12+$0x30];
	v14 =	vbroadcast v25, $0x0;
	[tilespmem:s12+$0xFFFFFFC0] =	vst v21;
	v19 =	vmul.f32 v19, v6  }
.LBB2_18:
0x283: {  	p1 =	slt.u32 s13, $0x78;
	v20 =	vbroadcast v20, $0x0;
	v21 =	vmov s14;
	[tilespmem:s12+$0xFFFFFFD0] =	vst v15;
	v6 =	vmul.f32 v8, v6;
	v8 =	vld [tilespmem:s12+$0x40]  }
0x284: {  	v15 =	vbroadcast v16, $0x0;
	v16 =	vshrl.u32 v21, $0x3;
	[tilespmem:s12+$0xFFFFFFE0] =	vst v19;
	v9 =	vmul.f32 v9, v5;
	v19 =	vld [tilespmem:s12+$0x50]  }
0x285: {  	v17 =	vbroadcast v17, $0x0;
	v16 =	vshll.u32 v16, v1;
	[tilespmem:s12+$0xFFFFFFF0] =	vst v6;
	v5 =	vmul.f32 v10, v5;
	v10 =	vld [tilespmem:s12+$0x60]  }
0x286: {  	v18 =	vbroadcast v18, $0x0;
	v7 =	vld.idx.msk [tilespmem:v7+s20+$0x0], $0xffff;
	v6 =	vadd.s32 $0x4F07, v16;
	[tilespmem:s12+$0x0] =	vst v9;
	v9 =	vmul.f32 v11, v4  }
0x287: {  	v11 =	vld.idx.msk [tilespmem:v13+s20+$0x0], $0xffff;
	v13 =	vbroadcast v6, $0x0;
	[tilespmem:s12+$0x10] =	vst v5;
	v4 =	vmul.f32 v12, v4  }
0x288: {  	v12 =	vld.idx.msk [tilespmem:v14+s20+$0x0], $0xffff;
	[tilespmem:s12+$0x20] =	vst v9;
	v8 =	vmul.f32 v8, v2  }
0x289: {  	v6 =	vld.idx.msk [tilespmem:v20+s20+$0x0], $0xffff;
	[tilespmem:s12+$0x30] =	vst v4;
	v2 =	vmul.f32 v19, v2  }
0x28a: {  	v5 =	vld.idx.msk [tilespmem:v15+s20+$0x0], $0xffff;
	[tilespmem:s12+$0x40] =	vst v8;
	v3 =	vmul.f32 v10, v3  }
0x28b: {  	v4 =	vld.idx.msk [tilespmem:v17+s20+$0x0], $0xffff;
	[tilespmem:s12+$0x50] =	vst v2  }
0x28c: {  	v2 =	vld.idx.msk [tilespmem:v18+s20+$0x0], $0xffff;
	[tilespmem:s12+$0x60] =	vst v3  }
0x28d: {  	s14 =	sadd.s32 $0x1, s13;
	v8 =	vmov s13;
	s12 =	sadd.s32 $0x100, s12;
	v3 =	vld.idx.msk [tilespmem:v13+s20+$0x0], $0xffff  }
0x28e: {  	s15 =	sadd.s32 $0x3, s13;
	s16 =	sadd.s32 $0x4, s13;
	v9 =	vmov s14;
	s14 =	sadd.s32 $0x2, s13;
	v8 =	vshrl.u32 v8, $0x3;
	v10 =	vld [tilespmem:s12+$0x70]  }
0x28f: {  	v14 =	vmov s15;
	s15 =	sadd.s32 $0x6, s13;
	v15 =	vmov s16;
	v13 =	vmov s14;
	s14 =	sadd.s32 $0x5, s13;
	v16 =	vld [tilespmem:s12+$0xFFFFFF80]  }
0x290: {  	v8 =	vshll.u32 v8, v1;
	v18 =	vmov s15;
	v17 =	vmov s14;
	v19 =	vld [tilespmem:s12+$0xFFFFFF90]  }
0x291: {  	v9 =	vshrl.u32 v9, $0x3;
	v14 =	vshrl.u32 v14, $0x3;
	v13 =	vshrl.u32 v13, $0x3;
	v20 =	vld [tilespmem:s12+$0xFFFFFFA0]  }
0x292: {  	v15 =	vshrl.u32 v15, $0x3;
	v18 =	vshrl.u32 v18, $0x3;
	v17 =	vshrl.u32 v17, $0x3;
	v21 =	vld [tilespmem:s12+$0xFFFFFFB0]  }
0x293: {  	v9 =	vshll.u32 v9, v1;
	v8 =	vadd.s32 $0x4F00, v8;
	v22 =	vld [tilespmem:s12+$0xFFFFFFC0];
	v10 =	vmul.f32 v10, v3  }
0x294: {  	v14 =	vshll.u32 v14, v1;
	v13 =	vshll.u32 v13, v1;
	v16 =	vmul.f32 v16, v7;
	v23 =	vld [tilespmem:s12+$0xFFFFFFD0]  }
0x295: {  	v15 =	vshll.u32 v15, v1;
	v17 =	vshll.u32 v17, v1;
	v19 =	vmul.f32 v19, v7;
	v24 =	vld [tilespmem:s12+$0xFFFFFFE0];
	[tilespmem:s12+$0x70] =	vst v10  }
.Ltmp8:
0x296: {  	v18 =	vshll.u32 v18, v1;
	v7 =	vbroadcast v8, $0x0;
	[tilespmem:s12+$0xFFFFFF80] =	vst v16;
	v10 =	vmul.f32 v20, v11;
	v8 =	vld [tilespmem:s12+$0xFFFFFFF0];
	(pc) =	sbr.rel @p1 .LBB2_18-.Ltmp8, $4  }
0x297: {  	v25 =	vadd.s32 $0x4F01, v9;
	v26 =	vadd.s32 $0x4F02, v13;
	[tilespmem:s12+$0xFFFFFF90] =	vst v19;
	v11 =	vmul.f32 v21, v11;
	v9 =	vld [tilespmem:s12+$0x0]  }
0x298: {  	v20 =	vadd.s32 $0x4F03, v14;
	v16 =	vadd.s32 $0x4F04, v15;
	[tilespmem:s12+$0xFFFFFFA0] =	vst v10;
	v19 =	vmul.f32 v22, v12;
	v10 =	vld [tilespmem:s12+$0x10]  }
0x299: {  	v13 =	vbroadcast v25, $0x0;
	v17 =	vadd.s32 $0x4F05, v17;
	[tilespmem:s12+$0xFFFFFFB0] =	vst v11;
	v15 =	vmul.f32 v23, v12;
	v11 =	vld [tilespmem:s12+$0x20]  }
0x29a: {  	s14 =	sadd.s32 $0x7, s13;
	s13 =	sadd.s32 $0x8, s13;
	v18 =	vadd.s32 $0x4F06, v18;
	v14 =	vbroadcast v26, $0x0;
	[tilespmem:s12+$0xFFFFFFC0] =	vst v19;
	v19 =	vmul.f32 v24, v6;
	v12 =	vld [tilespmem:s12+$0x30]  }
0x29b: {  	_ = 	snop  }
0x29c: {  	v22 =	vld [tilespmem:s12+$0x40]  }
0x29d: {  	v23 =	vld [tilespmem:s12+$0x50]  }
0x29e: {  	v24 =	vld [tilespmem:s12+$0x60]  }
0x29f: {  	v7 =	vld.idx.msk [tilespmem:v7+s20+$0x0], $0xffff  }
0x2a0: {  	v13 =	vld.idx.msk [tilespmem:v13+s20+$0x0], $0xffff  }
0x2a1: {  	s13 =	sadd.s32 $0x100, s12;
	v14 =	vld.idx.msk [tilespmem:v14+s20+$0x0], $0xffff  }
0x2a2: {  	v25 =	vld [tilespmem:s13+$0x70]  }
0x2a3: {  	v26 =	vld [tilespmem:s13+$0xFFFFFF80]  }
0x2a4: {  	[tilespmem:s12+$0xFFFFFFD0] =	vst v15;
	v6 =	vmul.f32 v8, v6;
	v8 =	vld [tilespmem:s13+$0xFFFFFF90]  }
0x2a5: {  	v21 =	vmov s14;
	[tilespmem:s12+$0xFFFFFFE0] =	vst v19;
	v9 =	vmul.f32 v9, v5;
	v15 =	vld [tilespmem:s13+$0xFFFFFFA0]  }
0x2a6: {  	v20 =	vbroadcast v20, $0x0;
	v21 =	vshrl.u32 v21, $0x3;
	v19 =	vld [tilespmem:s13+$0x20];
	[tilespmem:s12+$0xFFFFFFF0] =	vst v6;
	v5 =	vmul.f32 v10, v5  }
0x2a7: {  	v16 =	vbroadcast v16, $0x0;
	v21 =	vshll.u32 v21, v1;
	v6 =	vld [tilespmem:s13+$0xFFFFFFB0];
	[tilespmem:s12+$0x0] =	vst v9;
	v9 =	vmul.f32 v11, v4  }
0x2a8: {  	v17 =	vbroadcast v17, $0x0;
	v10 =	vld [tilespmem:s13+$0xFFFFFFC0];
	v21 =	vadd.s32 $0x4F07, v21;
	[tilespmem:s12+$0x10] =	vst v5;
	v4 =	vmul.f32 v12, v4  }
0x2a9: {  	v11 =	vld [tilespmem:s13+$0xFFFFFFE0];
	v21 =	vbroadcast v21, $0x0;
	[tilespmem:s12+$0x20] =	vst v9;
	v9 =	vmul.f32 v22, v2  }
0x2aa: {  	v5 =	vld [tilespmem:s13+$0xFFFFFFD0];
	v3 =	vmul.f32 v24, v3;
	[tilespmem:s12+$0x30] =	vst v4  }
0x2ab: {  	v12 =	vld [tilespmem:s13+$0x10];
	v2 =	vmul.f32 v23, v2;
	[tilespmem:s12+$0x40] =	vst v9  }
0x2ac: {  	v18 =	vbroadcast v18, $0x0;
	v20 =	vld.idx.msk [tilespmem:v20+s20+$0x0], $0xffff;
	[tilespmem:s12+$0x60] =	vst v3;
	v3 =	vmul.f32 v26, v7  }
0x2ad: {  	v16 =	vld.idx.msk [tilespmem:v16+s20+$0x0], $0xffff;
	[tilespmem:s12+$0x50] =	vst v2;
	v7 =	vmul.f32 v8, v7  }
0x2ae: {  	v17 =	vld.idx.msk [tilespmem:v17+s20+$0x0], $0xffff;
	v6 =	vmul.f32 v6, v13;
	[tilespmem:s13+$0xFFFFFF80] =	vst v3  }
0x2af: {  	v3 =	vmul.f32 v15, v13;
	[tilespmem:s13+$0xFFFFFF90] =	vst v7;
	v21 =	vld.idx.msk [tilespmem:v21+s20+$0x0], $0xffff  }
0x2b0: {  	v4 =	vld [tilespmem:s13+$0xFFFFFFF0];
	[tilespmem:s13+$0xFFFFFFB0] =	vst v6;
	v5 =	vmul.f32 v5, v14  }
0x2b1: {  	v9 =	vld [tilespmem:s13+$0x0];
	[tilespmem:s13+$0xFFFFFFA0] =	vst v3;
	v3 =	vmul.f32 v10, v14  }
0x2b2: {  	v18 =	vld.idx.msk [tilespmem:v18+s20+$0x0], $0xffff;
	v6 =	vmul.f32 v11, v20;
	[tilespmem:s13+$0xFFFFFFD0] =	vst v5  }
0x2b3: {  	v8 =	vld [tilespmem:s13+$0x40];
	v5 =	vmul.f32 v12, v16;
	[tilespmem:s13+$0xFFFFFFC0] =	vst v3  }
0x2b4: {  	v7 =	vld [tilespmem:s13+$0x50];
	[tilespmem:s13+$0xFFFFFFE0] =	vst v6;
	v2 =	vmul.f32 v25, v21  }
0x2b5: {  	v10 =	vld [tilespmem:s13+$0x60];
	v3 =	vmul.f32 v4, v20;
	[tilespmem:s13+$0x10] =	vst v5  }
0x2b6: {  	s23 =	simm.s32 $0x3;
	s15 =	simm.s32 $0x4;
	v4 =	vmul.f32 v9, v16;
	[tilespmem:s13+$0x70] =	vst v2;
	v2 =	vld [tilespmem:s13+$0x30]  }
0x2b7: {  	s16 =	simm.s32 $0x0;
	v11 =	vmov s15;
	v9 =	vmul.f32 v19, v17;
	v5 =	vmov s23;
	[tilespmem:s13+$0xFFFFFFF0] =	vst v3  }
0x2b8: {  	s17 =	simm.s32 $0x1;
	v6 =	vmul.f32 v8, v18;
	v8 =	vmov s16;
	v5 =	vshrl.u32 v5, $0x3;
	[tilespmem:s13+$0x0] =	vst v4  }
0x2b9: {  	v3 =	vmul.f32 v7, v18;
	v4 =	vshrl.u32 v8, $0x3;
	v8 =	vmov s17;
	[tilespmem:s13+$0x20] =	vst v9  }
0x2ba: {  	[tilespmem:s13+$0x40] =	vst v6;
	v7 =	vmul.f32 v10, v21;
	v4 =	vshll.u32 v4, v1;
	v8 =	vshrl.u32 v8, $0x3  }
0x2bb: {  	v4 =	vadd.s32 $0x4F80, v4;
	[tilespmem:s13+$0x50] =	vst v3;
	v3 =	vshll.u32 v8, v1;
	v2 =	vmul.f32 v2, v17  }
0x2bc: {  	s24 =	simm.s32 $0x5;
	v5 =	vshll.u32 v5, v1;
	[tilespmem:s13+$0x60] =	vst v7;
	v4 =	vbroadcast v4, $0x0;
	v3 =	vadd.s32 $0x4F81, v3  }
0x2bd: {  	s22 =	simm.s32 $0x2;
	s25 =	simm.s32 $0x6;
	v9 =	vmov s24;
	v5 =	vadd.s32 $0x4F83, v5;
	v3 =	vbroadcast v3, $0x0;
	[tilespmem:s13+$0x30] =	vst v2;
	s13 =	simm.s32 $0x9F00  }
0x2be: {  	v12 =	vmov s25;
	v6 =	vshrl.u32 v9, $0x3;
	v5 =	vbroadcast v5, $0x0;
	[spmem:s2] =	stream.indirect.scatter.add.f32 [tilespmem:s0], [sflag:$0x7], $0x20, s13, s30, $0xb8;
	[tilespmem:$0x1CC40] =	vst v63  }
0x2bf: {  	s14 =	simm.s32 $0x7;
	v10 =	vmov s22;
	v9 =	vshrl.u32 v12, $0x3;
	v6 =	vshll.u32 v6, v1;
	_ =	swait.ge [sflag:s28], $0x1000  }
0x2c0: {  	v8 =	vshll.u32 v9, v1;
	v9 =	vmov s14;
	v6 =	vadd.s32 $0x4F85, v6;
	[sflag:s28] =	ssyncset.done $0x0  }
0x2c1: {  	v9 =	vshrl.u32 v9, $0x3;
	v2 =	vshrl.u32 v10, $0x3;
	v10 =	vshrl.u32 v11, $0x3;
	[sflag:s28] =	ssyncadd.s32 $0xFFFFF000  }
0x2c2: {  	v7 =	vshll.u32 v10, v1;
	v10 =	vbroadcast v6, $0x0;
	v6 =	vshll.u32 v9, v1;
	v9 =	vld.idx.msk [tilespmem:v4+s20+$0x0], $0xffff  }
0x2c3: {  	v2 =	vshll.u32 v2, v1;
	v4 =	vadd.s32 $0x4F87, v6;
	v11 =	vld.idx.msk [tilespmem:v3+s20+$0x0], $0xffff  }
0x2c4: {  	s12 =	simm.s32 $0x12080;
	v2 =	vadd.s32 $0x4F82, v2;
	v6 =	vld.idx.msk [tilespmem:v5+s20+$0x0], $0xffff;
	v3 =	vbroadcast v4, $0x0  }
0x2c5: {  	v7 =	vadd.s32 $0x4F84, v7;
	v2 =	vbroadcast v2, $0x0;
	v16 =	vld [tilespmem:s12+$0xFFFFFF80]  }
0x2c6: {  	v8 =	vadd.s32 $0x4F86, v8;
	v7 =	vbroadcast v7, $0x0;
	v19 =	vld [tilespmem:s12+$0xFFFFFF90]  }
0x2c7: {  	v8 =	vbroadcast v8, $0x0;
	v20 =	vld [tilespmem:s12+$0xFFFFFFA0]  }
0x2c8: {  	s23 =	simm.s32 $0xC;
	v4 =	vld.idx.msk [tilespmem:v10+s20+$0x0], $0xffff  }
0x2c9: {  	s25 =	simm.s32 $0xE;
	v15 =	vmov s23;
	v10 =	vld [tilespmem:s12+$0x70]  }
0x2ca: {  	s17 =	simm.s32 $0xA;
	v18 =	vmov s25;
	v15 =	vshrl.u32 v15, $0x3;
	v3 =	vld.idx.msk [tilespmem:v3+s20+$0x0], $0xffff  }
0x2cb: {  	s22 =	simm.s32 $0xB;
	v12 =	vmov s17;
	v18 =	vshrl.u32 v18, $0x3;
	v15 =	vshll.u32 v15, v1;
	v13 =	vld.idx.msk [tilespmem:v2+s20+$0x0], $0xffff  }
0x2cc: {  	s15 =	simm.s32 $0x8;
	s16 =	simm.s32 $0x9;
	v14 =	vmov s22;
	v12 =	vshrl.u32 v12, $0x3;
	v15 =	vadd.s32 $0x4F84, v15;
	v5 =	vld.idx.msk [tilespmem:v7+s20+$0x0], $0xffff  }
0x2cd: {  	s24 =	simm.s32 $0xD;
	v14 =	vshrl.u32 v14, $0x3;
	v2 =	vld.idx.msk [tilespmem:v8+s20+$0x0], $0xffff;
	v7 =	vmov s15;
	v8 =	vmov s16  }
0x2ce: {  	v17 =	vmov s24;
	v21 =	vld [tilespmem:s12+$0xFFFFFFB0];
	v7 =	vshrl.u32 v7, $0x3;
	v8 =	vshrl.u32 v8, $0x3  }
0x2cf: {  	v23 =	vld [tilespmem:s12+$0xFFFFFFC0];
	v7 =	vshll.u32 v7, v1;
	v22 =	vshll.u32 v8, v1;
	v8 =	vmul.f32 v10, v3  }
0x2d0: {  	v62 =	vld [tilespmem:s12+$0xFFFFFFD0];
	v10 =	vshll.u32 v12, v1;
	v12 =	vshll.u32 v14, v1;
	v14 =	vmul.f32 v16, v9  }
0x2d1: {  	v17 =	vshrl.u32 v17, $0x3;
	v63 =	vld [tilespmem:s12+$0xFFFFFFE0];
	v7 =	vadd.s32 $0x4F80, v7;
	v9 =	vmul.f32 v19, v9;
	[tilespmem:s12+$0x70] =	vst v8  }
0x2d2: {  	v7 =	vbroadcast v7, $0x0;
	v16 =	vshll.u32 v17, v1;
	[tilespmem:s12+$0xFFFFFF80] =	vst v14;
	v14 =	vmul.f32 v20, v11;
	v8 =	vld [tilespmem:s12+$0xFFFFFFF0]  }
0x2d3: {  	v17 =	vshll.u32 v18, v1;
	v18 =	vadd.s32 $0x4F81, v22;
	[tilespmem:s12+$0xFFFFFF90] =	vst v9;
	v11 =	vmul.f32 v21, v11;
	v9 =	vld [tilespmem:s12+$0x0]  }
0x2d4: {  	v19 =	vadd.s32 $0x4F83, v12;
	v20 =	vadd.s32 $0x4F82, v10;
	v21 =	vmul.f32 v23, v13;
	v10 =	vld [tilespmem:s12+$0x10];
	[tilespmem:s12+$0xFFFFFFA0] =	vst v14  }
0x2d5: {  	v12 =	vbroadcast v18, $0x0;
	v16 =	vadd.s32 $0x4F85, v16;
	v18 =	vmul.f32 v62, v13;
	[tilespmem:s12+$0xFFFFFFB0] =	vst v11;
	v11 =	vld [tilespmem:s12+$0x20]  }
0x2d6: {  	s17 =	simm.s32 $0x5000;
	s14 =	simm.s32 $0xF;
	s13 =	simm.s32 $0x10;
	v17 =	vadd.s32 $0x4F86, v17;
	v13 =	vld [tilespmem:s12+$0x30];
	v14 =	vbroadcast v20, $0x0;
	[tilespmem:s12+$0xFFFFFFC0] =	vst v21;
	v20 =	vmul.f32 v63, v6  }
.LBB2_20:
0x2d7: {  	p1 =	slt.u32 s13, $0x78;
	v19 =	vbroadcast v19, $0x0;
	v21 =	vmov s14;
	[tilespmem:s12+$0xFFFFFFD0] =	vst v18;
	v6 =	vmul.f32 v8, v6;
	v8 =	vld [tilespmem:s12+$0x40]  }
0x2d8: {  	v15 =	vbroadcast v15, $0x0;
	v18 =	vshrl.u32 v21, $0x3;
	[tilespmem:s12+$0xFFFFFFE0] =	vst v20;
	v9 =	vmul.f32 v9, v5;
	v20 =	vld [tilespmem:s12+$0x50]  }
0x2d9: {  	v16 =	vbroadcast v16, $0x0;
	v18 =	vshll.u32 v18, v1;
	[tilespmem:s12+$0xFFFFFFF0] =	vst v6;
	v5 =	vmul.f32 v10, v5;
	v10 =	vld [tilespmem:s12+$0x60]  }
0x2da: {  	v17 =	vbroadcast v17, $0x0;
	v7 =	vld.idx.msk [tilespmem:v7+s20+$0x0], $0xffff;
	v6 =	vadd.s32 $0x4F87, v18;
	[tilespmem:s12+$0x0] =	vst v9;
	v9 =	vmul.f32 v11, v4  }
0x2db: {  	v11 =	vld.idx.msk [tilespmem:v12+s20+$0x0], $0xffff;
	v12 =	vbroadcast v6, $0x0;
	[tilespmem:s12+$0x10] =	vst v5;
	v4 =	vmul.f32 v13, v4  }
0x2dc: {  	v13 =	vld.idx.msk [tilespmem:v14+s20+$0x0], $0xffff;
	[tilespmem:s12+$0x20] =	vst v9;
	v8 =	vmul.f32 v8, v2  }
0x2dd: {  	v6 =	vld.idx.msk [tilespmem:v19+s20+$0x0], $0xffff;
	[tilespmem:s12+$0x30] =	vst v4;
	v2 =	vmul.f32 v20, v2  }
0x2de: {  	v5 =	vld.idx.msk [tilespmem:v15+s20+$0x0], $0xffff;
	[tilespmem:s12+$0x40] =	vst v8;
	v3 =	vmul.f32 v10, v3  }
0x2df: {  	v4 =	vld.idx.msk [tilespmem:v16+s20+$0x0], $0xffff;
	[tilespmem:s12+$0x50] =	vst v2  }
0x2e0: {  	v2 =	vld.idx.msk [tilespmem:v17+s20+$0x0], $0xffff;
	[tilespmem:s12+$0x60] =	vst v3  }
0x2e1: {  	s14 =	sadd.s32 $0x1, s13;
	v8 =	vmov s13;
	s12 =	sadd.s32 $0x100, s12;
	v3 =	vld.idx.msk [tilespmem:v12+s20+$0x0], $0xffff  }
0x2e2: {  	s15 =	sadd.s32 $0x3, s13;
	s16 =	sadd.s32 $0x4, s13;
	v9 =	vmov s14;
	s14 =	sadd.s32 $0x2, s13;
	v8 =	vshrl.u32 v8, $0x3;
	v10 =	vld [tilespmem:s12+$0x70]  }
0x2e3: {  	v14 =	vmov s15;
	s15 =	sadd.s32 $0x6, s13;
	v15 =	vmov s16;
	v12 =	vmov s14;
	s14 =	sadd.s32 $0x5, s13;
	v16 =	vld [tilespmem:s12+$0xFFFFFF80]  }
0x2e4: {  	v18 =	vmov s15;
	v8 =	vshll.u32 v8, v1;
	v17 =	vmov s14;
	v19 =	vld [tilespmem:s12+$0xFFFFFF90]  }
0x2e5: {  	v9 =	vshrl.u32 v9, $0x3;
	v14 =	vshrl.u32 v14, $0x3;
	v12 =	vshrl.u32 v12, $0x3;
	v20 =	vld [tilespmem:s12+$0xFFFFFFA0]  }
0x2e6: {  	v18 =	vshrl.u32 v18, $0x3;
	v15 =	vshrl.u32 v15, $0x3;
	v17 =	vshrl.u32 v17, $0x3;
	v21 =	vld [tilespmem:s12+$0xFFFFFFB0]  }
0x2e7: {  	v9 =	vshll.u32 v9, v1;
	v8 =	vadd.s32 $0x4F80, v8;
	v22 =	vld [tilespmem:s12+$0xFFFFFFC0];
	v10 =	vmul.f32 v10, v3  }
0x2e8: {  	v14 =	vshll.u32 v14, v1;
	v12 =	vshll.u32 v12, v1;
	v16 =	vmul.f32 v16, v7;
	v23 =	vld [tilespmem:s12+$0xFFFFFFD0]  }
0x2e9: {  	v15 =	vshll.u32 v15, v1;
	v17 =	vshll.u32 v17, v1;
	v19 =	vmul.f32 v19, v7;
	v24 =	vld [tilespmem:s12+$0xFFFFFFE0];
	[tilespmem:s12+$0x70] =	vst v10  }
.Ltmp9:
0x2ea: {  	v25 =	vshll.u32 v18, v1;
	v7 =	vbroadcast v8, $0x0;
	[tilespmem:s12+$0xFFFFFF80] =	vst v16;
	v10 =	vmul.f32 v20, v11;
	v8 =	vld [tilespmem:s12+$0xFFFFFFF0];
	(pc) =	sbr.rel @p1 .LBB2_20-.Ltmp9, $4  }
0x2eb: {  	v16 =	vadd.s32 $0x4F81, v9;
	v20 =	vadd.s32 $0x4F82, v12;
	[tilespmem:s12+$0xFFFFFF90] =	vst v19;
	v11 =	vmul.f32 v21, v11;
	v9 =	vld [tilespmem:s12+$0x0]  }
0x2ec: {  	v15 =	vadd.s32 $0x4F84, v15;
	v19 =	vadd.s32 $0x4F83, v14;
	[tilespmem:s12+$0xFFFFFFA0] =	vst v10;
	v21 =	vmul.f32 v22, v13;
	v10 =	vld [tilespmem:s12+$0x10]  }
0x2ed: {  	v12 =	vbroadcast v16, $0x0;
	v16 =	vadd.s32 $0x4F85, v17;
	[tilespmem:s12+$0xFFFFFFB0] =	vst v11;
	v18 =	vmul.f32 v23, v13;
	v11 =	vld [tilespmem:s12+$0x20]  }
0x2ee: {  	s14 =	sadd.s32 $0x7, s13;
	s13 =	sadd.s32 $0x8, s13;
	v14 =	vbroadcast v20, $0x0;
	v17 =	vadd.s32 $0x4F86, v25;
	[tilespmem:s12+$0xFFFFFFC0] =	vst v21;
	v20 =	vmul.f32 v24, v6;
	v13 =	vld [tilespmem:s12+$0x30]  }
0x2ef: {  	_ = 	snop  }
0x2f0: {  	v22 =	vld [tilespmem:s12+$0x40]  }
0x2f1: {  	v23 =	vld [tilespmem:s12+$0x50]  }
0x2f2: {  	v24 =	vld [tilespmem:s12+$0x60]  }
0x2f3: {  	v7 =	vld.idx.msk [tilespmem:v7+s20+$0x0], $0xffff  }
0x2f4: {  	v12 =	vld.idx.msk [tilespmem:v12+s20+$0x0], $0xffff  }
0x2f5: {  	s13 =	sadd.s32 $0x100, s12;
	v14 =	vld.idx.msk [tilespmem:v14+s20+$0x0], $0xffff  }
0x2f6: {  	v47 =	vld [tilespmem:s13+$0x70]  }
0x2f7: {  	v49 =	vld [tilespmem:s13+$0xFFFFFF80]  }
0x2f8: {  	[tilespmem:s12+$0xFFFFFFD0] =	vst v18;
	v6 =	vmul.f32 v8, v6;
	v51 =	vld [tilespmem:s13+$0xFFFFFF90]  }
0x2f9: {  	v21 =	vmov s14;
	[tilespmem:s12+$0xFFFFFFE0] =	vst v20;
	v9 =	vmul.f32 v9, v5;
	v52 =	vld [tilespmem:s13+$0xFFFFFFA0]  }
0x2fa: {  	v21 =	vshrl.u32 v21, $0x3;
	v53 =	vld [tilespmem:s13+$0xFFFFFFB0];
	[tilespmem:s12+$0xFFFFFFF0] =	vst v6;
	v44 =	vmul.f32 v10, v5  }
0x2fb: {  	v19 =	vbroadcast v19, $0x0;
	v54 =	vld [tilespmem:s13+$0xFFFFFFD0];
	v21 =	vshll.u32 v21, v1;
	[tilespmem:s12+$0x0] =	vst v9;
	v46 =	vmul.f32 v11, v4  }
0x2fc: {  	v55 =	vld [tilespmem:s13+$0xFFFFFFE0];
	v21 =	vadd.s32 $0x4F87, v21;
	[tilespmem:s12+$0x10] =	vst v44;
	v48 =	vmul.f32 v13, v4  }
0x2fd: {  	v56 =	vld [tilespmem:s13+$0xFFFFFFF0];
	v21 =	vbroadcast v21, $0x0;
	[tilespmem:s12+$0x20] =	vst v46;
	v50 =	vmul.f32 v22, v2  }
0x2fe: {  	v15 =	vbroadcast v15, $0x0;
	v58 =	vld [tilespmem:s13+$0x0];
	v2 =	vmul.f32 v23, v2;
	[tilespmem:s12+$0x30] =	vst v48  }
0x2ff: {  	v59 =	vld [tilespmem:s13+$0x20];
	v3 =	vmul.f32 v24, v3;
	[tilespmem:s12+$0x40] =	vst v50  }
0x300: {  	v16 =	vbroadcast v16, $0x0;
	v57 =	vmul.f32 v53, v12;
	[tilespmem:s12+$0x50] =	vst v2;
	v2 =	vld [tilespmem:s13+$0xFFFFFFC0]  }
0x301: {  	v19 =	vld.idx.msk [tilespmem:v19+s20+$0x0], $0xffff;
	[tilespmem:s12+$0x60] =	vst v3;
	v3 =	vmul.f32 v49, v7  }
0x302: {  	v17 =	vbroadcast v17, $0x0;
	v60 =	vld [tilespmem:s13+$0x30];
	v5 =	vmul.f32 v54, v14;
	[tilespmem:s13+$0xFFFFFFB0] =	vst v57  }
0x303: {  	[tilespmem:s13+$0xFFFFFF80] =	vst v3;
	v3 =	vmul.f32 v52, v12;
	v45 =	vld.idx.msk [tilespmem:v21+s20+$0x0], $0xffff  }
0x304: {  	v15 =	vld.idx.msk [tilespmem:v15+s20+$0x0], $0xffff;
	v7 =	vmul.f32 v51, v7;
	[tilespmem:s13+$0xFFFFFFD0] =	vst v5  }
0x305: {  	[tilespmem:s13+$0xFFFFFFA0] =	vst v3;
	v3 =	vld [tilespmem:s13+$0x10];
	v2 =	vmul.f32 v2, v14  }
0x306: {  	v42 =	vld.idx.msk [tilespmem:v16+s20+$0x0], $0xffff;
	[tilespmem:s13+$0xFFFFFF90] =	vst v7;
	v4 =	vmul.f32 v56, v19  }
0x307: {  	v61 =	vld [tilespmem:s13+$0x40];
	[tilespmem:s13+$0xFFFFFFC0] =	vst v2;
	v2 =	vmul.f32 v55, v19  }
0x308: {  	v43 =	vld.idx.msk [tilespmem:v17+s20+$0x0], $0xffff;
	[tilespmem:s13+$0xFFFFFFF0] =	vst v4;
	v10 =	vmul.f32 v47, v45  }
0x309: {  	v62 =	vld [tilespmem:s13+$0x50];
	[tilespmem:s13+$0xFFFFFFE0] =	vst v2;
	v2 =	vmul.f32 v58, v15  }
0x30a: {  	v63 =	vld [tilespmem:s13+$0x60];
	v3 =	vmul.f32 v3, v15;
	[tilespmem:s13+$0x70] =	vst v10  }
0x30b: {  	[tilespmem:s13+$0x0] =	vst v2;
	v2 =	vmul.f32 v59, v42  }
0x30c: {  	[tilespmem:s13+$0x10] =	vst v3;
	v3 =	vmul.f32 v60, v42  }
0x30d: {  	[tilespmem:s13+$0x20] =	vst v2;
	v2 =	vmul.f32 v61, v43  }
0x30e: {  	[tilespmem:s13+$0x30] =	vst v3;
	v3 =	vmul.f32 v62, v43  }
0x30f: {  	[tilespmem:s13+$0x40] =	vst v2;
	v2 =	vmul.f32 v63, v45  }
0x310: {  	[tilespmem:s13+$0x50] =	vst v3  }
0x311: {  	s22 =	simm.s32 $0x9F80;
	[tilespmem:s13+$0x60] =	vst v2  }
0x312: {  	[spmem:s2] =	stream.indirect.scatter.add.f32 [tilespmem:s19], [sflag:$0x8], $0x20, s22, s30, $0xb8;
	[tilespmem:$0x1CC40] =	vst v63  }
0x313: {  	_ =	swait.ge [sflag:s6], $0x1000  }
0x314: {  	[sflag:s6] =	ssyncset.done $0x0  }
0x315: {  	[sflag:s6] =	ssyncadd.s32 $0xFFFFF000  }
0x316: {  	_ =	swait.ge [sflag:s7], $0x1000  }
0x317: {  	[sflag:s7] =	ssyncset.done $0x0  }
0x318: {  	[sflag:s7] =	ssyncadd.s32 $0xFFFFF000  }
0x319: {  	_ =	swait.ge [sflag:s9], $0x1000  }
0x31a: {  	[sflag:s9] =	ssyncset.done $0x0  }
0x31b: {  	[sflag:s9] =	ssyncadd.s32 $0xFFFFF000  }
0x31c: {  	_ =	swait.ge [sflag:s29], $0x1000  }
0x31d: {  	[sflag:s29] =	ssyncset.done $0x0  }
0x31e: {  	[sflag:s29] =	ssyncadd.s32 $0xFFFFF000  }
0x31f: {  	[bflag:$0x0] =	sbarrier.arrive $0xFFFF  }
0x320: {  	s23 =	rddreg [dreg:$0xa]  }
0x321: {  	s24 =	rddreg [dreg:$0x13]  }
0x322: {  	[hbm:s23], [sflag:s11] =	dma.local [spmem:s24], $0x9C0  }
0x323: {  	_ =	swait.ge [sflag:s18], $0x9C0  }
0x324: {  	[sflag:s18] =	ssyncset.done $0x0;
	s12 =	rddreg [dreg:$0xb]  }
0x325: {  	s13 =	rddreg [dreg:$0x14];
	[sflag:s18] =	ssyncadd.s32 $0xFFFFF640  }
0x326: {  	[hbm:s12], [sflag:s11] =	dma.local @!p0 [spmem:s13], $0x40  }
0x327: {  	s11 =	simm.s32 @!p0 $0x9  }
0x328: {  	_ =	swait.ge @!p0 [sflag:s11], $0x40  }
0x329: {  	s10 =	sadd.s32 $0x1, s10;
	s25 =	rddreg [dreg:$0xc]  }
0x32a: {  	p1 =	sne.s32 s10, s25  }
.Ltmp10:
0x32b: {  	_ = 	snop;
	(pc) =	sbr.rel @p1 .LBB2_1-.Ltmp10, $3  }
0x32c: {  	_ =	sdelay $0x1  }
0x32d: {  	[sflag:s11] =	ssyncset.done @!p0 $0x0  }
0x32e: {  	[sflag:s11] =	ssyncadd.s32 @!p0 $0xFFFFFFC0  }
0x32f: {  	_ =	sfence.sel $0x180000  }
0x330: {  	[bflag:$0x0] =	sbarrier.arrive $0xFFFF  }
0x331: {  	_ =	strace $0x9000004D  }
0x332: {  	s0 =	stileid.u32;
	[bflag:$0x2] =	sbarrier.arrive $0xFFFF  }
0x333: {  	p0 =	sne.s32 s0, $0x0;
	s0 =	rddreg [dreg:$0x4]  }
0x334: {  	s0 =	sadd.s32 @!p0 $0x100000, s0  }
0x335: {  	[sflag:s0] =	ssyncadd.tile.s32 @!p0 $0x1;
	_ =	shalt  }
.Lfunc_end2:
_tile_overlayer_lowered:
.L_overlay_start_2:
0x336: {  	(tag) =	ssettag $0x2  }
0x337: {  	s0 =	rddreg [dreg:$0x0];
	s2 =	stileid.u32  }
0x338: {  	s1 =	rddreg [dreg:$0x1];
	p0 =	sne.s32 s2, $0x0  }
0x339: {  	s3 =	rddreg [dreg:$0x2];
	[bflag:$0x3] =	sbarrier.arrive $0xFFFF;
	s2 =	simm.s32 @!p0 $0x1C09  }
0x33a: {  	[timem:s3], [sflag:s2] =	dma.local @!p0 [hbm:s0], s1  }
0x33b: {  	s0 =	simm.s32 @!p0 $0x9  }
0x33c: {  	_ =	swait.ge @!p0 [sflag:s0], s1  }
0x33d: {  	s1 =	ssub.s32 @!p0 $0x0, s1;
	[sflag:s0] =	ssyncset.done @!p0 $0x0  }
0x33e: {  	[sflag:s0] =	ssyncadd.s32 @!p0 s1  }
0x33f: {  	[bflag:$0x3] =	sbarrier.arrive $0xFFFF  }
0x340: {  	_ =	shalt  }

// kernel: kernel.9.cloned.1.call-start
scs
__scs_entry_jumppad:
0x0: {  	(pc) =	sbr.rel $0x88, $3  }
0x1: {  	(tag) =	ssettag $0x0;
	lr =	simm.s32 $0x1  }
0x2: {  	[smem:$0x3F9A] =	sst lr;
	_ =	strace $0xD0000000  }
0x3: {  	_ = 	snop  }
0x4: {  	_ = 	snop  }
0x5: {  	_ = 	snop  }
0x6: {  	_ = 	snop  }
0x7: {  	_ = 	snop  }
__scs_overlays_trampoline_lowered:
0x8: {  	[smem:$0x3FA9] =	sst s0  }
0x9: {  	[smem:$0x3FAA] =	sst s1  }
0xa: {  	[smem:$0x3FAB] =	sst s2  }
0xb: {  	[smem:$0x3FAC] =	sst s3  }
0xc: {  	[smem:$0x3FAD] =	sst s4  }
0xd: {  	[smem:$0x3FAE] =	sst s5  }
0xe: {  	[smem:$0x3FAF] =	sst s6  }
0xf: {  	[smem:$0x3FB0] =	sst s7  }
0x10: {  	[smem:$0x3FB1] =	sst s8  }
0x11: {  	[smem:$0x3FB2] =	sst s9;
	s0 =	simm.s32 @!p0 $0x0  }
0x12: {  	s1 =	sld [smem:$0x3F98];
	s0 =	simm.s32 @p0 $0x1  }
0x13: {  	[smem:$0x3FB3] =	sst s0;
	s0 =	simm.s32 @!p1 $0x0  }
0x14: {  	s2 =	sld [smem:$0x3F97];
	s0 =	simm.s32 @p1 $0x1  }
0x15: {  	[smem:$0x3FB4] =	sst s0;
	s0 =	simm.s32 @!p2 $0x0  }
0x16: {  	s3 =	sld [smem:$0x3FDB];
	s0 =	simm.s32 @p2 $0x1  }
0x17: {  	s4 =	simm.s32 $0x1BF5;
	[smem:$0x3FB6] =	sst s0  }
0x18: {  	s0 =	sld [smem:$0x3F99];
	_ =	swait.ge [sflag:s4], $0x0  }
0x19: {  	s7 =	sld [smem:$0x3F9A]  }
0x1a: {  	s8 =	sadd.s32 $0xFFFFE003, lr  }
0x1b: {  	s9 =	sadd.s32 $0xFFFFFEF7, lr;
	s5 =	simm.s32 $0xFFFFFFFF;
	p2 =	slt.u32 s8, $0xFFFFF086  }
0x1c: {  	p1 =	slt.u32 s9, $0xF7A;
	s5 =	simm.s32 @!p2 $0x0  }
0x1d: {  	s5 =	simm.s32 @p1 $0x1;
	p0 =	seq.s32 s7, s2  }
0x1e: {  	s7 =	smul.u32 @!p0 $0xF7A, s2;
	p2 =	seq.s32 @!p0 s5, $0x0  }
0x1f: {  	s9 =	smul.u32 $0xF7A, s1;
	s8 =	simm.s32 @!p0 $0x1BF5;
	p2 =	por !p2, p0  }
0x20: {  	[sflag:s8] =	ssyncset.s32 @!p0 $0xFFFFF086;
	s6 =	sadd.s32 @!p0 s3, s7;
	s7 =	simm.s32 @!p0 $0x108  }
0x21: {  	s3 =	sadd.s32 s3, s9;
	s6 =	sadd.s32 @!p0 $0x88, s6;
	s7 =	simm.s32 @p2 $0x1082  }
0x22: {  	[simem:s7], [sflag:s8] =	dma.local @!p0 [hbm:s6], $0xF7A  }
0x23: {  	s9 =	sor.u32 $0xD0000000, s2;
	s6 =	simm.s32 $0x108;
	_ =	swait.ge @!p0 [sflag:s8], $0x0  }
0x24: {  	s3 =	sadd.s32 $0x88, s3;
	s6 =	simm.s32 @!p1 $0x1082;
	[sflag:s4] =	ssyncset.s32 $0xFFFFF086  }
0x25: {  	[simem:s6], [sflag:s4] =	dma.local [hbm:s3], $0xF7A  }
0x26: {  	[smem:$0x3F9A] =	sst s1;
	(tag) =	ssettag s2;
	_ =	strace s9  }
0x27: {  	s1 =	sld [smem:$0x3FAA]  }
0x28: {  	s2 =	sld [smem:$0x3FAB]  }
0x29: {  	s4 =	sld [smem:$0x3FAD]  }
0x2a: {  	p0 =	seq.s32 s5, $0x0;
	s5 =	sld [smem:$0x3FAE]  }
0x2b: {  	s6 =	sld [smem:$0x3FAF]  }
0x2c: {  	s7 =	sld [smem:$0x3FB0]  }
0x2d: {  	s3 =	simm.s32 $0x108;
	s8 =	sld [smem:$0x3FB1]  }
0x2e: {  	s3 =	simm.s32 @!p0 $0x1082;
	s9 =	sld [smem:$0x3FB2]  }
0x2f: {  	lr =	sadd.s32 s0, s3;
	s0 =	sld [smem:$0x3FA9]  }
0x30: {  	s3 =	sld [smem:$0x3FAC]  }
0x31: {  	[smem:$0x3FB5] =	sst s10  }
0x32: {  	s10 =	sld [smem:$0x3FB3];
	_ =	sdelay $0x3  }
0x33: {  	p0 =	seq.s32 s10, $0x1;
	s10 =	sld [smem:$0x3FB5];
	_ =	sdelay $0x3  }
0x34: {  	[smem:$0x3FB5] =	sst s10  }
0x35: {  	s10 =	sld [smem:$0x3FB4];
	_ =	sdelay $0x3  }
0x36: {  	p1 =	seq.s32 s10, $0x1;
	s10 =	sld [smem:$0x3FB5];
	_ =	sdelay $0x3  }
0x37: {  	[smem:$0x3FB5] =	sst s10  }
0x38: {  	s10 =	sld [smem:$0x3FB6]  }
0x39: {  	_ = 	snop;
	(pc) =	sbr.ind lr, $3  }
0x3a: {  	_ = 	snop  }
0x3b: {  	_ = 	snop  }
0x3c: {  	p2 =	seq.s32 s10, $0x1;
	s10 =	sld [smem:$0x3FB5]  }
0x3d: {  	_ =	shalt  }
0x3e: {  	_ =	shalt  }
0x3f: {  	_ =	shalt  }
0x40: {  	_ =	shalt  }
0x41: {  	_ =	shalt  }
0x42: {  	_ =	shalt  }
0x43: {  	_ =	shalt  }
0x44: {  	_ =	shalt  }
0x45: {  	_ =	shalt  }
0x46: {  	_ =	shalt  }
0x47: {  	_ =	shalt  }
0x48: {  	_ =	shalt  }
0x49: {  	_ =	shalt  }
0x4a: {  	_ =	shalt  }
0x4b: {  	_ =	shalt  }
0x4c: {  	_ =	shalt  }
0x4d: {  	_ =	shalt  }
0x4e: {  	_ =	shalt  }
0x4f: {  	_ =	shalt  }
0x50: {  	_ =	shalt  }
0x51: {  	_ =	shalt  }
0x52: {  	_ =	shalt  }
0x53: {  	_ =	shalt  }
0x54: {  	_ =	shalt  }
0x55: {  	_ =	shalt  }
0x56: {  	_ =	shalt  }
0x57: {  	_ =	shalt  }
0x58: {  	_ =	shalt  }
0x59: {  	_ =	shalt  }
0x5a: {  	_ =	shalt  }
0x5b: {  	_ =	shalt  }
0x5c: {  	_ =	shalt  }
0x5d: {  	_ =	shalt  }
0x5e: {  	_ =	shalt  }
0x5f: {  	_ =	shalt  }
0x60: {  	_ =	shalt  }
0x61: {  	_ =	shalt  }
0x62: {  	_ =	shalt  }
0x63: {  	_ =	shalt  }
0x64: {  	_ =	shalt  }
0x65: {  	_ =	shalt  }
0x66: {  	_ =	shalt  }
0x67: {  	_ =	shalt  }
0x68: {  	_ =	shalt  }
0x69: {  	_ =	shalt  }
0x6a: {  	_ =	shalt  }
0x6b: {  	_ =	shalt  }
0x6c: {  	_ =	shalt  }
0x6d: {  	_ =	shalt  }
0x6e: {  	_ =	shalt  }
0x6f: {  	_ =	shalt  }
0x70: {  	_ =	shalt  }
0x71: {  	_ =	shalt  }
0x72: {  	_ =	shalt  }
0x73: {  	_ =	shalt  }
0x74: {  	_ =	shalt  }
0x75: {  	_ =	shalt  }
0x76: {  	_ =	shalt  }
0x77: {  	_ =	shalt  }
0x78: {  	_ =	shalt  }
0x79: {  	_ =	shalt  }
0x7a: {  	_ =	shalt  }
0x7b: {  	_ =	shalt  }
0x7c: {  	_ =	shalt  }
0x7d: {  	_ =	shalt  }
0x7e: {  	_ =	shalt  }
0x7f: {  	_ =	shalt  }
0x80: {  	_ =	shalt  }
0x81: {  	_ =	shalt  }
0x82: {  	_ =	shalt  }
0x83: {  	_ =	shalt  }
0x84: {  	_ =	shalt  }
0x85: {  	_ =	shalt  }
0x86: {  	_ =	shalt  }
0x87: {  	_ =	shalt  }
.Lfunc_end0:
.L_simem_size_0:
called_computation_lowered:
.L_overlay_start_0:
0x88: {  	s2 =	sld [smem:$0x3FD9]  }
0x89: {  	s3 =	sld [smem:$0x3FFE];
	_ =	sdelay $0x1  }
0x8a: {  	s1 =	srdreg.scid  }
0x8b: {  	s0 =	sand.u32 $0x1, s1  }
0x8c: {  	s16 =	sshll.u32 s0, $0xA;
	s2 =	sadd.s32 s3, s2  }
0x8d: {  	s2 =	sadd.s32 s2, s16  }
0x8e: {  	[smem:$0x3FC1] =	sst s2  }
0x8f: {  	_ = 	snop  }
0x90: {  	(tm) =	ssettm $0x1  }
0x91: {  	s17 =	sld [smem:$0x3FFB];
	_ =	sdelay $0x3  }
0x92: {  	_ =	strace s17  }
0x93: {  	s2 =	sld [smem:$0x3FFC];
	_ =	sdelay $0x3  }
0x94: {  	_ =	strace s2  }
0x95: {  	s2 =	sld [smem:$0x3FFD];
	_ =	sdelay $0x3  }
0x96: {  	_ =	strace s2  }
0x97: {  	_ =	strace $0x8FFFFFFF  }
0x98: {  	s18 =	sld [smem:$0x3FDB];
	_ =	sdelay $0x1  }
0x99: {  	s19 =	simm.s32 $_scs_section_size  }
0x9a: {  	s4 =	simm.s32 $_size__tile_overlayer_lowered;
	s5 =	simm.s32 $_tile_overlayer_lowered  }
0x9b: {  	s22 =	simm.s32 $0x1BFF;
	s21 =	sshll.u32 s5, $0x1;
	s2 =	sadd.s32 s19, s18  }
0x9c: {  	s6 =	simm.s32 $0x0;
	s20 =	sshll.u32 s4, $0x1;
	s4 =	sadd.s32 s21, s2  }
0x9d: {  	[timem:s6], [sflag:s22] =	dma.local [hbm:s4], s20  }
0x9e: {  	_ =	swait.ge [sflag:s22], s20  }
0x9f: {  	s3 =	ssub.s32 $0x0, s20;
	[sflag:s22] =	ssyncset.done $0x0  }
0xa0: {  	[sflag:s22] =	ssyncadd.s32 s3;
	_ =	sdelay $0x1  }
0xa1: {  	s23 =	simm.s32 $0x1B8B  }
0xa2: {  	_ =	swait.ge [sflag:s23], $0x1  }
0xa3: {  	[sflag:s23] =	ssyncset.done $0x0  }
0xa4: {  	s25 =	simm.s32 $0x1B8E;
	s24 =	sld [smem:$0x3FFE];
	[sflag:s23] =	ssyncadd.s32 $0xFFFFFFFF  }
0xa5: {  	s26 =	simm.s32 $execute0_lowered;
	[smem:$0x3FD2] =	sst s25  }
0xa6: {  	s4 =	sshll.u32 s26, $0x1;
	_ =	strace $0x80000046;
	[dreg:$0x1] =	wrdreg $0xFFFFFFFF  }
0xa7: {  	s28 =	simm.s32 $_size_execute0_lowered;
	s2 =	sadd.s32 s2, s4;
	[dreg:$0x0] =	wrdreg $0x0  }
0xa8: {  	s4 =	sshll.u32 s28, $0x1;
	[dreg:$0x2] =	wrdreg s2  }
0xa9: {  	[dreg:$0x3] =	wrdreg s4  }
0xaa: {  	[dreg:$0x4] =	wrdreg $0xC0  }
0xab: {  	_ =	task [dreg:s6], $0x5FFFF  }
0xac: {  	[dreg:$0x1] =	wrdreg $0xFFFFFFFF  }
0xad: {  	[dreg:$0x0] =	wrdreg $0x60  }
0xae: {  	[dreg:$0x2] =	wrdreg s24  }
0xaf: {  	[dreg:$0x3] =	wrdreg $0x9  }
0xb0: {  	_ =	task.clear_ibuf [dreg:s6], $0x4FFFF;
	_ =	strace $0x90000046  }
0xb1: {  	s29 =	simm.s32 $0x9;
	_ =	strace $0x80000048  }
0xb2: {  	_ =	swait.ge [sflag:s29], $0x1  }
0xb3: {  	[sflag:s29] =	ssyncadd.s32 $0xFFFFFFFF  }
0xb4: {  	_ =	strace $0x90000048  }
0xb5: {  	_ =	sfence  }
0xb6: {  	s30 =	sld [smem:$0x0];
	_ =	sdelay $0x2  }
0xb7: {  	s31 =	sshll.u32 s1, $0xD;
	s1 =	sshrl.u32 s1, $0x2  }
0xb8: {  	s3 =	sand.u32 $0x4000, s31;
	s1 =	sadd.s32 s1, s30  }
0xb9: {  	s0 =	sor.u32 s3, s0;
	s1 =	sshll.u32 s1, $0x11  }
0xba: {  	s0 =	sor.u32 s1, s0  }
0xbb: {  	s0 =	sadd.s32 $0x8F2B, s0  }
0xbc: {  	[sflag:s0] =	ssyncadd.remote.s32 $0x1  }
0xbd: {  	_ =	sfence.sel $0xFFFF  }
0xbe: {  	[dreg:$0x0] =	wrdreg $0xFFFFFFFF;
	(pc) =	sbr.abs _section_cstart, $3  }
0xbf: {  	[dreg:$0x1] =	wrdreg $0xFFFFFFFF  }
0xc0: {  	_ =	task.clear_ibuf [dreg:s6], $0x2FFFF;
	_ =	strace $0x9FFFFFFF  }
0xc1: {  	(tm) =	ssettm $0x7FFFFFFF  }
tec
execute0_lowered:
.L_overlay_start_1:
0x0: {  	(tag) =	ssettag $0x1  }
0x1: {  	s1 =	srdreg.scid  }
0x2: {  	s0 =	stileid.u32;
	s4 =	rddreg [dreg:$0x0];
	s2 =	simm.s32 $0x0  }
0x3: {  	s8 =	simm.s32 $0x2800;
	s3 =	sand.u32 $0x1, s1;
	s30 =	sshll.u32 s0, $0x1  }
0x4: {  	s9 =	simm.s32 $0x5000;
	s10 =	simm.s32 $0x0;
	s5 =	sor.u32 s3, s30  }
0x5: {  	s1 =	rddreg [dreg:$0x1];
	s3 =	ssub.s32 $0x2, s3;
	s6 =	smul.u32 $0x500, s5  }
0x6: {  	[smem:$0x7FF] =	sst s2;
	s5 =	smul.u32 $0x4F0, s5;
	s31 =	sshrl.u32 s3, $0x1  }
0x7: {  	_ =	strace $0x80000047;
	s7 =	ssub.s32 s3, s31;
	s6 =	sadd.s32 s6, s4  }
0x8: {  	s5 =	sadd.s32 s5, s4;
	s3 =	sadd.s32 $0xB600, s6;
	s4 =	sadd.s32 $0x1600, s6  }
0x9: {  	v0 =	vimm.f32 $0.0e+00;
	s5 =	sadd.s32 $0x15600, s5;
	s6 =	smax.u32 s7, $0x1;
	s7 =	simm.s32 $0x1  }
.LBB2_1:
0xa: {  	[tilespmem:s2], [sflag:$0x1] =	stream.linear.gather [hbm4b:s3+s2], $0x2800, $0x38;
	[tilespmem:$0x7780] =	vst v63  }
0xb: {  	_ =	swait.ge [sflag:s7], $0x2800  }
0xc: {  	[sflag:s7] =	ssyncset.done $0x0  }
0xd: {  	[sflag:s7] =	ssyncadd.s32 $0xFFFFD800  }
0xe: {  	[tilespmem:s8], [sflag:$0x1] =	stream.linear.gather [hbm4b:s4+s2], $0x2800, $0x38;
	[tilespmem:$0x7780] =	vst v63  }
0xf: {  	_ =	swait.ge [sflag:s7], $0x2800  }
0x10: {  	[sflag:s7] =	ssyncset.done $0x0  }
0x11: {  	s11 =	simm.s32 $0x0;
	[sflag:s7] =	ssyncadd.s32 $0xFFFFD800  }
.LBB2_2:
0x12: {  	p0 =	sne.s32 s11, $0x9C00  }
.Ltmp0:
0x13: {  	_ = 	snop;
	(pc) =	sbr.rel @p0 .LBB2_2-.Ltmp0, $3  }
0x14: {  	_ =	sdelay $0x1  }
0x15: {  	s12 =	sshra.s32 s11, $0x2  }
0x16: {  	s11 =	sadd.s32 $0x40, s11;
	[tilespmem:s12+$0x5000] =	vst v0  }
0x17: {  	s12 =	simm.s32 $0x0;
	s11 =	simm.s32 $0x40  }
.LBB2_4:
0x18: {  	p0 =	sne.s32 s11, $0x9FC0;
	v1 =	vld [tilespmem:s12+$0x0];
	_ =	sdelay $0x2  }
0x19: {  	v2 =	vld [tilespmem:s12+$0x2800]  }
.Ltmp1:
0x1a: {  	(pc) =	sbr.rel @p0 .LBB2_4-.Ltmp1, $2  }
0x1b: {  	_ =	sdelay $0x2  }
0x1c: {  	s12 =	sshra.s32 s11, $0x2;
	s11 =	sadd.s32 $0x40, s11;
	[tilespmem:v1+s9+$0x0] =	vst.idx.add.f32.msk $0xffff, v2  }
0x1d: {  	v1 =	vld [tilespmem:s12+$0x0];
	_ =	sdelay $0x2  }
0x1e: {  	v2 =	vld [tilespmem:s12+$0x2800];
	_ =	sdelay $0x2  }
0x1f: {  	s10 =	sadd.s32 $0x1, s10  }
0x20: {  	p0 =	sne.s32 s10, s6  }
.Ltmp2:
0x21: {  	[tilespmem:v1+s9+$0x0] =	vst.idx.add.f32.msk $0xffff, v2;
	(pc) =	sbr.rel @p0 .LBB2_1-.Ltmp2, $4  }
0x22: {  	[hbm4b:s5+s2] =	stream.linear.scatter [tilespmem:s9], [sflag:$0x1], $0x2780, $0x38;
	[tilespmem:$0x7780] =	vst v63  }
0x23: {  	_ =	swait.ge [sflag:s7], $0x2780  }
0x24: {  	[sflag:s7] =	ssyncset.done $0x0  }
0x25: {  	[sflag:s7] =	ssyncadd.s32 $0xFFFFD880  }
0x26: {  	_ =	sfence.sel $0x180000  }
0x27: {  	[bflag:$0x0] =	sbarrier.arrive $0xFFFF  }
0x28: {  	p0 =	sne.s32 s0, $0x0;
	_ =	strace $0x90000047  }
0x29: {  	s0 =	sadd.s32 @!p0 $0x100000, s1;
	[bflag:$0x2] =	sbarrier.arrive $0xFFFF  }
0x2a: {  	[sflag:s0] =	ssyncadd.tile.s32 @!p0 $0x1;
	_ =	shalt  }
.Lfunc_end2:
_tile_overlayer_lowered:
.L_overlay_start_2:
0x2b: {  	(tag) =	ssettag $0x2  }
0x2c: {  	s0 =	rddreg [dreg:$0x0];
	s2 =	stileid.u32  }
0x2d: {  	s1 =	rddreg [dreg:$0x1];
	p0 =	sne.s32 s2, $0x0  }
0x2e: {  	s3 =	rddreg [dreg:$0x2];
	[bflag:$0x3] =	sbarrier.arrive $0xFFFF;
	s2 =	simm.s32 @!p0 $0x1C01  }
0x2f: {  	[timem:s3], [sflag:s2] =	dma.local @!p0 [hbm:s0], s1  }
0x30: {  	s0 =	simm.s32 @!p0 $0x1  }
0x31: {  	_ =	swait.ge @!p0 [sflag:s0], s1  }
0x32: {  	s1 =	ssub.s32 @!p0 $0x0, s1;
	[sflag:s0] =	ssyncset.done @!p0 $0x0  }
0x33: {  	[sflag:s0] =	ssyncadd.s32 @!p0 s1  }
0x34: {  	[bflag:$0x3] =	sbarrier.arrive $0xFFFF  }
0x35: {  	_ =	shalt  }

</sc_bundles>
